<compile_context>
chip_gen: v7x
topology: tpu7x:2x2x1
jax: 0.10.2.dev20260603
libtpu: 0.0.44.dev20260713+nightly
codegen_flags: <defaults>
</compile_context>

<pallas_src>
import jax
import jax.numpy as jnp
from jax import lax
from jax.experimental import pallas as pl
from jax.experimental.pallas import tpu as pltpu
from jax.experimental.pallas import tpu_sc as plsc

_B, _N = 2048, 8192
_NB = 1024
_NBP = _NB + 16
_NC, _NS = 2, 16
_NW = _NC * _NS
_RPW = _B // _NW
_VPR = _N // 16
_HV = _NBP // 16
_P = 8
_BIG = 3.0e38


def _sc_body(pre_hbm, lab_hbm, out_hbm, *refs):
    (lab0_v, pre0_v, lab1_v, pre1_v, srt0_v, srt1_v) = refs[:6]
    hists = refs[6:6 + _P]
    offs = refs[6 + _P:6 + 2 * _P]
    pk_v, out_v, sem0, sem1 = refs[6 + 2 * _P:]
    wid = lax.axis_index("s") * _NC + lax.axis_index("c")

    zeros = jnp.zeros((16,), jnp.int32)
    bigs = jnp.full((16,), _BIG, jnp.float32)

    def zero_body(i, c):
        for h in hists:
            h[pl.ds(i * 16, 16)] = zeros
        return c

    lax.fori_loop(0, _HV, zero_body, 0)

    def big_body(i, c):
        srt1_v[pl.ds(i * 16, 16)] = bigs
        return c

    lax.fori_loop(0, _VPR + 1, big_body, 0)
    srt0_v[pl.ds(_N, 16)] = bigs

    nbf = jnp.float32(_NB)

    def process_row(lab_v, pre_v, srt_v, prev_v, wacc):
        def hist_body(k, racc):
            sls = [pl.ds((k * _P + j) * 16, 16) for j in range(_P)]
            sls1 = [pl.ds((k * _P + j) * 16 + 1, 16) for j in range(_P)]
            avs = [prev_v[sl] for sl in sls]
            bvs = [prev_v[sl] for sl in sls1]
            labs = [lab_v[sl] for sl in sls]
            bins = [(l * nbf).astype(jnp.int32) for l in labs]
            scans = [plsc.scan_count(b) for b in bins]
            befores = [plsc.load_gather(hists[j], [bins[j]])
                       for j in range(_P)]
            for j in range(_P):
                occ, last = scans[j]
                plsc.addupdate_scatter(hists[j], [bins[j]], occ, mask=last)
            for j in range(_P):
                occ, _ = scans[j]
                pk_v[sls[j]] = (bins[j] << 13) | (befores[j] + (occ - 1))
            ds = [jnp.maximum(a - b, 0.0) for a, b in zip(avs, bvs)]
            s01 = ds[0] + ds[1]
            s23 = ds[2] + ds[3]
            s45 = ds[4] + ds[5]
            s67 = ds[6] + ds[7]
            return racc + ((s01 + s23) + (s45 + s67))

        wacc = lax.fori_loop(0, _VPR // _P, hist_body, wacc)

        def offs_body(i, carry):
            sl = pl.ds(i * 16, 16)
            hs = [h[sl] for h in hists]
            h01 = hs[0] + hs[1]
            h23 = hs[2] + hs[3]
            h45 = hs[4] + hs[5]
            h67 = hs[6] + hs[7]
            h = (h01 + h23) + (h45 + h67)
            incl = plsc.cumsum(h)
            base = incl - h + carry
            for j in range(_P):
                offs[j][sl] = base
                if j < _P - 1:
                    base = base + hs[j]
            for hh in hists:
                hh[sl] = zeros
            return carry + incl[15]

        lax.fori_loop(0, _HV, offs_body, jnp.int32(0), unroll=4)

        def scat_body(k, c):
            sls = [pl.ds((k * _P + i) * 16, 16) for i in range(_P)]
            pks = [pk_v[sl] for sl in sls]
            xs = [pre_v[sl] for sl in sls]
            bs = [pk >> 13 for pk in pks]
            rs = [pk & jnp.int32(8191) for pk in pks]
            bases = [plsc.load_gather(offs[i], [bs[i]])
                     for i in range(_P)]
            for i in range(_P):
                plsc.store_scatter(srt_v, [bases[i] + rs[i]], xs[i])
            return c

        lax.fori_loop(0, _VPR // _P, scat_body, 0, unroll=2)
        return wacc

    row0 = wid * _RPW
    pltpu.async_copy(lab_hbm.at[row0], lab0_v, sem0)
    pltpu.async_copy(pre_hbm.at[row0], pre0_v, sem0)

    def pair_body(k, wacc):
        r0 = row0 + 2 * k
        r1 = r0 + 1
        r2 = jnp.minimum(r0 + 2, _B - 1)
        pltpu.make_async_copy(lab_hbm.at[r0], lab0_v, sem0).wait()
        pltpu.make_async_copy(pre_hbm.at[r0], pre0_v, sem0).wait()
        pltpu.async_copy(lab_hbm.at[r1], lab1_v, sem1)
        pltpu.async_copy(pre_hbm.at[r1], pre1_v, sem1)
        wacc = process_row(lab0_v, pre0_v, srt0_v, srt1_v, wacc)
        pltpu.make_async_copy(lab_hbm.at[r1], lab1_v, sem1).wait()
        pltpu.make_async_copy(pre_hbm.at[r1], pre1_v, sem1).wait()
        pltpu.async_copy(lab_hbm.at[r2], lab0_v, sem0)
        pltpu.async_copy(pre_hbm.at[r2], pre0_v, sem0)
        return process_row(lab1_v, pre1_v, srt1_v, srt0_v, wacc)

    wacc = lax.fori_loop(0, _RPW // 2, pair_body,
                         jnp.zeros((16,), jnp.float32))
    pltpu.make_async_copy(lab_hbm.at[row0], lab0_v, sem0).wait()
    pltpu.make_async_copy(pre_hbm.at[row0], pre0_v, sem0).wait()

    def loss_body(k, racc):
        sls = [pl.ds((k * 8 + i) * 16, 16) for i in range(8)]
        sls1 = [pl.ds((k * 8 + i) * 16 + 1, 16) for i in range(8)]
        avs = [srt1_v[sl] for sl in sls]
        bvs = [srt1_v[sl] for sl in sls1]
        ds = [jnp.maximum(a - b, 0.0) for a, b in zip(avs, bvs)]
        s01 = ds[0] + ds[1]
        s23 = ds[2] + ds[3]
        s45 = ds[4] + ds[5]
        s67 = ds[6] + ds[7]
        return racc + ((s01 + s23) + (s45 + s67))

    wacc = lax.fori_loop(0, _VPR // 8, loss_body, wacc, unroll=2)
    out_v[...] = wacc
    pltpu.sync_copy(out_v, out_hbm.at[wid])


@jax.jit
def _rank_loss(pre, lab):
    mesh = plsc.VectorSubcoreMesh(core_axis_name="c", subcore_axis_name="s")
    f = pl.kernel(
        _sc_body,
        out_type=jax.ShapeDtypeStruct((_NW, 16), jnp.float32),
        mesh=mesh,
        compiler_params=pltpu.CompilerParams(needs_layout_passes=False),
        scratch_types=(
            [
                pltpu.VMEM((_N,), jnp.float32),
                pltpu.VMEM((_N,), jnp.float32),
                pltpu.VMEM((_N,), jnp.float32),
                pltpu.VMEM((_N,), jnp.float32),
                pltpu.VMEM((_N + 16,), jnp.float32),
                pltpu.VMEM((_N + 16,), jnp.float32),
            ]
            + [pltpu.VMEM((_NBP,), jnp.int32) for _ in range(_P)]
            + [pltpu.VMEM((_NBP,), jnp.int32) for _ in range(_P)]
            + [
                pltpu.VMEM((_N,), jnp.int32),
                pltpu.VMEM((16,), jnp.float32),
                pltpu.SemaphoreType.DMA,
                pltpu.SemaphoreType.DMA,
            ]
        ),
    )
    out = f(pre, lab)
    return jnp.sum(out) / jnp.float32(_B)


def kernel(uncertainty_pre, uncertainty_label, points_vis):
    return _rank_loss(uncertainty_pre, uncertainty_label)

# --- scband reference (transcript-rebuilt; emitter-appended) ---
"""Pipeline reference for scband-rank-loss-89764816487153 (READ-ONLY COPY).

The authoritative reference and input builder live on the scoring server;
editing this copy changes nothing except your own understanding.
"""

import jax, jax.numpy as jnp
import numpy as np

B, N = 2048, 8192

def setup_inputs(seed: int = 0) -> dict:
    key = jax.random.key(seed)
    k1, k2, k3 = jax.random.split(key, 3)
    return {
        "uncertainty_pre": jax.random.normal(k1, (B, N), dtype=jnp.float32),
        "uncertainty_label": jax.random.uniform(k2, (B, N), dtype=jnp.float32),
        "points_vis": jax.random.uniform(k3, (B, N), dtype=jnp.float32),
    }

def reference(uncertainty_pre, uncertainty_label, points_vis):
    beta = 1.0
    Bloc = uncertainty_pre.shape[0]
    # SubLoss: sort predictions by the ordering of labels, penalize inversions
    uncertainty_idx = jnp.argsort(uncertainty_label, axis=1)
    uncertainty = jnp.take_along_axis(uncertainty_pre, uncertainty_idx, axis=1)
    diff = uncertainty[:, :-1] - uncertainty[:, 1:]
    # torch: loss = loss[loss > 0]; sum(loss)/B  (0.0 if empty) == masked sum / B
    loss = jnp.sum(jnp.where(diff > 0, diff, 0.0)) / Bloc
    return loss * beta

if __name__ == "__main__":
    import jax
    _d = setup_inputs()
    print(jax.jit(kernel)(*tuple(_d.values())))

</pallas_src>

<mosaic_0001>
#map = affine_map<(d0, d1) -> (0, 0)>
module attributes {stable_mosaic.version = 14 : i64} {
  func.func @_sc_body(%arg0: i32, %arg1: i32, %arg2: memref<2048x8192xf32, #tpu.memory_space<hbm>>, %arg3: memref<2048x8192xf32, #tpu.memory_space<hbm>>, %arg4: memref<32x16xf32, #tpu.memory_space<hbm>>, %arg5: memref<8192xf32, #tpu.memory_space<vmem>>, %arg6: memref<8192xf32, #tpu.memory_space<vmem>>, %arg7: memref<8192xf32, #tpu.memory_space<vmem>>, %arg8: memref<8192xf32, #tpu.memory_space<vmem>>, %arg9: memref<8208xf32, #tpu.memory_space<vmem>>, %arg10: memref<8208xf32, #tpu.memory_space<vmem>>, %arg11: memref<1040xi32, #tpu.memory_space<vmem>>, %arg12: memref<1040xi32, #tpu.memory_space<vmem>>, %arg13: memref<1040xi32, #tpu.memory_space<vmem>>, %arg14: memref<1040xi32, #tpu.memory_space<vmem>>, %arg15: memref<1040xi32, #tpu.memory_space<vmem>>, %arg16: memref<1040xi32, #tpu.memory_space<vmem>>, %arg17: memref<1040xi32, #tpu.memory_space<vmem>>, %arg18: memref<1040xi32, #tpu.memory_space<vmem>>, %arg19: memref<1040xi32, #tpu.memory_space<vmem>>, %arg20: memref<1040xi32, #tpu.memory_space<vmem>>, %arg21: memref<1040xi32, #tpu.memory_space<vmem>>, %arg22: memref<1040xi32, #tpu.memory_space<vmem>>, %arg23: memref<1040xi32, #tpu.memory_space<vmem>>, %arg24: memref<1040xi32, #tpu.memory_space<vmem>>, %arg25: memref<1040xi32, #tpu.memory_space<vmem>>, %arg26: memref<1040xi32, #tpu.memory_space<vmem>>, %arg27: memref<8192xi32, #tpu.memory_space<vmem>>, %arg28: memref<16xf32, #tpu.memory_space<vmem>>, %arg29: memref<!tpu.dma_semaphore, #tpu.memory_space<semaphore_mem>>, %arg30: memref<!tpu.dma_semaphore, #tpu.memory_space<semaphore_mem>>) attributes {dimension_semantics = [#tpu.dimension_semantics<core_parallel>, #tpu.dimension_semantics<subcore_parallel>], iteration_bounds = array<i64: 2, 16>, scalar_prefetch = 0 : i64, scratch_operands = 26 : i64, tpu.core_type = #tpu.core_type<sc_vector_subcore>, window_params = [{transform_indices = #map}, {transform_indices = #map}, {transform_indices = #map}]} {
    %mul3A = arith.constant 2 : i32
    %mul3A_0 = arith.muli %arg1, %mul3A : i32
    %add3A = arith.addi %mul3A_0, %arg0 : i32
    %broadcast_in_dim3A = arith.constant 0 : i32
    %broadcast_in_dim3A_1 = vector.broadcast %broadcast_in_dim3A : i32 to vector<16xi32>
    %broadcast_in_dim3A_2 = arith.constant 3.000000e+38 : f32
    %broadcast_in_dim3A_3 = vector.broadcast %broadcast_in_dim3A_2 : f32 to vector<16xf32>
    %scan3A = arith.constant 0 : i32
    %scan3A_4 = arith.constant 0 : i32
    %scan3A_5 = arith.constant 65 : i32
    %scan3A_6 = arith.addi %scan3A_4, %scan3A_5 : i32
    %scan3A_7 = arith.constant 1 : i32
    scf.for %scan3A_57 = %scan3A_4 to %scan3A_6 step %scan3A_7  : i32 {
      %mul3A_58 = arith.constant 16 : i32
      %mul3A_59 = arith.muli %scan3A_57, %mul3A_58 : i32
      %swap3A_60 = arith.index_cast %mul3A_59 : i32 to index
      %swap3A_61 = tpu.vector_load %arg11[%swap3A_60] {strides = array<i32>} : memref<1040xi32, #tpu.memory_space<vmem>>, vector<16xi32>,
      tpu.vector_store %arg11[%swap3A_60], %broadcast_in_dim3A_1 {strides = array<i32>} : memref<1040xi32, #tpu.memory_space<vmem>>, vector<16xi32>,
      %mul3A_62 = arith.constant 16 : i32
      %mul3A_63 = arith.muli %scan3A_57, %mul3A_62 : i32
      %swap3A_64 = arith.index_cast %mul3A_63 : i32 to index
      %swap3A_65 = tpu.vector_load %arg12[%swap3A_64] {strides = array<i32>} : memref<1040xi32, #tpu.memory_space<vmem>>, vector<16xi32>,
      tpu.vector_store %arg12[%swap3A_64], %broadcast_in_dim3A_1 {strides = array<i32>} : memref<1040xi32, #tpu.memory_space<vmem>>, vector<16xi32>,
      %mul3A_66 = arith.constant 16 : i32
      %mul3A_67 = arith.muli %scan3A_57, %mul3A_66 : i32
      %swap3A_68 = arith.index_cast %mul3A_67 : i32 to index
      %swap3A_69 = tpu.vector_load %arg13[%swap3A_68] {strides = array<i32>} : memref<1040xi32, #tpu.memory_space<vmem>>, vector<16xi32>,
      tpu.vector_store %arg13[%swap3A_68], %broadcast_in_dim3A_1 {strides = array<i32>} : memref<1040xi32, #tpu.memory_space<vmem>>, vector<16xi32>,
      %mul3A_70 = arith.constant 16 : i32
      %mul3A_71 = arith.muli %scan3A_57, %mul3A_70 : i32
      %swap3A_72 = arith.index_cast %mul3A_71 : i32 to index
      %swap3A_73 = tpu.vector_load %arg14[%swap3A_72] {strides = array<i32>} : memref<1040xi32, #tpu.memory_space<vmem>>, vector<16xi32>,
      tpu.vector_store %arg14[%swap3A_72], %broadcast_in_dim3A_1 {strides = array<i32>} : memref<1040xi32, #tpu.memory_space<vmem>>, vector<16xi32>,
      %mul3A_74 = arith.constant 16 : i32
      %mul3A_75 = arith.muli %scan3A_57, %mul3A_74 : i32
      %swap3A_76 = arith.index_cast %mul3A_75 : i32 to index
      %swap3A_77 = tpu.vector_load %arg15[%swap3A_76] {strides = array<i32>} : memref<1040xi32, #tpu.memory_space<vmem>>, vector<16xi32>,
      tpu.vector_store %arg15[%swap3A_76], %broadcast_in_dim3A_1 {strides = array<i32>} : memref<1040xi32, #tpu.memory_space<vmem>>, vector<16xi32>,
      %mul3A_78 = arith.constant 16 : i32
      %mul3A_79 = arith.muli %scan3A_57, %mul3A_78 : i32
      %swap3A_80 = arith.index_cast %mul3A_79 : i32 to index
      %swap3A_81 = tpu.vector_load %arg16[%swap3A_80] {strides = array<i32>} : memref<1040xi32, #tpu.memory_space<vmem>>, vector<16xi32>,
      tpu.vector_store %arg16[%swap3A_80], %broadcast_in_dim3A_1 {strides = array<i32>} : memref<1040xi32, #tpu.memory_space<vmem>>, vector<16xi32>,
      %mul3A_82 = arith.constant 16 : i32
      %mul3A_83 = arith.muli %scan3A_57, %mul3A_82 : i32
      %swap3A_84 = arith.index_cast %mul3A_83 : i32 to index
      %swap3A_85 = tpu.vector_load %arg17[%swap3A_84] {strides = array<i32>} : memref<1040xi32, #tpu.memory_space<vmem>>, vector<16xi32>,
      tpu.vector_store %arg17[%swap3A_84], %broadcast_in_dim3A_1 {strides = array<i32>} : memref<1040xi32, #tpu.memory_space<vmem>>, vector<16xi32>,
      %mul3A_86 = arith.constant 16 : i32
      %mul3A_87 = arith.muli %scan3A_57, %mul3A_86 : i32
      %swap3A_88 = arith.index_cast %mul3A_87 : i32 to index
      %swap3A_89 = tpu.vector_load %arg18[%swap3A_88] {strides = array<i32>} : memref<1040xi32, #tpu.memory_space<vmem>>, vector<16xi32>,
      tpu.vector_store %arg18[%swap3A_88], %broadcast_in_dim3A_1 {strides = array<i32>} : memref<1040xi32, #tpu.memory_space<vmem>>, vector<16xi32>,
    }
    %scan3A_8 = arith.constant 65 : i32
    %scan3A_9 = arith.constant 0 : i32
    %scan3A_10 = arith.constant 0 : i32
    %scan3A_11 = arith.constant 513 : i32
    %scan3A_12 = arith.addi %scan3A_10, %scan3A_11 : i32
    %scan3A_13 = arith.constant 1 : i32
    scf.for %scan3A_57 = %scan3A_10 to %scan3A_12 step %scan3A_13  : i32 {
      %mul3A_58 = arith.constant 16 : i32
      %mul3A_59 = arith.muli %scan3A_57, %mul3A_58 : i32
      %swap3A_60 = arith.index_cast %mul3A_59 : i32 to index
      %swap3A_61 = tpu.vector_load %arg10[%swap3A_60] {strides = array<i32>} : memref<8208xf32, #tpu.memory_space<vmem>>, vector<16xf32>,
      tpu.vector_store %arg10[%swap3A_60], %broadcast_in_dim3A_3 {strides = array<i32>} : memref<8208xf32, #tpu.memory_space<vmem>>, vector<16xf32>,
    }
    %scan3A_14 = arith.constant 513 : i32
    %swap3A = arith.constant 8192 : index
    %swap3A_15 = tpu.vector_load %arg9[%swap3A] {strides = array<i32>} : memref<8208xf32, #tpu.memory_space<vmem>>, vector<16xf32>,
    tpu.vector_store %arg9[%swap3A], %broadcast_in_dim3A_3 {strides = array<i32>} : memref<8208xf32, #tpu.memory_space<vmem>>, vector<16xf32>,
    %mul3A_16 = arith.constant 64 : i32
    %mul3A_17 = arith.muli %add3A, %mul3A_16 : i32
    %dma_start3A = arith.constant 0 : i32
    %dma_start3A_18 = tpu.memref_slice %arg3[%mul3A_17, %dma_start3A] : memref<2048x8192xf32, #tpu.memory_space<hbm>> -> memref<1x8192xf32, #tpu.memory_space<hbm>>
    %dma_start3A_19 = tpu.memref_squeeze %dma_start3A_18 : memref<1x8192xf32, #tpu.memory_space<hbm>> -> memref<8192xf32, #tpu.memory_space<hbm>>
    %dma_start3A_20 = arith.constant 0 : i32
    %dma_start3A_21 = tpu.memref_slice %arg3[%mul3A_17, %dma_start3A_20] : memref<2048x8192xf32, #tpu.memory_space<hbm>> -> memref<1x8192xf32, #tpu.memory_space<hbm>>
    %dma_start3A_22 = tpu.memref_squeeze %dma_start3A_21 : memref<1x8192xf32, #tpu.memory_space<hbm>> -> memref<8192xf32, #tpu.memory_space<hbm>>
    tpu.enqueue_dma source(%dma_start3A_22 : memref<8192xf32, #tpu.memory_space<hbm>>) target(%arg5 : memref<8192xf32, #tpu.memory_space<vmem>>) target_semaphore(%arg29 : memref<!tpu.dma_semaphore, #tpu.memory_space<semaphore_mem>>)
    %dma_start3A_23 = arith.constant 0 : i32
    %dma_start3A_24 = tpu.memref_slice %arg2[%mul3A_17, %dma_start3A_23] : memref<2048x8192xf32, #tpu.memory_space<hbm>> -> memref<1x8192xf32, #tpu.memory_space<hbm>>
    %dma_start3A_25 = tpu.memref_squeeze %dma_start3A_24 : memref<1x8192xf32, #tpu.memory_space<hbm>> -> memref<8192xf32, #tpu.memory_space<hbm>>
    %dma_start3A_26 = arith.constant 0 : i32
    %dma_start3A_27 = tpu.memref_slice %arg2[%mul3A_17, %dma_start3A_26] : memref<2048x8192xf32, #tpu.memory_space<hbm>> -> memref<1x8192xf32, #tpu.memory_space<hbm>>
    %dma_start3A_28 = tpu.memref_squeeze %dma_start3A_27 : memref<1x8192xf32, #tpu.memory_space<hbm>> -> memref<8192xf32, #tpu.memory_space<hbm>>
    tpu.enqueue_dma source(%dma_start3A_28 : memref<8192xf32, #tpu.memory_space<hbm>>) target(%arg6 : memref<8192xf32, #tpu.memory_space<vmem>>) target_semaphore(%arg29 : memref<!tpu.dma_semaphore, #tpu.memory_space<semaphore_mem>>)
    %broadcast_in_dim3A_29 = arith.constant 0.000000e+00 : f32
    %broadcast_in_dim3A_30 = vector.broadcast %broadcast_in_dim3A_29 : f32 to vector<16xf32>
    %scan3A_31 = arith.constant 1.024000e+03 : f32
    %scan3A_32 = arith.constant 0 : i32
    %scan3A_33 = arith.constant 32 : i32
    %scan3A_34 = arith.addi %scan3A_32, %scan3A_33 : i32
    %scan3A_35 = arith.constant 1 : i32
    %scan3A_36 = scf.for %scan3A_57 = %scan3A_32 to %scan3A_34 step %scan3A_35 iter_args(%scan3A_58 = %broadcast_in_dim3A_30) -> (vector<16xf32>)  : i32 {
      %mul3A_59 = arith.constant 2 : i32
      %mul3A_60 = arith.muli %mul3A_59, %scan3A_57 : i32
      %add3A_61 = arith.addi %mul3A_17, %mul3A_60 : i32
      %add3A_62 = arith.constant 1 : i32
      %add3A_63 = arith.addi %add3A_61, %add3A_62 : i32
      %add3A_64 = arith.constant 2 : i32
      %add3A_65 = arith.addi %add3A_61, %add3A_64 : i32
      %min3A = arith.constant 2047 : i32
      %min3A_66 = arith.minsi %add3A_65, %min3A : i32
      %dma_wait3A_67 = arith.constant 0 : i32
      %dma_wait3A_68 = tpu.memref_slice %arg3[%add3A_61, %dma_wait3A_67] : memref<2048x8192xf32, #tpu.memory_space<hbm>> -> memref<1x8192xf32, #tpu.memory_space<hbm>>
      %dma_wait3A_69 = tpu.memref_squeeze %dma_wait3A_68 : memref<1x8192xf32, #tpu.memory_space<hbm>> -> memref<8192xf32, #tpu.memory_space<hbm>>
      %dma_wait3A_70 = arith.constant 0 : i32
      %dma_wait3A_71 = tpu.memref_slice %arg3[%add3A_61, %dma_wait3A_70] : memref<2048x8192xf32, #tpu.memory_space<hbm>> -> memref<1x8192xf32, #tpu.memory_space<hbm>>
      %dma_wait3A_72 = tpu.memref_squeeze %dma_wait3A_71 : memref<1x8192xf32, #tpu.memory_space<hbm>> -> memref<8192xf32, #tpu.memory_space<hbm>>
      tpu.wait_dma2 semaphore(%arg29 : memref<!tpu.dma_semaphore, #tpu.memory_space<semaphore_mem>>) src(%dma_wait3A_72 : memref<8192xf32, #tpu.memory_space<hbm>>) dst(%arg5 : memref<8192xf32, #tpu.memory_space<vmem>>)
      %dma_wait3A_73 = arith.constant 0 : i32
      %dma_wait3A_74 = tpu.memref_slice %arg2[%add3A_61, %dma_wait3A_73] : memref<2048x8192xf32, #tpu.memory_space<hbm>> -> memref<1x8192xf32, #tpu.memory_space<hbm>>
      %dma_wait3A_75 = tpu.memref_squeeze %dma_wait3A_74 : memref<1x8192xf32, #tpu.memory_space<hbm>> -> memref<8192xf32, #tpu.memory_space<hbm>>
      %dma_wait3A_76 = arith.constant 0 : i32
      %dma_wait3A_77 = tpu.memref_slice %arg2[%add3A_61, %dma_wait3A_76] : memref<2048x8192xf32, #tpu.memory_space<hbm>> -> memref<1x8192xf32, #tpu.memory_space<hbm>>
      %dma_wait3A_78 = tpu.memref_squeeze %dma_wait3A_77 : memref<1x8192xf32, #tpu.memory_space<hbm>> -> memref<8192xf32, #tpu.memory_space<hbm>>
      tpu.wait_dma2 semaphore(%arg29 : memref<!tpu.dma_semaphore, #tpu.memory_space<semaphore_mem>>) src(%dma_wait3A_78 : memref<8192xf32, #tpu.memory_space<hbm>>) dst(%arg6 : memref<8192xf32, #tpu.memory_space<vmem>>)
      %dma_start3A_79 = arith.constant 0 : i32
      %dma_start3A_80 = tpu.memref_slice %arg3[%add3A_63, %dma_start3A_79] : memref<2048x8192xf32, #tpu.memory_space<hbm>> -> memref<1x8192xf32, #tpu.memory_space<hbm>>
      %dma_start3A_81 = tpu.memref_squeeze %dma_start3A_80 : memref<1x8192xf32, #tpu.memory_space<hbm>> -> memref<8192xf32, #tpu.memory_space<hbm>>
      %dma_start3A_82 = arith.constant 0 : i32
      %dma_start3A_83 = tpu.memref_slice %arg3[%add3A_63, %dma_start3A_82] : memref<2048x8192xf32, #tpu.memory_space<hbm>> -> memref<1x8192xf32, #tpu.memory_space<hbm>>
      %dma_start3A_84 = tpu.memref_squeeze %dma_start3A_83 : memref<1x8192xf32, #tpu.memory_space<hbm>> -> memref<8192xf32, #tpu.memory_space<hbm>>
      tpu.enqueue_dma source(%dma_start3A_84 : memref<8192xf32, #tpu.memory_space<hbm>>) target(%arg7 : memref<8192xf32, #tpu.memory_space<vmem>>) target_semaphore(%arg30 : memref<!tpu.dma_semaphore, #tpu.memory_space<semaphore_mem>>)
      %dma_start3A_85 = arith.constant 0 : i32
      %dma_start3A_86 = tpu.memref_slice %arg2[%add3A_63, %dma_start3A_85] : memref<2048x8192xf32, #tpu.memory_space<hbm>> -> memref<1x8192xf32, #tpu.memory_space<hbm>>
      %dma_start3A_87 = tpu.memref_squeeze %dma_start3A_86 : memref<1x8192xf32, #tpu.memory_space<hbm>> -> memref<8192xf32, #tpu.memory_space<hbm>>
      %dma_start3A_88 = arith.constant 0 : i32
      %dma_start3A_89 = tpu.memref_slice %arg2[%add3A_63, %dma_start3A_88] : memref<2048x8192xf32, #tpu.memory_space<hbm>> -> memref<1x8192xf32, #tpu.memory_space<hbm>>
      %dma_start3A_90 = tpu.memref_squeeze %dma_start3A_89 : memref<1x8192xf32, #tpu.memory_space<hbm>> -> memref<8192xf32, #tpu.memory_space<hbm>>
      tpu.enqueue_dma source(%dma_start3A_90 : memref<8192xf32, #tpu.memory_space<hbm>>) target(%arg8 : memref<8192xf32, #tpu.memory_space<vmem>>) target_semaphore(%arg30 : memref<!tpu.dma_semaphore, #tpu.memory_space<semaphore_mem>>)
      %scan3A_91 = arith.constant 0 : i32
      %scan3A_92 = arith.constant 64 : i32
      %scan3A_93 = arith.addi %scan3A_91, %scan3A_92 : i32
      %scan3A_94 = arith.constant 1 : i32
      %scan3A_95 = scf.for %scan3A_298 = %scan3A_91 to %scan3A_93 step %scan3A_94 iter_args(%scan3A_299 = %scan3A_58) -> (vector<16xf32>)  : i32 {
        %mul3A_300 = arith.constant 8 : i32
        %mul3A_301 = arith.muli %scan3A_298, %mul3A_300 : i32
        %add3A_302 = arith.constant 0 : i32
        %add3A_303 = arith.addi %mul3A_301, %add3A_302 : i32
        %mul3A_304 = arith.constant 16 : i32
        %mul3A_305 = arith.muli %add3A_303, %mul3A_304 : i32
        %mul3A_306 = arith.constant 8 : i32
        %mul3A_307 = arith.muli %scan3A_298, %mul3A_306 : i32
        %add3A_308 = arith.constant 1 : i32
        %add3A_309 = arith.addi %mul3A_307, %add3A_308 : i32
        %mul3A_310 = arith.constant 16 : i32
        %mul3A_311 = arith.muli %add3A_309, %mul3A_310 : i32
        %mul3A_312 = arith.constant 8 : i32
        %mul3A_313 = arith.muli %scan3A_298, %mul3A_312 : i32
        %add3A_314 = arith.constant 2 : i32
        %add3A_315 = arith.addi %mul3A_313, %add3A_314 : i32
        %mul3A_316 = arith.constant 16 : i32
        %mul3A_317 = arith.muli %add3A_315, %mul3A_316 : i32
        %mul3A_318 = arith.constant 8 : i32
        %mul3A_319 = arith.muli %scan3A_298, %mul3A_318 : i32
        %add3A_320 = arith.constant 3 : i32
        %add3A_321 = arith.addi %mul3A_319, %add3A_320 : i32
        %mul3A_322 = arith.constant 16 : i32
        %mul3A_323 = arith.muli %add3A_321, %mul3A_322 : i32
        %mul3A_324 = arith.constant 8 : i32
        %mul3A_325 = arith.muli %scan3A_298, %mul3A_324 : i32
        %add3A_326 = arith.constant 4 : i32
        %add3A_327 = arith.addi %mul3A_325, %add3A_326 : i32
        %mul3A_328 = arith.constant 16 : i32
        %mul3A_329 = arith.muli %add3A_327, %mul3A_328 : i32
        %mul3A_330 = arith.constant 8 : i32
        %mul3A_331 = arith.muli %scan3A_298, %mul3A_330 : i32
        %add3A_332 = arith.constant 5 : i32
        %add3A_333 = arith.addi %mul3A_331, %add3A_332 : i32
        %mul3A_334 = arith.constant 16 : i32
        %mul3A_335 = arith.muli %add3A_333, %mul3A_334 : i32
        %mul3A_336 = arith.constant 8 : i32
        %mul3A_337 = arith.muli %scan3A_298, %mul3A_336 : i32
        %add3A_338 = arith.constant 6 : i32
        %add3A_339 = arith.addi %mul3A_337, %add3A_338 : i32
        %mul3A_340 = arith.constant 16 : i32
        %mul3A_341 = arith.muli %add3A_339, %mul3A_340 : i32
        %mul3A_342 = arith.constant 8 : i32
        %mul3A_343 = arith.muli %scan3A_298, %mul3A_342 : i32
        %add3A_344 = arith.constant 7 : i32
        %add3A_345 = arith.addi %mul3A_343, %add3A_344 : i32
        %mul3A_346 = arith.constant 16 : i32
        %mul3A_347 = arith.muli %add3A_345, %mul3A_346 : i32
        %mul3A_348 = arith.constant 8 : i32
        %mul3A_349 = arith.muli %scan3A_298, %mul3A_348 : i32
        %add3A_350 = arith.constant 0 : i32
        %add3A_351 = arith.addi %mul3A_349, %add3A_350 : i32
        %mul3A_352 = arith.constant 16 : i32
        %mul3A_353 = arith.muli %add3A_351, %mul3A_352 : i32
        %add3A_354 = arith.constant 1 : i32
        %add3A_355 = arith.addi %mul3A_353, %add3A_354 : i32
        %mul3A_356 = arith.constant 8 : i32
        %mul3A_357 = arith.muli %scan3A_298, %mul3A_356 : i32
        %add3A_358 = arith.constant 1 : i32
        %add3A_359 = arith.addi %mul3A_357, %add3A_358 : i32
        %mul3A_360 = arith.constant 16 : i32
        %mul3A_361 = arith.muli %add3A_359, %mul3A_360 : i32
        %add3A_362 = arith.constant 1 : i32
        %add3A_363 = arith.addi %mul3A_361, %add3A_362 : i32
        %mul3A_364 = arith.constant 8 : i32
        %mul3A_365 = arith.muli %scan3A_298, %mul3A_364 : i32
        %add3A_366 = arith.constant 2 : i32
        %add3A_367 = arith.addi %mul3A_365, %add3A_366 : i32
        %mul3A_368 = arith.constant 16 : i32
        %mul3A_369 = arith.muli %add3A_367, %mul3A_368 : i32
        %add3A_370 = arith.constant 1 : i32
        %add3A_371 = arith.addi %mul3A_369, %add3A_370 : i32
        %mul3A_372 = arith.constant 8 : i32
        %mul3A_373 = arith.muli %scan3A_298, %mul3A_372 : i32
        %add3A_374 = arith.constant 3 : i32
        %add3A_375 = arith.addi %mul3A_373, %add3A_374 : i32
        %mul3A_376 = arith.constant 16 : i32
        %mul3A_377 = arith.muli %add3A_375, %mul3A_376 : i32
        %add3A_378 = arith.constant 1 : i32
        %add3A_379 = arith.addi %mul3A_377, %add3A_378 : i32
        %mul3A_380 = arith.constant 8 : i32
        %mul3A_381 = arith.muli %scan3A_298, %mul3A_380 : i32
        %add3A_382 = arith.constant 4 : i32
        %add3A_383 = arith.addi %mul3A_381, %add3A_382 : i32
        %mul3A_384 = arith.constant 16 : i32
        %mul3A_385 = arith.muli %add3A_383, %mul3A_384 : i32
        %add3A_386 = arith.constant 1 : i32
        %add3A_387 = arith.addi %mul3A_385, %add3A_386 : i32
        %mul3A_388 = arith.constant 8 : i32
        %mul3A_389 = arith.muli %scan3A_298, %mul3A_388 : i32
        %add3A_390 = arith.constant 5 : i32
        %add3A_391 = arith.addi %mul3A_389, %add3A_390 : i32
        %mul3A_392 = arith.constant 16 : i32
        %mul3A_393 = arith.muli %add3A_391, %mul3A_392 : i32
        %add3A_394 = arith.constant 1 : i32
        %add3A_395 = arith.addi %mul3A_393, %add3A_394 : i32
        %mul3A_396 = arith.constant 8 : i32
        %mul3A_397 = arith.muli %scan3A_298, %mul3A_396 : i32
        %add3A_398 = arith.constant 6 : i32
        %add3A_399 = arith.addi %mul3A_397, %add3A_398 : i32
        %mul3A_400 = arith.constant 16 : i32
        %mul3A_401 = arith.muli %add3A_399, %mul3A_400 : i32
        %add3A_402 = arith.constant 1 : i32
        %add3A_403 = arith.addi %mul3A_401, %add3A_402 : i32
        %mul3A_404 = arith.constant 8 : i32
        %mul3A_405 = arith.muli %scan3A_298, %mul3A_404 : i32
        %add3A_406 = arith.constant 7 : i32
        %add3A_407 = arith.addi %mul3A_405, %add3A_406 : i32
        %mul3A_408 = arith.constant 16 : i32
        %mul3A_409 = arith.muli %add3A_407, %mul3A_408 : i32
        %add3A_410 = arith.constant 1 : i32
        %add3A_411 = arith.addi %mul3A_409, %add3A_410 : i32
        %get3A_412 = arith.index_cast %mul3A_305 : i32 to index
        %get3A_413 = tpu.vector_load %arg10[%get3A_412] {strides = array<i32>} : memref<8208xf32, #tpu.memory_space<vmem>>, vector<16xf32>,
        %get3A_414 = arith.index_cast %mul3A_311 : i32 to index
        %get3A_415 = tpu.vector_load %arg10[%get3A_414] {strides = array<i32>} : memref<8208xf32, #tpu.memory_space<vmem>>, vector<16xf32>,
        %get3A_416 = arith.index_cast %mul3A_317 : i32 to index
        %get3A_417 = tpu.vector_load %arg10[%get3A_416] {strides = array<i32>} : memref<8208xf32, #tpu.memory_space<vmem>>, vector<16xf32>,
        %get3A_418 = arith.index_cast %mul3A_323 : i32 to index
        %get3A_419 = tpu.vector_load %arg10[%get3A_418] {strides = array<i32>} : memref<8208xf32, #tpu.memory_space<vmem>>, vector<16xf32>,
        %get3A_420 = arith.index_cast %mul3A_329 : i32 to index
        %get3A_421 = tpu.vector_load %arg10[%get3A_420] {strides = array<i32>} : memref<8208xf32, #tpu.memory_space<vmem>>, vector<16xf32>,
        %get3A_422 = arith.index_cast %mul3A_335 : i32 to index
        %get3A_423 = tpu.vector_load %arg10[%get3A_422] {strides = array<i32>} : memref<8208xf32, #tpu.memory_space<vmem>>, vector<16xf32>,
        %get3A_424 = arith.index_cast %mul3A_341 : i32 to index
        %get3A_425 = tpu.vector_load %arg10[%get3A_424] {strides = array<i32>} : memref<8208xf32, #tpu.memory_space<vmem>>, vector<16xf32>,
        %get3A_426 = arith.index_cast %mul3A_347 : i32 to index
        %get3A_427 = tpu.vector_load %arg10[%get3A_426] {strides = array<i32>} : memref<8208xf32, #tpu.memory_space<vmem>>, vector<16xf32>,
        %get3A_428 = arith.index_cast %add3A_355 : i32 to index
        %get3A_429 = tpu.vector_load %arg10[%get3A_428] {strides = array<i32>} : memref<8208xf32, #tpu.memory_space<vmem>>, vector<16xf32>,
        %get3A_430 = arith.index_cast %add3A_363 : i32 to index
        %get3A_431 = tpu.vector_load %arg10[%get3A_430] {strides = array<i32>} : memref<8208xf32, #tpu.memory_space<vmem>>, vector<16xf32>,
        %get3A_432 = arith.index_cast %add3A_371 : i32 to index
        %get3A_433 = tpu.vector_load %arg10[%get3A_432] {strides = array<i32>} : memref<8208xf32, #tpu.memory_space<vmem>>, vector<16xf32>,
        %get3A_434 = arith.index_cast %add3A_379 : i32 to index
        %get3A_435 = tpu.vector_load %arg10[%get3A_434] {strides = array<i32>} : memref<8208xf32, #tpu.memory_space<vmem>>, vector<16xf32>,
        %get3A_436 = arith.index_cast %add3A_387 : i32 to index
        %get3A_437 = tpu.vector_load %arg10[%get3A_436] {strides = array<i32>} : memref<8208xf32, #tpu.memory_space<vmem>>, vector<16xf32>,
        %get3A_438 = arith.index_cast %add3A_395 : i32 to index
        %get3A_439 = tpu.vector_load %arg10[%get3A_438] {strides = array<i32>} : memref<8208xf32, #tpu.memory_space<vmem>>, vector<16xf32>,
        %get3A_440 = arith.index_cast %add3A_403 : i32 to index
        %get3A_441 = tpu.vector_load %arg10[%get3A_440] {strides = array<i32>} : memref<8208xf32, #tpu.memory_space<vmem>>, vector<16xf32>,
        %get3A_442 = arith.index_cast %add3A_411 : i32 to index
        %get3A_443 = tpu.vector_load %arg10[%get3A_442] {strides = array<i32>} : memref<8208xf32, #tpu.memory_space<vmem>>, vector<16xf32>,
        %get3A_444 = arith.index_cast %mul3A_305 : i32 to index
        %get3A_445 = tpu.vector_load %arg5[%get3A_444] {strides = array<i32>} : memref<8192xf32, #tpu.memory_space<vmem>>, vector<16xf32>,
        %get3A_446 = arith.index_cast %mul3A_311 : i32 to index
        %get3A_447 = tpu.vector_load %arg5[%get3A_446] {strides = array<i32>} : memref<8192xf32, #tpu.memory_space<vmem>>, vector<16xf32>,
        %get3A_448 = arith.index_cast %mul3A_317 : i32 to index
        %get3A_449 = tpu.vector_load %arg5[%get3A_448] {strides = array<i32>} : memref<8192xf32, #tpu.memory_space<vmem>>, vector<16xf32>,
        %get3A_450 = arith.index_cast %mul3A_323 : i32 to index
        %get3A_451 = tpu.vector_load %arg5[%get3A_450] {strides = array<i32>} : memref<8192xf32, #tpu.memory_space<vmem>>, vector<16xf32>,
        %get3A_452 = arith.index_cast %mul3A_329 : i32 to index
        %get3A_453 = tpu.vector_load %arg5[%get3A_452] {strides = array<i32>} : memref<8192xf32, #tpu.memory_space<vmem>>, vector<16xf32>,
        %get3A_454 = arith.index_cast %mul3A_335 : i32 to index
        %get3A_455 = tpu.vector_load %arg5[%get3A_454] {strides = array<i32>} : memref<8192xf32, #tpu.memory_space<vmem>>, vector<16xf32>,
        %get3A_456 = arith.index_cast %mul3A_341 : i32 to index
        %get3A_457 = tpu.vector_load %arg5[%get3A_456] {strides = array<i32>} : memref<8192xf32, #tpu.memory_space<vmem>>, vector<16xf32>,
        %get3A_458 = arith.index_cast %mul3A_347 : i32 to index
        %get3A_459 = tpu.vector_load %arg5[%get3A_458] {strides = array<i32>} : memref<8192xf32, #tpu.memory_space<vmem>>, vector<16xf32>,
        %mul3A_460 = vector.broadcast %scan3A_31 : f32 to vector<16xf32>
        %mul3A_461 = arith.mulf %get3A_445, %mul3A_460 : vector<16xf32>
        %convert_element_type3A = arith.fptosi %mul3A_461 : vector<16xf32> to vector<16xi32>
        %mul3A_462 = vector.broadcast %scan3A_31 : f32 to vector<16xf32>
        %mul3A_463 = arith.mulf %get3A_447, %mul3A_462 : vector<16xf32>
        %convert_element_type3A_464 = arith.fptosi %mul3A_463 : vector<16xf32> to vector<16xi32>
        %mul3A_465 = vector.broadcast %scan3A_31 : f32 to vector<16xf32>
        %mul3A_466 = arith.mulf %get3A_449, %mul3A_465 : vector<16xf32>
        %convert_element_type3A_467 = arith.fptosi %mul3A_466 : vector<16xf32> to vector<16xi32>
        %mul3A_468 = vector.broadcast %scan3A_31 : f32 to vector<16xf32>
        %mul3A_469 = arith.mulf %get3A_451, %mul3A_468 : vector<16xf32>
        %convert_element_type3A_470 = arith.fptosi %mul3A_469 : vector<16xf32> to vector<16xi32>
        %mul3A_471 = vector.broadcast %scan3A_31 : f32 to vector<16xf32>
        %mul3A_472 = arith.mulf %get3A_453, %mul3A_471 : vector<16xf32>
        %convert_element_type3A_473 = arith.fptosi %mul3A_472 : vector<16xf32> to vector<16xi32>
        %mul3A_474 = vector.broadcast %scan3A_31 : f32 to vector<16xf32>
        %mul3A_475 = arith.mulf %get3A_455, %mul3A_474 : vector<16xf32>
        %convert_element_type3A_476 = arith.fptosi %mul3A_475 : vector<16xf32> to vector<16xi32>
        %mul3A_477 = vector.broadcast %scan3A_31 : f32 to vector<16xf32>
        %mul3A_478 = arith.mulf %get3A_457, %mul3A_477 : vector<16xf32>
        %convert_element_type3A_479 = arith.fptosi %mul3A_478 : vector<16xf32> to vector<16xi32>
        %mul3A_480 = vector.broadcast %scan3A_31 : f32 to vector<16xf32>
        %mul3A_481 = arith.mulf %get3A_459, %mul3A_480 : vector<16xf32>
        %convert_element_type3A_482 = arith.fptosi %mul3A_481 : vector<16xf32> to vector<16xi32>
        %broadcast_in_dim3A_483 = arith.constant true
        %broadcast_in_dim3A_484 = vector.broadcast %broadcast_in_dim3A_483 : i1 to vector<16xi1>
        %unique3A, %unique3A_485 = tpu.scan_count mask(%broadcast_in_dim3A_484 : vector<16xi1>) value(%convert_element_type3A : vector<16xi32>) : vector<16xi1>, vector<16xi32>
        %broadcast_in_dim3A_486 = arith.constant true
        %broadcast_in_dim3A_487 = vector.broadcast %broadcast_in_dim3A_486 : i1 to vector<16xi1>
        %unique3A_488, %unique3A_489 = tpu.scan_count mask(%broadcast_in_dim3A_487 : vector<16xi1>) value(%convert_element_type3A_464 : vector<16xi32>) : vector<16xi1>, vector<16xi32>
        %broadcast_in_dim3A_490 = arith.constant true
        %broadcast_in_dim3A_491 = vector.broadcast %broadcast_in_dim3A_490 : i1 to vector<16xi1>
        %unique3A_492, %unique3A_493 = tpu.scan_count mask(%broadcast_in_dim3A_491 : vector<16xi1>) value(%convert_element_type3A_467 : vector<16xi32>) : vector<16xi1>, vector<16xi32>
        %broadcast_in_dim3A_494 = arith.constant true
        %broadcast_in_dim3A_495 = vector.broadcast %broadcast_in_dim3A_494 : i1 to vector<16xi1>
        %unique3A_496, %unique3A_497 = tpu.scan_count mask(%broadcast_in_dim3A_495 : vector<16xi1>) value(%convert_element_type3A_470 : vector<16xi32>) : vector<16xi1>, vector<16xi32>
        %broadcast_in_dim3A_498 = arith.constant true
        %broadcast_in_dim3A_499 = vector.broadcast %broadcast_in_dim3A_498 : i1 to vector<16xi1>
        %unique3A_500, %unique3A_501 = tpu.scan_count mask(%broadcast_in_dim3A_499 : vector<16xi1>) value(%convert_element_type3A_473 : vector<16xi32>) : vector<16xi1>, vector<16xi32>
        %broadcast_in_dim3A_502 = arith.constant true
        %broadcast_in_dim3A_503 = vector.broadcast %broadcast_in_dim3A_502 : i1 to vector<16xi1>
        %unique3A_504, %unique3A_505 = tpu.scan_count mask(%broadcast_in_dim3A_503 : vector<16xi1>) value(%convert_element_type3A_476 : vector<16xi32>) : vector<16xi1>, vector<16xi32>
        %broadcast_in_dim3A_506 = arith.constant true
        %broadcast_in_dim3A_507 = vector.broadcast %broadcast_in_dim3A_506 : i1 to vector<16xi1>
        %unique3A_508, %unique3A_509 = tpu.scan_count mask(%broadcast_in_dim3A_507 : vector<16xi1>) value(%convert_element_type3A_479 : vector<16xi32>) : vector<16xi1>, vector<16xi32>
        %broadcast_in_dim3A_510 = arith.constant true
        %broadcast_in_dim3A_511 = vector.broadcast %broadcast_in_dim3A_510 : i1 to vector<16xi1>
        %unique3A_512, %unique3A_513 = tpu.scan_count mask(%broadcast_in_dim3A_511 : vector<16xi1>) value(%convert_element_type3A_482 : vector<16xi32>) : vector<16xi1>, vector<16xi32>
        %gather3A = tpu.vector_load_idx %arg11[%convert_element_type3A] : memref<1040xi32, #tpu.memory_space<vmem>>[vector<16xi32>], vector<16xi32>,
        %gather3A_514 = tpu.vector_load_idx %arg12[%convert_element_type3A_464] : memref<1040xi32, #tpu.memory_space<vmem>>[vector<16xi32>], vector<16xi32>,
        %gather3A_515 = tpu.vector_load_idx %arg13[%convert_element_type3A_467] : memref<1040xi32, #tpu.memory_space<vmem>>[vector<16xi32>], vector<16xi32>,
        %gather3A_516 = tpu.vector_load_idx %arg14[%convert_element_type3A_470] : memref<1040xi32, #tpu.memory_space<vmem>>[vector<16xi32>], vector<16xi32>,
        %gather3A_517 = tpu.vector_load_idx %arg15[%convert_element_type3A_473] : memref<1040xi32, #tpu.memory_space<vmem>>[vector<16xi32>], vector<16xi32>,
        %gather3A_518 = tpu.vector_load_idx %arg16[%convert_element_type3A_476] : memref<1040xi32, #tpu.memory_space<vmem>>[vector<16xi32>], vector<16xi32>,
        %gather3A_519 = tpu.vector_load_idx %arg17[%convert_element_type3A_479] : memref<1040xi32, #tpu.memory_space<vmem>>[vector<16xi32>], vector<16xi32>,
        %gather3A_520 = tpu.vector_load_idx %arg18[%convert_element_type3A_482] : memref<1040xi32, #tpu.memory_space<vmem>>[vector<16xi32>], vector<16xi32>,
        tpu.vector_store_idx %arg11[%convert_element_type3A], %unique3A_485 masked %unique3A {add = true} : memref<1040xi32, #tpu.memory_space<vmem>>[vector<16xi32>], vector<16xi32>, vector<16xi1>
        tpu.vector_store_idx %arg12[%convert_element_type3A_464], %unique3A_489 masked %unique3A_488 {add = true} : memref<1040xi32, #tpu.memory_space<vmem>>[vector<16xi32>], vector<16xi32>, vector<16xi1>
        tpu.vector_store_idx %arg13[%convert_element_type3A_467], %unique3A_493 masked %unique3A_492 {add = true} : memref<1040xi32, #tpu.memory_space<vmem>>[vector<16xi32>], vector<16xi32>, vector<16xi1>
        tpu.vector_store_idx %arg14[%convert_element_type3A_470], %unique3A_497 masked %unique3A_496 {add = true} : memref<1040xi32, #tpu.memory_space<vmem>>[vector<16xi32>], vector<16xi32>, vector<16xi1>
        tpu.vector_store_idx %arg15[%convert_element_type3A_473], %unique3A_501 masked %unique3A_500 {add = true} : memref<1040xi32, #tpu.memory_space<vmem>>[vector<16xi32>], vector<16xi32>, vector<16xi1>
        tpu.vector_store_idx %arg16[%convert_element_type3A_476], %unique3A_505 masked %unique3A_504 {add = true} : memref<1040xi32, #tpu.memory_space<vmem>>[vector<16xi32>], vector<16xi32>, vector<16xi1>
        tpu.vector_store_idx %arg17[%convert_element_type3A_479], %unique3A_509 masked %unique3A_508 {add = true} : memref<1040xi32, #tpu.memory_space<vmem>>[vector<16xi32>], vector<16xi32>, vector<16xi1>
        tpu.vector_store_idx %arg18[%convert_element_type3A_482], %unique3A_513 masked %unique3A_512 {add = true} : memref<1040xi32, #tpu.memory_space<vmem>>[vector<16xi32>], vector<16xi32>, vector<16xi1>
        %shift_left3A = arith.constant 13 : i32
        %shift_left3A_521 = vector.broadcast %shift_left3A : i32 to vector<16xi32>
        %shift_left3A_522 = arith.shli %convert_element_type3A, %shift_left3A_521 : vector<16xi32>
        %sub3A_523 = arith.constant 1 : i32
        %sub3A_524 = vector.broadcast %sub3A_523 : i32 to vector<16xi32>
        %sub3A_525 = arith.subi %unique3A_485, %sub3A_524 : vector<16xi32>
        %add3A_526 = arith.addi %gather3A, %sub3A_525 : vector<16xi32>
        %or3A = arith.ori %shift_left3A_522, %add3A_526 : vector<16xi32>
        %swap3A_527 = arith.index_cast %mul3A_305 : i32 to index
        %swap3A_528 = tpu.vector_load %arg27[%swap3A_527] {strides = array<i32>} : memref<8192xi32, #tpu.memory_space<vmem>>, vector<16xi32>,
        tpu.vector_store %arg27[%swap3A_527], %or3A {strides = array<i32>} : memref<8192xi32, #tpu.memory_space<vmem>>, vector<16xi32>,
        %shift_left3A_529 = arith.constant 13 : i32
        %shift_left3A_530 = vector.broadcast %shift_left3A_529 : i32 to vector<16xi32>
        %shift_left3A_531 = arith.shli %convert_element_type3A_464, %shift_left3A_530 : vector<16xi32>
        %sub3A_532 = arith.constant 1 : i32
        %sub3A_533 = vector.broadcast %sub3A_532 : i32 to vector<16xi32>
        %sub3A_534 = arith.subi %unique3A_489, %sub3A_533 : vector<16xi32>
        %add3A_535 = arith.addi %gather3A_514, %sub3A_534 : vector<16xi32>
        %or3A_536 = arith.ori %shift_left3A_531, %add3A_535 : vector<16xi32>
        %swap3A_537 = arith.index_cast %mul3A_311 : i32 to index
        %swap3A_538 = tpu.vector_load %arg27[%swap3A_537] {strides = array<i32>} : memref<8192xi32, #tpu.memory_space<vmem>>, vector<16xi32>,
        tpu.vector_store %arg27[%swap3A_537], %or3A_536 {strides = array<i32>} : memref<8192xi32, #tpu.memory_space<vmem>>, vector<16xi32>,
        %shift_left3A_539 = arith.constant 13 : i32
        %shift_left3A_540 = vector.broadcast %shift_left3A_539 : i32 to vector<16xi32>
        %shift_left3A_541 = arith.shli %convert_element_type3A_467, %shift_left3A_540 : vector<16xi32>
        %sub3A_542 = arith.constant 1 : i32
        %sub3A_543 = vector.broadcast %sub3A_542 : i32 to vector<16xi32>
        %sub3A_544 = arith.subi %unique3A_493, %sub3A_543 : vector<16xi32>
        %add3A_545 = arith.addi %gather3A_515, %sub3A_544 : vector<16xi32>
        %or3A_546 = arith.ori %shift_left3A_541, %add3A_545 : vector<16xi32>
        %swap3A_547 = arith.index_cast %mul3A_317 : i32 to index
        %swap3A_548 = tpu.vector_load %arg27[%swap3A_547] {strides = array<i32>} : memref<8192xi32, #tpu.memory_space<vmem>>, vector<16xi32>,
        tpu.vector_store %arg27[%swap3A_547], %or3A_546 {strides = array<i32>} : memref<8192xi32, #tpu.memory_space<vmem>>, vector<16xi32>,
        %shift_left3A_549 = arith.constant 13 : i32
        %shift_left3A_550 = vector.broadcast %shift_left3A_549 : i32 to vector<16xi32>
        %shift_left3A_551 = arith.shli %convert_element_type3A_470, %shift_left3A_550 : vector<16xi32>
        %sub3A_552 = arith.constant 1 : i32
        %sub3A_553 = vector.broadcast %sub3A_552 : i32 to vector<16xi32>
        %sub3A_554 = arith.subi %unique3A_497, %sub3A_553 : vector<16xi32>
        %add3A_555 = arith.addi %gather3A_516, %sub3A_554 : vector<16xi32>
        %or3A_556 = arith.ori %shift_left3A_551, %add3A_555 : vector<16xi32>
        %swap3A_557 = arith.index_cast %mul3A_323 : i32 to index
        %swap3A_558 = tpu.vector_load %arg27[%swap3A_557] {strides = array<i32>} : memref<8192xi32, #tpu.memory_space<vmem>>, vector<16xi32>,
        tpu.vector_store %arg27[%swap3A_557], %or3A_556 {strides = array<i32>} : memref<8192xi32, #tpu.memory_space<vmem>>, vector<16xi32>,
        %shift_left3A_559 = arith.constant 13 : i32
        %shift_left3A_560 = vector.broadcast %shift_left3A_559 : i32 to vector<16xi32>
        %shift_left3A_561 = arith.shli %convert_element_type3A_473, %shift_left3A_560 : vector<16xi32>
        %sub3A_562 = arith.constant 1 : i32
        %sub3A_563 = vector.broadcast %sub3A_562 : i32 to vector<16xi32>
        %sub3A_564 = arith.subi %unique3A_501, %sub3A_563 : vector<16xi32>
        %add3A_565 = arith.addi %gather3A_517, %sub3A_564 : vector<16xi32>
        %or3A_566 = arith.ori %shift_left3A_561, %add3A_565 : vector<16xi32>
        %swap3A_567 = arith.index_cast %mul3A_329 : i32 to index
        %swap3A_568 = tpu.vector_load %arg27[%swap3A_567] {strides = array<i32>} : memref<8192xi32, #tpu.memory_space<vmem>>, vector<16xi32>,
        tpu.vector_store %arg27[%swap3A_567], %or3A_566 {strides = array<i32>} : memref<8192xi32, #tpu.memory_space<vmem>>, vector<16xi32>,
        %shift_left3A_569 = arith.constant 13 : i32
        %shift_left3A_570 = vector.broadcast %shift_left3A_569 : i32 to vector<16xi32>
        %shift_left3A_571 = arith.shli %convert_element_type3A_476, %shift_left3A_570 : vector<16xi32>
        %sub3A_572 = arith.constant 1 : i32
        %sub3A_573 = vector.broadcast %sub3A_572 : i32 to vector<16xi32>
        %sub3A_574 = arith.subi %unique3A_505, %sub3A_573 : vector<16xi32>
        %add3A_575 = arith.addi %gather3A_518, %sub3A_574 : vector<16xi32>
        %or3A_576 = arith.ori %shift_left3A_571, %add3A_575 : vector<16xi32>
        %swap3A_577 = arith.index_cast %mul3A_335 : i32 to index
        %swap3A_578 = tpu.vector_load %arg27[%swap3A_577] {strides = array<i32>} : memref<8192xi32, #tpu.memory_space<vmem>>, vector<16xi32>,
        tpu.vector_store %arg27[%swap3A_577], %or3A_576 {strides = array<i32>} : memref<8192xi32, #tpu.memory_space<vmem>>, vector<16xi32>,
        %shift_left3A_579 = arith.constant 13 : i32
        %shift_left3A_580 = vector.broadcast %shift_left3A_579 : i32 to vector<16xi32>
        %shift_left3A_581 = arith.shli %convert_element_type3A_479, %shift_left3A_580 : vector<16xi32>
        %sub3A_582 = arith.constant 1 : i32
        %sub3A_583 = vector.broadcast %sub3A_582 : i32 to vector<16xi32>
        %sub3A_584 = arith.subi %unique3A_509, %sub3A_583 : vector<16xi32>
        %add3A_585 = arith.addi %gather3A_519, %sub3A_584 : vector<16xi32>
        %or3A_586 = arith.ori %shift_left3A_581, %add3A_585 : vector<16xi32>
        %swap3A_587 = arith.index_cast %mul3A_341 : i32 to index
        %swap3A_588 = tpu.vector_load %arg27[%swap3A_587] {strides = array<i32>} : memref<8192xi32, #tpu.memory_space<vmem>>, vector<16xi32>,
        tpu.vector_store %arg27[%swap3A_587], %or3A_586 {strides = array<i32>} : memref<8192xi32, #tpu.memory_space<vmem>>, vector<16xi32>,
        %shift_left3A_589 = arith.constant 13 : i32
        %shift_left3A_590 = vector.broadcast %shift_left3A_589 : i32 to vector<16xi32>
        %shift_left3A_591 = arith.shli %convert_element_type3A_482, %shift_left3A_590 : vector<16xi32>
        %sub3A_592 = arith.constant 1 : i32
        %sub3A_593 = vector.broadcast %sub3A_592 : i32 to vector<16xi32>
        %sub3A_594 = arith.subi %unique3A_513, %sub3A_593 : vector<16xi32>
        %add3A_595 = arith.addi %gather3A_520, %sub3A_594 : vector<16xi32>
        %or3A_596 = arith.ori %shift_left3A_591, %add3A_595 : vector<16xi32>
        %swap3A_597 = arith.index_cast %mul3A_347 : i32 to index
        %swap3A_598 = tpu.vector_load %arg27[%swap3A_597] {strides = array<i32>} : memref<8192xi32, #tpu.memory_space<vmem>>, vector<16xi32>,
        tpu.vector_store %arg27[%swap3A_597], %or3A_596 {strides = array<i32>} : memref<8192xi32, #tpu.memory_space<vmem>>, vector<16xi32>,
        %sub3A_599 = arith.subf %get3A_413, %get3A_429 : vector<16xf32>
        %max3A = arith.constant 0.000000e+00 : f32
        %max3A_600 = vector.broadcast %max3A : f32 to vector<16xf32>
        %max3A_601 = arith.maximumf %sub3A_599, %max3A_600 : vector<16xf32>
        %sub3A_602 = arith.subf %get3A_415, %get3A_431 : vector<16xf32>
        %max3A_603 = arith.constant 0.000000e+00 : f32
        %max3A_604 = vector.broadcast %max3A_603 : f32 to vector<16xf32>
        %max3A_605 = arith.maximumf %sub3A_602, %max3A_604 : vector<16xf32>
        %sub3A_606 = arith.subf %get3A_417, %get3A_433 : vector<16xf32>
        %max3A_607 = arith.constant 0.000000e+00 : f32
        %max3A_608 = vector.broadcast %max3A_607 : f32 to vector<16xf32>
        %max3A_609 = arith.maximumf %sub3A_606, %max3A_608 : vector<16xf32>
        %sub3A_610 = arith.subf %get3A_419, %get3A_435 : vector<16xf32>
        %max3A_611 = arith.constant 0.000000e+00 : f32
        %max3A_612 = vector.broadcast %max3A_611 : f32 to vector<16xf32>
        %max3A_613 = arith.maximumf %sub3A_610, %max3A_612 : vector<16xf32>
        %sub3A_614 = arith.subf %get3A_421, %get3A_437 : vector<16xf32>
        %max3A_615 = arith.constant 0.000000e+00 : f32
        %max3A_616 = vector.broadcast %max3A_615 : f32 to vector<16xf32>
        %max3A_617 = arith.maximumf %sub3A_614, %max3A_616 : vector<16xf32>
        %sub3A_618 = arith.subf %get3A_423, %get3A_439 : vector<16xf32>
        %max3A_619 = arith.constant 0.000000e+00 : f32
        %max3A_620 = vector.broadcast %max3A_619 : f32 to vector<16xf32>
        %max3A_621 = arith.maximumf %sub3A_618, %max3A_620 : vector<16xf32>
        %sub3A_622 = arith.subf %get3A_425, %get3A_441 : vector<16xf32>
        %max3A_623 = arith.constant 0.000000e+00 : f32
        %max3A_624 = vector.broadcast %max3A_623 : f32 to vector<16xf32>
        %max3A_625 = arith.maximumf %sub3A_622, %max3A_624 : vector<16xf32>
        %sub3A_626 = arith.subf %get3A_427, %get3A_443 : vector<16xf32>
        %max3A_627 = arith.constant 0.000000e+00 : f32
        %max3A_628 = vector.broadcast %max3A_627 : f32 to vector<16xf32>
        %max3A_629 = arith.maximumf %sub3A_626, %max3A_628 : vector<16xf32>
        %add3A_630 = arith.addf %max3A_601, %max3A_605 : vector<16xf32>
        %add3A_631 = arith.addf %max3A_609, %max3A_613 : vector<16xf32>
        %add3A_632 = arith.addf %max3A_617, %max3A_621 : vector<16xf32>
        %add3A_633 = arith.addf %max3A_625, %max3A_629 : vector<16xf32>
        %add3A_634 = arith.addf %add3A_630, %add3A_631 : vector<16xf32>
        %add3A_635 = arith.addf %add3A_632, %add3A_633 : vector<16xf32>
        %add3A_636 = arith.addf %add3A_634, %add3A_635 : vector<16xf32>
        %add3A_637 = arith.addf %scan3A_299, %add3A_636 : vector<16xf32>
        scf.yield %add3A_637 : vector<16xf32>
      }
      %scan3A_96 = arith.constant 64 : i32
      %scan3A_97 = arith.constant 0 : i32
      %scan3A_98 = arith.constant 0 : i32
      %scan3A_99 = arith.constant 64 : i32
      %scan3A_100 = arith.addi %scan3A_98, %scan3A_99 : i32
      %scan3A_101 = arith.constant 4 : i32
      %scan3A_102 = scf.for %scan3A_298 = %scan3A_98 to %scan3A_100 step %scan3A_101 iter_args(%scan3A_299 = %scan3A_97) -> (i32)  : i32 {
        %mul3A_300 = arith.constant 16 : i32
        %mul3A_301 = arith.muli %scan3A_298, %mul3A_300 : i32
        %get3A_302 = arith.index_cast %mul3A_301 : i32 to index
        %get3A_303 = tpu.vector_load %arg11[%get3A_302] {strides = array<i32>} : memref<1040xi32, #tpu.memory_space<vmem>>, vector<16xi32>,
        %get3A_304 = arith.index_cast %mul3A_301 : i32 to index
        %get3A_305 = tpu.vector_load %arg12[%get3A_304] {strides = array<i32>} : memref<1040xi32, #tpu.memory_space<vmem>>, vector<16xi32>,
        %get3A_306 = arith.index_cast %mul3A_301 : i32 to index
        %get3A_307 = tpu.vector_load %arg13[%get3A_306] {strides = array<i32>} : memref<1040xi32, #tpu.memory_space<vmem>>, vector<16xi32>,
        %get3A_308 = arith.index_cast %mul3A_301 : i32 to index
        %get3A_309 = tpu.vector_load %arg14[%get3A_308] {strides = array<i32>} : memref<1040xi32, #tpu.memory_space<vmem>>, vector<16xi32>,
        %get3A_310 = arith.index_cast %mul3A_301 : i32 to index
        %get3A_311 = tpu.vector_load %arg15[%get3A_310] {strides = array<i32>} : memref<1040xi32, #tpu.memory_space<vmem>>, vector<16xi32>,
        %get3A_312 = arith.index_cast %mul3A_301 : i32 to index
        %get3A_313 = tpu.vector_load %arg16[%get3A_312] {strides = array<i32>} : memref<1040xi32, #tpu.memory_space<vmem>>, vector<16xi32>,
        %get3A_314 = arith.index_cast %mul3A_301 : i32 to index
        %get3A_315 = tpu.vector_load %arg17[%get3A_314] {strides = array<i32>} : memref<1040xi32, #tpu.memory_space<vmem>>, vector<16xi32>,
        %get3A_316 = arith.index_cast %mul3A_301 : i32 to index
        %get3A_317 = tpu.vector_load %arg18[%get3A_316] {strides = array<i32>} : memref<1040xi32, #tpu.memory_space<vmem>>, vector<16xi32>,
        %add3A_318 = arith.addi %get3A_303, %get3A_305 : vector<16xi32>
        %add3A_319 = arith.addi %get3A_307, %get3A_309 : vector<16xi32>
        %add3A_320 = arith.addi %get3A_311, %get3A_313 : vector<16xi32>
        %add3A_321 = arith.addi %get3A_315, %get3A_317 : vector<16xi32>
        %add3A_322 = arith.addi %add3A_318, %add3A_319 : vector<16xi32>
        %add3A_323 = arith.addi %add3A_320, %add3A_321 : vector<16xi32>
        %add3A_324 = arith.addi %add3A_322, %add3A_323 : vector<16xi32>
        %broadcast_in_dim3A_325 = arith.constant true
        %broadcast_in_dim3A_326 = vector.broadcast %broadcast_in_dim3A_325 : i1 to vector<16xi1>
        %masked_cumsum3A_327 = tpu.scan <sum>, %add3A_324 masked %broadcast_in_dim3A_326 : vector<16xi32>, vector<16xi1> -> vector<16xi32>
        %sub3A_328 = arith.subi %masked_cumsum3A_327, %add3A_324 : vector<16xi32>
        %add3A_329 = vector.broadcast %scan3A_299 : i32 to vector<16xi32>
        %add3A_330 = arith.addi %sub3A_328, %add3A_329 : vector<16xi32>
        %swap3A_331 = arith.index_cast %mul3A_301 : i32 to index
        %swap3A_332 = tpu.vector_load %arg19[%swap3A_331] {strides = array<i32>} : memref<1040xi32, #tpu.memory_space<vmem>>, vector<16xi32>,
        tpu.vector_store %arg19[%swap3A_331], %add3A_330 {strides = array<i32>} : memref<1040xi32, #tpu.memory_space<vmem>>, vector<16xi32>,
        %add3A_333 = arith.addi %add3A_330, %get3A_303 : vector<16xi32>
        %swap3A_334 = arith.index_cast %mul3A_301 : i32 to index
        %swap3A_335 = tpu.vector_load %arg20[%swap3A_334] {strides = array<i32>} : memref<1040xi32, #tpu.memory_space<vmem>>, vector<16xi32>,
        tpu.vector_store %arg20[%swap3A_334], %add3A_333 {strides = array<i32>} : memref<1040xi32, #tpu.memory_space<vmem>>, vector<16xi32>,
        %add3A_336 = arith.addi %add3A_333, %get3A_305 : vector<16xi32>
        %swap3A_337 = arith.index_cast %mul3A_301 : i32 to index
        %swap3A_338 = tpu.vector_load %arg21[%swap3A_337] {strides = array<i32>} : memref<1040xi32, #tpu.memory_space<vmem>>, vector<16xi32>,
        tpu.vector_store %arg21[%swap3A_337], %add3A_336 {strides = array<i32>} : memref<1040xi32, #tpu.memory_space<vmem>>, vector<16xi32>,
        %add3A_339 = arith.addi %add3A_336, %get3A_307 : vector<16xi32>
        %swap3A_340 = arith.index_cast %mul3A_301 : i32 to index
        %swap3A_341 = tpu.vector_load %arg22[%swap3A_340] {strides = array<i32>} : memref<1040xi32, #tpu.memory_space<vmem>>, vector<16xi32>,
        tpu.vector_store %arg22[%swap3A_340], %add3A_339 {strides = array<i32>} : memref<1040xi32, #tpu.memory_space<vmem>>, vector<16xi32>,
        %add3A_342 = arith.addi %add3A_339, %get3A_309 : vector<16xi32>
        %swap3A_343 = arith.index_cast %mul3A_301 : i32 to index
        %swap3A_344 = tpu.vector_load %arg23[%swap3A_343] {strides = array<i32>} : memref<1040xi32, #tpu.memory_space<vmem>>, vector<16xi32>,
        tpu.vector_store %arg23[%swap3A_343], %add3A_342 {strides = array<i32>} : memref<1040xi32, #tpu.memory_space<vmem>>, vector<16xi32>,
        %add3A_345 = arith.addi %add3A_342, %get3A_311 : vector<16xi32>
        %swap3A_346 = arith.index_cast %mul3A_301 : i32 to index
        %swap3A_347 = tpu.vector_load %arg24[%swap3A_346] {strides = array<i32>} : memref<1040xi32, #tpu.memory_space<vmem>>, vector<16xi32>,
        tpu.vector_store %arg24[%swap3A_346], %add3A_345 {strides = array<i32>} : memref<1040xi32, #tpu.memory_space<vmem>>, vector<16xi32>,
        %add3A_348 = arith.addi %add3A_345, %get3A_313 : vector<16xi32>
        %swap3A_349 = arith.index_cast %mul3A_301 : i32 to index
        %swap3A_350 = tpu.vector_load %arg25[%swap3A_349] {strides = array<i32>} : memref<1040xi32, #tpu.memory_space<vmem>>, vector<16xi32>,
        tpu.vector_store %arg25[%swap3A_349], %add3A_348 {strides = array<i32>} : memref<1040xi32, #tpu.memory_space<vmem>>, vector<16xi32>,
        %add3A_351 = arith.addi %add3A_348, %get3A_315 : vector<16xi32>
        %swap3A_352 = arith.index_cast %mul3A_301 : i32 to index
        %swap3A_353 = tpu.vector_load %arg26[%swap3A_352] {strides = array<i32>} : memref<1040xi32, #tpu.memory_space<vmem>>, vector<16xi32>,
        tpu.vector_store %arg26[%swap3A_352], %add3A_351 {strides = array<i32>} : memref<1040xi32, #tpu.memory_space<vmem>>, vector<16xi32>,
        %swap3A_354 = arith.index_cast %mul3A_301 : i32 to index
        %swap3A_355 = tpu.vector_load %arg11[%swap3A_354] {strides = array<i32>} : memref<1040xi32, #tpu.memory_space<vmem>>, vector<16xi32>,
        tpu.vector_store %arg11[%swap3A_354], %broadcast_in_dim3A_1 {strides = array<i32>} : memref<1040xi32, #tpu.memory_space<vmem>>, vector<16xi32>,
        %swap3A_356 = arith.index_cast %mul3A_301 : i32 to index
        %swap3A_357 = tpu.vector_load %arg12[%swap3A_356] {strides = array<i32>} : memref<1040xi32, #tpu.memory_space<vmem>>, vector<16xi32>,
        tpu.vector_store %arg12[%swap3A_356], %broadcast_in_dim3A_1 {strides = array<i32>} : memref<1040xi32, #tpu.memory_space<vmem>>, vector<16xi32>,
        %swap3A_358 = arith.index_cast %mul3A_301 : i32 to index
        %swap3A_359 = tpu.vector_load %arg13[%swap3A_358] {strides = array<i32>} : memref<1040xi32, #tpu.memory_space<vmem>>, vector<16xi32>,
        tpu.vector_store %arg13[%swap3A_358], %broadcast_in_dim3A_1 {strides = array<i32>} : memref<1040xi32, #tpu.memory_space<vmem>>, vector<16xi32>,
        %swap3A_360 = arith.index_cast %mul3A_301 : i32 to index
        %swap3A_361 = tpu.vector_load %arg14[%swap3A_360] {strides = array<i32>} : memref<1040xi32, #tpu.memory_space<vmem>>, vector<16xi32>,
        tpu.vector_store %arg14[%swap3A_360], %broadcast_in_dim3A_1 {strides = array<i32>} : memref<1040xi32, #tpu.memory_space<vmem>>, vector<16xi32>,
        %swap3A_362 = arith.index_cast %mul3A_301 : i32 to index
        %swap3A_363 = tpu.vector_load %arg15[%swap3A_362] {strides = array<i32>} : memref<1040xi32, #tpu.memory_space<vmem>>, vector<16xi32>,
        tpu.vector_store %arg15[%swap3A_362], %broadcast_in_dim3A_1 {strides = array<i32>} : memref<1040xi32, #tpu.memory_space<vmem>>, vector<16xi32>,
        %swap3A_364 = arith.index_cast %mul3A_301 : i32 to index
        %swap3A_365 = tpu.vector_load %arg16[%swap3A_364] {strides = array<i32>} : memref<1040xi32, #tpu.memory_space<vmem>>, vector<16xi32>,
        tpu.vector_store %arg16[%swap3A_364], %broadcast_in_dim3A_1 {strides = array<i32>} : memref<1040xi32, #tpu.memory_space<vmem>>, vector<16xi32>,
        %swap3A_366 = arith.index_cast %mul3A_301 : i32 to index
        %swap3A_367 = tpu.vector_load %arg17[%swap3A_366] {strides = array<i32>} : memref<1040xi32, #tpu.memory_space<vmem>>, vector<16xi32>,
        tpu.vector_store %arg17[%swap3A_366], %broadcast_in_dim3A_1 {strides = array<i32>} : memref<1040xi32, #tpu.memory_space<vmem>>, vector<16xi32>,
        %swap3A_368 = arith.index_cast %mul3A_301 : i32 to index
        %swap3A_369 = tpu.vector_load %arg18[%swap3A_368] {strides = array<i32>} : memref<1040xi32, #tpu.memory_space<vmem>>, vector<16xi32>,
        tpu.vector_store %arg18[%swap3A_368], %broadcast_in_dim3A_1 {strides = array<i32>} : memref<1040xi32, #tpu.memory_space<vmem>>, vector<16xi32>,
        %slice3A_370 = vector.extract_strided_slice %masked_cumsum3A_327 {offsets = [15], sizes = [1], strides = [1]} : vector<16xi32> to vector<1xi32>
        %squeeze3A_371 = vector.extract %slice3A_370[0] : i32 from vector<1xi32>
        %add3A_372 = arith.addi %scan3A_299, %squeeze3A_371 : i32
        %scan3A_373 = arith.constant 1 : i32
        %scan3A_374 = arith.addi %scan3A_298, %scan3A_373 : i32
        %mul3A_375 = arith.constant 16 : i32
        %mul3A_376 = arith.muli %scan3A_374, %mul3A_375 : i32
        %get3A_377 = arith.index_cast %mul3A_376 : i32 to index
        %get3A_378 = tpu.vector_load %arg11[%get3A_377] {strides = array<i32>} : memref<1040xi32, #tpu.memory_space<vmem>>, vector<16xi32>,
        %get3A_379 = arith.index_cast %mul3A_376 : i32 to index
        %get3A_380 = tpu.vector_load %arg12[%get3A_379] {strides = array<i32>} : memref<1040xi32, #tpu.memory_space<vmem>>, vector<16xi32>,
        %get3A_381 = arith.index_cast %mul3A_376 : i32 to index
        %get3A_382 = tpu.vector_load %arg13[%get3A_381] {strides = array<i32>} : memref<1040xi32, #tpu.memory_space<vmem>>, vector<16xi32>,
        %get3A_383 = arith.index_cast %mul3A_376 : i32 to index
        %get3A_384 = tpu.vector_load %arg14[%get3A_383] {strides = array<i32>} : memref<1040xi32, #tpu.memory_space<vmem>>, vector<16xi32>,
        %get3A_385 = arith.index_cast %mul3A_376 : i32 to index
        %get3A_386 = tpu.vector_load %arg15[%get3A_385] {strides = array<i32>} : memref<1040xi32, #tpu.memory_space<vmem>>, vector<16xi32>,
        %get3A_387 = arith.index_cast %mul3A_376 : i32 to index
        %get3A_388 = tpu.vector_load %arg16[%get3A_387] {strides = array<i32>} : memref<1040xi32, #tpu.memory_space<vmem>>, vector<16xi32>,
        %get3A_389 = arith.index_cast %mul3A_376 : i32 to index
        %get3A_390 = tpu.vector_load %arg17[%get3A_389] {strides = array<i32>} : memref<1040xi32, #tpu.memory_space<vmem>>, vector<16xi32>,
        %get3A_391 = arith.index_cast %mul3A_376 : i32 to index
        %get3A_392 = tpu.vector_load %arg18[%get3A_391] {strides = array<i32>} : memref<1040xi32, #tpu.memory_space<vmem>>, vector<16xi32>,
        %add3A_393 = arith.addi %get3A_378, %get3A_380 : vector<16xi32>
        %add3A_394 = arith.addi %get3A_382, %get3A_384 : vector<16xi32>
        %add3A_395 = arith.addi %get3A_386, %get3A_388 : vector<16xi32>
        %add3A_396 = arith.addi %get3A_390, %get3A_392 : vector<16xi32>
        %add3A_397 = arith.addi %add3A_393, %add3A_394 : vector<16xi32>
        %add3A_398 = arith.addi %add3A_395, %add3A_396 : vector<16xi32>
        %add3A_399 = arith.addi %add3A_397, %add3A_398 : vector<16xi32>
        %broadcast_in_dim3A_400 = arith.constant true
        %broadcast_in_dim3A_401 = vector.broadcast %broadcast_in_dim3A_400 : i1 to vector<16xi1>
        %masked_cumsum3A_402 = tpu.scan <sum>, %add3A_399 masked %broadcast_in_dim3A_401 : vector<16xi32>, vector<16xi1> -> vector<16xi32>
        %sub3A_403 = arith.subi %masked_cumsum3A_402, %add3A_399 : vector<16xi32>
        %add3A_404 = vector.broadcast %add3A_372 : i32 to vector<16xi32>
        %add3A_405 = arith.addi %sub3A_403, %add3A_404 : vector<16xi32>
        %swap3A_406 = arith.index_cast %mul3A_376 : i32 to index
        %swap3A_407 = tpu.vector_load %arg19[%swap3A_406] {strides = array<i32>} : memref<1040xi32, #tpu.memory_space<vmem>>, vector<16xi32>,
        tpu.vector_store %arg19[%swap3A_406], %add3A_405 {strides = array<i32>} : memref<1040xi32, #tpu.memory_space<vmem>>, vector<16xi32>,
        %add3A_408 = arith.addi %add3A_405, %get3A_378 : vector<16xi32>
        %swap3A_409 = arith.index_cast %mul3A_376 : i32 to index
        %swap3A_410 = tpu.vector_load %arg20[%swap3A_409] {strides = array<i32>} : memref<1040xi32, #tpu.memory_space<vmem>>, vector<16xi32>,
        tpu.vector_store %arg20[%swap3A_409], %add3A_408 {strides = array<i32>} : memref<1040xi32, #tpu.memory_space<vmem>>, vector<16xi32>,
        %add3A_411 = arith.addi %add3A_408, %get3A_380 : vector<16xi32>
        %swap3A_412 = arith.index_cast %mul3A_376 : i32 to index
        %swap3A_413 = tpu.vector_load %arg21[%swap3A_412] {strides = array<i32>} : memref<1040xi32, #tpu.memory_space<vmem>>, vector<16xi32>,
        tpu.vector_store %arg21[%swap3A_412], %add3A_411 {strides = array<i32>} : memref<1040xi32, #tpu.memory_space<vmem>>, vector<16xi32>,
        %add3A_414 = arith.addi %add3A_411, %get3A_382 : vector<16xi32>
        %swap3A_415 = arith.index_cast %mul3A_376 : i32 to index
        %swap3A_416 = tpu.vector_load %arg22[%swap3A_415] {strides = array<i32>} : memref<1040xi32, #tpu.memory_space<vmem>>, vector<16xi32>,
        tpu.vector_store %arg22[%swap3A_415], %add3A_414 {strides = array<i32>} : memref<1040xi32, #tpu.memory_space<vmem>>, vector<16xi32>,
        %add3A_417 = arith.addi %add3A_414, %get3A_384 : vector<16xi32>
        %swap3A_418 = arith.index_cast %mul3A_376 : i32 to index
        %swap3A_419 = tpu.vector_load %arg23[%swap3A_418] {strides = array<i32>} : memref<1040xi32, #tpu.memory_space<vmem>>, vector<16xi32>,
        tpu.vector_store %arg23[%swap3A_418], %add3A_417 {strides = array<i32>} : memref<1040xi32, #tpu.memory_space<vmem>>, vector<16xi32>,
        %add3A_420 = arith.addi %add3A_417, %get3A_386 : vector<16xi32>
        %swap3A_421 = arith.index_cast %mul3A_376 : i32 to index
        %swap3A_422 = tpu.vector_load %arg24[%swap3A_421] {strides = array<i32>} : memref<1040xi32, #tpu.memory_space<vmem>>, vector<16xi32>,
        tpu.vector_store %arg24[%swap3A_421], %add3A_420 {strides = array<i32>} : memref<1040xi32, #tpu.memory_space<vmem>>, vector<16xi32>,
        %add3A_423 = arith.addi %add3A_420, %get3A_388 : vector<16xi32>
        %swap3A_424 = arith.index_cast %mul3A_376 : i32 to index
        %swap3A_425 = tpu.vector_load %arg25[%swap3A_424] {strides = array<i32>} : memref<1040xi32, #tpu.memory_space<vmem>>, vector<16xi32>,
        tpu.vector_store %arg25[%swap3A_424], %add3A_423 {strides = array<i32>} : memref<1040xi32, #tpu.memory_space<vmem>>, vector<16xi32>,
        %add3A_426 = arith.addi %add3A_423, %get3A_390 : vector<16xi32>
        %swap3A_427 = arith.index_cast %mul3A_376 : i32 to index
        %swap3A_428 = tpu.vector_load %arg26[%swap3A_427] {strides = array<i32>} : memref<1040xi32, #tpu.memory_space<vmem>>, vector<16xi32>,
        tpu.vector_store %arg26[%swap3A_427], %add3A_426 {strides = array<i32>} : memref<1040xi32, #tpu.memory_space<vmem>>, vector<16xi32>,
        %swap3A_429 = arith.index_cast %mul3A_376 : i32 to index
        %swap3A_430 = tpu.vector_load %arg11[%swap3A_429] {strides = array<i32>} : memref<1040xi32, #tpu.memory_space<vmem>>, vector<16xi32>,
        tpu.vector_store %arg11[%swap3A_429], %broadcast_in_dim3A_1 {strides = array<i32>} : memref<1040xi32, #tpu.memory_space<vmem>>, vector<16xi32>,
        %swap3A_431 = arith.index_cast %mul3A_376 : i32 to index
        %swap3A_432 = tpu.vector_load %arg12[%swap3A_431] {strides = array<i32>} : memref<1040xi32, #tpu.memory_space<vmem>>, vector<16xi32>,
        tpu.vector_store %arg12[%swap3A_431], %broadcast_in_dim3A_1 {strides = array<i32>} : memref<1040xi32, #tpu.memory_space<vmem>>, vector<16xi32>,
        %swap3A_433 = arith.index_cast %mul3A_376 : i32 to index
        %swap3A_434 = tpu.vector_load %arg13[%swap3A_433] {strides = array<i32>} : memref<1040xi32, #tpu.memory_space<vmem>>, vector<16xi32>,
        tpu.vector_store %arg13[%swap3A_433], %broadcast_in_dim3A_1 {strides = array<i32>} : memref<1040xi32, #tpu.memory_space<vmem>>, vector<16xi32>,
        %swap3A_435 = arith.index_cast %mul3A_376 : i32 to index
        %swap3A_436 = tpu.vector_load %arg14[%swap3A_435] {strides = array<i32>} : memref<1040xi32, #tpu.memory_space<vmem>>, vector<16xi32>,
        tpu.vector_store %arg14[%swap3A_435], %broadcast_in_dim3A_1 {strides = array<i32>} : memref<1040xi32, #tpu.memory_space<vmem>>, vector<16xi32>,
        %swap3A_437 = arith.index_cast %mul3A_376 : i32 to index
        %swap3A_438 = tpu.vector_load %arg15[%swap3A_437] {strides = array<i32>} : memref<1040xi32, #tpu.memory_space<vmem>>, vector<16xi32>,
        tpu.vector_store %arg15[%swap3A_437], %broadcast_in_dim3A_1 {strides = array<i32>} : memref<1040xi32, #tpu.memory_space<vmem>>, vector<16xi32>,
        %swap3A_439 = arith.index_cast %mul3A_376 : i32 to index
        %swap3A_440 = tpu.vector_load %arg16[%swap3A_439] {strides = array<i32>} : memref<1040xi32, #tpu.memory_space<vmem>>, vector<16xi32>,
        tpu.vector_store %arg16[%swap3A_439], %broadcast_in_dim3A_1 {strides = array<i32>} : memref<1040xi32, #tpu.memory_space<vmem>>, vector<16xi32>,
        %swap3A_441 = arith.index_cast %mul3A_376 : i32 to index
        %swap3A_442 = tpu.vector_load %arg17[%swap3A_441] {strides = array<i32>} : memref<1040xi32, #tpu.memory_space<vmem>>, vector<16xi32>,
        tpu.vector_store %arg17[%swap3A_441], %broadcast_in_dim3A_1 {strides = array<i32>} : memref<1040xi32, #tpu.memory_space<vmem>>, vector<16xi32>,
        %swap3A_443 = arith.index_cast %mul3A_376 : i32 to index
        %swap3A_444 = tpu.vector_load %arg18[%swap3A_443] {strides = array<i32>} : memref<1040xi32, #tpu.memory_space<vmem>>, vector<16xi32>,
        tpu.vector_store %arg18[%swap3A_443], %broadcast_in_dim3A_1 {strides = array<i32>} : memref<1040xi32, #tpu.memory_space<vmem>>, vector<16xi32>,
        %slice3A_445 = vector.extract_strided_slice %masked_cumsum3A_402 {offsets = [15], sizes = [1], strides = [1]} : vector<16xi32> to vector<1xi32>
        %squeeze3A_446 = vector.extract %slice3A_445[0] : i32 from vector<1xi32>
        %add3A_447 = arith.addi %add3A_372, %squeeze3A_446 : i32
        %scan3A_448 = arith.constant 2 : i32
        %scan3A_449 = arith.addi %scan3A_298, %scan3A_448 : i32
        %mul3A_450 = arith.constant 16 : i32
        %mul3A_451 = arith.muli %scan3A_449, %mul3A_450 : i32
        %get3A_452 = arith.index_cast %mul3A_451 : i32 to index
        %get3A_453 = tpu.vector_load %arg11[%get3A_452] {strides = array<i32>} : memref<1040xi32, #tpu.memory_space<vmem>>, vector<16xi32>,
        %get3A_454 = arith.index_cast %mul3A_451 : i32 to index
        %get3A_455 = tpu.vector_load %arg12[%get3A_454] {strides = array<i32>} : memref<1040xi32, #tpu.memory_space<vmem>>, vector<16xi32>,
        %get3A_456 = arith.index_cast %mul3A_451 : i32 to index
        %get3A_457 = tpu.vector_load %arg13[%get3A_456] {strides = array<i32>} : memref<1040xi32, #tpu.memory_space<vmem>>, vector<16xi32>,
        %get3A_458 = arith.index_cast %mul3A_451 : i32 to index
        %get3A_459 = tpu.vector_load %arg14[%get3A_458] {strides = array<i32>} : memref<1040xi32, #tpu.memory_space<vmem>>, vector<16xi32>,
        %get3A_460 = arith.index_cast %mul3A_451 : i32 to index
        %get3A_461 = tpu.vector_load %arg15[%get3A_460] {strides = array<i32>} : memref<1040xi32, #tpu.memory_space<vmem>>, vector<16xi32>,
        %get3A_462 = arith.index_cast %mul3A_451 : i32 to index
        %get3A_463 = tpu.vector_load %arg16[%get3A_462] {strides = array<i32>} : memref<1040xi32, #tpu.memory_space<vmem>>, vector<16xi32>,
        %get3A_464 = arith.index_cast %mul3A_451 : i32 to index
        %get3A_465 = tpu.vector_load %arg17[%get3A_464] {strides = array<i32>} : memref<1040xi32, #tpu.memory_space<vmem>>, vector<16xi32>,
        %get3A_466 = arith.index_cast %mul3A_451 : i32 to index
        %get3A_467 = tpu.vector_load %arg18[%get3A_466] {strides = array<i32>} : memref<1040xi32, #tpu.memory_space<vmem>>, vector<16xi32>,
        %add3A_468 = arith.addi %get3A_453, %get3A_455 : vector<16xi32>
        %add3A_469 = arith.addi %get3A_457, %get3A_459 : vector<16xi32>
        %add3A_470 = arith.addi %get3A_461, %get3A_463 : vector<16xi32>
        %add3A_471 = arith.addi %get3A_465, %get3A_467 : vector<16xi32>
        %add3A_472 = arith.addi %add3A_468, %add3A_469 : vector<16xi32>
        %add3A_473 = arith.addi %add3A_470, %add3A_471 : vector<16xi32>
        %add3A_474 = arith.addi %add3A_472, %add3A_473 : vector<16xi32>
        %broadcast_in_dim3A_475 = arith.constant true
        %broadcast_in_dim3A_476 = vector.broadcast %broadcast_in_dim3A_475 : i1 to vector<16xi1>
        %masked_cumsum3A_477 = tpu.scan <sum>, %add3A_474 masked %broadcast_in_dim3A_476 : vector<16xi32>, vector<16xi1> -> vector<16xi32>
        %sub3A_478 = arith.subi %masked_cumsum3A_477, %add3A_474 : vector<16xi32>
        %add3A_479 = vector.broadcast %add3A_447 : i32 to vector<16xi32>
        %add3A_480 = arith.addi %sub3A_478, %add3A_479 : vector<16xi32>
        %swap3A_481 = arith.index_cast %mul3A_451 : i32 to index
        %swap3A_482 = tpu.vector_load %arg19[%swap3A_481] {strides = array<i32>} : memref<1040xi32, #tpu.memory_space<vmem>>, vector<16xi32>,
        tpu.vector_store %arg19[%swap3A_481], %add3A_480 {strides = array<i32>} : memref<1040xi32, #tpu.memory_space<vmem>>, vector<16xi32>,
        %add3A_483 = arith.addi %add3A_480, %get3A_453 : vector<16xi32>
        %swap3A_484 = arith.index_cast %mul3A_451 : i32 to index
        %swap3A_485 = tpu.vector_load %arg20[%swap3A_484] {strides = array<i32>} : memref<1040xi32, #tpu.memory_space<vmem>>, vector<16xi32>,
        tpu.vector_store %arg20[%swap3A_484], %add3A_483 {strides = array<i32>} : memref<1040xi32, #tpu.memory_space<vmem>>, vector<16xi32>,
        %add3A_486 = arith.addi %add3A_483, %get3A_455 : vector<16xi32>
        %swap3A_487 = arith.index_cast %mul3A_451 : i32 to index
        %swap3A_488 = tpu.vector_load %arg21[%swap3A_487] {strides = array<i32>} : memref<1040xi32, #tpu.memory_space<vmem>>, vector<16xi32>,
        tpu.vector_store %arg21[%swap3A_487], %add3A_486 {strides = array<i32>} : memref<1040xi32, #tpu.memory_space<vmem>>, vector<16xi32>,
        %add3A_489 = arith.addi %add3A_486, %get3A_457 : vector<16xi32>
        %swap3A_490 = arith.index_cast %mul3A_451 : i32 to index
        %swap3A_491 = tpu.vector_load %arg22[%swap3A_490] {strides = array<i32>} : memref<1040xi32, #tpu.memory_space<vmem>>, vector<16xi32>,
        tpu.vector_store %arg22[%swap3A_490], %add3A_489 {strides = array<i32>} : memref<1040xi32, #tpu.memory_space<vmem>>, vector<16xi32>,
        %add3A_492 = arith.addi %add3A_489, %get3A_459 : vector<16xi32>
        %swap3A_493 = arith.index_cast %mul3A_451 : i32 to index
        %swap3A_494 = tpu.vector_load %arg23[%swap3A_493] {strides = array<i32>} : memref<1040xi32, #tpu.memory_space<vmem>>, vector<16xi32>,
        tpu.vector_store %arg23[%swap3A_493], %add3A_492 {strides = array<i32>} : memref<1040xi32, #tpu.memory_space<vmem>>, vector<16xi32>,
        %add3A_495 = arith.addi %add3A_492, %get3A_461 : vector<16xi32>
        %swap3A_496 = arith.index_cast %mul3A_451 : i32 to index
        %swap3A_497 = tpu.vector_load %arg24[%swap3A_496] {strides = array<i32>} : memref<1040xi32, #tpu.memory_space<vmem>>, vector<16xi32>,
        tpu.vector_store %arg24[%swap3A_496], %add3A_495 {strides = array<i32>} : memref<1040xi32, #tpu.memory_space<vmem>>, vector<16xi32>,
        %add3A_498 = arith.addi %add3A_495, %get3A_463 : vector<16xi32>
        %swap3A_499 = arith.index_cast %mul3A_451 : i32 to index
        %swap3A_500 = tpu.vector_load %arg25[%swap3A_499] {strides = array<i32>} : memref<1040xi32, #tpu.memory_space<vmem>>, vector<16xi32>,
        tpu.vector_store %arg25[%swap3A_499], %add3A_498 {strides = array<i32>} : memref<1040xi32, #tpu.memory_space<vmem>>, vector<16xi32>,
        %add3A_501 = arith.addi %add3A_498, %get3A_465 : vector<16xi32>
        %swap3A_502 = arith.index_cast %mul3A_451 : i32 to index
        %swap3A_503 = tpu.vector_load %arg26[%swap3A_502] {strides = array<i32>} : memref<1040xi32, #tpu.memory_space<vmem>>, vector<16xi32>,
        tpu.vector_store %arg26[%swap3A_502], %add3A_501 {strides = array<i32>} : memref<1040xi32, #tpu.memory_space<vmem>>, vector<16xi32>,
        %swap3A_504 = arith.index_cast %mul3A_451 : i32 to index
        %swap3A_505 = tpu.vector_load %arg11[%swap3A_504] {strides = array<i32>} : memref<1040xi32, #tpu.memory_space<vmem>>, vector<16xi32>,
        tpu.vector_store %arg11[%swap3A_504], %broadcast_in_dim3A_1 {strides = array<i32>} : memref<1040xi32, #tpu.memory_space<vmem>>, vector<16xi32>,
        %swap3A_506 = arith.index_cast %mul3A_451 : i32 to index
        %swap3A_507 = tpu.vector_load %arg12[%swap3A_506] {strides = array<i32>} : memref<1040xi32, #tpu.memory_space<vmem>>, vector<16xi32>,
        tpu.vector_store %arg12[%swap3A_506], %broadcast_in_dim3A_1 {strides = array<i32>} : memref<1040xi32, #tpu.memory_space<vmem>>, vector<16xi32>,
        %swap3A_508 = arith.index_cast %mul3A_451 : i32 to index
        %swap3A_509 = tpu.vector_load %arg13[%swap3A_508] {strides = array<i32>} : memref<1040xi32, #tpu.memory_space<vmem>>, vector<16xi32>,
        tpu.vector_store %arg13[%swap3A_508], %broadcast_in_dim3A_1 {strides = array<i32>} : memref<1040xi32, #tpu.memory_space<vmem>>, vector<16xi32>,
        %swap3A_510 = arith.index_cast %mul3A_451 : i32 to index
        %swap3A_511 = tpu.vector_load %arg14[%swap3A_510] {strides = array<i32>} : memref<1040xi32, #tpu.memory_space<vmem>>, vector<16xi32>,
        tpu.vector_store %arg14[%swap3A_510], %broadcast_in_dim3A_1 {strides = array<i32>} : memref<1040xi32, #tpu.memory_space<vmem>>, vector<16xi32>,
        %swap3A_512 = arith.index_cast %mul3A_451 : i32 to index
        %swap3A_513 = tpu.vector_load %arg15[%swap3A_512] {strides = array<i32>} : memref<1040xi32, #tpu.memory_space<vmem>>, vector<16xi32>,
        tpu.vector_store %arg15[%swap3A_512], %broadcast_in_dim3A_1 {strides = array<i32>} : memref<1040xi32, #tpu.memory_space<vmem>>, vector<16xi32>,
        %swap3A_514 = arith.index_cast %mul3A_451 : i32 to index
        %swap3A_515 = tpu.vector_load %arg16[%swap3A_514] {strides = array<i32>} : memref<1040xi32, #tpu.memory_space<vmem>>, vector<16xi32>,
        tpu.vector_store %arg16[%swap3A_514], %broadcast_in_dim3A_1 {strides = array<i32>} : memref<1040xi32, #tpu.memory_space<vmem>>, vector<16xi32>,
        %swap3A_516 = arith.index_cast %mul3A_451 : i32 to index
        %swap3A_517 = tpu.vector_load %arg17[%swap3A_516] {strides = array<i32>} : memref<1040xi32, #tpu.memory_space<vmem>>, vector<16xi32>,
        tpu.vector_store %arg17[%swap3A_516], %broadcast_in_dim3A_1 {strides = array<i32>} : memref<1040xi32, #tpu.memory_space<vmem>>, vector<16xi32>,
        %swap3A_518 = arith.index_cast %mul3A_451 : i32 to index
        %swap3A_519 = tpu.vector_load %arg18[%swap3A_518] {strides = array<i32>} : memref<1040xi32, #tpu.memory_space<vmem>>, vector<16xi32>,
        tpu.vector_store %arg18[%swap3A_518], %broadcast_in_dim3A_1 {strides = array<i32>} : memref<1040xi32, #tpu.memory_space<vmem>>, vector<16xi32>,
        %slice3A_520 = vector.extract_strided_slice %masked_cumsum3A_477 {offsets = [15], sizes = [1], strides = [1]} : vector<16xi32> to vector<1xi32>
        %squeeze3A_521 = vector.extract %slice3A_520[0] : i32 from vector<1xi32>
        %add3A_522 = arith.addi %add3A_447, %squeeze3A_521 : i32
        %scan3A_523 = arith.constant 3 : i32
        %scan3A_524 = arith.addi %scan3A_298, %scan3A_523 : i32
        %mul3A_525 = arith.constant 16 : i32
        %mul3A_526 = arith.muli %scan3A_524, %mul3A_525 : i32
        %get3A_527 = arith.index_cast %mul3A_526 : i32 to index
        %get3A_528 = tpu.vector_load %arg11[%get3A_527] {strides = array<i32>} : memref<1040xi32, #tpu.memory_space<vmem>>, vector<16xi32>,
        %get3A_529 = arith.index_cast %mul3A_526 : i32 to index
        %get3A_530 = tpu.vector_load %arg12[%get3A_529] {strides = array<i32>} : memref<1040xi32, #tpu.memory_space<vmem>>, vector<16xi32>,
        %get3A_531 = arith.index_cast %mul3A_526 : i32 to index
        %get3A_532 = tpu.vector_load %arg13[%get3A_531] {strides = array<i32>} : memref<1040xi32, #tpu.memory_space<vmem>>, vector<16xi32>,
        %get3A_533 = arith.index_cast %mul3A_526 : i32 to index
        %get3A_534 = tpu.vector_load %arg14[%get3A_533] {strides = array<i32>} : memref<1040xi32, #tpu.memory_space<vmem>>, vector<16xi32>,
        %get3A_535 = arith.index_cast %mul3A_526 : i32 to index
        %get3A_536 = tpu.vector_load %arg15[%get3A_535] {strides = array<i32>} : memref<1040xi32, #tpu.memory_space<vmem>>, vector<16xi32>,
        %get3A_537 = arith.index_cast %mul3A_526 : i32 to index
        %get3A_538 = tpu.vector_load %arg16[%get3A_537] {strides = array<i32>} : memref<1040xi32, #tpu.memory_space<vmem>>, vector<16xi32>,
        %get3A_539 = arith.index_cast %mul3A_526 : i32 to index
        %get3A_540 = tpu.vector_load %arg17[%get3A_539] {strides = array<i32>} : memref<1040xi32, #tpu.memory_space<vmem>>, vector<16xi32>,
        %get3A_541 = arith.index_cast %mul3A_526 : i32 to index
        %get3A_542 = tpu.vector_load %arg18[%get3A_541] {strides = array<i32>} : memref<1040xi32, #tpu.memory_space<vmem>>, vector<16xi32>,
        %add3A_543 = arith.addi %get3A_528, %get3A_530 : vector<16xi32>
        %add3A_544 = arith.addi %get3A_532, %get3A_534 : vector<16xi32>
        %add3A_545 = arith.addi %get3A_536, %get3A_538 : vector<16xi32>
        %add3A_546 = arith.addi %get3A_540, %get3A_542 : vector<16xi32>
        %add3A_547 = arith.addi %add3A_543, %add3A_544 : vector<16xi32>
        %add3A_548 = arith.addi %add3A_545, %add3A_546 : vector<16xi32>
        %add3A_549 = arith.addi %add3A_547, %add3A_548 : vector<16xi32>
        %broadcast_in_dim3A_550 = arith.constant true
        %broadcast_in_dim3A_551 = vector.broadcast %broadcast_in_dim3A_550 : i1 to vector<16xi1>
        %masked_cumsum3A_552 = tpu.scan <sum>, %add3A_549 masked %broadcast_in_dim3A_551 : vector<16xi32>, vector<16xi1> -> vector<16xi32>
        %sub3A_553 = arith.subi %masked_cumsum3A_552, %add3A_549 : vector<16xi32>
        %add3A_554 = vector.broadcast %add3A_522 : i32 to vector<16xi32>
        %add3A_555 = arith.addi %sub3A_553, %add3A_554 : vector<16xi32>
        %swap3A_556 = arith.index_cast %mul3A_526 : i32 to index
        %swap3A_557 = tpu.vector_load %arg19[%swap3A_556] {strides = array<i32>} : memref<1040xi32, #tpu.memory_space<vmem>>, vector<16xi32>,
        tpu.vector_store %arg19[%swap3A_556], %add3A_555 {strides = array<i32>} : memref<1040xi32, #tpu.memory_space<vmem>>, vector<16xi32>,
        %add3A_558 = arith.addi %add3A_555, %get3A_528 : vector<16xi32>
        %swap3A_559 = arith.index_cast %mul3A_526 : i32 to index
        %swap3A_560 = tpu.vector_load %arg20[%swap3A_559] {strides = array<i32>} : memref<1040xi32, #tpu.memory_space<vmem>>, vector<16xi32>,
        tpu.vector_store %arg20[%swap3A_559], %add3A_558 {strides = array<i32>} : memref<1040xi32, #tpu.memory_space<vmem>>, vector<16xi32>,
        %add3A_561 = arith.addi %add3A_558, %get3A_530 : vector<16xi32>
        %swap3A_562 = arith.index_cast %mul3A_526 : i32 to index
        %swap3A_563 = tpu.vector_load %arg21[%swap3A_562] {strides = array<i32>} : memref<1040xi32, #tpu.memory_space<vmem>>, vector<16xi32>,
        tpu.vector_store %arg21[%swap3A_562], %add3A_561 {strides = array<i32>} : memref<1040xi32, #tpu.memory_space<vmem>>, vector<16xi32>,
        %add3A_564 = arith.addi %add3A_561, %get3A_532 : vector<16xi32>
        %swap3A_565 = arith.index_cast %mul3A_526 : i32 to index
        %swap3A_566 = tpu.vector_load %arg22[%swap3A_565] {strides = array<i32>} : memref<1040xi32, #tpu.memory_space<vmem>>, vector<16xi32>,
        tpu.vector_store %arg22[%swap3A_565], %add3A_564 {strides = array<i32>} : memref<1040xi32, #tpu.memory_space<vmem>>, vector<16xi32>,
        %add3A_567 = arith.addi %add3A_564, %get3A_534 : vector<16xi32>
        %swap3A_568 = arith.index_cast %mul3A_526 : i32 to index
        %swap3A_569 = tpu.vector_load %arg23[%swap3A_568] {strides = array<i32>} : memref<1040xi32, #tpu.memory_space<vmem>>, vector<16xi32>,
        tpu.vector_store %arg23[%swap3A_568], %add3A_567 {strides = array<i32>} : memref<1040xi32, #tpu.memory_space<vmem>>, vector<16xi32>,
        %add3A_570 = arith.addi %add3A_567, %get3A_536 : vector<16xi32>
        %swap3A_571 = arith.index_cast %mul3A_526 : i32 to index
        %swap3A_572 = tpu.vector_load %arg24[%swap3A_571] {strides = array<i32>} : memref<1040xi32, #tpu.memory_space<vmem>>, vector<16xi32>,
        tpu.vector_store %arg24[%swap3A_571], %add3A_570 {strides = array<i32>} : memref<1040xi32, #tpu.memory_space<vmem>>, vector<16xi32>,
        %add3A_573 = arith.addi %add3A_570, %get3A_538 : vector<16xi32>
        %swap3A_574 = arith.index_cast %mul3A_526 : i32 to index
        %swap3A_575 = tpu.vector_load %arg25[%swap3A_574] {strides = array<i32>} : memref<1040xi32, #tpu.memory_space<vmem>>, vector<16xi32>,
        tpu.vector_store %arg25[%swap3A_574], %add3A_573 {strides = array<i32>} : memref<1040xi32, #tpu.memory_space<vmem>>, vector<16xi32>,
        %add3A_576 = arith.addi %add3A_573, %get3A_540 : vector<16xi32>
        %swap3A_577 = arith.index_cast %mul3A_526 : i32 to index
        %swap3A_578 = tpu.vector_load %arg26[%swap3A_577] {strides = array<i32>} : memref<1040xi32, #tpu.memory_space<vmem>>, vector<16xi32>,
        tpu.vector_store %arg26[%swap3A_577], %add3A_576 {strides = array<i32>} : memref<1040xi32, #tpu.memory_space<vmem>>, vector<16xi32>,
        %swap3A_579 = arith.index_cast %mul3A_526 : i32 to index
        %swap3A_580 = tpu.vector_load %arg11[%swap3A_579] {strides = array<i32>} : memref<1040xi32, #tpu.memory_space<vmem>>, vector<16xi32>,
        tpu.vector_store %arg11[%swap3A_579], %broadcast_in_dim3A_1 {strides = array<i32>} : memref<1040xi32, #tpu.memory_space<vmem>>, vector<16xi32>,
        %swap3A_581 = arith.index_cast %mul3A_526 : i32 to index
        %swap3A_582 = tpu.vector_load %arg12[%swap3A_581] {strides = array<i32>} : memref<1040xi32, #tpu.memory_space<vmem>>, vector<16xi32>,
        tpu.vector_store %arg12[%swap3A_581], %broadcast_in_dim3A_1 {strides = array<i32>} : memref<1040xi32, #tpu.memory_space<vmem>>, vector<16xi32>,
        %swap3A_583 = arith.index_cast %mul3A_526 : i32 to index
        %swap3A_584 = tpu.vector_load %arg13[%swap3A_583] {strides = array<i32>} : memref<1040xi32, #tpu.memory_space<vmem>>, vector<16xi32>,
        tpu.vector_store %arg13[%swap3A_583], %broadcast_in_dim3A_1 {strides = array<i32>} : memref<1040xi32, #tpu.memory_space<vmem>>, vector<16xi32>,
        %swap3A_585 = arith.index_cast %mul3A_526 : i32 to index
        %swap3A_586 = tpu.vector_load %arg14[%swap3A_585] {strides = array<i32>} : memref<1040xi32, #tpu.memory_space<vmem>>, vector<16xi32>,
        tpu.vector_store %arg14[%swap3A_585], %broadcast_in_dim3A_1 {strides = array<i32>} : memref<1040xi32, #tpu.memory_space<vmem>>, vector<16xi32>,
        %swap3A_587 = arith.index_cast %mul3A_526 : i32 to index
        %swap3A_588 = tpu.vector_load %arg15[%swap3A_587] {strides = array<i32>} : memref<1040xi32, #tpu.memory_space<vmem>>, vector<16xi32>,
        tpu.vector_store %arg15[%swap3A_587], %broadcast_in_dim3A_1 {strides = array<i32>} : memref<1040xi32, #tpu.memory_space<vmem>>, vector<16xi32>,
        %swap3A_589 = arith.index_cast %mul3A_526 : i32 to index
        %swap3A_590 = tpu.vector_load %arg16[%swap3A_589] {strides = array<i32>} : memref<1040xi32, #tpu.memory_space<vmem>>, vector<16xi32>,
        tpu.vector_store %arg16[%swap3A_589], %broadcast_in_dim3A_1 {strides = array<i32>} : memref<1040xi32, #tpu.memory_space<vmem>>, vector<16xi32>,
        %swap3A_591 = arith.index_cast %mul3A_526 : i32 to index
        %swap3A_592 = tpu.vector_load %arg17[%swap3A_591] {strides = array<i32>} : memref<1040xi32, #tpu.memory_space<vmem>>, vector<16xi32>,
        tpu.vector_store %arg17[%swap3A_591], %broadcast_in_dim3A_1 {strides = array<i32>} : memref<1040xi32, #tpu.memory_space<vmem>>, vector<16xi32>,
        %swap3A_593 = arith.index_cast %mul3A_526 : i32 to index
        %swap3A_594 = tpu.vector_load %arg18[%swap3A_593] {strides = array<i32>} : memref<1040xi32, #tpu.memory_space<vmem>>, vector<16xi32>,
        tpu.vector_store %arg18[%swap3A_593], %broadcast_in_dim3A_1 {strides = array<i32>} : memref<1040xi32, #tpu.memory_space<vmem>>, vector<16xi32>,
        %slice3A_595 = vector.extract_strided_slice %masked_cumsum3A_552 {offsets = [15], sizes = [1], strides = [1]} : vector<16xi32> to vector<1xi32>
        %squeeze3A_596 = vector.extract %slice3A_595[0] : i32 from vector<1xi32>
        %add3A_597 = arith.addi %add3A_522, %squeeze3A_596 : i32
        scf.yield %add3A_597 : i32
      }
      %scan3A_103 = arith.constant 64 : i32
      %scan3A_104 = arith.addi %scan3A_98, %scan3A_103 : i32
      %mul3A_105 = arith.constant 16 : i32
      %mul3A_106 = arith.muli %scan3A_104, %mul3A_105 : i32
      %get3A = arith.index_cast %mul3A_106 : i32 to index
      %get3A_107 = tpu.vector_load %arg11[%get3A] {strides = array<i32>} : memref<1040xi32, #tpu.memory_space<vmem>>, vector<16xi32>,
      %get3A_108 = arith.index_cast %mul3A_106 : i32 to index
      %get3A_109 = tpu.vector_load %arg12[%get3A_108] {strides = array<i32>} : memref<1040xi32, #tpu.memory_space<vmem>>, vector<16xi32>,
      %get3A_110 = arith.index_cast %mul3A_106 : i32 to index
      %get3A_111 = tpu.vector_load %arg13[%get3A_110] {strides = array<i32>} : memref<1040xi32, #tpu.memory_space<vmem>>, vector<16xi32>,
      %get3A_112 = arith.index_cast %mul3A_106 : i32 to index
      %get3A_113 = tpu.vector_load %arg14[%get3A_112] {strides = array<i32>} : memref<1040xi32, #tpu.memory_space<vmem>>, vector<16xi32>,
      %get3A_114 = arith.index_cast %mul3A_106 : i32 to index
      %get3A_115 = tpu.vector_load %arg15[%get3A_114] {strides = array<i32>} : memref<1040xi32, #tpu.memory_space<vmem>>, vector<16xi32>,
      %get3A_116 = arith.index_cast %mul3A_106 : i32 to index
      %get3A_117 = tpu.vector_load %arg16[%get3A_116] {strides = array<i32>} : memref<1040xi32, #tpu.memory_space<vmem>>, vector<16xi32>,
      %get3A_118 = arith.index_cast %mul3A_106 : i32 to index
      %get3A_119 = tpu.vector_load %arg17[%get3A_118] {strides = array<i32>} : memref<1040xi32, #tpu.memory_space<vmem>>, vector<16xi32>,
      %get3A_120 = arith.index_cast %mul3A_106 : i32 to index
      %get3A_121 = tpu.vector_load %arg18[%get3A_120] {strides = array<i32>} : memref<1040xi32, #tpu.memory_space<vmem>>, vector<16xi32>,
      %add3A_122 = arith.addi %get3A_107, %get3A_109 : vector<16xi32>
      %add3A_123 = arith.addi %get3A_111, %get3A_113 : vector<16xi32>
      %add3A_124 = arith.addi %get3A_115, %get3A_117 : vector<16xi32>
      %add3A_125 = arith.addi %get3A_119, %get3A_121 : vector<16xi32>
      %add3A_126 = arith.addi %add3A_122, %add3A_123 : vector<16xi32>
      %add3A_127 = arith.addi %add3A_124, %add3A_125 : vector<16xi32>
      %add3A_128 = arith.addi %add3A_126, %add3A_127 : vector<16xi32>
      %broadcast_in_dim3A_129 = arith.constant true
      %broadcast_in_dim3A_130 = vector.broadcast %broadcast_in_dim3A_129 : i1 to vector<16xi1>
      %masked_cumsum3A = tpu.scan <sum>, %add3A_128 masked %broadcast_in_dim3A_130 : vector<16xi32>, vector<16xi1> -> vector<16xi32>
      %sub3A = arith.subi %masked_cumsum3A, %add3A_128 : vector<16xi32>
      %add3A_131 = vector.broadcast %scan3A_102 : i32 to vector<16xi32>
      %add3A_132 = arith.addi %sub3A, %add3A_131 : vector<16xi32>
      %swap3A_133 = arith.index_cast %mul3A_106 : i32 to index
      %swap3A_134 = tpu.vector_load %arg19[%swap3A_133] {strides = array<i32>} : memref<1040xi32, #tpu.memory_space<vmem>>, vector<16xi32>,
      tpu.vector_store %arg19[%swap3A_133], %add3A_132 {strides = array<i32>} : memref<1040xi32, #tpu.memory_space<vmem>>, vector<16xi32>,
      %add3A_135 = arith.addi %add3A_132, %get3A_107 : vector<16xi32>
      %swap3A_136 = arith.index_cast %mul3A_106 : i32 to index
      %swap3A_137 = tpu.vector_load %arg20[%swap3A_136] {strides = array<i32>} : memref<1040xi32, #tpu.memory_space<vmem>>, vector<16xi32>,
      tpu.vector_store %arg20[%swap3A_136], %add3A_135 {strides = array<i32>} : memref<1040xi32, #tpu.memory_space<vmem>>, vector<16xi32>,
      %add3A_138 = arith.addi %add3A_135, %get3A_109 : vector<16xi32>
      %swap3A_139 = arith.index_cast %mul3A_106 : i32 to index
      %swap3A_140 = tpu.vector_load %arg21[%swap3A_139] {strides = array<i32>} : memref<1040xi32, #tpu.memory_space<vmem>>, vector<16xi32>,
      tpu.vector_store %arg21[%swap3A_139], %add3A_138 {strides = array<i32>} : memref<1040xi32, #tpu.memory_space<vmem>>, vector<16xi32>,
      %add3A_141 = arith.addi %add3A_138, %get3A_111 : vector<16xi32>
      %swap3A_142 = arith.index_cast %mul3A_106 : i32 to index
      %swap3A_143 = tpu.vector_load %arg22[%swap3A_142] {strides = array<i32>} : memref<1040xi32, #tpu.memory_space<vmem>>, vector<16xi32>,
      tpu.vector_store %arg22[%swap3A_142], %add3A_141 {strides = array<i32>} : memref<1040xi32, #tpu.memory_space<vmem>>, vector<16xi32>,
      %add3A_144 = arith.addi %add3A_141, %get3A_113 : vector<16xi32>
      %swap3A_145 = arith.index_cast %mul3A_106 : i32 to index
      %swap3A_146 = tpu.vector_load %arg23[%swap3A_145] {strides = array<i32>} : memref<1040xi32, #tpu.memory_space<vmem>>, vector<16xi32>,
      tpu.vector_store %arg23[%swap3A_145], %add3A_144 {strides = array<i32>} : memref<1040xi32, #tpu.memory_space<vmem>>, vector<16xi32>,
      %add3A_147 = arith.addi %add3A_144, %get3A_115 : vector<16xi32>
      %swap3A_148 = arith.index_cast %mul3A_106 : i32 to index
      %swap3A_149 = tpu.vector_load %arg24[%swap3A_148] {strides = array<i32>} : memref<1040xi32, #tpu.memory_space<vmem>>, vector<16xi32>,
      tpu.vector_store %arg24[%swap3A_148], %add3A_147 {strides = array<i32>} : memref<1040xi32, #tpu.memory_space<vmem>>, vector<16xi32>,
      %add3A_150 = arith.addi %add3A_147, %get3A_117 : vector<16xi32>
      %swap3A_151 = arith.index_cast %mul3A_106 : i32 to index
      %swap3A_152 = tpu.vector_load %arg25[%swap3A_151] {strides = array<i32>} : memref<1040xi32, #tpu.memory_space<vmem>>, vector<16xi32>,
      tpu.vector_store %arg25[%swap3A_151], %add3A_150 {strides = array<i32>} : memref<1040xi32, #tpu.memory_space<vmem>>, vector<16xi32>,
      %add3A_153 = arith.addi %add3A_150, %get3A_119 : vector<16xi32>
      %swap3A_154 = arith.index_cast %mul3A_106 : i32 to index
      %swap3A_155 = tpu.vector_load %arg26[%swap3A_154] {strides = array<i32>} : memref<1040xi32, #tpu.memory_space<vmem>>, vector<16xi32>,
      tpu.vector_store %arg26[%swap3A_154], %add3A_153 {strides = array<i32>} : memref<1040xi32, #tpu.memory_space<vmem>>, vector<16xi32>,
      %swap3A_156 = arith.index_cast %mul3A_106 : i32 to index
      %swap3A_157 = tpu.vector_load %arg11[%swap3A_156] {strides = array<i32>} : memref<1040xi32, #tpu.memory_space<vmem>>, vector<16xi32>,
      tpu.vector_store %arg11[%swap3A_156], %broadcast_in_dim3A_1 {strides = array<i32>} : memref<1040xi32, #tpu.memory_space<vmem>>, vector<16xi32>,
      %swap3A_158 = arith.index_cast %mul3A_106 : i32 to index
      %swap3A_159 = tpu.vector_load %arg12[%swap3A_158] {strides = array<i32>} : memref<1040xi32, #tpu.memory_space<vmem>>, vector<16xi32>,
      tpu.vector_store %arg12[%swap3A_158], %broadcast_in_dim3A_1 {strides = array<i32>} : memref<1040xi32, #tpu.memory_space<vmem>>, vector<16xi32>,
      %swap3A_160 = arith.index_cast %mul3A_106 : i32 to index
      %swap3A_161 = tpu.vector_load %arg13[%swap3A_160] {strides = array<i32>} : memref<1040xi32, #tpu.memory_space<vmem>>, vector<16xi32>,
      tpu.vector_store %arg13[%swap3A_160], %broadcast_in_dim3A_1 {strides = array<i32>} : memref<1040xi32, #tpu.memory_space<vmem>>, vector<16xi32>,
      %swap3A_162 = arith.index_cast %mul3A_106 : i32 to index
      %swap3A_163 = tpu.vector_load %arg14[%swap3A_162] {strides = array<i32>} : memref<1040xi32, #tpu.memory_space<vmem>>, vector<16xi32>,
      tpu.vector_store %arg14[%swap3A_162], %broadcast_in_dim3A_1 {strides = array<i32>} : memref<1040xi32, #tpu.memory_space<vmem>>, vector<16xi32>,
      %swap3A_164 = arith.index_cast %mul3A_106 : i32 to index
      %swap3A_165 = tpu.vector_load %arg15[%swap3A_164] {strides = array<i32>} : memref<1040xi32, #tpu.memory_space<vmem>>, vector<16xi32>,
      tpu.vector_store %arg15[%swap3A_164], %broadcast_in_dim3A_1 {strides = array<i32>} : memref<1040xi32, #tpu.memory_space<vmem>>, vector<16xi32>,
      %swap3A_166 = arith.index_cast %mul3A_106 : i32 to index
      %swap3A_167 = tpu.vector_load %arg16[%swap3A_166] {strides = array<i32>} : memref<1040xi32, #tpu.memory_space<vmem>>, vector<16xi32>,
      tpu.vector_store %arg16[%swap3A_166], %broadcast_in_dim3A_1 {strides = array<i32>} : memref<1040xi32, #tpu.memory_space<vmem>>, vector<16xi32>,
      %swap3A_168 = arith.index_cast %mul3A_106 : i32 to index
      %swap3A_169 = tpu.vector_load %arg17[%swap3A_168] {strides = array<i32>} : memref<1040xi32, #tpu.memory_space<vmem>>, vector<16xi32>,
      tpu.vector_store %arg17[%swap3A_168], %broadcast_in_dim3A_1 {strides = array<i32>} : memref<1040xi32, #tpu.memory_space<vmem>>, vector<16xi32>,
      %swap3A_170 = arith.index_cast %mul3A_106 : i32 to index
      %swap3A_171 = tpu.vector_load %arg18[%swap3A_170] {strides = array<i32>} : memref<1040xi32, #tpu.memory_space<vmem>>, vector<16xi32>,
      tpu.vector_store %arg18[%swap3A_170], %broadcast_in_dim3A_1 {strides = array<i32>} : memref<1040xi32, #tpu.memory_space<vmem>>, vector<16xi32>,
      %slice3A = vector.extract_strided_slice %masked_cumsum3A {offsets = [15], sizes = [1], strides = [1]} : vector<16xi32> to vector<1xi32>
      %squeeze3A = vector.extract %slice3A[0] : i32 from vector<1xi32>
      %add3A_172 = arith.addi %scan3A_102, %squeeze3A : i32
      %scan3A_173 = arith.constant 65 : i32
      %scan3A_174 = arith.constant 0 : i32
      %scan3A_175 = arith.constant 0 : i32
      %scan3A_176 = arith.constant 64 : i32
      %scan3A_177 = arith.addi %scan3A_175, %scan3A_176 : i32
      %scan3A_178 = arith.constant 2 : i32
      scf.for %scan3A_298 = %scan3A_175 to %scan3A_177 step %scan3A_178  : i32 {
        %mul3A_299 = arith.constant 8 : i32
        %mul3A_300 = arith.muli %scan3A_298, %mul3A_299 : i32
        %add3A_301 = arith.constant 0 : i32
        %add3A_302 = arith.addi %mul3A_300, %add3A_301 : i32
        %mul3A_303 = arith.constant 16 : i32
        %mul3A_304 = arith.muli %add3A_302, %mul3A_303 : i32
        %mul3A_305 = arith.constant 8 : i32
        %mul3A_306 = arith.muli %scan3A_298, %mul3A_305 : i32
        %add3A_307 = arith.constant 1 : i32
        %add3A_308 = arith.addi %mul3A_306, %add3A_307 : i32
        %mul3A_309 = arith.constant 16 : i32
        %mul3A_310 = arith.muli %add3A_308, %mul3A_309 : i32
        %mul3A_311 = arith.constant 8 : i32
        %mul3A_312 = arith.muli %scan3A_298, %mul3A_311 : i32
        %add3A_313 = arith.constant 2 : i32
        %add3A_314 = arith.addi %mul3A_312, %add3A_313 : i32
        %mul3A_315 = arith.constant 16 : i32
        %mul3A_316 = arith.muli %add3A_314, %mul3A_315 : i32
        %mul3A_317 = arith.constant 8 : i32
        %mul3A_318 = arith.muli %scan3A_298, %mul3A_317 : i32
        %add3A_319 = arith.constant 3 : i32
        %add3A_320 = arith.addi %mul3A_318, %add3A_319 : i32
        %mul3A_321 = arith.constant 16 : i32
        %mul3A_322 = arith.muli %add3A_320, %mul3A_321 : i32
        %mul3A_323 = arith.constant 8 : i32
        %mul3A_324 = arith.muli %scan3A_298, %mul3A_323 : i32
        %add3A_325 = arith.constant 4 : i32
        %add3A_326 = arith.addi %mul3A_324, %add3A_325 : i32
        %mul3A_327 = arith.constant 16 : i32
        %mul3A_328 = arith.muli %add3A_326, %mul3A_327 : i32
        %mul3A_329 = arith.constant 8 : i32
        %mul3A_330 = arith.muli %scan3A_298, %mul3A_329 : i32
        %add3A_331 = arith.constant 5 : i32
        %add3A_332 = arith.addi %mul3A_330, %add3A_331 : i32
        %mul3A_333 = arith.constant 16 : i32
        %mul3A_334 = arith.muli %add3A_332, %mul3A_333 : i32
        %mul3A_335 = arith.constant 8 : i32
        %mul3A_336 = arith.muli %scan3A_298, %mul3A_335 : i32
        %add3A_337 = arith.constant 6 : i32
        %add3A_338 = arith.addi %mul3A_336, %add3A_337 : i32
        %mul3A_339 = arith.constant 16 : i32
        %mul3A_340 = arith.muli %add3A_338, %mul3A_339 : i32
        %mul3A_341 = arith.constant 8 : i32
        %mul3A_342 = arith.muli %scan3A_298, %mul3A_341 : i32
        %add3A_343 = arith.constant 7 : i32
        %add3A_344 = arith.addi %mul3A_342, %add3A_343 : i32
        %mul3A_345 = arith.constant 16 : i32
        %mul3A_346 = arith.muli %add3A_344, %mul3A_345 : i32
        %get3A_347 = arith.index_cast %mul3A_304 : i32 to index
        %get3A_348 = tpu.vector_load %arg27[%get3A_347] {strides = array<i32>} : memref<8192xi32, #tpu.memory_space<vmem>>, vector<16xi32>,
        %get3A_349 = arith.index_cast %mul3A_310 : i32 to index
        %get3A_350 = tpu.vector_load %arg27[%get3A_349] {strides = array<i32>} : memref<8192xi32, #tpu.memory_space<vmem>>, vector<16xi32>,
        %get3A_351 = arith.index_cast %mul3A_316 : i32 to index
        %get3A_352 = tpu.vector_load %arg27[%get3A_351] {strides = array<i32>} : memref<8192xi32, #tpu.memory_space<vmem>>, vector<16xi32>,
        %get3A_353 = arith.index_cast %mul3A_322 : i32 to index
        %get3A_354 = tpu.vector_load %arg27[%get3A_353] {strides = array<i32>} : memref<8192xi32, #tpu.memory_space<vmem>>, vector<16xi32>,
        %get3A_355 = arith.index_cast %mul3A_328 : i32 to index
        %get3A_356 = tpu.vector_load %arg27[%get3A_355] {strides = array<i32>} : memref<8192xi32, #tpu.memory_space<vmem>>, vector<16xi32>,
        %get3A_357 = arith.index_cast %mul3A_334 : i32 to index
        %get3A_358 = tpu.vector_load %arg27[%get3A_357] {strides = array<i32>} : memref<8192xi32, #tpu.memory_space<vmem>>, vector<16xi32>,
        %get3A_359 = arith.index_cast %mul3A_340 : i32 to index
        %get3A_360 = tpu.vector_load %arg27[%get3A_359] {strides = array<i32>} : memref<8192xi32, #tpu.memory_space<vmem>>, vector<16xi32>,
        %get3A_361 = arith.index_cast %mul3A_346 : i32 to index
        %get3A_362 = tpu.vector_load %arg27[%get3A_361] {strides = array<i32>} : memref<8192xi32, #tpu.memory_space<vmem>>, vector<16xi32>,
        %get3A_363 = arith.index_cast %mul3A_304 : i32 to index
        %get3A_364 = tpu.vector_load %arg6[%get3A_363] {strides = array<i32>} : memref<8192xf32, #tpu.memory_space<vmem>>, vector<16xf32>,
        %get3A_365 = arith.index_cast %mul3A_310 : i32 to index
        %get3A_366 = tpu.vector_load %arg6[%get3A_365] {strides = array<i32>} : memref<8192xf32, #tpu.memory_space<vmem>>, vector<16xf32>,
        %get3A_367 = arith.index_cast %mul3A_316 : i32 to index
        %get3A_368 = tpu.vector_load %arg6[%get3A_367] {strides = array<i32>} : memref<8192xf32, #tpu.memory_space<vmem>>, vector<16xf32>,
        %get3A_369 = arith.index_cast %mul3A_322 : i32 to index
        %get3A_370 = tpu.vector_load %arg6[%get3A_369] {strides = array<i32>} : memref<8192xf32, #tpu.memory_space<vmem>>, vector<16xf32>,
        %get3A_371 = arith.index_cast %mul3A_328 : i32 to index
        %get3A_372 = tpu.vector_load %arg6[%get3A_371] {strides = array<i32>} : memref<8192xf32, #tpu.memory_space<vmem>>, vector<16xf32>,
        %get3A_373 = arith.index_cast %mul3A_334 : i32 to index
        %get3A_374 = tpu.vector_load %arg6[%get3A_373] {strides = array<i32>} : memref<8192xf32, #tpu.memory_space<vmem>>, vector<16xf32>,
        %get3A_375 = arith.index_cast %mul3A_340 : i32 to index
        %get3A_376 = tpu.vector_load %arg6[%get3A_375] {strides = array<i32>} : memref<8192xf32, #tpu.memory_space<vmem>>, vector<16xf32>,
        %get3A_377 = arith.index_cast %mul3A_346 : i32 to index
        %get3A_378 = tpu.vector_load %arg6[%get3A_377] {strides = array<i32>} : memref<8192xf32, #tpu.memory_space<vmem>>, vector<16xf32>,
        %shift_right_arithmetic3A = arith.constant 13 : i32
        %shift_right_arithmetic3A_379 = vector.broadcast %shift_right_arithmetic3A : i32 to vector<16xi32>
        %shift_right_arithmetic3A_380 = arith.shrsi %get3A_348, %shift_right_arithmetic3A_379 : vector<16xi32>
        %shift_right_arithmetic3A_381 = arith.constant 13 : i32
        %shift_right_arithmetic3A_382 = vector.broadcast %shift_right_arithmetic3A_381 : i32 to vector<16xi32>
        %shift_right_arithmetic3A_383 = arith.shrsi %get3A_350, %shift_right_arithmetic3A_382 : vector<16xi32>
        %shift_right_arithmetic3A_384 = arith.constant 13 : i32
        %shift_right_arithmetic3A_385 = vector.broadcast %shift_right_arithmetic3A_384 : i32 to vector<16xi32>
        %shift_right_arithmetic3A_386 = arith.shrsi %get3A_352, %shift_right_arithmetic3A_385 : vector<16xi32>
        %shift_right_arithmetic3A_387 = arith.constant 13 : i32
        %shift_right_arithmetic3A_388 = vector.broadcast %shift_right_arithmetic3A_387 : i32 to vector<16xi32>
        %shift_right_arithmetic3A_389 = arith.shrsi %get3A_354, %shift_right_arithmetic3A_388 : vector<16xi32>
        %shift_right_arithmetic3A_390 = arith.constant 13 : i32
        %shift_right_arithmetic3A_391 = vector.broadcast %shift_right_arithmetic3A_390 : i32 to vector<16xi32>
        %shift_right_arithmetic3A_392 = arith.shrsi %get3A_356, %shift_right_arithmetic3A_391 : vector<16xi32>
        %shift_right_arithmetic3A_393 = arith.constant 13 : i32
        %shift_right_arithmetic3A_394 = vector.broadcast %shift_right_arithmetic3A_393 : i32 to vector<16xi32>
        %shift_right_arithmetic3A_395 = arith.shrsi %get3A_358, %shift_right_arithmetic3A_394 : vector<16xi32>
        %shift_right_arithmetic3A_396 = arith.constant 13 : i32
        %shift_right_arithmetic3A_397 = vector.broadcast %shift_right_arithmetic3A_396 : i32 to vector<16xi32>
        %shift_right_arithmetic3A_398 = arith.shrsi %get3A_360, %shift_right_arithmetic3A_397 : vector<16xi32>
        %shift_right_arithmetic3A_399 = arith.constant 13 : i32
        %shift_right_arithmetic3A_400 = vector.broadcast %shift_right_arithmetic3A_399 : i32 to vector<16xi32>
        %shift_right_arithmetic3A_401 = arith.shrsi %get3A_362, %shift_right_arithmetic3A_400 : vector<16xi32>
        %and3A = arith.constant 8191 : i32
        %and3A_402 = vector.broadcast %and3A : i32 to vector<16xi32>
        %and3A_403 = arith.andi %get3A_348, %and3A_402 : vector<16xi32>
        %and3A_404 = arith.constant 8191 : i32
        %and3A_405 = vector.broadcast %and3A_404 : i32 to vector<16xi32>
        %and3A_406 = arith.andi %get3A_350, %and3A_405 : vector<16xi32>
        %and3A_407 = arith.constant 8191 : i32
        %and3A_408 = vector.broadcast %and3A_407 : i32 to vector<16xi32>
        %and3A_409 = arith.andi %get3A_352, %and3A_408 : vector<16xi32>
        %and3A_410 = arith.constant 8191 : i32
        %and3A_411 = vector.broadcast %and3A_410 : i32 to vector<16xi32>
        %and3A_412 = arith.andi %get3A_354, %and3A_411 : vector<16xi32>
        %and3A_413 = arith.constant 8191 : i32
        %and3A_414 = vector.broadcast %and3A_413 : i32 to vector<16xi32>
        %and3A_415 = arith.andi %get3A_356, %and3A_414 : vector<16xi32>
        %and3A_416 = arith.constant 8191 : i32
        %and3A_417 = vector.broadcast %and3A_416 : i32 to vector<16xi32>
        %and3A_418 = arith.andi %get3A_358, %and3A_417 : vector<16xi32>
        %and3A_419 = arith.constant 8191 : i32
        %and3A_420 = vector.broadcast %and3A_419 : i32 to vector<16xi32>
        %and3A_421 = arith.andi %get3A_360, %and3A_420 : vector<16xi32>
        %and3A_422 = arith.constant 8191 : i32
        %and3A_423 = vector.broadcast %and3A_422 : i32 to vector<16xi32>
        %and3A_424 = arith.andi %get3A_362, %and3A_423 : vector<16xi32>
        %gather3A = tpu.vector_load_idx %arg19[%shift_right_arithmetic3A_380] : memref<1040xi32, #tpu.memory_space<vmem>>[vector<16xi32>], vector<16xi32>,
        %gather3A_425 = tpu.vector_load_idx %arg20[%shift_right_arithmetic3A_383] : memref<1040xi32, #tpu.memory_space<vmem>>[vector<16xi32>], vector<16xi32>,
        %gather3A_426 = tpu.vector_load_idx %arg21[%shift_right_arithmetic3A_386] : memref<1040xi32, #tpu.memory_space<vmem>>[vector<16xi32>], vector<16xi32>,
        %gather3A_427 = tpu.vector_load_idx %arg22[%shift_right_arithmetic3A_389] : memref<1040xi32, #tpu.memory_space<vmem>>[vector<16xi32>], vector<16xi32>,
        %gather3A_428 = tpu.vector_load_idx %arg23[%shift_right_arithmetic3A_392] : memref<1040xi32, #tpu.memory_space<vmem>>[vector<16xi32>], vector<16xi32>,
        %gather3A_429 = tpu.vector_load_idx %arg24[%shift_right_arithmetic3A_395] : memref<1040xi32, #tpu.memory_space<vmem>>[vector<16xi32>], vector<16xi32>,
        %gather3A_430 = tpu.vector_load_idx %arg25[%shift_right_arithmetic3A_398] : memref<1040xi32, #tpu.memory_space<vmem>>[vector<16xi32>], vector<16xi32>,
        %gather3A_431 = tpu.vector_load_idx %arg26[%shift_right_arithmetic3A_401] : memref<1040xi32, #tpu.memory_space<vmem>>[vector<16xi32>], vector<16xi32>,
        %add3A_432 = arith.addi %gather3A, %and3A_403 : vector<16xi32>
        tpu.vector_store_idx %arg9[%add3A_432], %get3A_364 : memref<8208xf32, #tpu.memory_space<vmem>>[vector<16xi32>], vector<16xf32>,
        %add3A_433 = arith.addi %gather3A_425, %and3A_406 : vector<16xi32>
        tpu.vector_store_idx %arg9[%add3A_433], %get3A_366 : memref<8208xf32, #tpu.memory_space<vmem>>[vector<16xi32>], vector<16xf32>,
        %add3A_434 = arith.addi %gather3A_426, %and3A_409 : vector<16xi32>
        tpu.vector_store_idx %arg9[%add3A_434], %get3A_368 : memref<8208xf32, #tpu.memory_space<vmem>>[vector<16xi32>], vector<16xf32>,
        %add3A_435 = arith.addi %gather3A_427, %and3A_412 : vector<16xi32>
        tpu.vector_store_idx %arg9[%add3A_435], %get3A_370 : memref<8208xf32, #tpu.memory_space<vmem>>[vector<16xi32>], vector<16xf32>,
        %add3A_436 = arith.addi %gather3A_428, %and3A_415 : vector<16xi32>
        tpu.vector_store_idx %arg9[%add3A_436], %get3A_372 : memref<8208xf32, #tpu.memory_space<vmem>>[vector<16xi32>], vector<16xf32>,
        %add3A_437 = arith.addi %gather3A_429, %and3A_418 : vector<16xi32>
        tpu.vector_store_idx %arg9[%add3A_437], %get3A_374 : memref<8208xf32, #tpu.memory_space<vmem>>[vector<16xi32>], vector<16xf32>,
        %add3A_438 = arith.addi %gather3A_430, %and3A_421 : vector<16xi32>
        tpu.vector_store_idx %arg9[%add3A_438], %get3A_376 : memref<8208xf32, #tpu.memory_space<vmem>>[vector<16xi32>], vector<16xf32>,
        %add3A_439 = arith.addi %gather3A_431, %and3A_424 : vector<16xi32>
        tpu.vector_store_idx %arg9[%add3A_439], %get3A_378 : memref<8208xf32, #tpu.memory_space<vmem>>[vector<16xi32>], vector<16xf32>,
        %scan3A_440 = arith.constant 1 : i32
        %scan3A_441 = arith.addi %scan3A_298, %scan3A_440 : i32
        %mul3A_442 = arith.constant 8 : i32
        %mul3A_443 = arith.muli %scan3A_441, %mul3A_442 : i32
        %add3A_444 = arith.constant 0 : i32
        %add3A_445 = arith.addi %mul3A_443, %add3A_444 : i32
        %mul3A_446 = arith.constant 16 : i32
        %mul3A_447 = arith.muli %add3A_445, %mul3A_446 : i32
        %mul3A_448 = arith.constant 8 : i32
        %mul3A_449 = arith.muli %scan3A_441, %mul3A_448 : i32
        %add3A_450 = arith.constant 1 : i32
        %add3A_451 = arith.addi %mul3A_449, %add3A_450 : i32
        %mul3A_452 = arith.constant 16 : i32
        %mul3A_453 = arith.muli %add3A_451, %mul3A_452 : i32
        %mul3A_454 = arith.constant 8 : i32
        %mul3A_455 = arith.muli %scan3A_441, %mul3A_454 : i32
        %add3A_456 = arith.constant 2 : i32
        %add3A_457 = arith.addi %mul3A_455, %add3A_456 : i32
        %mul3A_458 = arith.constant 16 : i32
        %mul3A_459 = arith.muli %add3A_457, %mul3A_458 : i32
        %mul3A_460 = arith.constant 8 : i32
        %mul3A_461 = arith.muli %scan3A_441, %mul3A_460 : i32
        %add3A_462 = arith.constant 3 : i32
        %add3A_463 = arith.addi %mul3A_461, %add3A_462 : i32
        %mul3A_464 = arith.constant 16 : i32
        %mul3A_465 = arith.muli %add3A_463, %mul3A_464 : i32
        %mul3A_466 = arith.constant 8 : i32
        %mul3A_467 = arith.muli %scan3A_441, %mul3A_466 : i32
        %add3A_468 = arith.constant 4 : i32
        %add3A_469 = arith.addi %mul3A_467, %add3A_468 : i32
        %mul3A_470 = arith.constant 16 : i32
        %mul3A_471 = arith.muli %add3A_469, %mul3A_470 : i32
        %mul3A_472 = arith.constant 8 : i32
        %mul3A_473 = arith.muli %scan3A_441, %mul3A_472 : i32
        %add3A_474 = arith.constant 5 : i32
        %add3A_475 = arith.addi %mul3A_473, %add3A_474 : i32
        %mul3A_476 = arith.constant 16 : i32
        %mul3A_477 = arith.muli %add3A_475, %mul3A_476 : i32
        %mul3A_478 = arith.constant 8 : i32
        %mul3A_479 = arith.muli %scan3A_441, %mul3A_478 : i32
        %add3A_480 = arith.constant 6 : i32
        %add3A_481 = arith.addi %mul3A_479, %add3A_480 : i32
        %mul3A_482 = arith.constant 16 : i32
        %mul3A_483 = arith.muli %add3A_481, %mul3A_482 : i32
        %mul3A_484 = arith.constant 8 : i32
        %mul3A_485 = arith.muli %scan3A_441, %mul3A_484 : i32
        %add3A_486 = arith.constant 7 : i32
        %add3A_487 = arith.addi %mul3A_485, %add3A_486 : i32
        %mul3A_488 = arith.constant 16 : i32
        %mul3A_489 = arith.muli %add3A_487, %mul3A_488 : i32
        %get3A_490 = arith.index_cast %mul3A_447 : i32 to index
        %get3A_491 = tpu.vector_load %arg27[%get3A_490] {strides = array<i32>} : memref<8192xi32, #tpu.memory_space<vmem>>, vector<16xi32>,
        %get3A_492 = arith.index_cast %mul3A_453 : i32 to index
        %get3A_493 = tpu.vector_load %arg27[%get3A_492] {strides = array<i32>} : memref<8192xi32, #tpu.memory_space<vmem>>, vector<16xi32>,
        %get3A_494 = arith.index_cast %mul3A_459 : i32 to index
        %get3A_495 = tpu.vector_load %arg27[%get3A_494] {strides = array<i32>} : memref<8192xi32, #tpu.memory_space<vmem>>, vector<16xi32>,
        %get3A_496 = arith.index_cast %mul3A_465 : i32 to index
        %get3A_497 = tpu.vector_load %arg27[%get3A_496] {strides = array<i32>} : memref<8192xi32, #tpu.memory_space<vmem>>, vector<16xi32>,
        %get3A_498 = arith.index_cast %mul3A_471 : i32 to index
        %get3A_499 = tpu.vector_load %arg27[%get3A_498] {strides = array<i32>} : memref<8192xi32, #tpu.memory_space<vmem>>, vector<16xi32>,
        %get3A_500 = arith.index_cast %mul3A_477 : i32 to index
        %get3A_501 = tpu.vector_load %arg27[%get3A_500] {strides = array<i32>} : memref<8192xi32, #tpu.memory_space<vmem>>, vector<16xi32>,
        %get3A_502 = arith.index_cast %mul3A_483 : i32 to index
        %get3A_503 = tpu.vector_load %arg27[%get3A_502] {strides = array<i32>} : memref<8192xi32, #tpu.memory_space<vmem>>, vector<16xi32>,
        %get3A_504 = arith.index_cast %mul3A_489 : i32 to index
        %get3A_505 = tpu.vector_load %arg27[%get3A_504] {strides = array<i32>} : memref<8192xi32, #tpu.memory_space<vmem>>, vector<16xi32>,
        %get3A_506 = arith.index_cast %mul3A_447 : i32 to index
        %get3A_507 = tpu.vector_load %arg6[%get3A_506] {strides = array<i32>} : memref<8192xf32, #tpu.memory_space<vmem>>, vector<16xf32>,
        %get3A_508 = arith.index_cast %mul3A_453 : i32 to index
        %get3A_509 = tpu.vector_load %arg6[%get3A_508] {strides = array<i32>} : memref<8192xf32, #tpu.memory_space<vmem>>, vector<16xf32>,
        %get3A_510 = arith.index_cast %mul3A_459 : i32 to index
        %get3A_511 = tpu.vector_load %arg6[%get3A_510] {strides = array<i32>} : memref<8192xf32, #tpu.memory_space<vmem>>, vector<16xf32>,
        %get3A_512 = arith.index_cast %mul3A_465 : i32 to index
        %get3A_513 = tpu.vector_load %arg6[%get3A_512] {strides = array<i32>} : memref<8192xf32, #tpu.memory_space<vmem>>, vector<16xf32>,
        %get3A_514 = arith.index_cast %mul3A_471 : i32 to index
        %get3A_515 = tpu.vector_load %arg6[%get3A_514] {strides = array<i32>} : memref<8192xf32, #tpu.memory_space<vmem>>, vector<16xf32>,
        %get3A_516 = arith.index_cast %mul3A_477 : i32 to index
        %get3A_517 = tpu.vector_load %arg6[%get3A_516] {strides = array<i32>} : memref<8192xf32, #tpu.memory_space<vmem>>, vector<16xf32>,
        %get3A_518 = arith.index_cast %mul3A_483 : i32 to index
        %get3A_519 = tpu.vector_load %arg6[%get3A_518] {strides = array<i32>} : memref<8192xf32, #tpu.memory_space<vmem>>, vector<16xf32>,
        %get3A_520 = arith.index_cast %mul3A_489 : i32 to index
        %get3A_521 = tpu.vector_load %arg6[%get3A_520] {strides = array<i32>} : memref<8192xf32, #tpu.memory_space<vmem>>, vector<16xf32>,
        %shift_right_arithmetic3A_522 = arith.constant 13 : i32
        %shift_right_arithmetic3A_523 = vector.broadcast %shift_right_arithmetic3A_522 : i32 to vector<16xi32>
        %shift_right_arithmetic3A_524 = arith.shrsi %get3A_491, %shift_right_arithmetic3A_523 : vector<16xi32>
        %shift_right_arithmetic3A_525 = arith.constant 13 : i32
        %shift_right_arithmetic3A_526 = vector.broadcast %shift_right_arithmetic3A_525 : i32 to vector<16xi32>
        %shift_right_arithmetic3A_527 = arith.shrsi %get3A_493, %shift_right_arithmetic3A_526 : vector<16xi32>
        %shift_right_arithmetic3A_528 = arith.constant 13 : i32
        %shift_right_arithmetic3A_529 = vector.broadcast %shift_right_arithmetic3A_528 : i32 to vector<16xi32>
        %shift_right_arithmetic3A_530 = arith.shrsi %get3A_495, %shift_right_arithmetic3A_529 : vector<16xi32>
        %shift_right_arithmetic3A_531 = arith.constant 13 : i32
        %shift_right_arithmetic3A_532 = vector.broadcast %shift_right_arithmetic3A_531 : i32 to vector<16xi32>
        %shift_right_arithmetic3A_533 = arith.shrsi %get3A_497, %shift_right_arithmetic3A_532 : vector<16xi32>
        %shift_right_arithmetic3A_534 = arith.constant 13 : i32
        %shift_right_arithmetic3A_535 = vector.broadcast %shift_right_arithmetic3A_534 : i32 to vector<16xi32>
        %shift_right_arithmetic3A_536 = arith.shrsi %get3A_499, %shift_right_arithmetic3A_535 : vector<16xi32>
        %shift_right_arithmetic3A_537 = arith.constant 13 : i32
        %shift_right_arithmetic3A_538 = vector.broadcast %shift_right_arithmetic3A_537 : i32 to vector<16xi32>
        %shift_right_arithmetic3A_539 = arith.shrsi %get3A_501, %shift_right_arithmetic3A_538 : vector<16xi32>
        %shift_right_arithmetic3A_540 = arith.constant 13 : i32
        %shift_right_arithmetic3A_541 = vector.broadcast %shift_right_arithmetic3A_540 : i32 to vector<16xi32>
        %shift_right_arithmetic3A_542 = arith.shrsi %get3A_503, %shift_right_arithmetic3A_541 : vector<16xi32>
        %shift_right_arithmetic3A_543 = arith.constant 13 : i32
        %shift_right_arithmetic3A_544 = vector.broadcast %shift_right_arithmetic3A_543 : i32 to vector<16xi32>
        %shift_right_arithmetic3A_545 = arith.shrsi %get3A_505, %shift_right_arithmetic3A_544 : vector<16xi32>
        %and3A_546 = arith.constant 8191 : i32
        %and3A_547 = vector.broadcast %and3A_546 : i32 to vector<16xi32>
        %and3A_548 = arith.andi %get3A_491, %and3A_547 : vector<16xi32>
        %and3A_549 = arith.constant 8191 : i32
        %and3A_550 = vector.broadcast %and3A_549 : i32 to vector<16xi32>
        %and3A_551 = arith.andi %get3A_493, %and3A_550 : vector<16xi32>
        %and3A_552 = arith.constant 8191 : i32
        %and3A_553 = vector.broadcast %and3A_552 : i32 to vector<16xi32>
        %and3A_554 = arith.andi %get3A_495, %and3A_553 : vector<16xi32>
        %and3A_555 = arith.constant 8191 : i32
        %and3A_556 = vector.broadcast %and3A_555 : i32 to vector<16xi32>
        %and3A_557 = arith.andi %get3A_497, %and3A_556 : vector<16xi32>
        %and3A_558 = arith.constant 8191 : i32
        %and3A_559 = vector.broadcast %and3A_558 : i32 to vector<16xi32>
        %and3A_560 = arith.andi %get3A_499, %and3A_559 : vector<16xi32>
        %and3A_561 = arith.constant 8191 : i32
        %and3A_562 = vector.broadcast %and3A_561 : i32 to vector<16xi32>
        %and3A_563 = arith.andi %get3A_501, %and3A_562 : vector<16xi32>
        %and3A_564 = arith.constant 8191 : i32
        %and3A_565 = vector.broadcast %and3A_564 : i32 to vector<16xi32>
        %and3A_566 = arith.andi %get3A_503, %and3A_565 : vector<16xi32>
        %and3A_567 = arith.constant 8191 : i32
        %and3A_568 = vector.broadcast %and3A_567 : i32 to vector<16xi32>
        %and3A_569 = arith.andi %get3A_505, %and3A_568 : vector<16xi32>
        %gather3A_570 = tpu.vector_load_idx %arg19[%shift_right_arithmetic3A_524] : memref<1040xi32, #tpu.memory_space<vmem>>[vector<16xi32>], vector<16xi32>,
        %gather3A_571 = tpu.vector_load_idx %arg20[%shift_right_arithmetic3A_527] : memref<1040xi32, #tpu.memory_space<vmem>>[vector<16xi32>], vector<16xi32>,
        %gather3A_572 = tpu.vector_load_idx %arg21[%shift_right_arithmetic3A_530] : memref<1040xi32, #tpu.memory_space<vmem>>[vector<16xi32>], vector<16xi32>,
        %gather3A_573 = tpu.vector_load_idx %arg22[%shift_right_arithmetic3A_533] : memref<1040xi32, #tpu.memory_space<vmem>>[vector<16xi32>], vector<16xi32>,
        %gather3A_574 = tpu.vector_load_idx %arg23[%shift_right_arithmetic3A_536] : memref<1040xi32, #tpu.memory_space<vmem>>[vector<16xi32>], vector<16xi32>,
        %gather3A_575 = tpu.vector_load_idx %arg24[%shift_right_arithmetic3A_539] : memref<1040xi32, #tpu.memory_space<vmem>>[vector<16xi32>], vector<16xi32>,
        %gather3A_576 = tpu.vector_load_idx %arg25[%shift_right_arithmetic3A_542] : memref<1040xi32, #tpu.memory_space<vmem>>[vector<16xi32>], vector<16xi32>,
        %gather3A_577 = tpu.vector_load_idx %arg26[%shift_right_arithmetic3A_545] : memref<1040xi32, #tpu.memory_space<vmem>>[vector<16xi32>], vector<16xi32>,
        %add3A_578 = arith.addi %gather3A_570, %and3A_548 : vector<16xi32>
        tpu.vector_store_idx %arg9[%add3A_578], %get3A_507 : memref<8208xf32, #tpu.memory_space<vmem>>[vector<16xi32>], vector<16xf32>,
        %add3A_579 = arith.addi %gather3A_571, %and3A_551 : vector<16xi32>
        tpu.vector_store_idx %arg9[%add3A_579], %get3A_509 : memref<8208xf32, #tpu.memory_space<vmem>>[vector<16xi32>], vector<16xf32>,
        %add3A_580 = arith.addi %gather3A_572, %and3A_554 : vector<16xi32>
        tpu.vector_store_idx %arg9[%add3A_580], %get3A_511 : memref<8208xf32, #tpu.memory_space<vmem>>[vector<16xi32>], vector<16xf32>,
        %add3A_581 = arith.addi %gather3A_573, %and3A_557 : vector<16xi32>
        tpu.vector_store_idx %arg9[%add3A_581], %get3A_513 : memref<8208xf32, #tpu.memory_space<vmem>>[vector<16xi32>], vector<16xf32>,
        %add3A_582 = arith.addi %gather3A_574, %and3A_560 : vector<16xi32>
        tpu.vector_store_idx %arg9[%add3A_582], %get3A_515 : memref<8208xf32, #tpu.memory_space<vmem>>[vector<16xi32>], vector<16xf32>,
        %add3A_583 = arith.addi %gather3A_575, %and3A_563 : vector<16xi32>
        tpu.vector_store_idx %arg9[%add3A_583], %get3A_517 : memref<8208xf32, #tpu.memory_space<vmem>>[vector<16xi32>], vector<16xf32>,
        %add3A_584 = arith.addi %gather3A_576, %and3A_566 : vector<16xi32>
        tpu.vector_store_idx %arg9[%add3A_584], %get3A_519 : memref<8208xf32, #tpu.memory_space<vmem>>[vector<16xi32>], vector<16xf32>,
        %add3A_585 = arith.addi %gather3A_577, %and3A_569 : vector<16xi32>
        tpu.vector_store_idx %arg9[%add3A_585], %get3A_521 : memref<8208xf32, #tpu.memory_space<vmem>>[vector<16xi32>], vector<16xf32>,
      }
      %scan3A_179 = arith.constant 64 : i32
      %dma_wait3A_180 = arith.constant 0 : i32
      %dma_wait3A_181 = tpu.memref_slice %arg3[%add3A_63, %dma_wait3A_180] : memref<2048x8192xf32, #tpu.memory_space<hbm>> -> memref<1x8192xf32, #tpu.memory_space<hbm>>
      %dma_wait3A_182 = tpu.memref_squeeze %dma_wait3A_181 : memref<1x8192xf32, #tpu.memory_space<hbm>> -> memref<8192xf32, #tpu.memory_space<hbm>>
      %dma_wait3A_183 = arith.constant 0 : i32
      %dma_wait3A_184 = tpu.memref_slice %arg3[%add3A_63, %dma_wait3A_183] : memref<2048x8192xf32, #tpu.memory_space<hbm>> -> memref<1x8192xf32, #tpu.memory_space<hbm>>
      %dma_wait3A_185 = tpu.memref_squeeze %dma_wait3A_184 : memref<1x8192xf32, #tpu.memory_space<hbm>> -> memref<8192xf32, #tpu.memory_space<hbm>>
      tpu.wait_dma2 semaphore(%arg30 : memref<!tpu.dma_semaphore, #tpu.memory_space<semaphore_mem>>) src(%dma_wait3A_185 : memref<8192xf32, #tpu.memory_space<hbm>>) dst(%arg7 : memref<8192xf32, #tpu.memory_space<vmem>>)
      %dma_wait3A_186 = arith.constant 0 : i32
      %dma_wait3A_187 = tpu.memref_slice %arg2[%add3A_63, %dma_wait3A_186] : memref<2048x8192xf32, #tpu.memory_space<hbm>> -> memref<1x8192xf32, #tpu.memory_space<hbm>>
      %dma_wait3A_188 = tpu.memref_squeeze %dma_wait3A_187 : memref<1x8192xf32, #tpu.memory_space<hbm>> -> memref<8192xf32, #tpu.memory_space<hbm>>
      %dma_wait3A_189 = arith.constant 0 : i32
      %dma_wait3A_190 = tpu.memref_slice %arg2[%add3A_63, %dma_wait3A_189] : memref<2048x8192xf32, #tpu.memory_space<hbm>> -> memref<1x8192xf32, #tpu.memory_space<hbm>>
      %dma_wait3A_191 = tpu.memref_squeeze %dma_wait3A_190 : memref<1x8192xf32, #tpu.memory_space<hbm>> -> memref<8192xf32, #tpu.memory_space<hbm>>
      tpu.wait_dma2 semaphore(%arg30 : memref<!tpu.dma_semaphore, #tpu.memory_space<semaphore_mem>>) src(%dma_wait3A_191 : memref<8192xf32, #tpu.memory_space<hbm>>) dst(%arg8 : memref<8192xf32, #tpu.memory_space<vmem>>)
      %dma_start3A_192 = arith.constant 0 : i32
      %dma_start3A_193 = tpu.memref_slice %arg3[%min3A_66, %dma_start3A_192] : memref<2048x8192xf32, #tpu.memory_space<hbm>> -> memref<1x8192xf32, #tpu.memory_space<hbm>>
      %dma_start3A_194 = tpu.memref_squeeze %dma_start3A_193 : memref<1x8192xf32, #tpu.memory_space<hbm>> -> memref<8192xf32, #tpu.memory_space<hbm>>
      %dma_start3A_195 = arith.constant 0 : i32
      %dma_start3A_196 = tpu.memref_slice %arg3[%min3A_66, %dma_start3A_195] : memref<2048x8192xf32, #tpu.memory_space<hbm>> -> memref<1x8192xf32, #tpu.memory_space<hbm>>
      %dma_start3A_197 = tpu.memref_squeeze %dma_start3A_196 : memref<1x8192xf32, #tpu.memory_space<hbm>> -> memref<8192xf32, #tpu.memory_space<hbm>>
      tpu.enqueue_dma source(%dma_start3A_197 : memref<8192xf32, #tpu.memory_space<hbm>>) target(%arg5 : memref<8192xf32, #tpu.memory_space<vmem>>) target_semaphore(%arg29 : memref<!tpu.dma_semaphore, #tpu.memory_space<semaphore_mem>>)
      %dma_start3A_198 = arith.constant 0 : i32
      %dma_start3A_199 = tpu.memref_slice %arg2[%min3A_66, %dma_start3A_198] : memref<2048x8192xf32, #tpu.memory_space<hbm>> -> memref<1x8192xf32, #tpu.memory_space<hbm>>
      %dma_start3A_200 = tpu.memref_squeeze %dma_start3A_199 : memref<1x8192xf32, #tpu.memory_space<hbm>> -> memref<8192xf32, #tpu.memory_space<hbm>>
      %dma_start3A_201 = arith.constant 0 : i32
      %dma_start3A_202 = tpu.memref_slice %arg2[%min3A_66, %dma_start3A_201] : memref<2048x8192xf32, #tpu.memory_space<hbm>> -> memref<1x8192xf32, #tpu.memory_space<hbm>>
      %dma_start3A_203 = tpu.memref_squeeze %dma_start3A_202 : memref<1x8192xf32, #tpu.memory_space<hbm>> -> memref<8192xf32, #tpu.memory_space<hbm>>
      tpu.enqueue_dma source(%dma_start3A_203 : memref<8192xf32, #tpu.memory_space<hbm>>) target(%arg6 : memref<8192xf32, #tpu.memory_space<vmem>>) target_semaphore(%arg29 : memref<!tpu.dma_semaphore, #tpu.memory_space<semaphore_mem>>)
      %scan3A_204 = arith.constant 0 : i32
      %scan3A_205 = arith.constant 64 : i32
      %scan3A_206 = arith.addi %scan3A_204, %scan3A_205 : i32
      %scan3A_207 = arith.constant 1 : i32
      %scan3A_208 = scf.for %scan3A_298 = %scan3A_204 to %scan3A_206 step %scan3A_207 iter_args(%scan3A_299 = %scan3A_95) -> (vector<16xf32>)  : i32 {
        %mul3A_300 = arith.constant 8 : i32
        %mul3A_301 = arith.muli %scan3A_298, %mul3A_300 : i32
        %add3A_302 = arith.constant 0 : i32
        %add3A_303 = arith.addi %mul3A_301, %add3A_302 : i32
        %mul3A_304 = arith.constant 16 : i32
        %mul3A_305 = arith.muli %add3A_303, %mul3A_304 : i32
        %mul3A_306 = arith.constant 8 : i32
        %mul3A_307 = arith.muli %scan3A_298, %mul3A_306 : i32
        %add3A_308 = arith.constant 1 : i32
        %add3A_309 = arith.addi %mul3A_307, %add3A_308 : i32
        %mul3A_310 = arith.constant 16 : i32
        %mul3A_311 = arith.muli %add3A_309, %mul3A_310 : i32
        %mul3A_312 = arith.constant 8 : i32
        %mul3A_313 = arith.muli %scan3A_298, %mul3A_312 : i32
        %add3A_314 = arith.constant 2 : i32
        %add3A_315 = arith.addi %mul3A_313, %add3A_314 : i32
        %mul3A_316 = arith.constant 16 : i32
        %mul3A_317 = arith.muli %add3A_315, %mul3A_316 : i32
        %mul3A_318 = arith.constant 8 : i32
        %mul3A_319 = arith.muli %scan3A_298, %mul3A_318 : i32
        %add3A_320 = arith.constant 3 : i32
        %add3A_321 = arith.addi %mul3A_319, %add3A_320 : i32
        %mul3A_322 = arith.constant 16 : i32
        %mul3A_323 = arith.muli %add3A_321, %mul3A_322 : i32
        %mul3A_324 = arith.constant 8 : i32
        %mul3A_325 = arith.muli %scan3A_298, %mul3A_324 : i32
        %add3A_326 = arith.constant 4 : i32
        %add3A_327 = arith.addi %mul3A_325, %add3A_326 : i32
        %mul3A_328 = arith.constant 16 : i32
        %mul3A_329 = arith.muli %add3A_327, %mul3A_328 : i32
        %mul3A_330 = arith.constant 8 : i32
        %mul3A_331 = arith.muli %scan3A_298, %mul3A_330 : i32
        %add3A_332 = arith.constant 5 : i32
        %add3A_333 = arith.addi %mul3A_331, %add3A_332 : i32
        %mul3A_334 = arith.constant 16 : i32
        %mul3A_335 = arith.muli %add3A_333, %mul3A_334 : i32
        %mul3A_336 = arith.constant 8 : i32
        %mul3A_337 = arith.muli %scan3A_298, %mul3A_336 : i32
        %add3A_338 = arith.constant 6 : i32
        %add3A_339 = arith.addi %mul3A_337, %add3A_338 : i32
        %mul3A_340 = arith.constant 16 : i32
        %mul3A_341 = arith.muli %add3A_339, %mul3A_340 : i32
        %mul3A_342 = arith.constant 8 : i32
        %mul3A_343 = arith.muli %scan3A_298, %mul3A_342 : i32
        %add3A_344 = arith.constant 7 : i32
        %add3A_345 = arith.addi %mul3A_343, %add3A_344 : i32
        %mul3A_346 = arith.constant 16 : i32
        %mul3A_347 = arith.muli %add3A_345, %mul3A_346 : i32
        %mul3A_348 = arith.constant 8 : i32
        %mul3A_349 = arith.muli %scan3A_298, %mul3A_348 : i32
        %add3A_350 = arith.constant 0 : i32
        %add3A_351 = arith.addi %mul3A_349, %add3A_350 : i32
        %mul3A_352 = arith.constant 16 : i32
        %mul3A_353 = arith.muli %add3A_351, %mul3A_352 : i32
        %add3A_354 = arith.constant 1 : i32
        %add3A_355 = arith.addi %mul3A_353, %add3A_354 : i32
        %mul3A_356 = arith.constant 8 : i32
        %mul3A_357 = arith.muli %scan3A_298, %mul3A_356 : i32
        %add3A_358 = arith.constant 1 : i32
        %add3A_359 = arith.addi %mul3A_357, %add3A_358 : i32
        %mul3A_360 = arith.constant 16 : i32
        %mul3A_361 = arith.muli %add3A_359, %mul3A_360 : i32
        %add3A_362 = arith.constant 1 : i32
        %add3A_363 = arith.addi %mul3A_361, %add3A_362 : i32
        %mul3A_364 = arith.constant 8 : i32
        %mul3A_365 = arith.muli %scan3A_298, %mul3A_364 : i32
        %add3A_366 = arith.constant 2 : i32
        %add3A_367 = arith.addi %mul3A_365, %add3A_366 : i32
        %mul3A_368 = arith.constant 16 : i32
        %mul3A_369 = arith.muli %add3A_367, %mul3A_368 : i32
        %add3A_370 = arith.constant 1 : i32
        %add3A_371 = arith.addi %mul3A_369, %add3A_370 : i32
        %mul3A_372 = arith.constant 8 : i32
        %mul3A_373 = arith.muli %scan3A_298, %mul3A_372 : i32
        %add3A_374 = arith.constant 3 : i32
        %add3A_375 = arith.addi %mul3A_373, %add3A_374 : i32
        %mul3A_376 = arith.constant 16 : i32
        %mul3A_377 = arith.muli %add3A_375, %mul3A_376 : i32
        %add3A_378 = arith.constant 1 : i32
        %add3A_379 = arith.addi %mul3A_377, %add3A_378 : i32
        %mul3A_380 = arith.constant 8 : i32
        %mul3A_381 = arith.muli %scan3A_298, %mul3A_380 : i32
        %add3A_382 = arith.constant 4 : i32
        %add3A_383 = arith.addi %mul3A_381, %add3A_382 : i32
        %mul3A_384 = arith.constant 16 : i32
        %mul3A_385 = arith.muli %add3A_383, %mul3A_384 : i32
        %add3A_386 = arith.constant 1 : i32
        %add3A_387 = arith.addi %mul3A_385, %add3A_386 : i32
        %mul3A_388 = arith.constant 8 : i32
        %mul3A_389 = arith.muli %scan3A_298, %mul3A_388 : i32
        %add3A_390 = arith.constant 5 : i32
        %add3A_391 = arith.addi %mul3A_389, %add3A_390 : i32
        %mul3A_392 = arith.constant 16 : i32
        %mul3A_393 = arith.muli %add3A_391, %mul3A_392 : i32
        %add3A_394 = arith.constant 1 : i32
        %add3A_395 = arith.addi %mul3A_393, %add3A_394 : i32
        %mul3A_396 = arith.constant 8 : i32
        %mul3A_397 = arith.muli %scan3A_298, %mul3A_396 : i32
        %add3A_398 = arith.constant 6 : i32
        %add3A_399 = arith.addi %mul3A_397, %add3A_398 : i32
        %mul3A_400 = arith.constant 16 : i32
        %mul3A_401 = arith.muli %add3A_399, %mul3A_400 : i32
        %add3A_402 = arith.constant 1 : i32
        %add3A_403 = arith.addi %mul3A_401, %add3A_402 : i32
        %mul3A_404 = arith.constant 8 : i32
        %mul3A_405 = arith.muli %scan3A_298, %mul3A_404 : i32
        %add3A_406 = arith.constant 7 : i32
        %add3A_407 = arith.addi %mul3A_405, %add3A_406 : i32
        %mul3A_408 = arith.constant 16 : i32
        %mul3A_409 = arith.muli %add3A_407, %mul3A_408 : i32
        %add3A_410 = arith.constant 1 : i32
        %add3A_411 = arith.addi %mul3A_409, %add3A_410 : i32
        %get3A_412 = arith.index_cast %mul3A_305 : i32 to index
        %get3A_413 = tpu.vector_load %arg9[%get3A_412] {strides = array<i32>} : memref<8208xf32, #tpu.memory_space<vmem>>, vector<16xf32>,
        %get3A_414 = arith.index_cast %mul3A_311 : i32 to index
        %get3A_415 = tpu.vector_load %arg9[%get3A_414] {strides = array<i32>} : memref<8208xf32, #tpu.memory_space<vmem>>, vector<16xf32>,
        %get3A_416 = arith.index_cast %mul3A_317 : i32 to index
        %get3A_417 = tpu.vector_load %arg9[%get3A_416] {strides = array<i32>} : memref<8208xf32, #tpu.memory_space<vmem>>, vector<16xf32>,
        %get3A_418 = arith.index_cast %mul3A_323 : i32 to index
        %get3A_419 = tpu.vector_load %arg9[%get3A_418] {strides = array<i32>} : memref<8208xf32, #tpu.memory_space<vmem>>, vector<16xf32>,
        %get3A_420 = arith.index_cast %mul3A_329 : i32 to index
        %get3A_421 = tpu.vector_load %arg9[%get3A_420] {strides = array<i32>} : memref<8208xf32, #tpu.memory_space<vmem>>, vector<16xf32>,
        %get3A_422 = arith.index_cast %mul3A_335 : i32 to index
        %get3A_423 = tpu.vector_load %arg9[%get3A_422] {strides = array<i32>} : memref<8208xf32, #tpu.memory_space<vmem>>, vector<16xf32>,
        %get3A_424 = arith.index_cast %mul3A_341 : i32 to index
        %get3A_425 = tpu.vector_load %arg9[%get3A_424] {strides = array<i32>} : memref<8208xf32, #tpu.memory_space<vmem>>, vector<16xf32>,
        %get3A_426 = arith.index_cast %mul3A_347 : i32 to index
        %get3A_427 = tpu.vector_load %arg9[%get3A_426] {strides = array<i32>} : memref<8208xf32, #tpu.memory_space<vmem>>, vector<16xf32>,
        %get3A_428 = arith.index_cast %add3A_355 : i32 to index
        %get3A_429 = tpu.vector_load %arg9[%get3A_428] {strides = array<i32>} : memref<8208xf32, #tpu.memory_space<vmem>>, vector<16xf32>,
        %get3A_430 = arith.index_cast %add3A_363 : i32 to index
        %get3A_431 = tpu.vector_load %arg9[%get3A_430] {strides = array<i32>} : memref<8208xf32, #tpu.memory_space<vmem>>, vector<16xf32>,
        %get3A_432 = arith.index_cast %add3A_371 : i32 to index
        %get3A_433 = tpu.vector_load %arg9[%get3A_432] {strides = array<i32>} : memref<8208xf32, #tpu.memory_space<vmem>>, vector<16xf32>,
        %get3A_434 = arith.index_cast %add3A_379 : i32 to index
        %get3A_435 = tpu.vector_load %arg9[%get3A_434] {strides = array<i32>} : memref<8208xf32, #tpu.memory_space<vmem>>, vector<16xf32>,
        %get3A_436 = arith.index_cast %add3A_387 : i32 to index
        %get3A_437 = tpu.vector_load %arg9[%get3A_436] {strides = array<i32>} : memref<8208xf32, #tpu.memory_space<vmem>>, vector<16xf32>,
        %get3A_438 = arith.index_cast %add3A_395 : i32 to index
        %get3A_439 = tpu.vector_load %arg9[%get3A_438] {strides = array<i32>} : memref<8208xf32, #tpu.memory_space<vmem>>, vector<16xf32>,
        %get3A_440 = arith.index_cast %add3A_403 : i32 to index
        %get3A_441 = tpu.vector_load %arg9[%get3A_440] {strides = array<i32>} : memref<8208xf32, #tpu.memory_space<vmem>>, vector<16xf32>,
        %get3A_442 = arith.index_cast %add3A_411 : i32 to index
        %get3A_443 = tpu.vector_load %arg9[%get3A_442] {strides = array<i32>} : memref<8208xf32, #tpu.memory_space<vmem>>, vector<16xf32>,
        %get3A_444 = arith.index_cast %mul3A_305 : i32 to index
        %get3A_445 = tpu.vector_load %arg7[%get3A_444] {strides = array<i32>} : memref<8192xf32, #tpu.memory_space<vmem>>, vector<16xf32>,
        %get3A_446 = arith.index_cast %mul3A_311 : i32 to index
        %get3A_447 = tpu.vector_load %arg7[%get3A_446] {strides = array<i32>} : memref<8192xf32, #tpu.memory_space<vmem>>, vector<16xf32>,
        %get3A_448 = arith.index_cast %mul3A_317 : i32 to index
        %get3A_449 = tpu.vector_load %arg7[%get3A_448] {strides = array<i32>} : memref<8192xf32, #tpu.memory_space<vmem>>, vector<16xf32>,
        %get3A_450 = arith.index_cast %mul3A_323 : i32 to index
        %get3A_451 = tpu.vector_load %arg7[%get3A_450] {strides = array<i32>} : memref<8192xf32, #tpu.memory_space<vmem>>, vector<16xf32>,
        %get3A_452 = arith.index_cast %mul3A_329 : i32 to index
        %get3A_453 = tpu.vector_load %arg7[%get3A_452] {strides = array<i32>} : memref<8192xf32, #tpu.memory_space<vmem>>, vector<16xf32>,
        %get3A_454 = arith.index_cast %mul3A_335 : i32 to index
        %get3A_455 = tpu.vector_load %arg7[%get3A_454] {strides = array<i32>} : memref<8192xf32, #tpu.memory_space<vmem>>, vector<16xf32>,
        %get3A_456 = arith.index_cast %mul3A_341 : i32 to index
        %get3A_457 = tpu.vector_load %arg7[%get3A_456] {strides = array<i32>} : memref<8192xf32, #tpu.memory_space<vmem>>, vector<16xf32>,
        %get3A_458 = arith.index_cast %mul3A_347 : i32 to index
        %get3A_459 = tpu.vector_load %arg7[%get3A_458] {strides = array<i32>} : memref<8192xf32, #tpu.memory_space<vmem>>, vector<16xf32>,
        %mul3A_460 = vector.broadcast %scan3A_31 : f32 to vector<16xf32>
        %mul3A_461 = arith.mulf %get3A_445, %mul3A_460 : vector<16xf32>
        %convert_element_type3A = arith.fptosi %mul3A_461 : vector<16xf32> to vector<16xi32>
        %mul3A_462 = vector.broadcast %scan3A_31 : f32 to vector<16xf32>
        %mul3A_463 = arith.mulf %get3A_447, %mul3A_462 : vector<16xf32>
        %convert_element_type3A_464 = arith.fptosi %mul3A_463 : vector<16xf32> to vector<16xi32>
        %mul3A_465 = vector.broadcast %scan3A_31 : f32 to vector<16xf32>
        %mul3A_466 = arith.mulf %get3A_449, %mul3A_465 : vector<16xf32>
        %convert_element_type3A_467 = arith.fptosi %mul3A_466 : vector<16xf32> to vector<16xi32>
        %mul3A_468 = vector.broadcast %scan3A_31 : f32 to vector<16xf32>
        %mul3A_469 = arith.mulf %get3A_451, %mul3A_468 : vector<16xf32>
        %convert_element_type3A_470 = arith.fptosi %mul3A_469 : vector<16xf32> to vector<16xi32>
        %mul3A_471 = vector.broadcast %scan3A_31 : f32 to vector<16xf32>
        %mul3A_472 = arith.mulf %get3A_453, %mul3A_471 : vector<16xf32>
        %convert_element_type3A_473 = arith.fptosi %mul3A_472 : vector<16xf32> to vector<16xi32>
        %mul3A_474 = vector.broadcast %scan3A_31 : f32 to vector<16xf32>
        %mul3A_475 = arith.mulf %get3A_455, %mul3A_474 : vector<16xf32>
        %convert_element_type3A_476 = arith.fptosi %mul3A_475 : vector<16xf32> to vector<16xi32>
        %mul3A_477 = vector.broadcast %scan3A_31 : f32 to vector<16xf32>
        %mul3A_478 = arith.mulf %get3A_457, %mul3A_477 : vector<16xf32>
        %convert_element_type3A_479 = arith.fptosi %mul3A_478 : vector<16xf32> to vector<16xi32>
        %mul3A_480 = vector.broadcast %scan3A_31 : f32 to vector<16xf32>
        %mul3A_481 = arith.mulf %get3A_459, %mul3A_480 : vector<16xf32>
        %convert_element_type3A_482 = arith.fptosi %mul3A_481 : vector<16xf32> to vector<16xi32>
        %broadcast_in_dim3A_483 = arith.constant true
        %broadcast_in_dim3A_484 = vector.broadcast %broadcast_in_dim3A_483 : i1 to vector<16xi1>
        %unique3A, %unique3A_485 = tpu.scan_count mask(%broadcast_in_dim3A_484 : vector<16xi1>) value(%convert_element_type3A : vector<16xi32>) : vector<16xi1>, vector<16xi32>
        %broadcast_in_dim3A_486 = arith.constant true
        %broadcast_in_dim3A_487 = vector.broadcast %broadcast_in_dim3A_486 : i1 to vector<16xi1>
        %unique3A_488, %unique3A_489 = tpu.scan_count mask(%broadcast_in_dim3A_487 : vector<16xi1>) value(%convert_element_type3A_464 : vector<16xi32>) : vector<16xi1>, vector<16xi32>
        %broadcast_in_dim3A_490 = arith.constant true
        %broadcast_in_dim3A_491 = vector.broadcast %broadcast_in_dim3A_490 : i1 to vector<16xi1>
        %unique3A_492, %unique3A_493 = tpu.scan_count mask(%broadcast_in_dim3A_491 : vector<16xi1>) value(%convert_element_type3A_467 : vector<16xi32>) : vector<16xi1>, vector<16xi32>
        %broadcast_in_dim3A_494 = arith.constant true
        %broadcast_in_dim3A_495 = vector.broadcast %broadcast_in_dim3A_494 : i1 to vector<16xi1>
        %unique3A_496, %unique3A_497 = tpu.scan_count mask(%broadcast_in_dim3A_495 : vector<16xi1>) value(%convert_element_type3A_470 : vector<16xi32>) : vector<16xi1>, vector<16xi32>
        %broadcast_in_dim3A_498 = arith.constant true
        %broadcast_in_dim3A_499 = vector.broadcast %broadcast_in_dim3A_498 : i1 to vector<16xi1>
        %unique3A_500, %unique3A_501 = tpu.scan_count mask(%broadcast_in_dim3A_499 : vector<16xi1>) value(%convert_element_type3A_473 : vector<16xi32>) : vector<16xi1>, vector<16xi32>
        %broadcast_in_dim3A_502 = arith.constant true
        %broadcast_in_dim3A_503 = vector.broadcast %broadcast_in_dim3A_502 : i1 to vector<16xi1>
        %unique3A_504, %unique3A_505 = tpu.scan_count mask(%broadcast_in_dim3A_503 : vector<16xi1>) value(%convert_element_type3A_476 : vector<16xi32>) : vector<16xi1>, vector<16xi32>
        %broadcast_in_dim3A_506 = arith.constant true
        %broadcast_in_dim3A_507 = vector.broadcast %broadcast_in_dim3A_506 : i1 to vector<16xi1>
        %unique3A_508, %unique3A_509 = tpu.scan_count mask(%broadcast_in_dim3A_507 : vector<16xi1>) value(%convert_element_type3A_479 : vector<16xi32>) : vector<16xi1>, vector<16xi32>
        %broadcast_in_dim3A_510 = arith.constant true
        %broadcast_in_dim3A_511 = vector.broadcast %broadcast_in_dim3A_510 : i1 to vector<16xi1>
        %unique3A_512, %unique3A_513 = tpu.scan_count mask(%broadcast_in_dim3A_511 : vector<16xi1>) value(%convert_element_type3A_482 : vector<16xi32>) : vector<16xi1>, vector<16xi32>
        %gather3A = tpu.vector_load_idx %arg11[%convert_element_type3A] : memref<1040xi32, #tpu.memory_space<vmem>>[vector<16xi32>], vector<16xi32>,
        %gather3A_514 = tpu.vector_load_idx %arg12[%convert_element_type3A_464] : memref<1040xi32, #tpu.memory_space<vmem>>[vector<16xi32>], vector<16xi32>,
        %gather3A_515 = tpu.vector_load_idx %arg13[%convert_element_type3A_467] : memref<1040xi32, #tpu.memory_space<vmem>>[vector<16xi32>], vector<16xi32>,
        %gather3A_516 = tpu.vector_load_idx %arg14[%convert_element_type3A_470] : memref<1040xi32, #tpu.memory_space<vmem>>[vector<16xi32>], vector<16xi32>,
        %gather3A_517 = tpu.vector_load_idx %arg15[%convert_element_type3A_473] : memref<1040xi32, #tpu.memory_space<vmem>>[vector<16xi32>], vector<16xi32>,
        %gather3A_518 = tpu.vector_load_idx %arg16[%convert_element_type3A_476] : memref<1040xi32, #tpu.memory_space<vmem>>[vector<16xi32>], vector<16xi32>,
        %gather3A_519 = tpu.vector_load_idx %arg17[%convert_element_type3A_479] : memref<1040xi32, #tpu.memory_space<vmem>>[vector<16xi32>], vector<16xi32>,
        %gather3A_520 = tpu.vector_load_idx %arg18[%convert_element_type3A_482] : memref<1040xi32, #tpu.memory_space<vmem>>[vector<16xi32>], vector<16xi32>,
        tpu.vector_store_idx %arg11[%convert_element_type3A], %unique3A_485 masked %unique3A {add = true} : memref<1040xi32, #tpu.memory_space<vmem>>[vector<16xi32>], vector<16xi32>, vector<16xi1>
        tpu.vector_store_idx %arg12[%convert_element_type3A_464], %unique3A_489 masked %unique3A_488 {add = true} : memref<1040xi32, #tpu.memory_space<vmem>>[vector<16xi32>], vector<16xi32>, vector<16xi1>
        tpu.vector_store_idx %arg13[%convert_element_type3A_467], %unique3A_493 masked %unique3A_492 {add = true} : memref<1040xi32, #tpu.memory_space<vmem>>[vector<16xi32>], vector<16xi32>, vector<16xi1>
        tpu.vector_store_idx %arg14[%convert_element_type3A_470], %unique3A_497 masked %unique3A_496 {add = true} : memref<1040xi32, #tpu.memory_space<vmem>>[vector<16xi32>], vector<16xi32>, vector<16xi1>
        tpu.vector_store_idx %arg15[%convert_element_type3A_473], %unique3A_501 masked %unique3A_500 {add = true} : memref<1040xi32, #tpu.memory_space<vmem>>[vector<16xi32>], vector<16xi32>, vector<16xi1>
        tpu.vector_store_idx %arg16[%convert_element_type3A_476], %unique3A_505 masked %unique3A_504 {add = true} : memref<1040xi32, #tpu.memory_space<vmem>>[vector<16xi32>], vector<16xi32>, vector<16xi1>
        tpu.vector_store_idx %arg17[%convert_element_type3A_479], %unique3A_509 masked %unique3A_508 {add = true} : memref<1040xi32, #tpu.memory_space<vmem>>[vector<16xi32>], vector<16xi32>, vector<16xi1>
        tpu.vector_store_idx %arg18[%convert_element_type3A_482], %unique3A_513 masked %unique3A_512 {add = true} : memref<1040xi32, #tpu.memory_space<vmem>>[vector<16xi32>], vector<16xi32>, vector<16xi1>
        %shift_left3A = arith.constant 13 : i32
        %shift_left3A_521 = vector.broadcast %shift_left3A : i32 to vector<16xi32>
        %shift_left3A_522 = arith.shli %convert_element_type3A, %shift_left3A_521 : vector<16xi32>
        %sub3A_523 = arith.constant 1 : i32
        %sub3A_524 = vector.broadcast %sub3A_523 : i32 to vector<16xi32>
        %sub3A_525 = arith.subi %unique3A_485, %sub3A_524 : vector<16xi32>
        %add3A_526 = arith.addi %gather3A, %sub3A_525 : vector<16xi32>
        %or3A = arith.ori %shift_left3A_522, %add3A_526 : vector<16xi32>
        %swap3A_527 = arith.index_cast %mul3A_305 : i32 to index
        %swap3A_528 = tpu.vector_load %arg27[%swap3A_527] {strides = array<i32>} : memref<8192xi32, #tpu.memory_space<vmem>>, vector<16xi32>,
        tpu.vector_store %arg27[%swap3A_527], %or3A {strides = array<i32>} : memref<8192xi32, #tpu.memory_space<vmem>>, vector<16xi32>,
        %shift_left3A_529 = arith.constant 13 : i32
        %shift_left3A_530 = vector.broadcast %shift_left3A_529 : i32 to vector<16xi32>
        %shift_left3A_531 = arith.shli %convert_element_type3A_464, %shift_left3A_530 : vector<16xi32>
        %sub3A_532 = arith.constant 1 : i32
        %sub3A_533 = vector.broadcast %sub3A_532 : i32 to vector<16xi32>
        %sub3A_534 = arith.subi %unique3A_489, %sub3A_533 : vector<16xi32>
        %add3A_535 = arith.addi %gather3A_514, %sub3A_534 : vector<16xi32>
        %or3A_536 = arith.ori %shift_left3A_531, %add3A_535 : vector<16xi32>
        %swap3A_537 = arith.index_cast %mul3A_311 : i32 to index
        %swap3A_538 = tpu.vector_load %arg27[%swap3A_537] {strides = array<i32>} : memref<8192xi32, #tpu.memory_space<vmem>>, vector<16xi32>,
        tpu.vector_store %arg27[%swap3A_537], %or3A_536 {strides = array<i32>} : memref<8192xi32, #tpu.memory_space<vmem>>, vector<16xi32>,
        %shift_left3A_539 = arith.constant 13 : i32
        %shift_left3A_540 = vector.broadcast %shift_left3A_539 : i32 to vector<16xi32>
        %shift_left3A_541 = arith.shli %convert_element_type3A_467, %shift_left3A_540 : vector<16xi32>
        %sub3A_542 = arith.constant 1 : i32
        %sub3A_543 = vector.broadcast %sub3A_542 : i32 to vector<16xi32>
        %sub3A_544 = arith.subi %unique3A_493, %sub3A_543 : vector<16xi32>
        %add3A_545 = arith.addi %gather3A_515, %sub3A_544 : vector<16xi32>
        %or3A_546 = arith.ori %shift_left3A_541, %add3A_545 : vector<16xi32>
        %swap3A_547 = arith.index_cast %mul3A_317 : i32 to index
        %swap3A_548 = tpu.vector_load %arg27[%swap3A_547] {strides = array<i32>} : memref<8192xi32, #tpu.memory_space<vmem>>, vector<16xi32>,
        tpu.vector_store %arg27[%swap3A_547], %or3A_546 {strides = array<i32>} : memref<8192xi32, #tpu.memory_space<vmem>>, vector<16xi32>,
        %shift_left3A_549 = arith.constant 13 : i32
        %shift_left3A_550 = vector.broadcast %shift_left3A_549 : i32 to vector<16xi32>
        %shift_left3A_551 = arith.shli %convert_element_type3A_470, %shift_left3A_550 : vector<16xi32>
        %sub3A_552 = arith.constant 1 : i32
        %sub3A_553 = vector.broadcast %sub3A_552 : i32 to vector<16xi32>
        %sub3A_554 = arith.subi %unique3A_497, %sub3A_553 : vector<16xi32>
        %add3A_555 = arith.addi %gather3A_516, %sub3A_554 : vector<16xi32>
        %or3A_556 = arith.ori %shift_left3A_551, %add3A_555 : vector<16xi32>
        %swap3A_557 = arith.index_cast %mul3A_323 : i32 to index
        %swap3A_558 = tpu.vector_load %arg27[%swap3A_557] {strides = array<i32>} : memref<8192xi32, #tpu.memory_space<vmem>>, vector<16xi32>,
        tpu.vector_store %arg27[%swap3A_557], %or3A_556 {strides = array<i32>} : memref<8192xi32, #tpu.memory_space<vmem>>, vector<16xi32>,
        %shift_left3A_559 = arith.constant 13 : i32
        %shift_left3A_560 = vector.broadcast %shift_left3A_559 : i32 to vector<16xi32>
        %shift_left3A_561 = arith.shli %convert_element_type3A_473, %shift_left3A_560 : vector<16xi32>
        %sub3A_562 = arith.constant 1 : i32
        %sub3A_563 = vector.broadcast %sub3A_562 : i32 to vector<16xi32>
        %sub3A_564 = arith.subi %unique3A_501, %sub3A_563 : vector<16xi32>
        %add3A_565 = arith.addi %gather3A_517, %sub3A_564 : vector<16xi32>
        %or3A_566 = arith.ori %shift_left3A_561, %add3A_565 : vector<16xi32>
        %swap3A_567 = arith.index_cast %mul3A_329 : i32 to index
        %swap3A_568 = tpu.vector_load %arg27[%swap3A_567] {strides = array<i32>} : memref<8192xi32, #tpu.memory_space<vmem>>, vector<16xi32>,
        tpu.vector_store %arg27[%swap3A_567], %or3A_566 {strides = array<i32>} : memref<8192xi32, #tpu.memory_space<vmem>>, vector<16xi32>,
        %shift_left3A_569 = arith.constant 13 : i32
        %shift_left3A_570 = vector.broadcast %shift_left3A_569 : i32 to vector<16xi32>
        %shift_left3A_571 = arith.shli %convert_element_type3A_476, %shift_left3A_570 : vector<16xi32>
        %sub3A_572 = arith.constant 1 : i32
        %sub3A_573 = vector.broadcast %sub3A_572 : i32 to vector<16xi32>
        %sub3A_574 = arith.subi %unique3A_505, %sub3A_573 : vector<16xi32>
        %add3A_575 = arith.addi %gather3A_518, %sub3A_574 : vector<16xi32>
        %or3A_576 = arith.ori %shift_left3A_571, %add3A_575 : vector<16xi32>
        %swap3A_577 = arith.index_cast %mul3A_335 : i32 to index
        %swap3A_578 = tpu.vector_load %arg27[%swap3A_577] {strides = array<i32>} : memref<8192xi32, #tpu.memory_space<vmem>>, vector<16xi32>,
        tpu.vector_store %arg27[%swap3A_577], %or3A_576 {strides = array<i32>} : memref<8192xi32, #tpu.memory_space<vmem>>, vector<16xi32>,
        %shift_left3A_579 = arith.constant 13 : i32
        %shift_left3A_580 = vector.broadcast %shift_left3A_579 : i32 to vector<16xi32>
        %shift_left3A_581 = arith.shli %convert_element_type3A_479, %shift_left3A_580 : vector<16xi32>
        %sub3A_582 = arith.constant 1 : i32
        %sub3A_583 = vector.broadcast %sub3A_582 : i32 to vector<16xi32>
        %sub3A_584 = arith.subi %unique3A_509, %sub3A_583 : vector<16xi32>
        %add3A_585 = arith.addi %gather3A_519, %sub3A_584 : vector<16xi32>
        %or3A_586 = arith.ori %shift_left3A_581, %add3A_585 : vector<16xi32>
        %swap3A_587 = arith.index_cast %mul3A_341 : i32 to index
        %swap3A_588 = tpu.vector_load %arg27[%swap3A_587] {strides = array<i32>} : memref<8192xi32, #tpu.memory_space<vmem>>, vector<16xi32>,
        tpu.vector_store %arg27[%swap3A_587], %or3A_586 {strides = array<i32>} : memref<8192xi32, #tpu.memory_space<vmem>>, vector<16xi32>,
        %shift_left3A_589 = arith.constant 13 : i32
        %shift_left3A_590 = vector.broadcast %shift_left3A_589 : i32 to vector<16xi32>
        %shift_left3A_591 = arith.shli %convert_element_type3A_482, %shift_left3A_590 : vector<16xi32>
        %sub3A_592 = arith.constant 1 : i32
        %sub3A_593 = vector.broadcast %sub3A_592 : i32 to vector<16xi32>
        %sub3A_594 = arith.subi %unique3A_513, %sub3A_593 : vector<16xi32>
        %add3A_595 = arith.addi %gather3A_520, %sub3A_594 : vector<16xi32>
        %or3A_596 = arith.ori %shift_left3A_591, %add3A_595 : vector<16xi32>
        %swap3A_597 = arith.index_cast %mul3A_347 : i32 to index
        %swap3A_598 = tpu.vector_load %arg27[%swap3A_597] {strides = array<i32>} : memref<8192xi32, #tpu.memory_space<vmem>>, vector<16xi32>,
        tpu.vector_store %arg27[%swap3A_597], %or3A_596 {strides = array<i32>} : memref<8192xi32, #tpu.memory_space<vmem>>, vector<16xi32>,
        %sub3A_599 = arith.subf %get3A_413, %get3A_429 : vector<16xf32>
        %max3A = arith.constant 0.000000e+00 : f32
        %max3A_600 = vector.broadcast %max3A : f32 to vector<16xf32>
        %max3A_601 = arith.maximumf %sub3A_599, %max3A_600 : vector<16xf32>
        %sub3A_602 = arith.subf %get3A_415, %get3A_431 : vector<16xf32>
        %max3A_603 = arith.constant 0.000000e+00 : f32
        %max3A_604 = vector.broadcast %max3A_603 : f32 to vector<16xf32>
        %max3A_605 = arith.maximumf %sub3A_602, %max3A_604 : vector<16xf32>
        %sub3A_606 = arith.subf %get3A_417, %get3A_433 : vector<16xf32>
        %max3A_607 = arith.constant 0.000000e+00 : f32
        %max3A_608 = vector.broadcast %max3A_607 : f32 to vector<16xf32>
        %max3A_609 = arith.maximumf %sub3A_606, %max3A_608 : vector<16xf32>
        %sub3A_610 = arith.subf %get3A_419, %get3A_435 : vector<16xf32>
        %max3A_611 = arith.constant 0.000000e+00 : f32
        %max3A_612 = vector.broadcast %max3A_611 : f32 to vector<16xf32>
        %max3A_613 = arith.maximumf %sub3A_610, %max3A_612 : vector<16xf32>
        %sub3A_614 = arith.subf %get3A_421, %get3A_437 : vector<16xf32>
        %max3A_615 = arith.constant 0.000000e+00 : f32
        %max3A_616 = vector.broadcast %max3A_615 : f32 to vector<16xf32>
        %max3A_617 = arith.maximumf %sub3A_614, %max3A_616 : vector<16xf32>
        %sub3A_618 = arith.subf %get3A_423, %get3A_439 : vector<16xf32>
        %max3A_619 = arith.constant 0.000000e+00 : f32
        %max3A_620 = vector.broadcast %max3A_619 : f32 to vector<16xf32>
        %max3A_621 = arith.maximumf %sub3A_618, %max3A_620 : vector<16xf32>
        %sub3A_622 = arith.subf %get3A_425, %get3A_441 : vector<16xf32>
        %max3A_623 = arith.constant 0.000000e+00 : f32
        %max3A_624 = vector.broadcast %max3A_623 : f32 to vector<16xf32>
        %max3A_625 = arith.maximumf %sub3A_622, %max3A_624 : vector<16xf32>
        %sub3A_626 = arith.subf %get3A_427, %get3A_443 : vector<16xf32>
        %max3A_627 = arith.constant 0.000000e+00 : f32
        %max3A_628 = vector.broadcast %max3A_627 : f32 to vector<16xf32>
        %max3A_629 = arith.maximumf %sub3A_626, %max3A_628 : vector<16xf32>
        %add3A_630 = arith.addf %max3A_601, %max3A_605 : vector<16xf32>
        %add3A_631 = arith.addf %max3A_609, %max3A_613 : vector<16xf32>
        %add3A_632 = arith.addf %max3A_617, %max3A_621 : vector<16xf32>
        %add3A_633 = arith.addf %max3A_625, %max3A_629 : vector<16xf32>
        %add3A_634 = arith.addf %add3A_630, %add3A_631 : vector<16xf32>
        %add3A_635 = arith.addf %add3A_632, %add3A_633 : vector<16xf32>
        %add3A_636 = arith.addf %add3A_634, %add3A_635 : vector<16xf32>
        %add3A_637 = arith.addf %scan3A_299, %add3A_636 : vector<16xf32>
        scf.yield %add3A_637 : vector<16xf32>
      }
      %scan3A_209 = arith.constant 64 : i32
      %scan3A_210 = arith.constant 0 : i32
      %scan3A_211 = arith.constant 0 : i32
      %scan3A_212 = arith.constant 64 : i32
      %scan3A_213 = arith.addi %scan3A_211, %scan3A_212 : i32
      %scan3A_214 = arith.constant 4 : i32
      %scan3A_215 = scf.for %scan3A_298 = %scan3A_211 to %scan3A_213 step %scan3A_214 iter_args(%scan3A_299 = %scan3A_210) -> (i32)  : i32 {
        %mul3A_300 = arith.constant 16 : i32
        %mul3A_301 = arith.muli %scan3A_298, %mul3A_300 : i32
        %get3A_302 = arith.index_cast %mul3A_301 : i32 to index
        %get3A_303 = tpu.vector_load %arg11[%get3A_302] {strides = array<i32>} : memref<1040xi32, #tpu.memory_space<vmem>>, vector<16xi32>,
        %get3A_304 = arith.index_cast %mul3A_301 : i32 to index
        %get3A_305 = tpu.vector_load %arg12[%get3A_304] {strides = array<i32>} : memref<1040xi32, #tpu.memory_space<vmem>>, vector<16xi32>,
        %get3A_306 = arith.index_cast %mul3A_301 : i32 to index
        %get3A_307 = tpu.vector_load %arg13[%get3A_306] {strides = array<i32>} : memref<1040xi32, #tpu.memory_space<vmem>>, vector<16xi32>,
        %get3A_308 = arith.index_cast %mul3A_301 : i32 to index
        %get3A_309 = tpu.vector_load %arg14[%get3A_308] {strides = array<i32>} : memref<1040xi32, #tpu.memory_space<vmem>>, vector<16xi32>,
        %get3A_310 = arith.index_cast %mul3A_301 : i32 to index
        %get3A_311 = tpu.vector_load %arg15[%get3A_310] {strides = array<i32>} : memref<1040xi32, #tpu.memory_space<vmem>>, vector<16xi32>,
        %get3A_312 = arith.index_cast %mul3A_301 : i32 to index
        %get3A_313 = tpu.vector_load %arg16[%get3A_312] {strides = array<i32>} : memref<1040xi32, #tpu.memory_space<vmem>>, vector<16xi32>,
        %get3A_314 = arith.index_cast %mul3A_301 : i32 to index
        %get3A_315 = tpu.vector_load %arg17[%get3A_314] {strides = array<i32>} : memref<1040xi32, #tpu.memory_space<vmem>>, vector<16xi32>,
        %get3A_316 = arith.index_cast %mul3A_301 : i32 to index
        %get3A_317 = tpu.vector_load %arg18[%get3A_316] {strides = array<i32>} : memref<1040xi32, #tpu.memory_space<vmem>>, vector<16xi32>,
        %add3A_318 = arith.addi %get3A_303, %get3A_305 : vector<16xi32>
        %add3A_319 = arith.addi %get3A_307, %get3A_309 : vector<16xi32>
        %add3A_320 = arith.addi %get3A_311, %get3A_313 : vector<16xi32>
        %add3A_321 = arith.addi %get3A_315, %get3A_317 : vector<16xi32>
        %add3A_322 = arith.addi %add3A_318, %add3A_319 : vector<16xi32>
        %add3A_323 = arith.addi %add3A_320, %add3A_321 : vector<16xi32>
        %add3A_324 = arith.addi %add3A_322, %add3A_323 : vector<16xi32>
        %broadcast_in_dim3A_325 = arith.constant true
        %broadcast_in_dim3A_326 = vector.broadcast %broadcast_in_dim3A_325 : i1 to vector<16xi1>
        %masked_cumsum3A_327 = tpu.scan <sum>, %add3A_324 masked %broadcast_in_dim3A_326 : vector<16xi32>, vector<16xi1> -> vector<16xi32>
        %sub3A_328 = arith.subi %masked_cumsum3A_327, %add3A_324 : vector<16xi32>
        %add3A_329 = vector.broadcast %scan3A_299 : i32 to vector<16xi32>
        %add3A_330 = arith.addi %sub3A_328, %add3A_329 : vector<16xi32>
        %swap3A_331 = arith.index_cast %mul3A_301 : i32 to index
        %swap3A_332 = tpu.vector_load %arg19[%swap3A_331] {strides = array<i32>} : memref<1040xi32, #tpu.memory_space<vmem>>, vector<16xi32>,
        tpu.vector_store %arg19[%swap3A_331], %add3A_330 {strides = array<i32>} : memref<1040xi32, #tpu.memory_space<vmem>>, vector<16xi32>,
        %add3A_333 = arith.addi %add3A_330, %get3A_303 : vector<16xi32>
        %swap3A_334 = arith.index_cast %mul3A_301 : i32 to index
        %swap3A_335 = tpu.vector_load %arg20[%swap3A_334] {strides = array<i32>} : memref<1040xi32, #tpu.memory_space<vmem>>, vector<16xi32>,
        tpu.vector_store %arg20[%swap3A_334], %add3A_333 {strides = array<i32>} : memref<1040xi32, #tpu.memory_space<vmem>>, vector<16xi32>,
        %add3A_336 = arith.addi %add3A_333, %get3A_305 : vector<16xi32>
        %swap3A_337 = arith.index_cast %mul3A_301 : i32 to index
        %swap3A_338 = tpu.vector_load %arg21[%swap3A_337] {strides = array<i32>} : memref<1040xi32, #tpu.memory_space<vmem>>, vector<16xi32>,
        tpu.vector_store %arg21[%swap3A_337], %add3A_336 {strides = array<i32>} : memref<1040xi32, #tpu.memory_space<vmem>>, vector<16xi32>,
        %add3A_339 = arith.addi %add3A_336, %get3A_307 : vector<16xi32>
        %swap3A_340 = arith.index_cast %mul3A_301 : i32 to index
        %swap3A_341 = tpu.vector_load %arg22[%swap3A_340] {strides = array<i32>} : memref<1040xi32, #tpu.memory_space<vmem>>, vector<16xi32>,
        tpu.vector_store %arg22[%swap3A_340], %add3A_339 {strides = array<i32>} : memref<1040xi32, #tpu.memory_space<vmem>>, vector<16xi32>,
        %add3A_342 = arith.addi %add3A_339, %get3A_309 : vector<16xi32>
        %swap3A_343 = arith.index_cast %mul3A_301 : i32 to index
        %swap3A_344 = tpu.vector_load %arg23[%swap3A_343] {strides = array<i32>} : memref<1040xi32, #tpu.memory_space<vmem>>, vector<16xi32>,
        tpu.vector_store %arg23[%swap3A_343], %add3A_342 {strides = array<i32>} : memref<1040xi32, #tpu.memory_space<vmem>>, vector<16xi32>,
        %add3A_345 = arith.addi %add3A_342, %get3A_311 : vector<16xi32>
        %swap3A_346 = arith.index_cast %mul3A_301 : i32 to index
        %swap3A_347 = tpu.vector_load %arg24[%swap3A_346] {strides = array<i32>} : memref<1040xi32, #tpu.memory_space<vmem>>, vector<16xi32>,
        tpu.vector_store %arg24[%swap3A_346], %add3A_345 {strides = array<i32>} : memref<1040xi32, #tpu.memory_space<vmem>>, vector<16xi32>,
        %add3A_348 = arith.addi %add3A_345, %get3A_313 : vector<16xi32>
        %swap3A_349 = arith.index_cast %mul3A_301 : i32 to index
        %swap3A_350 = tpu.vector_load %arg25[%swap3A_349] {strides = array<i32>} : memref<1040xi32, #tpu.memory_space<vmem>>, vector<16xi32>,
        tpu.vector_store %arg25[%swap3A_349], %add3A_348 {strides = array<i32>} : memref<1040xi32, #tpu.memory_space<vmem>>, vector<16xi32>,
        %add3A_351 = arith.addi %add3A_348, %get3A_315 : vector<16xi32>
        %swap3A_352 = arith.index_cast %mul3A_301 : i32 to index
        %swap3A_353 = tpu.vector_load %arg26[%swap3A_352] {strides = array<i32>} : memref<1040xi32, #tpu.memory_space<vmem>>, vector<16xi32>,
        tpu.vector_store %arg26[%swap3A_352], %add3A_351 {strides = array<i32>} : memref<1040xi32, #tpu.memory_space<vmem>>, vector<16xi32>,
        %swap3A_354 = arith.index_cast %mul3A_301 : i32 to index
        %swap3A_355 = tpu.vector_load %arg11[%swap3A_354] {strides = array<i32>} : memref<1040xi32, #tpu.memory_space<vmem>>, vector<16xi32>,
        tpu.vector_store %arg11[%swap3A_354], %broadcast_in_dim3A_1 {strides = array<i32>} : memref<1040xi32, #tpu.memory_space<vmem>>, vector<16xi32>,
        %swap3A_356 = arith.index_cast %mul3A_301 : i32 to index
        %swap3A_357 = tpu.vector_load %arg12[%swap3A_356] {strides = array<i32>} : memref<1040xi32, #tpu.memory_space<vmem>>, vector<16xi32>,
        tpu.vector_store %arg12[%swap3A_356], %broadcast_in_dim3A_1 {strides = array<i32>} : memref<1040xi32, #tpu.memory_space<vmem>>, vector<16xi32>,
        %swap3A_358 = arith.index_cast %mul3A_301 : i32 to index
        %swap3A_359 = tpu.vector_load %arg13[%swap3A_358] {strides = array<i32>} : memref<1040xi32, #tpu.memory_space<vmem>>, vector<16xi32>,
        tpu.vector_store %arg13[%swap3A_358], %broadcast_in_dim3A_1 {strides = array<i32>} : memref<1040xi32, #tpu.memory_space<vmem>>, vector<16xi32>,
        %swap3A_360 = arith.index_cast %mul3A_301 : i32 to index
        %swap3A_361 = tpu.vector_load %arg14[%swap3A_360] {strides = array<i32>} : memref<1040xi32, #tpu.memory_space<vmem>>, vector<16xi32>,
        tpu.vector_store %arg14[%swap3A_360], %broadcast_in_dim3A_1 {strides = array<i32>} : memref<1040xi32, #tpu.memory_space<vmem>>, vector<16xi32>,
        %swap3A_362 = arith.index_cast %mul3A_301 : i32 to index
        %swap3A_363 = tpu.vector_load %arg15[%swap3A_362] {strides = array<i32>} : memref<1040xi32, #tpu.memory_space<vmem>>, vector<16xi32>,
        tpu.vector_store %arg15[%swap3A_362], %broadcast_in_dim3A_1 {strides = array<i32>} : memref<1040xi32, #tpu.memory_space<vmem>>, vector<16xi32>,
        %swap3A_364 = arith.index_cast %mul3A_301 : i32 to index
        %swap3A_365 = tpu.vector_load %arg16[%swap3A_364] {strides = array<i32>} : memref<1040xi32, #tpu.memory_space<vmem>>, vector<16xi32>,
        tpu.vector_store %arg16[%swap3A_364], %broadcast_in_dim3A_1 {strides = array<i32>} : memref<1040xi32, #tpu.memory_space<vmem>>, vector<16xi32>,
        %swap3A_366 = arith.index_cast %mul3A_301 : i32 to index
        %swap3A_367 = tpu.vector_load %arg17[%swap3A_366] {strides = array<i32>} : memref<1040xi32, #tpu.memory_space<vmem>>, vector<16xi32>,
        tpu.vector_store %arg17[%swap3A_366], %broadcast_in_dim3A_1 {strides = array<i32>} : memref<1040xi32, #tpu.memory_space<vmem>>, vector<16xi32>,
        %swap3A_368 = arith.index_cast %mul3A_301 : i32 to index
        %swap3A_369 = tpu.vector_load %arg18[%swap3A_368] {strides = array<i32>} : memref<1040xi32, #tpu.memory_space<vmem>>, vector<16xi32>,
        tpu.vector_store %arg18[%swap3A_368], %broadcast_in_dim3A_1 {strides = array<i32>} : memref<1040xi32, #tpu.memory_space<vmem>>, vector<16xi32>,
        %slice3A_370 = vector.extract_strided_slice %masked_cumsum3A_327 {offsets = [15], sizes = [1], strides = [1]} : vector<16xi32> to vector<1xi32>
        %squeeze3A_371 = vector.extract %slice3A_370[0] : i32 from vector<1xi32>
        %add3A_372 = arith.addi %scan3A_299, %squeeze3A_371 : i32
        %scan3A_373 = arith.constant 1 : i32
        %scan3A_374 = arith.addi %scan3A_298, %scan3A_373 : i32
        %mul3A_375 = arith.constant 16 : i32
        %mul3A_376 = arith.muli %scan3A_374, %mul3A_375 : i32
        %get3A_377 = arith.index_cast %mul3A_376 : i32 to index
        %get3A_378 = tpu.vector_load %arg11[%get3A_377] {strides = array<i32>} : memref<1040xi32, #tpu.memory_space<vmem>>, vector<16xi32>,
        %get3A_379 = arith.index_cast %mul3A_376 : i32 to index
        %get3A_380 = tpu.vector_load %arg12[%get3A_379] {strides = array<i32>} : memref<1040xi32, #tpu.memory_space<vmem>>, vector<16xi32>,
        %get3A_381 = arith.index_cast %mul3A_376 : i32 to index
        %get3A_382 = tpu.vector_load %arg13[%get3A_381] {strides = array<i32>} : memref<1040xi32, #tpu.memory_space<vmem>>, vector<16xi32>,
        %get3A_383 = arith.index_cast %mul3A_376 : i32 to index
        %get3A_384 = tpu.vector_load %arg14[%get3A_383] {strides = array<i32>} : memref<1040xi32, #tpu.memory_space<vmem>>, vector<16xi32>,
        %get3A_385 = arith.index_cast %mul3A_376 : i32 to index
        %get3A_386 = tpu.vector_load %arg15[%get3A_385] {strides = array<i32>} : memref<1040xi32, #tpu.memory_space<vmem>>, vector<16xi32>,
        %get3A_387 = arith.index_cast %mul3A_376 : i32 to index
        %get3A_388 = tpu.vector_load %arg16[%get3A_387] {strides = array<i32>} : memref<1040xi32, #tpu.memory_space<vmem>>, vector<16xi32>,
        %get3A_389 = arith.index_cast %mul3A_376 : i32 to index
        %get3A_390 = tpu.vector_load %arg17[%get3A_389] {strides = array<i32>} : memref<1040xi32, #tpu.memory_space<vmem>>, vector<16xi32>,
        %get3A_391 = arith.index_cast %mul3A_376 : i32 to index
        %get3A_392 = tpu.vector_load %arg18[%get3A_391] {strides = array<i32>} : memref<1040xi32, #tpu.memory_space<vmem>>, vector<16xi32>,
        %add3A_393 = arith.addi %get3A_378, %get3A_380 : vector<16xi32>
        %add3A_394 = arith.addi %get3A_382, %get3A_384 : vector<16xi32>
        %add3A_395 = arith.addi %get3A_386, %get3A_388 : vector<16xi32>
        %add3A_396 = arith.addi %get3A_390, %get3A_392 : vector<16xi32>
        %add3A_397 = arith.addi %add3A_393, %add3A_394 : vector<16xi32>
        %add3A_398 = arith.addi %add3A_395, %add3A_396 : vector<16xi32>
        %add3A_399 = arith.addi %add3A_397, %add3A_398 : vector<16xi32>
        %broadcast_in_dim3A_400 = arith.constant true
        %broadcast_in_dim3A_401 = vector.broadcast %broadcast_in_dim3A_400 : i1 to vector<16xi1>
        %masked_cumsum3A_402 = tpu.scan <sum>, %add3A_399 masked %broadcast_in_dim3A_401 : vector<16xi32>, vector<16xi1> -> vector<16xi32>
        %sub3A_403 = arith.subi %masked_cumsum3A_402, %add3A_399 : vector<16xi32>
        %add3A_404 = vector.broadcast %add3A_372 : i32 to vector<16xi32>
        %add3A_405 = arith.addi %sub3A_403, %add3A_404 : vector<16xi32>
        %swap3A_406 = arith.index_cast %mul3A_376 : i32 to index
        %swap3A_407 = tpu.vector_load %arg19[%swap3A_406] {strides = array<i32>} : memref<1040xi32, #tpu.memory_space<vmem>>, vector<16xi32>,
        tpu.vector_store %arg19[%swap3A_406], %add3A_405 {strides = array<i32>} : memref<1040xi32, #tpu.memory_space<vmem>>, vector<16xi32>,
        %add3A_408 = arith.addi %add3A_405, %get3A_378 : vector<16xi32>
        %swap3A_409 = arith.index_cast %mul3A_376 : i32 to index
        %swap3A_410 = tpu.vector_load %arg20[%swap3A_409] {strides = array<i32>} : memref<1040xi32, #tpu.memory_space<vmem>>, vector<16xi32>,
        tpu.vector_store %arg20[%swap3A_409], %add3A_408 {strides = array<i32>} : memref<1040xi32, #tpu.memory_space<vmem>>, vector<16xi32>,
        %add3A_411 = arith.addi %add3A_408, %get3A_380 : vector<16xi32>
        %swap3A_412 = arith.index_cast %mul3A_376 : i32 to index
        %swap3A_413 = tpu.vector_load %arg21[%swap3A_412] {strides = array<i32>} : memref<1040xi32, #tpu.memory_space<vmem>>, vector<16xi32>,
        tpu.vector_store %arg21[%swap3A_412], %add3A_411 {strides = array<i32>} : memref<1040xi32, #tpu.memory_space<vmem>>, vector<16xi32>,
        %add3A_414 = arith.addi %add3A_411, %get3A_382 : vector<16xi32>
        %swap3A_415 = arith.index_cast %mul3A_376 : i32 to index
        %swap3A_416 = tpu.vector_load %arg22[%swap3A_415] {strides = array<i32>} : memref<1040xi32, #tpu.memory_space<vmem>>, vector<16xi32>,
        tpu.vector_store %arg22[%swap3A_415], %add3A_414 {strides = array<i32>} : memref<1040xi32, #tpu.memory_space<vmem>>, vector<16xi32>,
        %add3A_417 = arith.addi %add3A_414, %get3A_384 : vector<16xi32>
        %swap3A_418 = arith.index_cast %mul3A_376 : i32 to index
        %swap3A_419 = tpu.vector_load %arg23[%swap3A_418] {strides = array<i32>} : memref<1040xi32, #tpu.memory_space<vmem>>, vector<16xi32>,
        tpu.vector_store %arg23[%swap3A_418], %add3A_417 {strides = array<i32>} : memref<1040xi32, #tpu.memory_space<vmem>>, vector<16xi32>,
        %add3A_420 = arith.addi %add3A_417, %get3A_386 : vector<16xi32>
        %swap3A_421 = arith.index_cast %mul3A_376 : i32 to index
        %swap3A_422 = tpu.vector_load %arg24[%swap3A_421] {strides = array<i32>} : memref<1040xi32, #tpu.memory_space<vmem>>, vector<16xi32>,
        tpu.vector_store %arg24[%swap3A_421], %add3A_420 {strides = array<i32>} : memref<1040xi32, #tpu.memory_space<vmem>>, vector<16xi32>,
        %add3A_423 = arith.addi %add3A_420, %get3A_388 : vector<16xi32>
        %swap3A_424 = arith.index_cast %mul3A_376 : i32 to index
        %swap3A_425 = tpu.vector_load %arg25[%swap3A_424] {strides = array<i32>} : memref<1040xi32, #tpu.memory_space<vmem>>, vector<16xi32>,
        tpu.vector_store %arg25[%swap3A_424], %add3A_423 {strides = array<i32>} : memref<1040xi32, #tpu.memory_space<vmem>>, vector<16xi32>,
        %add3A_426 = arith.addi %add3A_423, %get3A_390 : vector<16xi32>
        %swap3A_427 = arith.index_cast %mul3A_376 : i32 to index
        %swap3A_428 = tpu.vector_load %arg26[%swap3A_427] {strides = array<i32>} : memref<1040xi32, #tpu.memory_space<vmem>>, vector<16xi32>,
        tpu.vector_store %arg26[%swap3A_427], %add3A_426 {strides = array<i32>} : memref<1040xi32, #tpu.memory_space<vmem>>, vector<16xi32>,
        %swap3A_429 = arith.index_cast %mul3A_376 : i32 to index
        %swap3A_430 = tpu.vector_load %arg11[%swap3A_429] {strides = array<i32>} : memref<1040xi32, #tpu.memory_space<vmem>>, vector<16xi32>,
        tpu.vector_store %arg11[%swap3A_429], %broadcast_in_dim3A_1 {strides = array<i32>} : memref<1040xi32, #tpu.memory_space<vmem>>, vector<16xi32>,
        %swap3A_431 = arith.index_cast %mul3A_376 : i32 to index
        %swap3A_432 = tpu.vector_load %arg12[%swap3A_431] {strides = array<i32>} : memref<1040xi32, #tpu.memory_space<vmem>>, vector<16xi32>,
        tpu.vector_store %arg12[%swap3A_431], %broadcast_in_dim3A_1 {strides = array<i32>} : memref<1040xi32, #tpu.memory_space<vmem>>, vector<16xi32>,
        %swap3A_433 = arith.index_cast %mul3A_376 : i32 to index
        %swap3A_434 = tpu.vector_load %arg13[%swap3A_433] {strides = array<i32>} : memref<1040xi32, #tpu.memory_space<vmem>>, vector<16xi32>,
        tpu.vector_store %arg13[%swap3A_433], %broadcast_in_dim3A_1 {strides = array<i32>} : memref<1040xi32, #tpu.memory_space<vmem>>, vector<16xi32>,
        %swap3A_435 = arith.index_cast %mul3A_376 : i32 to index
        %swap3A_436 = tpu.vector_load %arg14[%swap3A_435] {strides = array<i32>} : memref<1040xi32, #tpu.memory_space<vmem>>, vector<16xi32>,
        tpu.vector_store %arg14[%swap3A_435], %broadcast_in_dim3A_1 {strides = array<i32>} : memref<1040xi32, #tpu.memory_space<vmem>>, vector<16xi32>,
        %swap3A_437 = arith.index_cast %mul3A_376 : i32 to index
        %swap3A_438 = tpu.vector_load %arg15[%swap3A_437] {strides = array<i32>} : memref<1040xi32, #tpu.memory_space<vmem>>, vector<16xi32>,
        tpu.vector_store %arg15[%swap3A_437], %broadcast_in_dim3A_1 {strides = array<i32>} : memref<1040xi32, #tpu.memory_space<vmem>>, vector<16xi32>,
        %swap3A_439 = arith.index_cast %mul3A_376 : i32 to index
        %swap3A_440 = tpu.vector_load %arg16[%swap3A_439] {strides = array<i32>} : memref<1040xi32, #tpu.memory_space<vmem>>, vector<16xi32>,
        tpu.vector_store %arg16[%swap3A_439], %broadcast_in_dim3A_1 {strides = array<i32>} : memref<1040xi32, #tpu.memory_space<vmem>>, vector<16xi32>,
        %swap3A_441 = arith.index_cast %mul3A_376 : i32 to index
        %swap3A_442 = tpu.vector_load %arg17[%swap3A_441] {strides = array<i32>} : memref<1040xi32, #tpu.memory_space<vmem>>, vector<16xi32>,
        tpu.vector_store %arg17[%swap3A_441], %broadcast_in_dim3A_1 {strides = array<i32>} : memref<1040xi32, #tpu.memory_space<vmem>>, vector<16xi32>,
        %swap3A_443 = arith.index_cast %mul3A_376 : i32 to index
        %swap3A_444 = tpu.vector_load %arg18[%swap3A_443] {strides = array<i32>} : memref<1040xi32, #tpu.memory_space<vmem>>, vector<16xi32>,
        tpu.vector_store %arg18[%swap3A_443], %broadcast_in_dim3A_1 {strides = array<i32>} : memref<1040xi32, #tpu.memory_space<vmem>>, vector<16xi32>,
        %slice3A_445 = vector.extract_strided_slice %masked_cumsum3A_402 {offsets = [15], sizes = [1], strides = [1]} : vector<16xi32> to vector<1xi32>
        %squeeze3A_446 = vector.extract %slice3A_445[0] : i32 from vector<1xi32>
        %add3A_447 = arith.addi %add3A_372, %squeeze3A_446 : i32
        %scan3A_448 = arith.constant 2 : i32
        %scan3A_449 = arith.addi %scan3A_298, %scan3A_448 : i32
        %mul3A_450 = arith.constant 16 : i32
        %mul3A_451 = arith.muli %scan3A_449, %mul3A_450 : i32
        %get3A_452 = arith.index_cast %mul3A_451 : i32 to index
        %get3A_453 = tpu.vector_load %arg11[%get3A_452] {strides = array<i32>} : memref<1040xi32, #tpu.memory_space<vmem>>, vector<16xi32>,
        %get3A_454 = arith.index_cast %mul3A_451 : i32 to index
        %get3A_455 = tpu.vector_load %arg12[%get3A_454] {strides = array<i32>} : memref<1040xi32, #tpu.memory_space<vmem>>, vector<16xi32>,
        %get3A_456 = arith.index_cast %mul3A_451 : i32 to index
        %get3A_457 = tpu.vector_load %arg13[%get3A_456] {strides = array<i32>} : memref<1040xi32, #tpu.memory_space<vmem>>, vector<16xi32>,
        %get3A_458 = arith.index_cast %mul3A_451 : i32 to index
        %get3A_459 = tpu.vector_load %arg14[%get3A_458] {strides = array<i32>} : memref<1040xi32, #tpu.memory_space<vmem>>, vector<16xi32>,
        %get3A_460 = arith.index_cast %mul3A_451 : i32 to index
        %get3A_461 = tpu.vector_load %arg15[%get3A_460] {strides = array<i32>} : memref<1040xi32, #tpu.memory_space<vmem>>, vector<16xi32>,
        %get3A_462 = arith.index_cast %mul3A_451 : i32 to index
        %get3A_463 = tpu.vector_load %arg16[%get3A_462] {strides = array<i32>} : memref<1040xi32, #tpu.memory_space<vmem>>, vector<16xi32>,
        %get3A_464 = arith.index_cast %mul3A_451 : i32 to index
        %get3A_465 = tpu.vector_load %arg17[%get3A_464] {strides = array<i32>} : memref<1040xi32, #tpu.memory_space<vmem>>, vector<16xi32>,
        %get3A_466 = arith.index_cast %mul3A_451 : i32 to index
        %get3A_467 = tpu.vector_load %arg18[%get3A_466] {strides = array<i32>} : memref<1040xi32, #tpu.memory_space<vmem>>, vector<16xi32>,
        %add3A_468 = arith.addi %get3A_453, %get3A_455 : vector<16xi32>
        %add3A_469 = arith.addi %get3A_457, %get3A_459 : vector<16xi32>
        %add3A_470 = arith.addi %get3A_461, %get3A_463 : vector<16xi32>
        %add3A_471 = arith.addi %get3A_465, %get3A_467 : vector<16xi32>
        %add3A_472 = arith.addi %add3A_468, %add3A_469 : vector<16xi32>
        %add3A_473 = arith.addi %add3A_470, %add3A_471 : vector<16xi32>
        %add3A_474 = arith.addi %add3A_472, %add3A_473 : vector<16xi32>
        %broadcast_in_dim3A_475 = arith.constant true
        %broadcast_in_dim3A_476 = vector.broadcast %broadcast_in_dim3A_475 : i1 to vector<16xi1>
        %masked_cumsum3A_477 = tpu.scan <sum>, %add3A_474 masked %broadcast_in_dim3A_476 : vector<16xi32>, vector<16xi1> -> vector<16xi32>
        %sub3A_478 = arith.subi %masked_cumsum3A_477, %add3A_474 : vector<16xi32>
        %add3A_479 = vector.broadcast %add3A_447 : i32 to vector<16xi32>
        %add3A_480 = arith.addi %sub3A_478, %add3A_479 : vector<16xi32>
        %swap3A_481 = arith.index_cast %mul3A_451 : i32 to index
        %swap3A_482 = tpu.vector_load %arg19[%swap3A_481] {strides = array<i32>} : memref<1040xi32, #tpu.memory_space<vmem>>, vector<16xi32>,
        tpu.vector_store %arg19[%swap3A_481], %add3A_480 {strides = array<i32>} : memref<1040xi32, #tpu.memory_space<vmem>>, vector<16xi32>,
        %add3A_483 = arith.addi %add3A_480, %get3A_453 : vector<16xi32>
        %swap3A_484 = arith.index_cast %mul3A_451 : i32 to index
        %swap3A_485 = tpu.vector_load %arg20[%swap3A_484] {strides = array<i32>} : memref<1040xi32, #tpu.memory_space<vmem>>, vector<16xi32>,
        tpu.vector_store %arg20[%swap3A_484], %add3A_483 {strides = array<i32>} : memref<1040xi32, #tpu.memory_space<vmem>>, vector<16xi32>,
        %add3A_486 = arith.addi %add3A_483, %get3A_455 : vector<16xi32>
        %swap3A_487 = arith.index_cast %mul3A_451 : i32 to index
        %swap3A_488 = tpu.vector_load %arg21[%swap3A_487] {strides = array<i32>} : memref<1040xi32, #tpu.memory_space<vmem>>, vector<16xi32>,
        tpu.vector_store %arg21[%swap3A_487], %add3A_486 {strides = array<i32>} : memref<1040xi32, #tpu.memory_space<vmem>>, vector<16xi32>,
        %add3A_489 = arith.addi %add3A_486, %get3A_457 : vector<16xi32>
        %swap3A_490 = arith.index_cast %mul3A_451 : i32 to index
        %swap3A_491 = tpu.vector_load %arg22[%swap3A_490] {strides = array<i32>} : memref<1040xi32, #tpu.memory_space<vmem>>, vector<16xi32>,
        tpu.vector_store %arg22[%swap3A_490], %add3A_489 {strides = array<i32>} : memref<1040xi32, #tpu.memory_space<vmem>>, vector<16xi32>,
        %add3A_492 = arith.addi %add3A_489, %get3A_459 : vector<16xi32>
        %swap3A_493 = arith.index_cast %mul3A_451 : i32 to index
        %swap3A_494 = tpu.vector_load %arg23[%swap3A_493] {strides = array<i32>} : memref<1040xi32, #tpu.memory_space<vmem>>, vector<16xi32>,
        tpu.vector_store %arg23[%swap3A_493], %add3A_492 {strides = array<i32>} : memref<1040xi32, #tpu.memory_space<vmem>>, vector<16xi32>,
        %add3A_495 = arith.addi %add3A_492, %get3A_461 : vector<16xi32>
        %swap3A_496 = arith.index_cast %mul3A_451 : i32 to index
        %swap3A_497 = tpu.vector_load %arg24[%swap3A_496] {strides = array<i32>} : memref<1040xi32, #tpu.memory_space<vmem>>, vector<16xi32>,
        tpu.vector_store %arg24[%swap3A_496], %add3A_495 {strides = array<i32>} : memref<1040xi32, #tpu.memory_space<vmem>>, vector<16xi32>,
        %add3A_498 = arith.addi %add3A_495, %get3A_463 : vector<16xi32>
        %swap3A_499 = arith.index_cast %mul3A_451 : i32 to index
        %swap3A_500 = tpu.vector_load %arg25[%swap3A_499] {strides = array<i32>} : memref<1040xi32, #tpu.memory_space<vmem>>, vector<16xi32>,
        tpu.vector_store %arg25[%swap3A_499], %add3A_498 {strides = array<i32>} : memref<1040xi32, #tpu.memory_space<vmem>>, vector<16xi32>,
        %add3A_501 = arith.addi %add3A_498, %get3A_465 : vector<16xi32>
        %swap3A_502 = arith.index_cast %mul3A_451 : i32 to index
        %swap3A_503 = tpu.vector_load %arg26[%swap3A_502] {strides = array<i32>} : memref<1040xi32, #tpu.memory_space<vmem>>, vector<16xi32>,
        tpu.vector_store %arg26[%swap3A_502], %add3A_501 {strides = array<i32>} : memref<1040xi32, #tpu.memory_space<vmem>>, vector<16xi32>,
        %swap3A_504 = arith.index_cast %mul3A_451 : i32 to index
        %swap3A_505 = tpu.vector_load %arg11[%swap3A_504] {strides = array<i32>} : memref<1040xi32, #tpu.memory_space<vmem>>, vector<16xi32>,
        tpu.vector_store %arg11[%swap3A_504], %broadcast_in_dim3A_1 {strides = array<i32>} : memref<1040xi32, #tpu.memory_space<vmem>>, vector<16xi32>,
        %swap3A_506 = arith.index_cast %mul3A_451 : i32 to index
        %swap3A_507 = tpu.vector_load %arg12[%swap3A_506] {strides = array<i32>} : memref<1040xi32, #tpu.memory_space<vmem>>, vector<16xi32>,
        tpu.vector_store %arg12[%swap3A_506], %broadcast_in_dim3A_1 {strides = array<i32>} : memref<1040xi32, #tpu.memory_space<vmem>>, vector<16xi32>,
        %swap3A_508 = arith.index_cast %mul3A_451 : i32 to index
        %swap3A_509 = tpu.vector_load %arg13[%swap3A_508] {strides = array<i32>} : memref<1040xi32, #tpu.memory_space<vmem>>, vector<16xi32>,
        tpu.vector_store %arg13[%swap3A_508], %broadcast_in_dim3A_1 {strides = array<i32>} : memref<1040xi32, #tpu.memory_space<vmem>>, vector<16xi32>,
        %swap3A_510 = arith.index_cast %mul3A_451 : i32 to index
        %swap3A_511 = tpu.vector_load %arg14[%swap3A_510] {strides = array<i32>} : memref<1040xi32, #tpu.memory_space<vmem>>, vector<16xi32>,
        tpu.vector_store %arg14[%swap3A_510], %broadcast_in_dim3A_1 {strides = array<i32>} : memref<1040xi32, #tpu.memory_space<vmem>>, vector<16xi32>,
        %swap3A_512 = arith.index_cast %mul3A_451 : i32 to index
        %swap3A_513 = tpu.vector_load %arg15[%swap3A_512] {strides = array<i32>} : memref<1040xi32, #tpu.memory_space<vmem>>, vector<16xi32>,
        tpu.vector_store %arg15[%swap3A_512], %broadcast_in_dim3A_1 {strides = array<i32>} : memref<1040xi32, #tpu.memory_space<vmem>>, vector<16xi32>,
        %swap3A_514 = arith.index_cast %mul3A_451 : i32 to index
        %swap3A_515 = tpu.vector_load %arg16[%swap3A_514] {strides = array<i32>} : memref<1040xi32, #tpu.memory_space<vmem>>, vector<16xi32>,
        tpu.vector_store %arg16[%swap3A_514], %broadcast_in_dim3A_1 {strides = array<i32>} : memref<1040xi32, #tpu.memory_space<vmem>>, vector<16xi32>,
        %swap3A_516 = arith.index_cast %mul3A_451 : i32 to index
        %swap3A_517 = tpu.vector_load %arg17[%swap3A_516] {strides = array<i32>} : memref<1040xi32, #tpu.memory_space<vmem>>, vector<16xi32>,
        tpu.vector_store %arg17[%swap3A_516], %broadcast_in_dim3A_1 {strides = array<i32>} : memref<1040xi32, #tpu.memory_space<vmem>>, vector<16xi32>,
        %swap3A_518 = arith.index_cast %mul3A_451 : i32 to index
        %swap3A_519 = tpu.vector_load %arg18[%swap3A_518] {strides = array<i32>} : memref<1040xi32, #tpu.memory_space<vmem>>, vector<16xi32>,
        tpu.vector_store %arg18[%swap3A_518], %broadcast_in_dim3A_1 {strides = array<i32>} : memref<1040xi32, #tpu.memory_space<vmem>>, vector<16xi32>,
        %slice3A_520 = vector.extract_strided_slice %masked_cumsum3A_477 {offsets = [15], sizes = [1], strides = [1]} : vector<16xi32> to vector<1xi32>
        %squeeze3A_521 = vector.extract %slice3A_520[0] : i32 from vector<1xi32>
        %add3A_522 = arith.addi %add3A_447, %squeeze3A_521 : i32
        %scan3A_523 = arith.constant 3 : i32
        %scan3A_524 = arith.addi %scan3A_298, %scan3A_523 : i32
        %mul3A_525 = arith.constant 16 : i32
        %mul3A_526 = arith.muli %scan3A_524, %mul3A_525 : i32
        %get3A_527 = arith.index_cast %mul3A_526 : i32 to index
        %get3A_528 = tpu.vector_load %arg11[%get3A_527] {strides = array<i32>} : memref<1040xi32, #tpu.memory_space<vmem>>, vector<16xi32>,
        %get3A_529 = arith.index_cast %mul3A_526 : i32 to index
        %get3A_530 = tpu.vector_load %arg12[%get3A_529] {strides = array<i32>} : memref<1040xi32, #tpu.memory_space<vmem>>, vector<16xi32>,
        %get3A_531 = arith.index_cast %mul3A_526 : i32 to index
        %get3A_532 = tpu.vector_load %arg13[%get3A_531] {strides = array<i32>} : memref<1040xi32, #tpu.memory_space<vmem>>, vector<16xi32>,
        %get3A_533 = arith.index_cast %mul3A_526 : i32 to index
        %get3A_534 = tpu.vector_load %arg14[%get3A_533] {strides = array<i32>} : memref<1040xi32, #tpu.memory_space<vmem>>, vector<16xi32>,
        %get3A_535 = arith.index_cast %mul3A_526 : i32 to index
        %get3A_536 = tpu.vector_load %arg15[%get3A_535] {strides = array<i32>} : memref<1040xi32, #tpu.memory_space<vmem>>, vector<16xi32>,
        %get3A_537 = arith.index_cast %mul3A_526 : i32 to index
        %get3A_538 = tpu.vector_load %arg16[%get3A_537] {strides = array<i32>} : memref<1040xi32, #tpu.memory_space<vmem>>, vector<16xi32>,
        %get3A_539 = arith.index_cast %mul3A_526 : i32 to index
        %get3A_540 = tpu.vector_load %arg17[%get3A_539] {strides = array<i32>} : memref<1040xi32, #tpu.memory_space<vmem>>, vector<16xi32>,
        %get3A_541 = arith.index_cast %mul3A_526 : i32 to index
        %get3A_542 = tpu.vector_load %arg18[%get3A_541] {strides = array<i32>} : memref<1040xi32, #tpu.memory_space<vmem>>, vector<16xi32>,
        %add3A_543 = arith.addi %get3A_528, %get3A_530 : vector<16xi32>
        %add3A_544 = arith.addi %get3A_532, %get3A_534 : vector<16xi32>
        %add3A_545 = arith.addi %get3A_536, %get3A_538 : vector<16xi32>
        %add3A_546 = arith.addi %get3A_540, %get3A_542 : vector<16xi32>
        %add3A_547 = arith.addi %add3A_543, %add3A_544 : vector<16xi32>
        %add3A_548 = arith.addi %add3A_545, %add3A_546 : vector<16xi32>
        %add3A_549 = arith.addi %add3A_547, %add3A_548 : vector<16xi32>
        %broadcast_in_dim3A_550 = arith.constant true
        %broadcast_in_dim3A_551 = vector.broadcast %broadcast_in_dim3A_550 : i1 to vector<16xi1>
        %masked_cumsum3A_552 = tpu.scan <sum>, %add3A_549 masked %broadcast_in_dim3A_551 : vector<16xi32>, vector<16xi1> -> vector<16xi32>
        %sub3A_553 = arith.subi %masked_cumsum3A_552, %add3A_549 : vector<16xi32>
        %add3A_554 = vector.broadcast %add3A_522 : i32 to vector<16xi32>
        %add3A_555 = arith.addi %sub3A_553, %add3A_554 : vector<16xi32>
        %swap3A_556 = arith.index_cast %mul3A_526 : i32 to index
        %swap3A_557 = tpu.vector_load %arg19[%swap3A_556] {strides = array<i32>} : memref<1040xi32, #tpu.memory_space<vmem>>, vector<16xi32>,
        tpu.vector_store %arg19[%swap3A_556], %add3A_555 {strides = array<i32>} : memref<1040xi32, #tpu.memory_space<vmem>>, vector<16xi32>,
        %add3A_558 = arith.addi %add3A_555, %get3A_528 : vector<16xi32>
        %swap3A_559 = arith.index_cast %mul3A_526 : i32 to index
        %swap3A_560 = tpu.vector_load %arg20[%swap3A_559] {strides = array<i32>} : memref<1040xi32, #tpu.memory_space<vmem>>, vector<16xi32>,
        tpu.vector_store %arg20[%swap3A_559], %add3A_558 {strides = array<i32>} : memref<1040xi32, #tpu.memory_space<vmem>>, vector<16xi32>,
        %add3A_561 = arith.addi %add3A_558, %get3A_530 : vector<16xi32>
        %swap3A_562 = arith.index_cast %mul3A_526 : i32 to index
        %swap3A_563 = tpu.vector_load %arg21[%swap3A_562] {strides = array<i32>} : memref<1040xi32, #tpu.memory_space<vmem>>, vector<16xi32>,
        tpu.vector_store %arg21[%swap3A_562], %add3A_561 {strides = array<i32>} : memref<1040xi32, #tpu.memory_space<vmem>>, vector<16xi32>,
        %add3A_564 = arith.addi %add3A_561, %get3A_532 : vector<16xi32>
        %swap3A_565 = arith.index_cast %mul3A_526 : i32 to index
        %swap3A_566 = tpu.vector_load %arg22[%swap3A_565] {strides = array<i32>} : memref<1040xi32, #tpu.memory_space<vmem>>, vector<16xi32>,
        tpu.vector_store %arg22[%swap3A_565], %add3A_564 {strides = array<i32>} : memref<1040xi32, #tpu.memory_space<vmem>>, vector<16xi32>,
        %add3A_567 = arith.addi %add3A_564, %get3A_534 : vector<16xi32>
        %swap3A_568 = arith.index_cast %mul3A_526 : i32 to index
        %swap3A_569 = tpu.vector_load %arg23[%swap3A_568] {strides = array<i32>} : memref<1040xi32, #tpu.memory_space<vmem>>, vector<16xi32>,
        tpu.vector_store %arg23[%swap3A_568], %add3A_567 {strides = array<i32>} : memref<1040xi32, #tpu.memory_space<vmem>>, vector<16xi32>,
        %add3A_570 = arith.addi %add3A_567, %get3A_536 : vector<16xi32>
        %swap3A_571 = arith.index_cast %mul3A_526 : i32 to index
        %swap3A_572 = tpu.vector_load %arg24[%swap3A_571] {strides = array<i32>} : memref<1040xi32, #tpu.memory_space<vmem>>, vector<16xi32>,
        tpu.vector_store %arg24[%swap3A_571], %add3A_570 {strides = array<i32>} : memref<1040xi32, #tpu.memory_space<vmem>>, vector<16xi32>,
        %add3A_573 = arith.addi %add3A_570, %get3A_538 : vector<16xi32>
        %swap3A_574 = arith.index_cast %mul3A_526 : i32 to index
        %swap3A_575 = tpu.vector_load %arg25[%swap3A_574] {strides = array<i32>} : memref<1040xi32, #tpu.memory_space<vmem>>, vector<16xi32>,
        tpu.vector_store %arg25[%swap3A_574], %add3A_573 {strides = array<i32>} : memref<1040xi32, #tpu.memory_space<vmem>>, vector<16xi32>,
        %add3A_576 = arith.addi %add3A_573, %get3A_540 : vector<16xi32>
        %swap3A_577 = arith.index_cast %mul3A_526 : i32 to index
        %swap3A_578 = tpu.vector_load %arg26[%swap3A_577] {strides = array<i32>} : memref<1040xi32, #tpu.memory_space<vmem>>, vector<16xi32>,
        tpu.vector_store %arg26[%swap3A_577], %add3A_576 {strides = array<i32>} : memref<1040xi32, #tpu.memory_space<vmem>>, vector<16xi32>,
        %swap3A_579 = arith.index_cast %mul3A_526 : i32 to index
        %swap3A_580 = tpu.vector_load %arg11[%swap3A_579] {strides = array<i32>} : memref<1040xi32, #tpu.memory_space<vmem>>, vector<16xi32>,
        tpu.vector_store %arg11[%swap3A_579], %broadcast_in_dim3A_1 {strides = array<i32>} : memref<1040xi32, #tpu.memory_space<vmem>>, vector<16xi32>,
        %swap3A_581 = arith.index_cast %mul3A_526 : i32 to index
        %swap3A_582 = tpu.vector_load %arg12[%swap3A_581] {strides = array<i32>} : memref<1040xi32, #tpu.memory_space<vmem>>, vector<16xi32>,
        tpu.vector_store %arg12[%swap3A_581], %broadcast_in_dim3A_1 {strides = array<i32>} : memref<1040xi32, #tpu.memory_space<vmem>>, vector<16xi32>,
        %swap3A_583 = arith.index_cast %mul3A_526 : i32 to index
        %swap3A_584 = tpu.vector_load %arg13[%swap3A_583] {strides = array<i32>} : memref<1040xi32, #tpu.memory_space<vmem>>, vector<16xi32>,
        tpu.vector_store %arg13[%swap3A_583], %broadcast_in_dim3A_1 {strides = array<i32>} : memref<1040xi32, #tpu.memory_space<vmem>>, vector<16xi32>,
        %swap3A_585 = arith.index_cast %mul3A_526 : i32 to index
        %swap3A_586 = tpu.vector_load %arg14[%swap3A_585] {strides = array<i32>} : memref<1040xi32, #tpu.memory_space<vmem>>, vector<16xi32>,
        tpu.vector_store %arg14[%swap3A_585], %broadcast_in_dim3A_1 {strides = array<i32>} : memref<1040xi32, #tpu.memory_space<vmem>>, vector<16xi32>,
        %swap3A_587 = arith.index_cast %mul3A_526 : i32 to index
        %swap3A_588 = tpu.vector_load %arg15[%swap3A_587] {strides = array<i32>} : memref<1040xi32, #tpu.memory_space<vmem>>, vector<16xi32>,
        tpu.vector_store %arg15[%swap3A_587], %broadcast_in_dim3A_1 {strides = array<i32>} : memref<1040xi32, #tpu.memory_space<vmem>>, vector<16xi32>,
        %swap3A_589 = arith.index_cast %mul3A_526 : i32 to index
        %swap3A_590 = tpu.vector_load %arg16[%swap3A_589] {strides = array<i32>} : memref<1040xi32, #tpu.memory_space<vmem>>, vector<16xi32>,
        tpu.vector_store %arg16[%swap3A_589], %broadcast_in_dim3A_1 {strides = array<i32>} : memref<1040xi32, #tpu.memory_space<vmem>>, vector<16xi32>,
        %swap3A_591 = arith.index_cast %mul3A_526 : i32 to index
        %swap3A_592 = tpu.vector_load %arg17[%swap3A_591] {strides = array<i32>} : memref<1040xi32, #tpu.memory_space<vmem>>, vector<16xi32>,
        tpu.vector_store %arg17[%swap3A_591], %broadcast_in_dim3A_1 {strides = array<i32>} : memref<1040xi32, #tpu.memory_space<vmem>>, vector<16xi32>,
        %swap3A_593 = arith.index_cast %mul3A_526 : i32 to index
        %swap3A_594 = tpu.vector_load %arg18[%swap3A_593] {strides = array<i32>} : memref<1040xi32, #tpu.memory_space<vmem>>, vector<16xi32>,
        tpu.vector_store %arg18[%swap3A_593], %broadcast_in_dim3A_1 {strides = array<i32>} : memref<1040xi32, #tpu.memory_space<vmem>>, vector<16xi32>,
        %slice3A_595 = vector.extract_strided_slice %masked_cumsum3A_552 {offsets = [15], sizes = [1], strides = [1]} : vector<16xi32> to vector<1xi32>
        %squeeze3A_596 = vector.extract %slice3A_595[0] : i32 from vector<1xi32>
        %add3A_597 = arith.addi %add3A_522, %squeeze3A_596 : i32
        scf.yield %add3A_597 : i32
      }
      %scan3A_216 = arith.constant 64 : i32
      %scan3A_217 = arith.addi %scan3A_211, %scan3A_216 : i32
      %mul3A_218 = arith.constant 16 : i32
      %mul3A_219 = arith.muli %scan3A_217, %mul3A_218 : i32
      %get3A_220 = arith.index_cast %mul3A_219 : i32 to index
      %get3A_221 = tpu.vector_load %arg11[%get3A_220] {strides = array<i32>} : memref<1040xi32, #tpu.memory_space<vmem>>, vector<16xi32>,
      %get3A_222 = arith.index_cast %mul3A_219 : i32 to index
      %get3A_223 = tpu.vector_load %arg12[%get3A_222] {strides = array<i32>} : memref<1040xi32, #tpu.memory_space<vmem>>, vector<16xi32>,
      %get3A_224 = arith.index_cast %mul3A_219 : i32 to index
      %get3A_225 = tpu.vector_load %arg13[%get3A_224] {strides = array<i32>} : memref<1040xi32, #tpu.memory_space<vmem>>, vector<16xi32>,
      %get3A_226 = arith.index_cast %mul3A_219 : i32 to index
      %get3A_227 = tpu.vector_load %arg14[%get3A_226] {strides = array<i32>} : memref<1040xi32, #tpu.memory_space<vmem>>, vector<16xi32>,
      %get3A_228 = arith.index_cast %mul3A_219 : i32 to index
      %get3A_229 = tpu.vector_load %arg15[%get3A_228] {strides = array<i32>} : memref<1040xi32, #tpu.memory_space<vmem>>, vector<16xi32>,
      %get3A_230 = arith.index_cast %mul3A_219 : i32 to index
      %get3A_231 = tpu.vector_load %arg16[%get3A_230] {strides = array<i32>} : memref<1040xi32, #tpu.memory_space<vmem>>, vector<16xi32>,
      %get3A_232 = arith.index_cast %mul3A_219 : i32 to index
      %get3A_233 = tpu.vector_load %arg17[%get3A_232] {strides = array<i32>} : memref<1040xi32, #tpu.memory_space<vmem>>, vector<16xi32>,
      %get3A_234 = arith.index_cast %mul3A_219 : i32 to index
      %get3A_235 = tpu.vector_load %arg18[%get3A_234] {strides = array<i32>} : memref<1040xi32, #tpu.memory_space<vmem>>, vector<16xi32>,
      %add3A_236 = arith.addi %get3A_221, %get3A_223 : vector<16xi32>
      %add3A_237 = arith.addi %get3A_225, %get3A_227 : vector<16xi32>
      %add3A_238 = arith.addi %get3A_229, %get3A_231 : vector<16xi32>
      %add3A_239 = arith.addi %get3A_233, %get3A_235 : vector<16xi32>
      %add3A_240 = arith.addi %add3A_236, %add3A_237 : vector<16xi32>
      %add3A_241 = arith.addi %add3A_238, %add3A_239 : vector<16xi32>
      %add3A_242 = arith.addi %add3A_240, %add3A_241 : vector<16xi32>
      %broadcast_in_dim3A_243 = arith.constant true
      %broadcast_in_dim3A_244 = vector.broadcast %broadcast_in_dim3A_243 : i1 to vector<16xi1>
      %masked_cumsum3A_245 = tpu.scan <sum>, %add3A_242 masked %broadcast_in_dim3A_244 : vector<16xi32>, vector<16xi1> -> vector<16xi32>
      %sub3A_246 = arith.subi %masked_cumsum3A_245, %add3A_242 : vector<16xi32>
      %add3A_247 = vector.broadcast %scan3A_215 : i32 to vector<16xi32>
      %add3A_248 = arith.addi %sub3A_246, %add3A_247 : vector<16xi32>
      %swap3A_249 = arith.index_cast %mul3A_219 : i32 to index
      %swap3A_250 = tpu.vector_load %arg19[%swap3A_249] {strides = array<i32>} : memref<1040xi32, #tpu.memory_space<vmem>>, vector<16xi32>,
      tpu.vector_store %arg19[%swap3A_249], %add3A_248 {strides = array<i32>} : memref<1040xi32, #tpu.memory_space<vmem>>, vector<16xi32>,
      %add3A_251 = arith.addi %add3A_248, %get3A_221 : vector<16xi32>
      %swap3A_252 = arith.index_cast %mul3A_219 : i32 to index
      %swap3A_253 = tpu.vector_load %arg20[%swap3A_252] {strides = array<i32>} : memref<1040xi32, #tpu.memory_space<vmem>>, vector<16xi32>,
      tpu.vector_store %arg20[%swap3A_252], %add3A_251 {strides = array<i32>} : memref<1040xi32, #tpu.memory_space<vmem>>, vector<16xi32>,
      %add3A_254 = arith.addi %add3A_251, %get3A_223 : vector<16xi32>
      %swap3A_255 = arith.index_cast %mul3A_219 : i32 to index
      %swap3A_256 = tpu.vector_load %arg21[%swap3A_255] {strides = array<i32>} : memref<1040xi32, #tpu.memory_space<vmem>>, vector<16xi32>,
      tpu.vector_store %arg21[%swap3A_255], %add3A_254 {strides = array<i32>} : memref<1040xi32, #tpu.memory_space<vmem>>, vector<16xi32>,
      %add3A_257 = arith.addi %add3A_254, %get3A_225 : vector<16xi32>
      %swap3A_258 = arith.index_cast %mul3A_219 : i32 to index
      %swap3A_259 = tpu.vector_load %arg22[%swap3A_258] {strides = array<i32>} : memref<1040xi32, #tpu.memory_space<vmem>>, vector<16xi32>,
      tpu.vector_store %arg22[%swap3A_258], %add3A_257 {strides = array<i32>} : memref<1040xi32, #tpu.memory_space<vmem>>, vector<16xi32>,
      %add3A_260 = arith.addi %add3A_257, %get3A_227 : vector<16xi32>
      %swap3A_261 = arith.index_cast %mul3A_219 : i32 to index
      %swap3A_262 = tpu.vector_load %arg23[%swap3A_261] {strides = array<i32>} : memref<1040xi32, #tpu.memory_space<vmem>>, vector<16xi32>,
      tpu.vector_store %arg23[%swap3A_261], %add3A_260 {strides = array<i32>} : memref<1040xi32, #tpu.memory_space<vmem>>, vector<16xi32>,
      %add3A_263 = arith.addi %add3A_260, %get3A_229 : vector<16xi32>
      %swap3A_264 = arith.index_cast %mul3A_219 : i32 to index
      %swap3A_265 = tpu.vector_load %arg24[%swap3A_264] {strides = array<i32>} : memref<1040xi32, #tpu.memory_space<vmem>>, vector<16xi32>,
      tpu.vector_store %arg24[%swap3A_264], %add3A_263 {strides = array<i32>} : memref<1040xi32, #tpu.memory_space<vmem>>, vector<16xi32>,
      %add3A_266 = arith.addi %add3A_263, %get3A_231 : vector<16xi32>
      %swap3A_267 = arith.index_cast %mul3A_219 : i32 to index
      %swap3A_268 = tpu.vector_load %arg25[%swap3A_267] {strides = array<i32>} : memref<1040xi32, #tpu.memory_space<vmem>>, vector<16xi32>,
      tpu.vector_store %arg25[%swap3A_267], %add3A_266 {strides = array<i32>} : memref<1040xi32, #tpu.memory_space<vmem>>, vector<16xi32>,
      %add3A_269 = arith.addi %add3A_266, %get3A_233 : vector<16xi32>
      %swap3A_270 = arith.index_cast %mul3A_219 : i32 to index
      %swap3A_271 = tpu.vector_load %arg26[%swap3A_270] {strides = array<i32>} : memref<1040xi32, #tpu.memory_space<vmem>>, vector<16xi32>,
      tpu.vector_store %arg26[%swap3A_270], %add3A_269 {strides = array<i32>} : memref<1040xi32, #tpu.memory_space<vmem>>, vector<16xi32>,
      %swap3A_272 = arith.index_cast %mul3A_219 : i32 to index
      %swap3A_273 = tpu.vector_load %arg11[%swap3A_272] {strides = array<i32>} : memref<1040xi32, #tpu.memory_space<vmem>>, vector<16xi32>,
      tpu.vector_store %arg11[%swap3A_272], %broadcast_in_dim3A_1 {strides = array<i32>} : memref<1040xi32, #tpu.memory_space<vmem>>, vector<16xi32>,
      %swap3A_274 = arith.index_cast %mul3A_219 : i32 to index
      %swap3A_275 = tpu.vector_load %arg12[%swap3A_274] {strides = array<i32>} : memref<1040xi32, #tpu.memory_space<vmem>>, vector<16xi32>,
      tpu.vector_store %arg12[%swap3A_274], %broadcast_in_dim3A_1 {strides = array<i32>} : memref<1040xi32, #tpu.memory_space<vmem>>, vector<16xi32>,
      %swap3A_276 = arith.index_cast %mul3A_219 : i32 to index
      %swap3A_277 = tpu.vector_load %arg13[%swap3A_276] {strides = array<i32>} : memref<1040xi32, #tpu.memory_space<vmem>>, vector<16xi32>,
      tpu.vector_store %arg13[%swap3A_276], %broadcast_in_dim3A_1 {strides = array<i32>} : memref<1040xi32, #tpu.memory_space<vmem>>, vector<16xi32>,
      %swap3A_278 = arith.index_cast %mul3A_219 : i32 to index
      %swap3A_279 = tpu.vector_load %arg14[%swap3A_278] {strides = array<i32>} : memref<1040xi32, #tpu.memory_space<vmem>>, vector<16xi32>,
      tpu.vector_store %arg14[%swap3A_278], %broadcast_in_dim3A_1 {strides = array<i32>} : memref<1040xi32, #tpu.memory_space<vmem>>, vector<16xi32>,
      %swap3A_280 = arith.index_cast %mul3A_219 : i32 to index
      %swap3A_281 = tpu.vector_load %arg15[%swap3A_280] {strides = array<i32>} : memref<1040xi32, #tpu.memory_space<vmem>>, vector<16xi32>,
      tpu.vector_store %arg15[%swap3A_280], %broadcast_in_dim3A_1 {strides = array<i32>} : memref<1040xi32, #tpu.memory_space<vmem>>, vector<16xi32>,
      %swap3A_282 = arith.index_cast %mul3A_219 : i32 to index
      %swap3A_283 = tpu.vector_load %arg16[%swap3A_282] {strides = array<i32>} : memref<1040xi32, #tpu.memory_space<vmem>>, vector<16xi32>,
      tpu.vector_store %arg16[%swap3A_282], %broadcast_in_dim3A_1 {strides = array<i32>} : memref<1040xi32, #tpu.memory_space<vmem>>, vector<16xi32>,
      %swap3A_284 = arith.index_cast %mul3A_219 : i32 to index
      %swap3A_285 = tpu.vector_load %arg17[%swap3A_284] {strides = array<i32>} : memref<1040xi32, #tpu.memory_space<vmem>>, vector<16xi32>,
      tpu.vector_store %arg17[%swap3A_284], %broadcast_in_dim3A_1 {strides = array<i32>} : memref<1040xi32, #tpu.memory_space<vmem>>, vector<16xi32>,
      %swap3A_286 = arith.index_cast %mul3A_219 : i32 to index
      %swap3A_287 = tpu.vector_load %arg18[%swap3A_286] {strides = array<i32>} : memref<1040xi32, #tpu.memory_space<vmem>>, vector<16xi32>,
      tpu.vector_store %arg18[%swap3A_286], %broadcast_in_dim3A_1 {strides = array<i32>} : memref<1040xi32, #tpu.memory_space<vmem>>, vector<16xi32>,
      %slice3A_288 = vector.extract_strided_slice %masked_cumsum3A_245 {offsets = [15], sizes = [1], strides = [1]} : vector<16xi32> to vector<1xi32>
      %squeeze3A_289 = vector.extract %slice3A_288[0] : i32 from vector<1xi32>
      %add3A_290 = arith.addi %scan3A_215, %squeeze3A_289 : i32
      %scan3A_291 = arith.constant 65 : i32
      %scan3A_292 = arith.constant 0 : i32
      %scan3A_293 = arith.constant 0 : i32
      %scan3A_294 = arith.constant 64 : i32
      %scan3A_295 = arith.addi %scan3A_293, %scan3A_294 : i32
      %scan3A_296 = arith.constant 2 : i32
      scf.for %scan3A_298 = %scan3A_293 to %scan3A_295 step %scan3A_296  : i32 {
        %mul3A_299 = arith.constant 8 : i32
        %mul3A_300 = arith.muli %scan3A_298, %mul3A_299 : i32
        %add3A_301 = arith.constant 0 : i32
        %add3A_302 = arith.addi %mul3A_300, %add3A_301 : i32
        %mul3A_303 = arith.constant 16 : i32
        %mul3A_304 = arith.muli %add3A_302, %mul3A_303 : i32
        %mul3A_305 = arith.constant 8 : i32
        %mul3A_306 = arith.muli %scan3A_298, %mul3A_305 : i32
        %add3A_307 = arith.constant 1 : i32
        %add3A_308 = arith.addi %mul3A_306, %add3A_307 : i32
        %mul3A_309 = arith.constant 16 : i32
        %mul3A_310 = arith.muli %add3A_308, %mul3A_309 : i32
        %mul3A_311 = arith.constant 8 : i32
        %mul3A_312 = arith.muli %scan3A_298, %mul3A_311 : i32
        %add3A_313 = arith.constant 2 : i32
        %add3A_314 = arith.addi %mul3A_312, %add3A_313 : i32
        %mul3A_315 = arith.constant 16 : i32
        %mul3A_316 = arith.muli %add3A_314, %mul3A_315 : i32
        %mul3A_317 = arith.constant 8 : i32
        %mul3A_318 = arith.muli %scan3A_298, %mul3A_317 : i32
        %add3A_319 = arith.constant 3 : i32
        %add3A_320 = arith.addi %mul3A_318, %add3A_319 : i32
        %mul3A_321 = arith.constant 16 : i32
        %mul3A_322 = arith.muli %add3A_320, %mul3A_321 : i32
        %mul3A_323 = arith.constant 8 : i32
        %mul3A_324 = arith.muli %scan3A_298, %mul3A_323 : i32
        %add3A_325 = arith.constant 4 : i32
        %add3A_326 = arith.addi %mul3A_324, %add3A_325 : i32
        %mul3A_327 = arith.constant 16 : i32
        %mul3A_328 = arith.muli %add3A_326, %mul3A_327 : i32
        %mul3A_329 = arith.constant 8 : i32
        %mul3A_330 = arith.muli %scan3A_298, %mul3A_329 : i32
        %add3A_331 = arith.constant 5 : i32
        %add3A_332 = arith.addi %mul3A_330, %add3A_331 : i32
        %mul3A_333 = arith.constant 16 : i32
        %mul3A_334 = arith.muli %add3A_332, %mul3A_333 : i32
        %mul3A_335 = arith.constant 8 : i32
        %mul3A_336 = arith.muli %scan3A_298, %mul3A_335 : i32
        %add3A_337 = arith.constant 6 : i32
        %add3A_338 = arith.addi %mul3A_336, %add3A_337 : i32
        %mul3A_339 = arith.constant 16 : i32
        %mul3A_340 = arith.muli %add3A_338, %mul3A_339 : i32
        %mul3A_341 = arith.constant 8 : i32
        %mul3A_342 = arith.muli %scan3A_298, %mul3A_341 : i32
        %add3A_343 = arith.constant 7 : i32
        %add3A_344 = arith.addi %mul3A_342, %add3A_343 : i32
        %mul3A_345 = arith.constant 16 : i32
        %mul3A_346 = arith.muli %add3A_344, %mul3A_345 : i32
        %get3A_347 = arith.index_cast %mul3A_304 : i32 to index
        %get3A_348 = tpu.vector_load %arg27[%get3A_347] {strides = array<i32>} : memref<8192xi32, #tpu.memory_space<vmem>>, vector<16xi32>,
        %get3A_349 = arith.index_cast %mul3A_310 : i32 to index
        %get3A_350 = tpu.vector_load %arg27[%get3A_349] {strides = array<i32>} : memref<8192xi32, #tpu.memory_space<vmem>>, vector<16xi32>,
        %get3A_351 = arith.index_cast %mul3A_316 : i32 to index
        %get3A_352 = tpu.vector_load %arg27[%get3A_351] {strides = array<i32>} : memref<8192xi32, #tpu.memory_space<vmem>>, vector<16xi32>,
        %get3A_353 = arith.index_cast %mul3A_322 : i32 to index
        %get3A_354 = tpu.vector_load %arg27[%get3A_353] {strides = array<i32>} : memref<8192xi32, #tpu.memory_space<vmem>>, vector<16xi32>,
        %get3A_355 = arith.index_cast %mul3A_328 : i32 to index
        %get3A_356 = tpu.vector_load %arg27[%get3A_355] {strides = array<i32>} : memref<8192xi32, #tpu.memory_space<vmem>>, vector<16xi32>,
        %get3A_357 = arith.index_cast %mul3A_334 : i32 to index
        %get3A_358 = tpu.vector_load %arg27[%get3A_357] {strides = array<i32>} : memref<8192xi32, #tpu.memory_space<vmem>>, vector<16xi32>,
        %get3A_359 = arith.index_cast %mul3A_340 : i32 to index
        %get3A_360 = tpu.vector_load %arg27[%get3A_359] {strides = array<i32>} : memref<8192xi32, #tpu.memory_space<vmem>>, vector<16xi32>,
        %get3A_361 = arith.index_cast %mul3A_346 : i32 to index
        %get3A_362 = tpu.vector_load %arg27[%get3A_361] {strides = array<i32>} : memref<8192xi32, #tpu.memory_space<vmem>>, vector<16xi32>,
        %get3A_363 = arith.index_cast %mul3A_304 : i32 to index
        %get3A_364 = tpu.vector_load %arg8[%get3A_363] {strides = array<i32>} : memref<8192xf32, #tpu.memory_space<vmem>>, vector<16xf32>,
        %get3A_365 = arith.index_cast %mul3A_310 : i32 to index
        %get3A_366 = tpu.vector_load %arg8[%get3A_365] {strides = array<i32>} : memref<8192xf32, #tpu.memory_space<vmem>>, vector<16xf32>,
        %get3A_367 = arith.index_cast %mul3A_316 : i32 to index
        %get3A_368 = tpu.vector_load %arg8[%get3A_367] {strides = array<i32>} : memref<8192xf32, #tpu.memory_space<vmem>>, vector<16xf32>,
        %get3A_369 = arith.index_cast %mul3A_322 : i32 to index
        %get3A_370 = tpu.vector_load %arg8[%get3A_369] {strides = array<i32>} : memref<8192xf32, #tpu.memory_space<vmem>>, vector<16xf32>,
        %get3A_371 = arith.index_cast %mul3A_328 : i32 to index
        %get3A_372 = tpu.vector_load %arg8[%get3A_371] {strides = array<i32>} : memref<8192xf32, #tpu.memory_space<vmem>>, vector<16xf32>,
        %get3A_373 = arith.index_cast %mul3A_334 : i32 to index
        %get3A_374 = tpu.vector_load %arg8[%get3A_373] {strides = array<i32>} : memref<8192xf32, #tpu.memory_space<vmem>>, vector<16xf32>,
        %get3A_375 = arith.index_cast %mul3A_340 : i32 to index
        %get3A_376 = tpu.vector_load %arg8[%get3A_375] {strides = array<i32>} : memref<8192xf32, #tpu.memory_space<vmem>>, vector<16xf32>,
        %get3A_377 = arith.index_cast %mul3A_346 : i32 to index
        %get3A_378 = tpu.vector_load %arg8[%get3A_377] {strides = array<i32>} : memref<8192xf32, #tpu.memory_space<vmem>>, vector<16xf32>,
        %shift_right_arithmetic3A = arith.constant 13 : i32
        %shift_right_arithmetic3A_379 = vector.broadcast %shift_right_arithmetic3A : i32 to vector<16xi32>
        %shift_right_arithmetic3A_380 = arith.shrsi %get3A_348, %shift_right_arithmetic3A_379 : vector<16xi32>
        %shift_right_arithmetic3A_381 = arith.constant 13 : i32
        %shift_right_arithmetic3A_382 = vector.broadcast %shift_right_arithmetic3A_381 : i32 to vector<16xi32>
        %shift_right_arithmetic3A_383 = arith.shrsi %get3A_350, %shift_right_arithmetic3A_382 : vector<16xi32>
        %shift_right_arithmetic3A_384 = arith.constant 13 : i32
        %shift_right_arithmetic3A_385 = vector.broadcast %shift_right_arithmetic3A_384 : i32 to vector<16xi32>
        %shift_right_arithmetic3A_386 = arith.shrsi %get3A_352, %shift_right_arithmetic3A_385 : vector<16xi32>
        %shift_right_arithmetic3A_387 = arith.constant 13 : i32
        %shift_right_arithmetic3A_388 = vector.broadcast %shift_right_arithmetic3A_387 : i32 to vector<16xi32>
        %shift_right_arithmetic3A_389 = arith.shrsi %get3A_354, %shift_right_arithmetic3A_388 : vector<16xi32>
        %shift_right_arithmetic3A_390 = arith.constant 13 : i32
        %shift_right_arithmetic3A_391 = vector.broadcast %shift_right_arithmetic3A_390 : i32 to vector<16xi32>
        %shift_right_arithmetic3A_392 = arith.shrsi %get3A_356, %shift_right_arithmetic3A_391 : vector<16xi32>
        %shift_right_arithmetic3A_393 = arith.constant 13 : i32
        %shift_right_arithmetic3A_394 = vector.broadcast %shift_right_arithmetic3A_393 : i32 to vector<16xi32>
        %shift_right_arithmetic3A_395 = arith.shrsi %get3A_358, %shift_right_arithmetic3A_394 : vector<16xi32>
        %shift_right_arithmetic3A_396 = arith.constant 13 : i32
        %shift_right_arithmetic3A_397 = vector.broadcast %shift_right_arithmetic3A_396 : i32 to vector<16xi32>
        %shift_right_arithmetic3A_398 = arith.shrsi %get3A_360, %shift_right_arithmetic3A_397 : vector<16xi32>
        %shift_right_arithmetic3A_399 = arith.constant 13 : i32
        %shift_right_arithmetic3A_400 = vector.broadcast %shift_right_arithmetic3A_399 : i32 to vector<16xi32>
        %shift_right_arithmetic3A_401 = arith.shrsi %get3A_362, %shift_right_arithmetic3A_400 : vector<16xi32>
        %and3A = arith.constant 8191 : i32
        %and3A_402 = vector.broadcast %and3A : i32 to vector<16xi32>
        %and3A_403 = arith.andi %get3A_348, %and3A_402 : vector<16xi32>
        %and3A_404 = arith.constant 8191 : i32
        %and3A_405 = vector.broadcast %and3A_404 : i32 to vector<16xi32>
        %and3A_406 = arith.andi %get3A_350, %and3A_405 : vector<16xi32>
        %and3A_407 = arith.constant 8191 : i32
        %and3A_408 = vector.broadcast %and3A_407 : i32 to vector<16xi32>
        %and3A_409 = arith.andi %get3A_352, %and3A_408 : vector<16xi32>
        %and3A_410 = arith.constant 8191 : i32
        %and3A_411 = vector.broadcast %and3A_410 : i32 to vector<16xi32>
        %and3A_412 = arith.andi %get3A_354, %and3A_411 : vector<16xi32>
        %and3A_413 = arith.constant 8191 : i32
        %and3A_414 = vector.broadcast %and3A_413 : i32 to vector<16xi32>
        %and3A_415 = arith.andi %get3A_356, %and3A_414 : vector<16xi32>
        %and3A_416 = arith.constant 8191 : i32
        %and3A_417 = vector.broadcast %and3A_416 : i32 to vector<16xi32>
        %and3A_418 = arith.andi %get3A_358, %and3A_417 : vector<16xi32>
        %and3A_419 = arith.constant 8191 : i32
        %and3A_420 = vector.broadcast %and3A_419 : i32 to vector<16xi32>
        %and3A_421 = arith.andi %get3A_360, %and3A_420 : vector<16xi32>
        %and3A_422 = arith.constant 8191 : i32
        %and3A_423 = vector.broadcast %and3A_422 : i32 to vector<16xi32>
        %and3A_424 = arith.andi %get3A_362, %and3A_423 : vector<16xi32>
        %gather3A = tpu.vector_load_idx %arg19[%shift_right_arithmetic3A_380] : memref<1040xi32, #tpu.memory_space<vmem>>[vector<16xi32>], vector<16xi32>,
        %gather3A_425 = tpu.vector_load_idx %arg20[%shift_right_arithmetic3A_383] : memref<1040xi32, #tpu.memory_space<vmem>>[vector<16xi32>], vector<16xi32>,
        %gather3A_426 = tpu.vector_load_idx %arg21[%shift_right_arithmetic3A_386] : memref<1040xi32, #tpu.memory_space<vmem>>[vector<16xi32>], vector<16xi32>,
        %gather3A_427 = tpu.vector_load_idx %arg22[%shift_right_arithmetic3A_389] : memref<1040xi32, #tpu.memory_space<vmem>>[vector<16xi32>], vector<16xi32>,
        %gather3A_428 = tpu.vector_load_idx %arg23[%shift_right_arithmetic3A_392] : memref<1040xi32, #tpu.memory_space<vmem>>[vector<16xi32>], vector<16xi32>,
        %gather3A_429 = tpu.vector_load_idx %arg24[%shift_right_arithmetic3A_395] : memref<1040xi32, #tpu.memory_space<vmem>>[vector<16xi32>], vector<16xi32>,
        %gather3A_430 = tpu.vector_load_idx %arg25[%shift_right_arithmetic3A_398] : memref<1040xi32, #tpu.memory_space<vmem>>[vector<16xi32>], vector<16xi32>,
        %gather3A_431 = tpu.vector_load_idx %arg26[%shift_right_arithmetic3A_401] : memref<1040xi32, #tpu.memory_space<vmem>>[vector<16xi32>], vector<16xi32>,
        %add3A_432 = arith.addi %gather3A, %and3A_403 : vector<16xi32>
        tpu.vector_store_idx %arg10[%add3A_432], %get3A_364 : memref<8208xf32, #tpu.memory_space<vmem>>[vector<16xi32>], vector<16xf32>,
        %add3A_433 = arith.addi %gather3A_425, %and3A_406 : vector<16xi32>
        tpu.vector_store_idx %arg10[%add3A_433], %get3A_366 : memref<8208xf32, #tpu.memory_space<vmem>>[vector<16xi32>], vector<16xf32>,
        %add3A_434 = arith.addi %gather3A_426, %and3A_409 : vector<16xi32>
        tpu.vector_store_idx %arg10[%add3A_434], %get3A_368 : memref<8208xf32, #tpu.memory_space<vmem>>[vector<16xi32>], vector<16xf32>,
        %add3A_435 = arith.addi %gather3A_427, %and3A_412 : vector<16xi32>
        tpu.vector_store_idx %arg10[%add3A_435], %get3A_370 : memref<8208xf32, #tpu.memory_space<vmem>>[vector<16xi32>], vector<16xf32>,
        %add3A_436 = arith.addi %gather3A_428, %and3A_415 : vector<16xi32>
        tpu.vector_store_idx %arg10[%add3A_436], %get3A_372 : memref<8208xf32, #tpu.memory_space<vmem>>[vector<16xi32>], vector<16xf32>,
        %add3A_437 = arith.addi %gather3A_429, %and3A_418 : vector<16xi32>
        tpu.vector_store_idx %arg10[%add3A_437], %get3A_374 : memref<8208xf32, #tpu.memory_space<vmem>>[vector<16xi32>], vector<16xf32>,
        %add3A_438 = arith.addi %gather3A_430, %and3A_421 : vector<16xi32>
        tpu.vector_store_idx %arg10[%add3A_438], %get3A_376 : memref<8208xf32, #tpu.memory_space<vmem>>[vector<16xi32>], vector<16xf32>,
        %add3A_439 = arith.addi %gather3A_431, %and3A_424 : vector<16xi32>
        tpu.vector_store_idx %arg10[%add3A_439], %get3A_378 : memref<8208xf32, #tpu.memory_space<vmem>>[vector<16xi32>], vector<16xf32>,
        %scan3A_440 = arith.constant 1 : i32
        %scan3A_441 = arith.addi %scan3A_298, %scan3A_440 : i32
        %mul3A_442 = arith.constant 8 : i32
        %mul3A_443 = arith.muli %scan3A_441, %mul3A_442 : i32
        %add3A_444 = arith.constant 0 : i32
        %add3A_445 = arith.addi %mul3A_443, %add3A_444 : i32
        %mul3A_446 = arith.constant 16 : i32
        %mul3A_447 = arith.muli %add3A_445, %mul3A_446 : i32
        %mul3A_448 = arith.constant 8 : i32
        %mul3A_449 = arith.muli %scan3A_441, %mul3A_448 : i32
        %add3A_450 = arith.constant 1 : i32
        %add3A_451 = arith.addi %mul3A_449, %add3A_450 : i32
        %mul3A_452 = arith.constant 16 : i32
        %mul3A_453 = arith.muli %add3A_451, %mul3A_452 : i32
        %mul3A_454 = arith.constant 8 : i32
        %mul3A_455 = arith.muli %scan3A_441, %mul3A_454 : i32
        %add3A_456 = arith.constant 2 : i32
        %add3A_457 = arith.addi %mul3A_455, %add3A_456 : i32
        %mul3A_458 = arith.constant 16 : i32
        %mul3A_459 = arith.muli %add3A_457, %mul3A_458 : i32
        %mul3A_460 = arith.constant 8 : i32
        %mul3A_461 = arith.muli %scan3A_441, %mul3A_460 : i32
        %add3A_462 = arith.constant 3 : i32
        %add3A_463 = arith.addi %mul3A_461, %add3A_462 : i32
        %mul3A_464 = arith.constant 16 : i32
        %mul3A_465 = arith.muli %add3A_463, %mul3A_464 : i32
        %mul3A_466 = arith.constant 8 : i32
        %mul3A_467 = arith.muli %scan3A_441, %mul3A_466 : i32
        %add3A_468 = arith.constant 4 : i32
        %add3A_469 = arith.addi %mul3A_467, %add3A_468 : i32
        %mul3A_470 = arith.constant 16 : i32
        %mul3A_471 = arith.muli %add3A_469, %mul3A_470 : i32
        %mul3A_472 = arith.constant 8 : i32
        %mul3A_473 = arith.muli %scan3A_441, %mul3A_472 : i32
        %add3A_474 = arith.constant 5 : i32
        %add3A_475 = arith.addi %mul3A_473, %add3A_474 : i32
        %mul3A_476 = arith.constant 16 : i32
        %mul3A_477 = arith.muli %add3A_475, %mul3A_476 : i32
        %mul3A_478 = arith.constant 8 : i32
        %mul3A_479 = arith.muli %scan3A_441, %mul3A_478 : i32
        %add3A_480 = arith.constant 6 : i32
        %add3A_481 = arith.addi %mul3A_479, %add3A_480 : i32
        %mul3A_482 = arith.constant 16 : i32
        %mul3A_483 = arith.muli %add3A_481, %mul3A_482 : i32
        %mul3A_484 = arith.constant 8 : i32
        %mul3A_485 = arith.muli %scan3A_441, %mul3A_484 : i32
        %add3A_486 = arith.constant 7 : i32
        %add3A_487 = arith.addi %mul3A_485, %add3A_486 : i32
        %mul3A_488 = arith.constant 16 : i32
        %mul3A_489 = arith.muli %add3A_487, %mul3A_488 : i32
        %get3A_490 = arith.index_cast %mul3A_447 : i32 to index
        %get3A_491 = tpu.vector_load %arg27[%get3A_490] {strides = array<i32>} : memref<8192xi32, #tpu.memory_space<vmem>>, vector<16xi32>,
        %get3A_492 = arith.index_cast %mul3A_453 : i32 to index
        %get3A_493 = tpu.vector_load %arg27[%get3A_492] {strides = array<i32>} : memref<8192xi32, #tpu.memory_space<vmem>>, vector<16xi32>,
        %get3A_494 = arith.index_cast %mul3A_459 : i32 to index
        %get3A_495 = tpu.vector_load %arg27[%get3A_494] {strides = array<i32>} : memref<8192xi32, #tpu.memory_space<vmem>>, vector<16xi32>,
        %get3A_496 = arith.index_cast %mul3A_465 : i32 to index
        %get3A_497 = tpu.vector_load %arg27[%get3A_496] {strides = array<i32>} : memref<8192xi32, #tpu.memory_space<vmem>>, vector<16xi32>,
        %get3A_498 = arith.index_cast %mul3A_471 : i32 to index
        %get3A_499 = tpu.vector_load %arg27[%get3A_498] {strides = array<i32>} : memref<8192xi32, #tpu.memory_space<vmem>>, vector<16xi32>,
        %get3A_500 = arith.index_cast %mul3A_477 : i32 to index
        %get3A_501 = tpu.vector_load %arg27[%get3A_500] {strides = array<i32>} : memref<8192xi32, #tpu.memory_space<vmem>>, vector<16xi32>,
        %get3A_502 = arith.index_cast %mul3A_483 : i32 to index
        %get3A_503 = tpu.vector_load %arg27[%get3A_502] {strides = array<i32>} : memref<8192xi32, #tpu.memory_space<vmem>>, vector<16xi32>,
        %get3A_504 = arith.index_cast %mul3A_489 : i32 to index
        %get3A_505 = tpu.vector_load %arg27[%get3A_504] {strides = array<i32>} : memref<8192xi32, #tpu.memory_space<vmem>>, vector<16xi32>,
        %get3A_506 = arith.index_cast %mul3A_447 : i32 to index
        %get3A_507 = tpu.vector_load %arg8[%get3A_506] {strides = array<i32>} : memref<8192xf32, #tpu.memory_space<vmem>>, vector<16xf32>,
        %get3A_508 = arith.index_cast %mul3A_453 : i32 to index
        %get3A_509 = tpu.vector_load %arg8[%get3A_508] {strides = array<i32>} : memref<8192xf32, #tpu.memory_space<vmem>>, vector<16xf32>,
        %get3A_510 = arith.index_cast %mul3A_459 : i32 to index
        %get3A_511 = tpu.vector_load %arg8[%get3A_510] {strides = array<i32>} : memref<8192xf32, #tpu.memory_space<vmem>>, vector<16xf32>,
        %get3A_512 = arith.index_cast %mul3A_465 : i32 to index
        %get3A_513 = tpu.vector_load %arg8[%get3A_512] {strides = array<i32>} : memref<8192xf32, #tpu.memory_space<vmem>>, vector<16xf32>,
        %get3A_514 = arith.index_cast %mul3A_471 : i32 to index
        %get3A_515 = tpu.vector_load %arg8[%get3A_514] {strides = array<i32>} : memref<8192xf32, #tpu.memory_space<vmem>>, vector<16xf32>,
        %get3A_516 = arith.index_cast %mul3A_477 : i32 to index
        %get3A_517 = tpu.vector_load %arg8[%get3A_516] {strides = array<i32>} : memref<8192xf32, #tpu.memory_space<vmem>>, vector<16xf32>,
        %get3A_518 = arith.index_cast %mul3A_483 : i32 to index
        %get3A_519 = tpu.vector_load %arg8[%get3A_518] {strides = array<i32>} : memref<8192xf32, #tpu.memory_space<vmem>>, vector<16xf32>,
        %get3A_520 = arith.index_cast %mul3A_489 : i32 to index
        %get3A_521 = tpu.vector_load %arg8[%get3A_520] {strides = array<i32>} : memref<8192xf32, #tpu.memory_space<vmem>>, vector<16xf32>,
        %shift_right_arithmetic3A_522 = arith.constant 13 : i32
        %shift_right_arithmetic3A_523 = vector.broadcast %shift_right_arithmetic3A_522 : i32 to vector<16xi32>
        %shift_right_arithmetic3A_524 = arith.shrsi %get3A_491, %shift_right_arithmetic3A_523 : vector<16xi32>
        %shift_right_arithmetic3A_525 = arith.constant 13 : i32
        %shift_right_arithmetic3A_526 = vector.broadcast %shift_right_arithmetic3A_525 : i32 to vector<16xi32>
        %shift_right_arithmetic3A_527 = arith.shrsi %get3A_493, %shift_right_arithmetic3A_526 : vector<16xi32>
        %shift_right_arithmetic3A_528 = arith.constant 13 : i32
        %shift_right_arithmetic3A_529 = vector.broadcast %shift_right_arithmetic3A_528 : i32 to vector<16xi32>
        %shift_right_arithmetic3A_530 = arith.shrsi %get3A_495, %shift_right_arithmetic3A_529 : vector<16xi32>
        %shift_right_arithmetic3A_531 = arith.constant 13 : i32
        %shift_right_arithmetic3A_532 = vector.broadcast %shift_right_arithmetic3A_531 : i32 to vector<16xi32>
        %shift_right_arithmetic3A_533 = arith.shrsi %get3A_497, %shift_right_arithmetic3A_532 : vector<16xi32>
        %shift_right_arithmetic3A_534 = arith.constant 13 : i32
        %shift_right_arithmetic3A_535 = vector.broadcast %shift_right_arithmetic3A_534 : i32 to vector<16xi32>
        %shift_right_arithmetic3A_536 = arith.shrsi %get3A_499, %shift_right_arithmetic3A_535 : vector<16xi32>
        %shift_right_arithmetic3A_537 = arith.constant 13 : i32
        %shift_right_arithmetic3A_538 = vector.broadcast %shift_right_arithmetic3A_537 : i32 to vector<16xi32>
        %shift_right_arithmetic3A_539 = arith.shrsi %get3A_501, %shift_right_arithmetic3A_538 : vector<16xi32>
        %shift_right_arithmetic3A_540 = arith.constant 13 : i32
        %shift_right_arithmetic3A_541 = vector.broadcast %shift_right_arithmetic3A_540 : i32 to vector<16xi32>
        %shift_right_arithmetic3A_542 = arith.shrsi %get3A_503, %shift_right_arithmetic3A_541 : vector<16xi32>
        %shift_right_arithmetic3A_543 = arith.constant 13 : i32
        %shift_right_arithmetic3A_544 = vector.broadcast %shift_right_arithmetic3A_543 : i32 to vector<16xi32>
        %shift_right_arithmetic3A_545 = arith.shrsi %get3A_505, %shift_right_arithmetic3A_544 : vector<16xi32>
        %and3A_546 = arith.constant 8191 : i32
        %and3A_547 = vector.broadcast %and3A_546 : i32 to vector<16xi32>
        %and3A_548 = arith.andi %get3A_491, %and3A_547 : vector<16xi32>
        %and3A_549 = arith.constant 8191 : i32
        %and3A_550 = vector.broadcast %and3A_549 : i32 to vector<16xi32>
        %and3A_551 = arith.andi %get3A_493, %and3A_550 : vector<16xi32>
        %and3A_552 = arith.constant 8191 : i32
        %and3A_553 = vector.broadcast %and3A_552 : i32 to vector<16xi32>
        %and3A_554 = arith.andi %get3A_495, %and3A_553 : vector<16xi32>
        %and3A_555 = arith.constant 8191 : i32
        %and3A_556 = vector.broadcast %and3A_555 : i32 to vector<16xi32>
        %and3A_557 = arith.andi %get3A_497, %and3A_556 : vector<16xi32>
        %and3A_558 = arith.constant 8191 : i32
        %and3A_559 = vector.broadcast %and3A_558 : i32 to vector<16xi32>
        %and3A_560 = arith.andi %get3A_499, %and3A_559 : vector<16xi32>
        %and3A_561 = arith.constant 8191 : i32
        %and3A_562 = vector.broadcast %and3A_561 : i32 to vector<16xi32>
        %and3A_563 = arith.andi %get3A_501, %and3A_562 : vector<16xi32>
        %and3A_564 = arith.constant 8191 : i32
        %and3A_565 = vector.broadcast %and3A_564 : i32 to vector<16xi32>
        %and3A_566 = arith.andi %get3A_503, %and3A_565 : vector<16xi32>
        %and3A_567 = arith.constant 8191 : i32
        %and3A_568 = vector.broadcast %and3A_567 : i32 to vector<16xi32>
        %and3A_569 = arith.andi %get3A_505, %and3A_568 : vector<16xi32>
        %gather3A_570 = tpu.vector_load_idx %arg19[%shift_right_arithmetic3A_524] : memref<1040xi32, #tpu.memory_space<vmem>>[vector<16xi32>], vector<16xi32>,
        %gather3A_571 = tpu.vector_load_idx %arg20[%shift_right_arithmetic3A_527] : memref<1040xi32, #tpu.memory_space<vmem>>[vector<16xi32>], vector<16xi32>,
        %gather3A_572 = tpu.vector_load_idx %arg21[%shift_right_arithmetic3A_530] : memref<1040xi32, #tpu.memory_space<vmem>>[vector<16xi32>], vector<16xi32>,
        %gather3A_573 = tpu.vector_load_idx %arg22[%shift_right_arithmetic3A_533] : memref<1040xi32, #tpu.memory_space<vmem>>[vector<16xi32>], vector<16xi32>,
        %gather3A_574 = tpu.vector_load_idx %arg23[%shift_right_arithmetic3A_536] : memref<1040xi32, #tpu.memory_space<vmem>>[vector<16xi32>], vector<16xi32>,
        %gather3A_575 = tpu.vector_load_idx %arg24[%shift_right_arithmetic3A_539] : memref<1040xi32, #tpu.memory_space<vmem>>[vector<16xi32>], vector<16xi32>,
        %gather3A_576 = tpu.vector_load_idx %arg25[%shift_right_arithmetic3A_542] : memref<1040xi32, #tpu.memory_space<vmem>>[vector<16xi32>], vector<16xi32>,
        %gather3A_577 = tpu.vector_load_idx %arg26[%shift_right_arithmetic3A_545] : memref<1040xi32, #tpu.memory_space<vmem>>[vector<16xi32>], vector<16xi32>,
        %add3A_578 = arith.addi %gather3A_570, %and3A_548 : vector<16xi32>
        tpu.vector_store_idx %arg10[%add3A_578], %get3A_507 : memref<8208xf32, #tpu.memory_space<vmem>>[vector<16xi32>], vector<16xf32>,
        %add3A_579 = arith.addi %gather3A_571, %and3A_551 : vector<16xi32>
        tpu.vector_store_idx %arg10[%add3A_579], %get3A_509 : memref<8208xf32, #tpu.memory_space<vmem>>[vector<16xi32>], vector<16xf32>,
        %add3A_580 = arith.addi %gather3A_572, %and3A_554 : vector<16xi32>
        tpu.vector_store_idx %arg10[%add3A_580], %get3A_511 : memref<8208xf32, #tpu.memory_space<vmem>>[vector<16xi32>], vector<16xf32>,
        %add3A_581 = arith.addi %gather3A_573, %and3A_557 : vector<16xi32>
        tpu.vector_store_idx %arg10[%add3A_581], %get3A_513 : memref<8208xf32, #tpu.memory_space<vmem>>[vector<16xi32>], vector<16xf32>,
        %add3A_582 = arith.addi %gather3A_574, %and3A_560 : vector<16xi32>
        tpu.vector_store_idx %arg10[%add3A_582], %get3A_515 : memref<8208xf32, #tpu.memory_space<vmem>>[vector<16xi32>], vector<16xf32>,
        %add3A_583 = arith.addi %gather3A_575, %and3A_563 : vector<16xi32>
        tpu.vector_store_idx %arg10[%add3A_583], %get3A_517 : memref<8208xf32, #tpu.memory_space<vmem>>[vector<16xi32>], vector<16xf32>,
        %add3A_584 = arith.addi %gather3A_576, %and3A_566 : vector<16xi32>
        tpu.vector_store_idx %arg10[%add3A_584], %get3A_519 : memref<8208xf32, #tpu.memory_space<vmem>>[vector<16xi32>], vector<16xf32>,
        %add3A_585 = arith.addi %gather3A_577, %and3A_569 : vector<16xi32>
        tpu.vector_store_idx %arg10[%add3A_585], %get3A_521 : memref<8208xf32, #tpu.memory_space<vmem>>[vector<16xi32>], vector<16xf32>,
      }
      %scan3A_297 = arith.constant 64 : i32
      scf.yield %scan3A_208 : vector<16xf32>
    }
    %scan3A_37 = arith.constant 32 : i32
    %dma_wait3A = arith.constant 0 : i32
    %dma_wait3A_38 = tpu.memref_slice %arg3[%mul3A_17, %dma_wait3A] : memref<2048x8192xf32, #tpu.memory_space<hbm>> -> memref<1x8192xf32, #tpu.memory_space<hbm>>
    %dma_wait3A_39 = tpu.memref_squeeze %dma_wait3A_38 : memref<1x8192xf32, #tpu.memory_space<hbm>> -> memref<8192xf32, #tpu.memory_space<hbm>>
    %dma_wait3A_40 = arith.constant 0 : i32
    %dma_wait3A_41 = tpu.memref_slice %arg3[%mul3A_17, %dma_wait3A_40] : memref<2048x8192xf32, #tpu.memory_space<hbm>> -> memref<1x8192xf32, #tpu.memory_space<hbm>>
    %dma_wait3A_42 = tpu.memref_squeeze %dma_wait3A_41 : memref<1x8192xf32, #tpu.memory_space<hbm>> -> memref<8192xf32, #tpu.memory_space<hbm>>
    tpu.wait_dma2 semaphore(%arg29 : memref<!tpu.dma_semaphore, #tpu.memory_space<semaphore_mem>>) src(%dma_wait3A_42 : memref<8192xf32, #tpu.memory_space<hbm>>) dst(%arg5 : memref<8192xf32, #tpu.memory_space<vmem>>)
    %dma_wait3A_43 = arith.constant 0 : i32
    %dma_wait3A_44 = tpu.memref_slice %arg2[%mul3A_17, %dma_wait3A_43] : memref<2048x8192xf32, #tpu.memory_space<hbm>> -> memref<1x8192xf32, #tpu.memory_space<hbm>>
    %dma_wait3A_45 = tpu.memref_squeeze %dma_wait3A_44 : memref<1x8192xf32, #tpu.memory_space<hbm>> -> memref<8192xf32, #tpu.memory_space<hbm>>
    %dma_wait3A_46 = arith.constant 0 : i32
    %dma_wait3A_47 = tpu.memref_slice %arg2[%mul3A_17, %dma_wait3A_46] : memref<2048x8192xf32, #tpu.memory_space<hbm>> -> memref<1x8192xf32, #tpu.memory_space<hbm>>
    %dma_wait3A_48 = tpu.memref_squeeze %dma_wait3A_47 : memref<1x8192xf32, #tpu.memory_space<hbm>> -> memref<8192xf32, #tpu.memory_space<hbm>>
    tpu.wait_dma2 semaphore(%arg29 : memref<!tpu.dma_semaphore, #tpu.memory_space<semaphore_mem>>) src(%dma_wait3A_48 : memref<8192xf32, #tpu.memory_space<hbm>>) dst(%arg6 : memref<8192xf32, #tpu.memory_space<vmem>>)
    %scan3A_49 = arith.constant 0 : i32
    %scan3A_50 = arith.constant 64 : i32
    %scan3A_51 = arith.addi %scan3A_49, %scan3A_50 : i32
    %scan3A_52 = arith.constant 2 : i32
    %scan3A_53 = scf.for %scan3A_57 = %scan3A_49 to %scan3A_51 step %scan3A_52 iter_args(%scan3A_58 = %scan3A_36) -> (vector<16xf32>)  : i32 {
      %mul3A_59 = arith.constant 8 : i32
      %mul3A_60 = arith.muli %scan3A_57, %mul3A_59 : i32
      %add3A_61 = arith.constant 0 : i32
      %add3A_62 = arith.addi %mul3A_60, %add3A_61 : i32
      %mul3A_63 = arith.constant 16 : i32
      %mul3A_64 = arith.muli %add3A_62, %mul3A_63 : i32
      %mul3A_65 = arith.constant 8 : i32
      %mul3A_66 = arith.muli %scan3A_57, %mul3A_65 : i32
      %add3A_67 = arith.constant 1 : i32
      %add3A_68 = arith.addi %mul3A_66, %add3A_67 : i32
      %mul3A_69 = arith.constant 16 : i32
      %mul3A_70 = arith.muli %add3A_68, %mul3A_69 : i32
      %mul3A_71 = arith.constant 8 : i32
      %mul3A_72 = arith.muli %scan3A_57, %mul3A_71 : i32
      %add3A_73 = arith.constant 2 : i32
      %add3A_74 = arith.addi %mul3A_72, %add3A_73 : i32
      %mul3A_75 = arith.constant 16 : i32
      %mul3A_76 = arith.muli %add3A_74, %mul3A_75 : i32
      %mul3A_77 = arith.constant 8 : i32
      %mul3A_78 = arith.muli %scan3A_57, %mul3A_77 : i32
      %add3A_79 = arith.constant 3 : i32
      %add3A_80 = arith.addi %mul3A_78, %add3A_79 : i32
      %mul3A_81 = arith.constant 16 : i32
      %mul3A_82 = arith.muli %add3A_80, %mul3A_81 : i32
      %mul3A_83 = arith.constant 8 : i32
      %mul3A_84 = arith.muli %scan3A_57, %mul3A_83 : i32
      %add3A_85 = arith.constant 4 : i32
      %add3A_86 = arith.addi %mul3A_84, %add3A_85 : i32
      %mul3A_87 = arith.constant 16 : i32
      %mul3A_88 = arith.muli %add3A_86, %mul3A_87 : i32
      %mul3A_89 = arith.constant 8 : i32
      %mul3A_90 = arith.muli %scan3A_57, %mul3A_89 : i32
      %add3A_91 = arith.constant 5 : i32
      %add3A_92 = arith.addi %mul3A_90, %add3A_91 : i32
      %mul3A_93 = arith.constant 16 : i32
      %mul3A_94 = arith.muli %add3A_92, %mul3A_93 : i32
      %mul3A_95 = arith.constant 8 : i32
      %mul3A_96 = arith.muli %scan3A_57, %mul3A_95 : i32
      %add3A_97 = arith.constant 6 : i32
      %add3A_98 = arith.addi %mul3A_96, %add3A_97 : i32
      %mul3A_99 = arith.constant 16 : i32
      %mul3A_100 = arith.muli %add3A_98, %mul3A_99 : i32
      %mul3A_101 = arith.constant 8 : i32
      %mul3A_102 = arith.muli %scan3A_57, %mul3A_101 : i32
      %add3A_103 = arith.constant 7 : i32
      %add3A_104 = arith.addi %mul3A_102, %add3A_103 : i32
      %mul3A_105 = arith.constant 16 : i32
      %mul3A_106 = arith.muli %add3A_104, %mul3A_105 : i32
      %mul3A_107 = arith.constant 8 : i32
      %mul3A_108 = arith.muli %scan3A_57, %mul3A_107 : i32
      %add3A_109 = arith.constant 0 : i32
      %add3A_110 = arith.addi %mul3A_108, %add3A_109 : i32
      %mul3A_111 = arith.constant 16 : i32
      %mul3A_112 = arith.muli %add3A_110, %mul3A_111 : i32
      %add3A_113 = arith.constant 1 : i32
      %add3A_114 = arith.addi %mul3A_112, %add3A_113 : i32
      %mul3A_115 = arith.constant 8 : i32
      %mul3A_116 = arith.muli %scan3A_57, %mul3A_115 : i32
      %add3A_117 = arith.constant 1 : i32
      %add3A_118 = arith.addi %mul3A_116, %add3A_117 : i32
      %mul3A_119 = arith.constant 16 : i32
      %mul3A_120 = arith.muli %add3A_118, %mul3A_119 : i32
      %add3A_121 = arith.constant 1 : i32
      %add3A_122 = arith.addi %mul3A_120, %add3A_121 : i32
      %mul3A_123 = arith.constant 8 : i32
      %mul3A_124 = arith.muli %scan3A_57, %mul3A_123 : i32
      %add3A_125 = arith.constant 2 : i32
      %add3A_126 = arith.addi %mul3A_124, %add3A_125 : i32
      %mul3A_127 = arith.constant 16 : i32
      %mul3A_128 = arith.muli %add3A_126, %mul3A_127 : i32
      %add3A_129 = arith.constant 1 : i32
      %add3A_130 = arith.addi %mul3A_128, %add3A_129 : i32
      %mul3A_131 = arith.constant 8 : i32
      %mul3A_132 = arith.muli %scan3A_57, %mul3A_131 : i32
      %add3A_133 = arith.constant 3 : i32
      %add3A_134 = arith.addi %mul3A_132, %add3A_133 : i32
      %mul3A_135 = arith.constant 16 : i32
      %mul3A_136 = arith.muli %add3A_134, %mul3A_135 : i32
      %add3A_137 = arith.constant 1 : i32
      %add3A_138 = arith.addi %mul3A_136, %add3A_137 : i32
      %mul3A_139 = arith.constant 8 : i32
      %mul3A_140 = arith.muli %scan3A_57, %mul3A_139 : i32
      %add3A_141 = arith.constant 4 : i32
      %add3A_142 = arith.addi %mul3A_140, %add3A_141 : i32
      %mul3A_143 = arith.constant 16 : i32
      %mul3A_144 = arith.muli %add3A_142, %mul3A_143 : i32
      %add3A_145 = arith.constant 1 : i32
      %add3A_146 = arith.addi %mul3A_144, %add3A_145 : i32
      %mul3A_147 = arith.constant 8 : i32
      %mul3A_148 = arith.muli %scan3A_57, %mul3A_147 : i32
      %add3A_149 = arith.constant 5 : i32
      %add3A_150 = arith.addi %mul3A_148, %add3A_149 : i32
      %mul3A_151 = arith.constant 16 : i32
      %mul3A_152 = arith.muli %add3A_150, %mul3A_151 : i32
      %add3A_153 = arith.constant 1 : i32
      %add3A_154 = arith.addi %mul3A_152, %add3A_153 : i32
      %mul3A_155 = arith.constant 8 : i32
      %mul3A_156 = arith.muli %scan3A_57, %mul3A_155 : i32
      %add3A_157 = arith.constant 6 : i32
      %add3A_158 = arith.addi %mul3A_156, %add3A_157 : i32
      %mul3A_159 = arith.constant 16 : i32
      %mul3A_160 = arith.muli %add3A_158, %mul3A_159 : i32
      %add3A_161 = arith.constant 1 : i32
      %add3A_162 = arith.addi %mul3A_160, %add3A_161 : i32
      %mul3A_163 = arith.constant 8 : i32
      %mul3A_164 = arith.muli %scan3A_57, %mul3A_163 : i32
      %add3A_165 = arith.constant 7 : i32
      %add3A_166 = arith.addi %mul3A_164, %add3A_165 : i32
      %mul3A_167 = arith.constant 16 : i32
      %mul3A_168 = arith.muli %add3A_166, %mul3A_167 : i32
      %add3A_169 = arith.constant 1 : i32
      %add3A_170 = arith.addi %mul3A_168, %add3A_169 : i32
      %get3A = arith.index_cast %mul3A_64 : i32 to index
      %get3A_171 = tpu.vector_load %arg10[%get3A] {strides = array<i32>} : memref<8208xf32, #tpu.memory_space<vmem>>, vector<16xf32>,
      %get3A_172 = arith.index_cast %mul3A_70 : i32 to index
      %get3A_173 = tpu.vector_load %arg10[%get3A_172] {strides = array<i32>} : memref<8208xf32, #tpu.memory_space<vmem>>, vector<16xf32>,
      %get3A_174 = arith.index_cast %mul3A_76 : i32 to index
      %get3A_175 = tpu.vector_load %arg10[%get3A_174] {strides = array<i32>} : memref<8208xf32, #tpu.memory_space<vmem>>, vector<16xf32>,
      %get3A_176 = arith.index_cast %mul3A_82 : i32 to index
      %get3A_177 = tpu.vector_load %arg10[%get3A_176] {strides = array<i32>} : memref<8208xf32, #tpu.memory_space<vmem>>, vector<16xf32>,
      %get3A_178 = arith.index_cast %mul3A_88 : i32 to index
      %get3A_179 = tpu.vector_load %arg10[%get3A_178] {strides = array<i32>} : memref<8208xf32, #tpu.memory_space<vmem>>, vector<16xf32>,
      %get3A_180 = arith.index_cast %mul3A_94 : i32 to index
      %get3A_181 = tpu.vector_load %arg10[%get3A_180] {strides = array<i32>} : memref<8208xf32, #tpu.memory_space<vmem>>, vector<16xf32>,
      %get3A_182 = arith.index_cast %mul3A_100 : i32 to index
      %get3A_183 = tpu.vector_load %arg10[%get3A_182] {strides = array<i32>} : memref<8208xf32, #tpu.memory_space<vmem>>, vector<16xf32>,
      %get3A_184 = arith.index_cast %mul3A_106 : i32 to index
      %get3A_185 = tpu.vector_load %arg10[%get3A_184] {strides = array<i32>} : memref<8208xf32, #tpu.memory_space<vmem>>, vector<16xf32>,
      %get3A_186 = arith.index_cast %add3A_114 : i32 to index
      %get3A_187 = tpu.vector_load %arg10[%get3A_186] {strides = array<i32>} : memref<8208xf32, #tpu.memory_space<vmem>>, vector<16xf32>,
      %get3A_188 = arith.index_cast %add3A_122 : i32 to index
      %get3A_189 = tpu.vector_load %arg10[%get3A_188] {strides = array<i32>} : memref<8208xf32, #tpu.memory_space<vmem>>, vector<16xf32>,
      %get3A_190 = arith.index_cast %add3A_130 : i32 to index
      %get3A_191 = tpu.vector_load %arg10[%get3A_190] {strides = array<i32>} : memref<8208xf32, #tpu.memory_space<vmem>>, vector<16xf32>,
      %get3A_192 = arith.index_cast %add3A_138 : i32 to index
      %get3A_193 = tpu.vector_load %arg10[%get3A_192] {strides = array<i32>} : memref<8208xf32, #tpu.memory_space<vmem>>, vector<16xf32>,
      %get3A_194 = arith.index_cast %add3A_146 : i32 to index
      %get3A_195 = tpu.vector_load %arg10[%get3A_194] {strides = array<i32>} : memref<8208xf32, #tpu.memory_space<vmem>>, vector<16xf32>,
      %get3A_196 = arith.index_cast %add3A_154 : i32 to index
      %get3A_197 = tpu.vector_load %arg10[%get3A_196] {strides = array<i32>} : memref<8208xf32, #tpu.memory_space<vmem>>, vector<16xf32>,
      %get3A_198 = arith.index_cast %add3A_162 : i32 to index
      %get3A_199 = tpu.vector_load %arg10[%get3A_198] {strides = array<i32>} : memref<8208xf32, #tpu.memory_space<vmem>>, vector<16xf32>,
      %get3A_200 = arith.index_cast %add3A_170 : i32 to index
      %get3A_201 = tpu.vector_load %arg10[%get3A_200] {strides = array<i32>} : memref<8208xf32, #tpu.memory_space<vmem>>, vector<16xf32>,
      %sub3A = arith.subf %get3A_171, %get3A_187 : vector<16xf32>
      %max3A = arith.constant 0.000000e+00 : f32
      %max3A_202 = vector.broadcast %max3A : f32 to vector<16xf32>
      %max3A_203 = arith.maximumf %sub3A, %max3A_202 : vector<16xf32>
      %sub3A_204 = arith.subf %get3A_173, %get3A_189 : vector<16xf32>
      %max3A_205 = arith.constant 0.000000e+00 : f32
      %max3A_206 = vector.broadcast %max3A_205 : f32 to vector<16xf32>
      %max3A_207 = arith.maximumf %sub3A_204, %max3A_206 : vector<16xf32>
      %sub3A_208 = arith.subf %get3A_175, %get3A_191 : vector<16xf32>
      %max3A_209 = arith.constant 0.000000e+00 : f32
      %max3A_210 = vector.broadcast %max3A_209 : f32 to vector<16xf32>
      %max3A_211 = arith.maximumf %sub3A_208, %max3A_210 : vector<16xf32>
      %sub3A_212 = arith.subf %get3A_177, %get3A_193 : vector<16xf32>
      %max3A_213 = arith.constant 0.000000e+00 : f32
      %max3A_214 = vector.broadcast %max3A_213 : f32 to vector<16xf32>
      %max3A_215 = arith.maximumf %sub3A_212, %max3A_214 : vector<16xf32>
      %sub3A_216 = arith.subf %get3A_179, %get3A_195 : vector<16xf32>
      %max3A_217 = arith.constant 0.000000e+00 : f32
      %max3A_218 = vector.broadcast %max3A_217 : f32 to vector<16xf32>
      %max3A_219 = arith.maximumf %sub3A_216, %max3A_218 : vector<16xf32>
      %sub3A_220 = arith.subf %get3A_181, %get3A_197 : vector<16xf32>
      %max3A_221 = arith.constant 0.000000e+00 : f32
      %max3A_222 = vector.broadcast %max3A_221 : f32 to vector<16xf32>
      %max3A_223 = arith.maximumf %sub3A_220, %max3A_222 : vector<16xf32>
      %sub3A_224 = arith.subf %get3A_183, %get3A_199 : vector<16xf32>
      %max3A_225 = arith.constant 0.000000e+00 : f32
      %max3A_226 = vector.broadcast %max3A_225 : f32 to vector<16xf32>
      %max3A_227 = arith.maximumf %sub3A_224, %max3A_226 : vector<16xf32>
      %sub3A_228 = arith.subf %get3A_185, %get3A_201 : vector<16xf32>
      %max3A_229 = arith.constant 0.000000e+00 : f32
      %max3A_230 = vector.broadcast %max3A_229 : f32 to vector<16xf32>
      %max3A_231 = arith.maximumf %sub3A_228, %max3A_230 : vector<16xf32>
      %add3A_232 = arith.addf %max3A_203, %max3A_207 : vector<16xf32>
      %add3A_233 = arith.addf %max3A_211, %max3A_215 : vector<16xf32>
      %add3A_234 = arith.addf %max3A_219, %max3A_223 : vector<16xf32>
      %add3A_235 = arith.addf %max3A_227, %max3A_231 : vector<16xf32>
      %add3A_236 = arith.addf %add3A_232, %add3A_233 : vector<16xf32>
      %add3A_237 = arith.addf %add3A_234, %add3A_235 : vector<16xf32>
      %add3A_238 = arith.addf %add3A_236, %add3A_237 : vector<16xf32>
      %add3A_239 = arith.addf %scan3A_58, %add3A_238 : vector<16xf32>
      %scan3A_240 = arith.constant 1 : i32
      %scan3A_241 = arith.addi %scan3A_57, %scan3A_240 : i32
      %mul3A_242 = arith.constant 8 : i32
      %mul3A_243 = arith.muli %scan3A_241, %mul3A_242 : i32
      %add3A_244 = arith.constant 0 : i32
      %add3A_245 = arith.addi %mul3A_243, %add3A_244 : i32
      %mul3A_246 = arith.constant 16 : i32
      %mul3A_247 = arith.muli %add3A_245, %mul3A_246 : i32
      %mul3A_248 = arith.constant 8 : i32
      %mul3A_249 = arith.muli %scan3A_241, %mul3A_248 : i32
      %add3A_250 = arith.constant 1 : i32
      %add3A_251 = arith.addi %mul3A_249, %add3A_250 : i32
      %mul3A_252 = arith.constant 16 : i32
      %mul3A_253 = arith.muli %add3A_251, %mul3A_252 : i32
      %mul3A_254 = arith.constant 8 : i32
      %mul3A_255 = arith.muli %scan3A_241, %mul3A_254 : i32
      %add3A_256 = arith.constant 2 : i32
      %add3A_257 = arith.addi %mul3A_255, %add3A_256 : i32
      %mul3A_258 = arith.constant 16 : i32
      %mul3A_259 = arith.muli %add3A_257, %mul3A_258 : i32
      %mul3A_260 = arith.constant 8 : i32
      %mul3A_261 = arith.muli %scan3A_241, %mul3A_260 : i32
      %add3A_262 = arith.constant 3 : i32
      %add3A_263 = arith.addi %mul3A_261, %add3A_262 : i32
      %mul3A_264 = arith.constant 16 : i32
      %mul3A_265 = arith.muli %add3A_263, %mul3A_264 : i32
      %mul3A_266 = arith.constant 8 : i32
      %mul3A_267 = arith.muli %scan3A_241, %mul3A_266 : i32
      %add3A_268 = arith.constant 4 : i32
      %add3A_269 = arith.addi %mul3A_267, %add3A_268 : i32
      %mul3A_270 = arith.constant 16 : i32
      %mul3A_271 = arith.muli %add3A_269, %mul3A_270 : i32
      %mul3A_272 = arith.constant 8 : i32
      %mul3A_273 = arith.muli %scan3A_241, %mul3A_272 : i32
      %add3A_274 = arith.constant 5 : i32
      %add3A_275 = arith.addi %mul3A_273, %add3A_274 : i32
      %mul3A_276 = arith.constant 16 : i32
      %mul3A_277 = arith.muli %add3A_275, %mul3A_276 : i32
      %mul3A_278 = arith.constant 8 : i32
      %mul3A_279 = arith.muli %scan3A_241, %mul3A_278 : i32
      %add3A_280 = arith.constant 6 : i32
      %add3A_281 = arith.addi %mul3A_279, %add3A_280 : i32
      %mul3A_282 = arith.constant 16 : i32
      %mul3A_283 = arith.muli %add3A_281, %mul3A_282 : i32
      %mul3A_284 = arith.constant 8 : i32
      %mul3A_285 = arith.muli %scan3A_241, %mul3A_284 : i32
      %add3A_286 = arith.constant 7 : i32
      %add3A_287 = arith.addi %mul3A_285, %add3A_286 : i32
      %mul3A_288 = arith.constant 16 : i32
      %mul3A_289 = arith.muli %add3A_287, %mul3A_288 : i32
      %mul3A_290 = arith.constant 8 : i32
      %mul3A_291 = arith.muli %scan3A_241, %mul3A_290 : i32
      %add3A_292 = arith.constant 0 : i32
      %add3A_293 = arith.addi %mul3A_291, %add3A_292 : i32
      %mul3A_294 = arith.constant 16 : i32
      %mul3A_295 = arith.muli %add3A_293, %mul3A_294 : i32
      %add3A_296 = arith.constant 1 : i32
      %add3A_297 = arith.addi %mul3A_295, %add3A_296 : i32
      %mul3A_298 = arith.constant 8 : i32
      %mul3A_299 = arith.muli %scan3A_241, %mul3A_298 : i32
      %add3A_300 = arith.constant 1 : i32
      %add3A_301 = arith.addi %mul3A_299, %add3A_300 : i32
      %mul3A_302 = arith.constant 16 : i32
      %mul3A_303 = arith.muli %add3A_301, %mul3A_302 : i32
      %add3A_304 = arith.constant 1 : i32
      %add3A_305 = arith.addi %mul3A_303, %add3A_304 : i32
      %mul3A_306 = arith.constant 8 : i32
      %mul3A_307 = arith.muli %scan3A_241, %mul3A_306 : i32
      %add3A_308 = arith.constant 2 : i32
      %add3A_309 = arith.addi %mul3A_307, %add3A_308 : i32
      %mul3A_310 = arith.constant 16 : i32
      %mul3A_311 = arith.muli %add3A_309, %mul3A_310 : i32
      %add3A_312 = arith.constant 1 : i32
      %add3A_313 = arith.addi %mul3A_311, %add3A_312 : i32
      %mul3A_314 = arith.constant 8 : i32
      %mul3A_315 = arith.muli %scan3A_241, %mul3A_314 : i32
      %add3A_316 = arith.constant 3 : i32
      %add3A_317 = arith.addi %mul3A_315, %add3A_316 : i32
      %mul3A_318 = arith.constant 16 : i32
      %mul3A_319 = arith.muli %add3A_317, %mul3A_318 : i32
      %add3A_320 = arith.constant 1 : i32
      %add3A_321 = arith.addi %mul3A_319, %add3A_320 : i32
      %mul3A_322 = arith.constant 8 : i32
      %mul3A_323 = arith.muli %scan3A_241, %mul3A_322 : i32
      %add3A_324 = arith.constant 4 : i32
      %add3A_325 = arith.addi %mul3A_323, %add3A_324 : i32
      %mul3A_326 = arith.constant 16 : i32
      %mul3A_327 = arith.muli %add3A_325, %mul3A_326 : i32
      %add3A_328 = arith.constant 1 : i32
      %add3A_329 = arith.addi %mul3A_327, %add3A_328 : i32
      %mul3A_330 = arith.constant 8 : i32
      %mul3A_331 = arith.muli %scan3A_241, %mul3A_330 : i32
      %add3A_332 = arith.constant 5 : i32
      %add3A_333 = arith.addi %mul3A_331, %add3A_332 : i32
      %mul3A_334 = arith.constant 16 : i32
      %mul3A_335 = arith.muli %add3A_333, %mul3A_334 : i32
      %add3A_336 = arith.constant 1 : i32
      %add3A_337 = arith.addi %mul3A_335, %add3A_336 : i32
      %mul3A_338 = arith.constant 8 : i32
      %mul3A_339 = arith.muli %scan3A_241, %mul3A_338 : i32
      %add3A_340 = arith.constant 6 : i32
      %add3A_341 = arith.addi %mul3A_339, %add3A_340 : i32
      %mul3A_342 = arith.constant 16 : i32
      %mul3A_343 = arith.muli %add3A_341, %mul3A_342 : i32
      %add3A_344 = arith.constant 1 : i32
      %add3A_345 = arith.addi %mul3A_343, %add3A_344 : i32
      %mul3A_346 = arith.constant 8 : i32
      %mul3A_347 = arith.muli %scan3A_241, %mul3A_346 : i32
      %add3A_348 = arith.constant 7 : i32
      %add3A_349 = arith.addi %mul3A_347, %add3A_348 : i32
      %mul3A_350 = arith.constant 16 : i32
      %mul3A_351 = arith.muli %add3A_349, %mul3A_350 : i32
      %add3A_352 = arith.constant 1 : i32
      %add3A_353 = arith.addi %mul3A_351, %add3A_352 : i32
      %get3A_354 = arith.index_cast %mul3A_247 : i32 to index
      %get3A_355 = tpu.vector_load %arg10[%get3A_354] {strides = array<i32>} : memref<8208xf32, #tpu.memory_space<vmem>>, vector<16xf32>,
      %get3A_356 = arith.index_cast %mul3A_253 : i32 to index
      %get3A_357 = tpu.vector_load %arg10[%get3A_356] {strides = array<i32>} : memref<8208xf32, #tpu.memory_space<vmem>>, vector<16xf32>,
      %get3A_358 = arith.index_cast %mul3A_259 : i32 to index
      %get3A_359 = tpu.vector_load %arg10[%get3A_358] {strides = array<i32>} : memref<8208xf32, #tpu.memory_space<vmem>>, vector<16xf32>,
      %get3A_360 = arith.index_cast %mul3A_265 : i32 to index
      %get3A_361 = tpu.vector_load %arg10[%get3A_360] {strides = array<i32>} : memref<8208xf32, #tpu.memory_space<vmem>>, vector<16xf32>,
      %get3A_362 = arith.index_cast %mul3A_271 : i32 to index
      %get3A_363 = tpu.vector_load %arg10[%get3A_362] {strides = array<i32>} : memref<8208xf32, #tpu.memory_space<vmem>>, vector<16xf32>,
      %get3A_364 = arith.index_cast %mul3A_277 : i32 to index
      %get3A_365 = tpu.vector_load %arg10[%get3A_364] {strides = array<i32>} : memref<8208xf32, #tpu.memory_space<vmem>>, vector<16xf32>,
      %get3A_366 = arith.index_cast %mul3A_283 : i32 to index
      %get3A_367 = tpu.vector_load %arg10[%get3A_366] {strides = array<i32>} : memref<8208xf32, #tpu.memory_space<vmem>>, vector<16xf32>,
      %get3A_368 = arith.index_cast %mul3A_289 : i32 to index
      %get3A_369 = tpu.vector_load %arg10[%get3A_368] {strides = array<i32>} : memref<8208xf32, #tpu.memory_space<vmem>>, vector<16xf32>,
      %get3A_370 = arith.index_cast %add3A_297 : i32 to index
      %get3A_371 = tpu.vector_load %arg10[%get3A_370] {strides = array<i32>} : memref<8208xf32, #tpu.memory_space<vmem>>, vector<16xf32>,
      %get3A_372 = arith.index_cast %add3A_305 : i32 to index
      %get3A_373 = tpu.vector_load %arg10[%get3A_372] {strides = array<i32>} : memref<8208xf32, #tpu.memory_space<vmem>>, vector<16xf32>,
      %get3A_374 = arith.index_cast %add3A_313 : i32 to index
      %get3A_375 = tpu.vector_load %arg10[%get3A_374] {strides = array<i32>} : memref<8208xf32, #tpu.memory_space<vmem>>, vector<16xf32>,
      %get3A_376 = arith.index_cast %add3A_321 : i32 to index
      %get3A_377 = tpu.vector_load %arg10[%get3A_376] {strides = array<i32>} : memref<8208xf32, #tpu.memory_space<vmem>>, vector<16xf32>,
      %get3A_378 = arith.index_cast %add3A_329 : i32 to index
      %get3A_379 = tpu.vector_load %arg10[%get3A_378] {strides = array<i32>} : memref<8208xf32, #tpu.memory_space<vmem>>, vector<16xf32>,
      %get3A_380 = arith.index_cast %add3A_337 : i32 to index
      %get3A_381 = tpu.vector_load %arg10[%get3A_380] {strides = array<i32>} : memref<8208xf32, #tpu.memory_space<vmem>>, vector<16xf32>,
      %get3A_382 = arith.index_cast %add3A_345 : i32 to index
      %get3A_383 = tpu.vector_load %arg10[%get3A_382] {strides = array<i32>} : memref<8208xf32, #tpu.memory_space<vmem>>, vector<16xf32>,
      %get3A_384 = arith.index_cast %add3A_353 : i32 to index
      %get3A_385 = tpu.vector_load %arg10[%get3A_384] {strides = array<i32>} : memref<8208xf32, #tpu.memory_space<vmem>>, vector<16xf32>,
      %sub3A_386 = arith.subf %get3A_355, %get3A_371 : vector<16xf32>
      %max3A_387 = arith.constant 0.000000e+00 : f32
      %max3A_388 = vector.broadcast %max3A_387 : f32 to vector<16xf32>
      %max3A_389 = arith.maximumf %sub3A_386, %max3A_388 : vector<16xf32>
      %sub3A_390 = arith.subf %get3A_357, %get3A_373 : vector<16xf32>
      %max3A_391 = arith.constant 0.000000e+00 : f32
      %max3A_392 = vector.broadcast %max3A_391 : f32 to vector<16xf32>
      %max3A_393 = arith.maximumf %sub3A_390, %max3A_392 : vector<16xf32>
      %sub3A_394 = arith.subf %get3A_359, %get3A_375 : vector<16xf32>
      %max3A_395 = arith.constant 0.000000e+00 : f32
      %max3A_396 = vector.broadcast %max3A_395 : f32 to vector<16xf32>
      %max3A_397 = arith.maximumf %sub3A_394, %max3A_396 : vector<16xf32>
      %sub3A_398 = arith.subf %get3A_361, %get3A_377 : vector<16xf32>
      %max3A_399 = arith.constant 0.000000e+00 : f32
      %max3A_400 = vector.broadcast %max3A_399 : f32 to vector<16xf32>
      %max3A_401 = arith.maximumf %sub3A_398, %max3A_400 : vector<16xf32>
      %sub3A_402 = arith.subf %get3A_363, %get3A_379 : vector<16xf32>
      %max3A_403 = arith.constant 0.000000e+00 : f32
      %max3A_404 = vector.broadcast %max3A_403 : f32 to vector<16xf32>
      %max3A_405 = arith.maximumf %sub3A_402, %max3A_404 : vector<16xf32>
      %sub3A_406 = arith.subf %get3A_365, %get3A_381 : vector<16xf32>
      %max3A_407 = arith.constant 0.000000e+00 : f32
      %max3A_408 = vector.broadcast %max3A_407 : f32 to vector<16xf32>
      %max3A_409 = arith.maximumf %sub3A_406, %max3A_408 : vector<16xf32>
      %sub3A_410 = arith.subf %get3A_367, %get3A_383 : vector<16xf32>
      %max3A_411 = arith.constant 0.000000e+00 : f32
      %max3A_412 = vector.broadcast %max3A_411 : f32 to vector<16xf32>
      %max3A_413 = arith.maximumf %sub3A_410, %max3A_412 : vector<16xf32>
      %sub3A_414 = arith.subf %get3A_369, %get3A_385 : vector<16xf32>
      %max3A_415 = arith.constant 0.000000e+00 : f32
      %max3A_416 = vector.broadcast %max3A_415 : f32 to vector<16xf32>
      %max3A_417 = arith.maximumf %sub3A_414, %max3A_416 : vector<16xf32>
      %add3A_418 = arith.addf %max3A_389, %max3A_393 : vector<16xf32>
      %add3A_419 = arith.addf %max3A_397, %max3A_401 : vector<16xf32>
      %add3A_420 = arith.addf %max3A_405, %max3A_409 : vector<16xf32>
      %add3A_421 = arith.addf %max3A_413, %max3A_417 : vector<16xf32>
      %add3A_422 = arith.addf %add3A_418, %add3A_419 : vector<16xf32>
      %add3A_423 = arith.addf %add3A_420, %add3A_421 : vector<16xf32>
      %add3A_424 = arith.addf %add3A_422, %add3A_423 : vector<16xf32>
      %add3A_425 = arith.addf %add3A_239, %add3A_424 : vector<16xf32>
      scf.yield %add3A_425 : vector<16xf32>
    }
    %scan3A_54 = arith.constant 64 : i32
    %swap3A_55 = arith.constant 0 : index
    %swap3A_56 = tpu.vector_load %arg28[%swap3A_55] {strides = array<i32>} : memref<16xf32, #tpu.memory_space<vmem>>, vector<16xf32>,
    tpu.vector_store %arg28[%swap3A_55], %scan3A_53 {strides = array<i32>} : memref<16xf32, #tpu.memory_space<vmem>>, vector<16xf32>,
    "tpu.region"() ({
      %run_scoped3A = tpu.sem_alloc : memref<!tpu.dma_semaphore, #tpu.memory_space<semaphore_mem>>
      %dma_start3A_57 = arith.constant 0 : i32
      %dma_start3A_58 = tpu.memref_slice %arg4[%add3A, %dma_start3A_57] : memref<32x16xf32, #tpu.memory_space<hbm>> -> memref<1x16xf32, #tpu.memory_space<hbm>>
      %dma_start3A_59 = tpu.memref_squeeze %dma_start3A_58 : memref<1x16xf32, #tpu.memory_space<hbm>> -> memref<16xf32, #tpu.memory_space<hbm>>
      %dma_start3A_60 = arith.constant 0 : i32
      %dma_start3A_61 = tpu.memref_slice %arg4[%add3A, %dma_start3A_60] : memref<32x16xf32, #tpu.memory_space<hbm>> -> memref<1x16xf32, #tpu.memory_space<hbm>>
      %dma_start3A_62 = tpu.memref_squeeze %dma_start3A_61 : memref<1x16xf32, #tpu.memory_space<hbm>> -> memref<16xf32, #tpu.memory_space<hbm>>
      tpu.enqueue_dma source(%arg28 : memref<16xf32, #tpu.memory_space<vmem>>) target(%dma_start3A_62 : memref<16xf32, #tpu.memory_space<hbm>>) target_semaphore(%run_scoped3A : memref<!tpu.dma_semaphore, #tpu.memory_space<semaphore_mem>>)
      %dma_wait3A_63 = arith.constant 0 : i32
      %dma_wait3A_64 = tpu.memref_slice %arg4[%add3A, %dma_wait3A_63] : memref<32x16xf32, #tpu.memory_space<hbm>> -> memref<1x16xf32, #tpu.memory_space<hbm>>
      %dma_wait3A_65 = tpu.memref_squeeze %dma_wait3A_64 : memref<1x16xf32, #tpu.memory_space<hbm>> -> memref<16xf32, #tpu.memory_space<hbm>>
      %dma_wait3A_66 = arith.constant 0 : i32
      %dma_wait3A_67 = tpu.memref_slice %arg4[%add3A, %dma_wait3A_66] : memref<32x16xf32, #tpu.memory_space<hbm>> -> memref<1x16xf32, #tpu.memory_space<hbm>>
      %dma_wait3A_68 = tpu.memref_squeeze %dma_wait3A_67 : memref<1x16xf32, #tpu.memory_space<hbm>> -> memref<16xf32, #tpu.memory_space<hbm>>
      tpu.wait_dma2 semaphore(%run_scoped3A : memref<!tpu.dma_semaphore, #tpu.memory_space<semaphore_mem>>) src(%arg28 : memref<16xf32, #tpu.memory_space<vmem>>) dst(%dma_wait3A_68 : memref<16xf32, #tpu.memory_space<hbm>>)
      tpu.yield
    }) : () -> ()
    return
  }
}

</mosaic_0001>

<sc_bundles>
// kernel: _rank_loss.3.cloned.1.call-start
scs
__scs_entry_jumppad:
0x0: {  	(pc) =	sbr.rel $0x88, $3  }
0x1: {  	(tag) =	ssettag $0x0;
	lr =	simm.s32 $0x1  }
0x2: {  	[smem:$0x3F9F] =	sst lr;
	_ =	strace $0xD0000000  }
0x3: {  	_ = 	snop  }
0x4: {  	_ = 	snop  }
0x5: {  	_ = 	snop  }
0x6: {  	_ = 	snop  }
0x7: {  	_ = 	snop  }
__scs_overlays_trampoline_lowered:
0x8: {  	[smem:$0x3FAE] =	sst s0  }
0x9: {  	[smem:$0x3FAF] =	sst s1  }
0xa: {  	[smem:$0x3FB0] =	sst s2  }
0xb: {  	[smem:$0x3FB1] =	sst s3  }
0xc: {  	[smem:$0x3FB2] =	sst s4  }
0xd: {  	[smem:$0x3FB3] =	sst s5  }
0xe: {  	[smem:$0x3FB4] =	sst s6  }
0xf: {  	[smem:$0x3FB5] =	sst s7  }
0x10: {  	[smem:$0x3FB6] =	sst s8  }
0x11: {  	[smem:$0x3FB7] =	sst s9;
	s0 =	simm.s32 @!p0 $0x0  }
0x12: {  	s1 =	sld [smem:$0x3F9D];
	s0 =	simm.s32 @p0 $0x1  }
0x13: {  	[smem:$0x3FB8] =	sst s0;
	s0 =	simm.s32 @!p1 $0x0  }
0x14: {  	s2 =	sld [smem:$0x3F9C];
	s0 =	simm.s32 @p1 $0x1  }
0x15: {  	[smem:$0x3FB9] =	sst s0;
	s0 =	simm.s32 @!p2 $0x0  }
0x16: {  	s3 =	sld [smem:$0x3FDB];
	s0 =	simm.s32 @p2 $0x1  }
0x17: {  	s4 =	simm.s32 $0x1BF5;
	[smem:$0x3FBB] =	sst s0  }
0x18: {  	s0 =	sld [smem:$0x3F9E];
	_ =	swait.ge [sflag:s4], $0x0  }
0x19: {  	s7 =	sld [smem:$0x3F9F]  }
0x1a: {  	s8 =	sadd.s32 $0xFFFFE003, lr  }
0x1b: {  	s9 =	sadd.s32 $0xFFFFFEF7, lr;
	s5 =	simm.s32 $0xFFFFFFFF;
	p2 =	slt.u32 s8, $0xFFFFF086  }
0x1c: {  	p1 =	slt.u32 s9, $0xF7A;
	s5 =	simm.s32 @!p2 $0x0  }
0x1d: {  	s5 =	simm.s32 @p1 $0x1;
	p0 =	seq.s32 s7, s2  }
0x1e: {  	s7 =	smul.u32 @!p0 $0xF7A, s2;
	p2 =	seq.s32 @!p0 s5, $0x0  }
0x1f: {  	s9 =	smul.u32 $0xF7A, s1;
	s8 =	simm.s32 @!p0 $0x1BF5;
	p2 =	por !p2, p0  }
0x20: {  	[sflag:s8] =	ssyncset.s32 @!p0 $0xFFFFF086;
	s6 =	sadd.s32 @!p0 s3, s7;
	s7 =	simm.s32 @!p0 $0x108  }
0x21: {  	s3 =	sadd.s32 s3, s9;
	s6 =	sadd.s32 @!p0 $0x88, s6;
	s7 =	simm.s32 @p2 $0x1082  }
0x22: {  	[simem:s7], [sflag:s8] =	dma.local @!p0 [hbm:s6], $0xF7A  }
0x23: {  	s9 =	sor.u32 $0xD0000000, s2;
	s6 =	simm.s32 $0x108;
	_ =	swait.ge @!p0 [sflag:s8], $0x0  }
0x24: {  	s3 =	sadd.s32 $0x88, s3;
	s6 =	simm.s32 @!p1 $0x1082;
	[sflag:s4] =	ssyncset.s32 $0xFFFFF086  }
0x25: {  	[simem:s6], [sflag:s4] =	dma.local [hbm:s3], $0xF7A  }
0x26: {  	[smem:$0x3F9F] =	sst s1;
	(tag) =	ssettag s2;
	_ =	strace s9  }
0x27: {  	s1 =	sld [smem:$0x3FAF]  }
0x28: {  	s2 =	sld [smem:$0x3FB0]  }
0x29: {  	s4 =	sld [smem:$0x3FB2]  }
0x2a: {  	p0 =	seq.s32 s5, $0x0;
	s5 =	sld [smem:$0x3FB3]  }
0x2b: {  	s6 =	sld [smem:$0x3FB4]  }
0x2c: {  	s7 =	sld [smem:$0x3FB5]  }
0x2d: {  	s3 =	simm.s32 $0x108;
	s8 =	sld [smem:$0x3FB6]  }
0x2e: {  	s3 =	simm.s32 @!p0 $0x1082;
	s9 =	sld [smem:$0x3FB7]  }
0x2f: {  	lr =	sadd.s32 s0, s3;
	s0 =	sld [smem:$0x3FAE]  }
0x30: {  	s3 =	sld [smem:$0x3FB1]  }
0x31: {  	[smem:$0x3FBA] =	sst s10  }
0x32: {  	s10 =	sld [smem:$0x3FB8];
	_ =	sdelay $0x3  }
0x33: {  	p0 =	seq.s32 s10, $0x1;
	s10 =	sld [smem:$0x3FBA];
	_ =	sdelay $0x3  }
0x34: {  	[smem:$0x3FBA] =	sst s10  }
0x35: {  	s10 =	sld [smem:$0x3FB9];
	_ =	sdelay $0x3  }
0x36: {  	p1 =	seq.s32 s10, $0x1;
	s10 =	sld [smem:$0x3FBA];
	_ =	sdelay $0x3  }
0x37: {  	[smem:$0x3FBA] =	sst s10  }
0x38: {  	s10 =	sld [smem:$0x3FBB]  }
0x39: {  	_ = 	snop;
	(pc) =	sbr.ind lr, $3  }
0x3a: {  	_ = 	snop  }
0x3b: {  	_ = 	snop  }
0x3c: {  	p2 =	seq.s32 s10, $0x1;
	s10 =	sld [smem:$0x3FBA]  }
0x3d: {  	_ =	shalt  }
0x3e: {  	_ =	shalt  }
0x3f: {  	_ =	shalt  }
0x40: {  	_ =	shalt  }
0x41: {  	_ =	shalt  }
0x42: {  	_ =	shalt  }
0x43: {  	_ =	shalt  }
0x44: {  	_ =	shalt  }
0x45: {  	_ =	shalt  }
0x46: {  	_ =	shalt  }
0x47: {  	_ =	shalt  }
0x48: {  	_ =	shalt  }
0x49: {  	_ =	shalt  }
0x4a: {  	_ =	shalt  }
0x4b: {  	_ =	shalt  }
0x4c: {  	_ =	shalt  }
0x4d: {  	_ =	shalt  }
0x4e: {  	_ =	shalt  }
0x4f: {  	_ =	shalt  }
0x50: {  	_ =	shalt  }
0x51: {  	_ =	shalt  }
0x52: {  	_ =	shalt  }
0x53: {  	_ =	shalt  }
0x54: {  	_ =	shalt  }
0x55: {  	_ =	shalt  }
0x56: {  	_ =	shalt  }
0x57: {  	_ =	shalt  }
0x58: {  	_ =	shalt  }
0x59: {  	_ =	shalt  }
0x5a: {  	_ =	shalt  }
0x5b: {  	_ =	shalt  }
0x5c: {  	_ =	shalt  }
0x5d: {  	_ =	shalt  }
0x5e: {  	_ =	shalt  }
0x5f: {  	_ =	shalt  }
0x60: {  	_ =	shalt  }
0x61: {  	_ =	shalt  }
0x62: {  	_ =	shalt  }
0x63: {  	_ =	shalt  }
0x64: {  	_ =	shalt  }
0x65: {  	_ =	shalt  }
0x66: {  	_ =	shalt  }
0x67: {  	_ =	shalt  }
0x68: {  	_ =	shalt  }
0x69: {  	_ =	shalt  }
0x6a: {  	_ =	shalt  }
0x6b: {  	_ =	shalt  }
0x6c: {  	_ =	shalt  }
0x6d: {  	_ =	shalt  }
0x6e: {  	_ =	shalt  }
0x6f: {  	_ =	shalt  }
0x70: {  	_ =	shalt  }
0x71: {  	_ =	shalt  }
0x72: {  	_ =	shalt  }
0x73: {  	_ =	shalt  }
0x74: {  	_ =	shalt  }
0x75: {  	_ =	shalt  }
0x76: {  	_ =	shalt  }
0x77: {  	_ =	shalt  }
0x78: {  	_ =	shalt  }
0x79: {  	_ =	shalt  }
0x7a: {  	_ =	shalt  }
0x7b: {  	_ =	shalt  }
0x7c: {  	_ =	shalt  }
0x7d: {  	_ =	shalt  }
0x7e: {  	_ =	shalt  }
0x7f: {  	_ =	shalt  }
0x80: {  	_ =	shalt  }
0x81: {  	_ =	shalt  }
0x82: {  	_ =	shalt  }
0x83: {  	_ =	shalt  }
0x84: {  	_ =	shalt  }
0x85: {  	_ =	shalt  }
0x86: {  	_ =	shalt  }
0x87: {  	_ =	shalt  }
.Lfunc_end0:
.L_simem_size_0:
called_computation_lowered:
.L_overlay_start_0:
0x88: {  	s2 =	sld [smem:$0x3FD9]  }
0x89: {  	s3 =	sld [smem:$0x3FFE];
	_ =	sdelay $0x1  }
0x8a: {  	s1 =	srdreg.scid  }
0x8b: {  	s0 =	sand.u32 $0x1, s1  }
0x8c: {  	s17 =	sshll.u32 s0, $0xA;
	s2 =	sadd.s32 s3, s2  }
0x8d: {  	s2 =	sadd.s32 s2, s17  }
0x8e: {  	[smem:$0x3FC6] =	sst s2  }
0x8f: {  	_ = 	snop  }
0x90: {  	s2 =	sld [smem:$0x3FC9]  }
0x91: {  	s18 =	sld [smem:$0x3FC8];
	(tm) =	ssettm $0x1  }
0x92: {  	s4 =	sld [smem:$0x3FFB];
	_ =	sdelay $0x3  }
0x93: {  	_ =	strace s4  }
0x94: {  	s4 =	sld [smem:$0x3FFC];
	_ =	sdelay $0x3  }
0x95: {  	_ =	strace s4  }
0x96: {  	s4 =	sld [smem:$0x3FFD];
	_ =	sdelay $0x3  }
0x97: {  	_ =	strace s4  }
0x98: {  	_ =	strace $0x8FFFFFFF  }
0x99: {  	s19 =	sld [smem:$0x3FDB];
	_ =	sdelay $0x1  }
0x9a: {  	s5 =	simm.s32 $_scs_section_size  }
0x9b: {  	s6 =	simm.s32 $_size__tile_overlayer_lowered;
	s7 =	simm.s32 $_tile_overlayer_lowered  }
0x9c: {  	s22 =	simm.s32 $0x1BFF;
	s21 =	sshll.u32 s7, $0x1;
	s4 =	sadd.s32 s5, s19  }
0x9d: {  	s8 =	simm.s32 $0x0;
	s20 =	sshll.u32 s6, $0x1;
	s6 =	sadd.s32 s21, s4  }
0x9e: {  	[timem:s8], [sflag:s22] =	dma.local [hbm:s6], s20  }
0x9f: {  	_ =	swait.ge [sflag:s22], s20  }
0xa0: {  	s5 =	ssub.s32 $0x0, s20;
	[sflag:s22] =	ssyncset.done $0x0  }
0xa1: {  	[sflag:s22] =	ssyncadd.s32 s5;
	_ =	sdelay $0x1  }
0xa2: {  	s23 =	simm.s32 $0x1B8B  }
0xa3: {  	_ =	swait.ge [sflag:s23], $0x1  }
0xa4: {  	[sflag:s23] =	ssyncset.done $0x0  }
0xa5: {  	s25 =	simm.s32 $0x1B8E;
	s24 =	sld [smem:$0x3FFE];
	[sflag:s23] =	ssyncadd.s32 $0xFFFFFFFF  }
0xa6: {  	s26 =	simm.s32 $execute0_lowered;
	[smem:$0x3FD2] =	sst s25  }
0xa7: {  	s6 =	sshll.u32 s26, $0x1;
	_ =	strace $0x80000046;
	[dreg:$0x1] =	wrdreg $0xFFFFFFFF  }
0xa8: {  	s28 =	simm.s32 $_size_execute0_lowered;
	s4 =	sadd.s32 s4, s6;
	[dreg:$0x0] =	wrdreg $0x0  }
0xa9: {  	s6 =	sshll.u32 s28, $0x1;
	[dreg:$0x2] =	wrdreg s4  }
0xaa: {  	[dreg:$0x3] =	wrdreg s6  }
0xab: {  	[dreg:$0x4] =	wrdreg $0xC0  }
0xac: {  	_ =	task [dreg:s8], $0x5FFFF  }
0xad: {  	[dreg:$0x1] =	wrdreg $0xFFFFFFFF  }
0xae: {  	[dreg:$0x0] =	wrdreg $0x60  }
0xaf: {  	[dreg:$0x2] =	wrdreg s2  }
0xb0: {  	[dreg:$0x3] =	wrdreg s18  }
0xb1: {  	[dreg:$0x4] =	wrdreg s24  }
0xb2: {  	[dreg:$0x5] =	wrdreg $0x9  }
0xb3: {  	_ =	task.clear_ibuf [dreg:s8], $0x6FFFF;
	_ =	strace $0x90000046  }
0xb4: {  	s29 =	simm.s32 $0x9;
	_ =	strace $0x80000048  }
0xb5: {  	_ =	swait.ge [sflag:s29], $0x1  }
0xb6: {  	[sflag:s29] =	ssyncadd.s32 $0xFFFFFFFF  }
0xb7: {  	_ =	strace $0x90000048  }
0xb8: {  	_ =	sfence  }
0xb9: {  	s30 =	sld [smem:$0x0];
	_ =	sdelay $0x2  }
0xba: {  	s31 =	sshll.u32 s1, $0xD;
	s1 =	sshrl.u32 s1, $0x2  }
0xbb: {  	s3 =	sand.u32 $0x4000, s31;
	s1 =	sadd.s32 s1, s30  }
0xbc: {  	s0 =	sor.u32 s3, s0;
	s1 =	sshll.u32 s1, $0x11  }
0xbd: {  	s0 =	sor.u32 s1, s0  }
0xbe: {  	s0 =	sadd.s32 $0x8F2B, s0  }
0xbf: {  	[sflag:s0] =	ssyncadd.remote.s32 $0x1  }
0xc0: {  	_ =	sfence.sel $0xFFFF  }
0xc1: {  	[dreg:$0x0] =	wrdreg $0xFFFFFFFF;
	(pc) =	sbr.abs _section_cstart, $3  }
0xc2: {  	[dreg:$0x1] =	wrdreg $0xFFFFFFFF  }
0xc3: {  	_ =	task.clear_ibuf [dreg:s8], $0x2FFFF;
	_ =	strace $0x9FFFFFFF  }
0xc4: {  	(tm) =	ssettm $0x7FFFFFFF  }
0xc5: {  	_ =	shalt  }
tec
execute0_lowered:
.L_overlay_start_1:
0x0: {  	(tag) =	ssettag $0x1  }
0x1: {  	s15 =	rddreg [dreg:$0x0]  }
0x2: {  	s5 =	rddreg [dreg:$0x1]  }
0x3: {  	s0 =	rddreg [dreg:$0x2];
	s1 =	srdreg.scid  }
0x4: {  	s2 =	simm.s32 $0x0;
	s3 =	stileid.u32;
	s10 =	simm.s32 $0x80  }
0x5: {  	s11 =	simm.s32 $0x400;
	s13 =	simm.s32 $0x1;
	s16 =	simm.s32 $0xC100  }
0x6: {  	s17 =	simm.s32 $0xC580;
	s18 =	simm.s32 $0xCA00;
	s19 =	simm.s32 $0xCE80  }
0x7: {  	s20 =	simm.s32 $0xD300;
	s21 =	simm.s32 $0xD780;
	s22 =	simm.s32 $0xDC00  }
0x8: {  	s28 =	simm.s32 $0xF280;
	s29 =	simm.s32 $0xF700;
	s30 =	simm.s32 $0xFB80  }
0x9: {  	s31 =	simm.s32 $0x10000;
	s6 =	simm.s32 $0xA080;
	s1 =	sand.u32 $0x1, s1  }
0xa: {  	[smem:$0x7FF] =	sst s2;
	s3 =	sshll.u32 s3, $0x1;
	s23 =	ssub.s32 $0x2, s1  }
0xb: {  	_ =	strace $0x80000047;
	s1 =	sor.u32 s1, s3;
	s4 =	sshrl.u32 s23, $0x1  }
0xc: {  	s3 =	sshll.u32 s1, $0x6;
	s24 =	sshll.u32 s1, $0x10;
	s1 =	sshll.u32 s1, $0x4  }
0xd: {  	s2 =	ssub.s32 s23, s4;
	[dreg:$0x4] =	wrdreg s3;
	s25 =	sadd.s32 s5, s24  }
0xe: {  	s3 =	sadd.s32 s15, s24;
	s0 =	sadd.s32 s0, s1;
	[dreg:$0x5] =	wrdreg s25  }
0xf: {  	s23 =	simm.s32 $0xE080;
	s24 =	simm.s32 $0xE500;
	[dreg:$0x6] =	wrdreg s3  }
0x10: {  	s4 =	simm.s32 $0x2;
	s5 =	simm.s32 $0x0;
	[dreg:$0x7] =	wrdreg s0  }
0x11: {  	s26 =	smax.u32 s2, $0x1;
	s25 =	simm.s32 $0xE980;
	s0 =	simm.s32 $0x10480  }
0x12: {  	v0 =	vimm.s32 $0x0;
	v1 =	vimm.f32 $3.000000010e+38;
	s3 =	simm.s32 $0x8000;
	[dreg:$0x8] =	wrdreg s26;
	s26 =	simm.s32 $0xEE00  }
.LBB2_1:
0x13: {  	s1 =	simm.s32 $0x0;
	s2 =	simm.s32 $0x40  }
.LBB2_2:
0x14: {  	p0 =	sne.s32 s2, $0x1000;
	[tilespmem:s1+$0xE080] =	vst v0  }
0x15: {  	[tilespmem:s1+$0xC100] =	vst v0  }
0x16: {  	[tilespmem:s1+$0xC580] =	vst v0  }
.Ltmp0:
0x17: {  	[tilespmem:s1+$0xCA00] =	vst v0;
	(pc) =	sbr.rel @p0 .LBB2_2-.Ltmp0, $4  }
0x18: {  	[tilespmem:s1+$0xCE80] =	vst v0  }
0x19: {  	[tilespmem:s1+$0xD300] =	vst v0  }
0x1a: {  	[tilespmem:s1+$0xD780] =	vst v0  }
0x1b: {  	[tilespmem:s1+$0xDC00] =	vst v0;
	s1 =	sshra.s32 s2, $0x2;
	s2 =	sadd.s32 $0x40, s2  }
0x1c: {  	[tilespmem:s1+$0xE080] =	vst v0  }
0x1d: {  	[tilespmem:s1+$0xC100] =	vst v0  }
0x1e: {  	[tilespmem:s1+$0xC580] =	vst v0  }
0x1f: {  	[tilespmem:s1+$0xCA00] =	vst v0  }
0x20: {  	[tilespmem:s1+$0xCE80] =	vst v0  }
0x21: {  	[tilespmem:s1+$0xD300] =	vst v0  }
0x22: {  	[tilespmem:s1+$0xD780] =	vst v0  }
0x23: {  	[dreg:$0x9] =	wrdreg s5;
	[tilespmem:s1+$0xDC00] =	vst v0;
	s1 =	simm.s32 $0x40;
	s2 =	simm.s32 $0x0  }
.LBB2_4:
0x24: {  	p0 =	sne.s32 s1, $0x8000;
	[tilespmem:s2+$0xA080] =	vst v1;
	s2 =	smov.u32 s1;
	s1 =	sadd.s32 $0x40, s1  }
.Ltmp1:
0x25: {  	(pc) =	sbr.rel @p0 .LBB2_4-.Ltmp1, $2  }
0x26: {  	_ =	sdelay $0x2  }
0x27: {  	s2 =	sshra.s32 s2, $0x2  }
0x28: {  	[tilespmem:s2+$0xA080] =	vst v1  }
0x29: {  	s9 =	simm.s32 $0x0;
	s1 =	rddreg [dreg:$0x5];
	[tilespmem:$0xA000] =	vst v1  }
0x2a: {  	[tilespmem:s9], [sflag:$0x1] =	stream.strided.gather [hbm4b:s1+s10], $0x2000, s11, s10, $0x38;
	[tilespmem:$0x12980] =	vst v63  }
0x2b: {  	s12 =	rddreg [dreg:$0x6];
	s14 =	simm.s32 $0x2000  }
0x2c: {  	v2 =	vimm.f32 $0.0e+00;
	[tilespmem:s14], [sflag:$0x1] =	stream.strided.gather [hbm4b:s12+s10], $0x2000, s11, s10, $0x38;
	[tilespmem:$0x12980] =	vst v63  }
.LBB2_6:
0x2d: {  	s2 =	rddreg [dreg:$0x4];
	_ =	swait.ge [sflag:s13], $0x2000  }
0x2e: {  	s1 =	sshll.u32 s9, $0x1;
	[sflag:s13] =	ssyncset.done $0x0  }
0x2f: {  	s7 =	sadd.s32 s2, s1;
	[sflag:s13] =	ssyncadd.s32 $0xFFFFE000  }
0x30: {  	s12 =	sshll.u32 s9, $0x5;
	s1 =	sshll.u32 s7, $0xA;
	_ =	swait.ge [sflag:s13], $0x2000  }
0x31: {  	s2 =	sand.u32 $0x60, s12;
	s1 =	sand.u32 $0xFFFE000, s1;
	[sflag:s13] =	ssyncset.done $0x0  }
0x32: {  	s1 =	sor.u32 s1, s2;
	[sflag:s13] =	ssyncadd.s32 $0xFFFFE000  }
0x33: {  	s1 =	sor.u32 $0x10, s1;
	s14 =	rddreg [dreg:$0x1]  }
0x34: {  	s5 =	simm.s32 $0x4000;
	s8 =	simm.s32 $0x0;
	s2 =	sadd.s32 s14, s1  }
0x35: {  	[tilespmem:s5], [sflag:$0x2] =	stream.strided.gather [hbm4b:s2+s10], $0x2000, s11, s10, $0x38;
	[tilespmem:$0x12980] =	vst v63  }
0x36: {  	s1 =	sadd.s32 s15, s1;
	s5 =	smov.u32 s15;
	s15 =	simm.s32 $0x6000  }
0x37: {  	[tilespmem:s15], [sflag:$0x2] =	stream.strided.gather [hbm4b:s1+s10], $0x2000, s11, s10, $0x38;
	[tilespmem:$0x12980] =	vst v63  }
0x38: {  	v3 =	vld [tilespmem:s8+$0x10]  }
0x39: {  	v4 =	vld [tilespmem:s8+$0x30]  }
0x3a: {  	v5 =	vld [tilespmem:s8+$0x0]  }
0x3b: {  	v7 =	vld [tilespmem:s8+$0x60]  }
0x3c: {  	v8 =	vld [tilespmem:s8+$0x40]  }
0x3d: {  	v6 =	vld [tilespmem:s8+$0x20]  }
0x3e: {  	v9 =	vld [tilespmem:s8+$0x70]  }
0x3f: {  	v10 =	vld [tilespmem:s8+$0x50];
	v3 =	vmul.f32 $1.024000000e+03, v3  }
0x40: {  	v12 =	vld [tilespmem:s8+$0xA0A1];
	v4 =	vmul.f32 $1.024000000e+03, v4;
	v5 =	vmul.f32 $1.024000000e+03, v5  }
0x41: {  	v13 =	vld [tilespmem:s8+$0xA0F1];
	v15 =	vmul.f32 $1.024000000e+03, v7;
	v7 =	vmul.f32 $1.024000000e+03, v8  }
0x42: {  	v14 =	vld [tilespmem:s8+$0xA091];
	v11 =	vtrunc.f32 v3;
	v3 =	vmul.f32 $1.024000000e+03, v6  }
0x43: {  	v16 =	vld [tilespmem:s8+$0xA0E1];
	v9 =	vmul.f32 $1.024000000e+03, v9;
	v5 =	vtrunc.f32 v5  }
0x44: {  	v17 =	vld [tilespmem:s8+$0xA0D1];
	v6 =	vtrunc.f32 v3;
	v3 =	vcvt.f32.s32 v5  }
0x45: {  	v18 =	vld [tilespmem:s8+$0xA0B1];
	v4 =	vtrunc.f32 v4;
	v5 =	vcvt.f32.s32 v11  }
0x46: {  	v19 =	vld [tilespmem:s8+$0xA081];
	v8 =	vcvt.f32.s32 v6;
	v6 =	vmul.f32 $1.024000000e+03, v10;
	(xrf1) =	vunique.msk.u32 $0xffff, v3  }
0x47: {  	v21 =	vld [tilespmem:s8+$0xA0E0];
	v7 =	vtrunc.f32 v7;
	v4 =	vcvt.f32.s32 v4;
	(xrf1) =	vunique.msk.u32 $0xffff, v5  }
0x48: {  	v22 =	vld [tilespmem:s8+$0xA0C0];
	v7 =	vcvt.f32.s32 v7;
	v6 =	vtrunc.f32 v6;
	(xrf1) =	vunique.msk.u32 $0xffff, v8  }
0x49: {  	v10 =	vtrunc.f32 v15;
	v15 =	vld [tilespmem:s8+$0xA0F0];
	v6 =	vcvt.f32.s32 v6;
	(xrf1) =	vunique.msk.u32 $0xffff, v4  }
0x4a: {  	v23 =	vld [tilespmem:s8+$0xA0B0];
	v20 =	vtrunc.f32 v9;
	v9 =	vcvt.f32.s32 v10;
	(xrf1) =	vunique.msk.u32 $0xffff, v7  }
0x4b: {  	v25 =	vld [tilespmem:s8+$0xA090];
	v10 =	vcvt.f32.s32 v20;
	(xrf1) =	vunique.msk.u32 $0xffff, v6  }
0x4c: {  	v11 =	vld [tilespmem:s8+$0xA0C1];
	(xrf1) =	vunique.msk.u32 $0xffff, v9  }
0x4d: {  	v20 =	vld [tilespmem:s8+$0xA0D0];
	(xrf1) =	vunique.msk.u32 $0xffff, v10  }
0x4e: {  	v13 =	vsub.f32 v15, v13;
	v15 =	vld [tilespmem:s8+$0xA080]  }
0x4f: {  	v24 =	vld [tilespmem:s8+$0xA0A0];
	v16 =	vsub.f32 v21, v16  }
0x50: {  	v18 =	vsub.f32 v23, v18  }
0x51: {  	v16 =	vmax.f32 v16, $0.0e+00;
	v11 =	vsub.f32 v22, v11;
	v13 =	vmax.f32 v13, $0.0e+00  }
0x52: {  	v23 =	vld.idx.msk [tilespmem:v4+s19+$0x0], $0xffff;
	v17 =	vsub.f32 v20, v17;
	v13 =	vadd.f32 v13, v16  }
0x53: {  	v22 =	vld.idx.msk [tilespmem:v3+s16+$0x0], $0xffff;
	v16 =	vsub.f32 v25, v14;
	v15 =	vsub.f32 v15, v19  }
0x54: {  	v12 =	vsub.f32 v24, v12;
	v20 =	vld.idx.msk [tilespmem:v5+s17+$0x0], $0xffff;
	_, v26, vm3 =	vpop (xrf1)  }
0x55: {  	v11 =	vmax.f32 v11, $0.0e+00;
	v24 =	vld.idx.msk [tilespmem:v8+s18+$0x0], $0xffff;
	v17 =	vmax.f32 v17, $0.0e+00;
	v19 =	vmax.f32 v16, $0.0e+00;
	_, v27, vm4 =	vpop (xrf1)  }
0x56: {  	v28 =	vld.idx.msk [tilespmem:v9+s22+$0x0], $0xffff;
	v11 =	vadd.f32 v17, v11;
	_, v25, vm5 =	vpop (xrf1)  }
0x57: {  	v12 =	vmax.f32 v12, $0.0e+00;
	v14 =	vld.idx.msk [tilespmem:v10+s23+$0x0], $0xffff;
	v17 =	vmax.f32 v18, $0.0e+00;
	_, v18, vm0 =	vpop (xrf1)  }
0x58: {  	v29 =	vadd.f32 v17, v12;
	v17 =	vld.idx.msk [tilespmem:v6+s21+$0x0], $0xffff;
	v21 =	vadd.f32 v13, v11;
	v12 =	vmax.f32 v15, $0.0e+00;
	_, v15, vm1 =	vpop (xrf1)  }
0x59: {  	v16 =	vld.idx.msk [tilespmem:v7+s20+$0x0], $0xffff;
	v11 =	vadd.s32 v20, v27;
	v20 =	vadd.s32 v22, v26;
	v22 =	vadd.f32 v19, v12;
	_, v19, vm2 =	vpop (xrf1)  }
0x5a: {  	v13 =	vadd.s32 $0xFFFFFFFF, v11;
	v12 =	vadd.s32 v23, v18;
	[tilespmem:v3+s16+$0x0] =	vst.idx.add.s32.msk vm3, v26;
	_, v23, vm3 =	vpop (xrf1)  }
0x5b: {  	v11 =	vadd.s32 $0xFFFFFFFF, v20;
	v20 =	vadd.s32 v24, v25;
	v22 =	vadd.f32 v29, v22;
	[tilespmem:v5+s17+$0x0] =	vst.idx.add.s32.msk vm4, v27;
	_, v24, vm4 =	vpop (xrf1)  }
0x5c: {  	s12 =	simm.s32 $0x200;
	v12 =	vadd.s32 $0xFFFFFFFF, v12;
	[tilespmem:v8+s18+$0x0] =	vst.idx.add.s32.msk vm5, v25;
	v25 =	vadd.s32 $0xFFFFFFFF, v20;
	v20 =	vadd.s32 v28, v23  }
.LBB2_7:
0x5d: {  	s1 =	sshra.s32 s12, $0x2;
	p0 =	sne.s32 s12, $0x7E00;
	s12 =	sadd.s32 $0x200, s12;
	[tilespmem:v4+s19+$0x0] =	vst.idx.add.s32.msk vm0, v18;
	v18 =	vadd.f32 v21, v22  }
0x5e: {  	v8 =	vshll.u32 v8, $0xD;
	v17 =	vadd.s32 v17, v19;
	[tilespmem:v7+s20+$0x0] =	vst.idx.add.s32.msk vm1, v15;
	v7 =	vshll.u32 v7, $0xD  }
0x5f: {  	v15 =	vadd.s32 v16, v15;
	v16 =	vadd.s32 $0xFFFFFFFF, v17;
	[tilespmem:v6+s21+$0x0] =	vst.idx.add.s32.msk vm2, v19;
	v2 =	vadd.f32 v18, v2  }
0x60: {  	v14 =	vadd.s32 v14, v24;
	v17 =	vshll.u32 v10, $0xD;
	v15 =	vadd.s32 $0xFFFFFFFF, v15;
	[tilespmem:v9+s22+$0x0] =	vst.idx.add.s32.msk vm3, v23  }
0x61: {  	v8 =	vor.u32 v8, v25;
	v7 =	vor.u32 v7, v15;
	[tilespmem:v10+s23+$0x0] =	vst.idx.add.s32.msk vm4, v24;
	v10 =	vadd.s32 $0xFFFFFFFF, v14  }
0x62: {  	v14 =	vld [tilespmem:s1+$0x10];
	[tilespmem:s8+$0x10920] =	vst v8;
	v8 =	vshll.u32 v9, $0xD;
	v9 =	vadd.s32 $0xFFFFFFFF, v20;
	v10 =	vor.u32 v17, v10  }
0x63: {  	v5 =	vshll.u32 v5, $0xD;
	v6 =	vshll.u32 v6, $0xD;
	v15 =	vld [tilespmem:s1+$0x30];
	v8 =	vor.u32 v8, v9;
	[tilespmem:s8+$0x10970] =	vst v10  }
0x64: {  	v5 =	vor.u32 v5, v13;
	v6 =	vor.u32 v6, v16;
	v9 =	vld [tilespmem:s1+$0x20];
	[tilespmem:s8+$0x10960] =	vst v8  }
0x65: {  	v8 =	vld [tilespmem:s1+$0x0];
	[tilespmem:s8+$0x10910] =	vst v5  }
0x66: {  	v3 =	vshll.u32 v3, $0xD;
	v4 =	vshll.u32 v4, $0xD;
	v5 =	vld [tilespmem:s1+$0x60];
	[tilespmem:s8+$0x10950] =	vst v6  }
0x67: {  	v3 =	vor.u32 v3, v11;
	v4 =	vor.u32 v4, v12;
	v6 =	vld [tilespmem:s1+$0x70];
	v10 =	vmul.f32 $1.024000000e+03, v14;
	[tilespmem:s8+$0x10940] =	vst v7  }
0x68: {  	v7 =	vmul.f32 $1.024000000e+03, v15;
	[tilespmem:s8+$0x10900] =	vst v3  }
0x69: {  	v11 =	vld [tilespmem:s1+$0x40];
	v10 =	vtrunc.f32 v10;
	v3 =	vmul.f32 $1.024000000e+03, v9;
	[tilespmem:s8+$0x10930] =	vst v4;
	s8 =	smov.u32 s1  }
0x6a: {  	v4 =	vld [tilespmem:s8+$0x50];
	v8 =	vmul.f32 $1.024000000e+03, v8;
	v7 =	vtrunc.f32 v7  }
0x6b: {  	v12 =	vld [tilespmem:s8+$0xA0A1];
	v9 =	vtrunc.f32 v3;
	v5 =	vmul.f32 $1.024000000e+03, v5  }
0x6c: {  	v13 =	vld [tilespmem:s8+$0xA0F1];
	v3 =	vtrunc.f32 v8;
	v14 =	vmul.f32 $1.024000000e+03, v6  }
0x6d: {  	v15 =	vld [tilespmem:s8+$0xA091];
	v3 =	vcvt.f32.s32 v3;
	v16 =	vtrunc.f32 v5  }
0x6e: {  	v5 =	vcvt.f32.s32 v10;
	v17 =	vld [tilespmem:s8+$0xA0E1];
	v6 =	vmul.f32 $1.024000000e+03, v11  }
0x6f: {  	v8 =	vcvt.f32.s32 v9;
	v11 =	vld [tilespmem:s8+$0xA0C1];
	v9 =	vmul.f32 $1.024000000e+03, v4;
	(xrf1) =	vunique.msk.u32 $0xffff, v3  }
0x70: {  	v4 =	vcvt.f32.s32 v7;
	v18 =	vld [tilespmem:s8+$0xA0D1];
	v6 =	vtrunc.f32 v6;
	(xrf1) =	vunique.msk.u32 $0xffff, v5  }
0x71: {  	v19 =	vld [tilespmem:s8+$0xA0B1];
	v7 =	vcvt.f32.s32 v6;
	v6 =	vtrunc.f32 v9;
	(xrf1) =	vunique.msk.u32 $0xffff, v8  }
0x72: {  	v10 =	vtrunc.f32 v14;
	v20 =	vld [tilespmem:s8+$0xA081];
	v6 =	vcvt.f32.s32 v6;
	(xrf1) =	vunique.msk.u32 $0xffff, v4  }
0x73: {  	v9 =	vcvt.f32.s32 v16;
	v14 =	vld [tilespmem:s8+$0xA0F0];
	(xrf1) =	vunique.msk.u32 $0xffff, v7  }
0x74: {  	v10 =	vcvt.f32.s32 v10;
	v16 =	vld [tilespmem:s8+$0xA0E0];
	(xrf1) =	vunique.msk.u32 $0xffff, v6  }
0x75: {  	v21 =	vld [tilespmem:s8+$0xA0D0];
	(xrf1) =	vunique.msk.u32 $0xffff, v9  }
0x76: {  	v22 =	vld [tilespmem:s8+$0xA0C0];
	(xrf1) =	vunique.msk.u32 $0xffff, v10  }
0x77: {  	v23 =	vld [tilespmem:s8+$0xA0B0]  }
0x78: {  	v24 =	vld [tilespmem:s8+$0xA0A0];
	v13 =	vsub.f32 v14, v13  }
0x79: {  	v14 =	vld [tilespmem:s8+$0xA090];
	v16 =	vsub.f32 v16, v17  }
0x7a: {  	v17 =	vld [tilespmem:s8+$0xA080];
	v18 =	vsub.f32 v21, v18;
	v13 =	vmax.f32 v13, $0.0e+00  }
0x7b: {  	v25 =	vld.idx.msk [tilespmem:v5+s17+$0x0], $0xffff;
	v11 =	vsub.f32 v22, v11;
	v16 =	vmax.f32 v16, $0.0e+00  }
0x7c: {  	v22 =	vld.idx.msk [tilespmem:v3+s16+$0x0], $0xffff;
	v19 =	vsub.f32 v23, v19;
	v18 =	vmax.f32 v18, $0.0e+00;
	v13 =	vadd.f32 v13, v16  }
0x7d: {  	v23 =	vld.idx.msk [tilespmem:v4+s19+$0x0], $0xffff;
	v12 =	vsub.f32 v24, v12;
	v11 =	vmax.f32 v11, $0.0e+00;
	_, v24, vm3 =	vpop (xrf1)  }
0x7e: {  	v26 =	vld.idx.msk [tilespmem:v8+s18+$0x0], $0xffff;
	v31 =	vsub.f32 v14, v15;
	v16 =	vmax.f32 v19, $0.0e+00;
	v11 =	vadd.f32 v18, v11;
	_, v27, vm4 =	vpop (xrf1)  }
0x7f: {  	v28 =	vld.idx.msk [tilespmem:v9+s22+$0x0], $0xffff;
	v32 =	vsub.f32 v17, v20;
	v12 =	vmax.f32 v12, $0.0e+00;
	_, v20, vm5 =	vpop (xrf1)  }
0x80: {  	v14 =	vld.idx.msk [tilespmem:v10+s23+$0x0], $0xffff;
	v29 =	vmax.f32 v31, $0.0e+00;
	v30 =	vadd.f32 v16, v12;
	v21 =	vadd.f32 v13, v11;
	_, v18, vm0 =	vpop (xrf1)  }
.Ltmp2:
0x81: {  	v11 =	vadd.s32 v25, v27;
	v17 =	vld.idx.msk [tilespmem:v6+s21+$0x0], $0xffff;
	v12 =	vmax.f32 v32, $0.0e+00;
	_, v15, vm1 =	vpop (xrf1);
	(pc) =	sbr.rel @p0 .LBB2_7-.Ltmp2, $4  }
0x82: {  	v22 =	vadd.s32 v22, v24;
	v13 =	vadd.s32 $0xFFFFFFFF, v11;
	v16 =	vld.idx.msk [tilespmem:v7+s20+$0x0], $0xffff;
	v25 =	vadd.f32 v29, v12;
	_, v19, vm2 =	vpop (xrf1)  }
0x83: {  	v11 =	vadd.s32 $0xFFFFFFFF, v22;
	v12 =	vadd.s32 v23, v18;
	[tilespmem:v3+s16+$0x0] =	vst.idx.add.s32.msk vm3, v24;
	_, v23, vm3 =	vpop (xrf1)  }
0x84: {  	v26 =	vadd.s32 v26, v20;
	v12 =	vadd.s32 $0xFFFFFFFF, v12;
	[tilespmem:v5+s17+$0x0] =	vst.idx.add.s32.msk vm4, v27;
	v22 =	vadd.f32 v30, v25;
	_, v24, vm4 =	vpop (xrf1)  }
0x85: {  	v25 =	vadd.s32 $0xFFFFFFFF, v26;
	[tilespmem:v8+s18+$0x0] =	vst.idx.add.s32.msk vm5, v20;
	v20 =	vadd.s32 v28, v23  }
0x86: {  	_ =	sdelay $0x4  }
0x87: {  	[tilespmem:v4+s19+$0x0] =	vst.idx.add.s32.msk vm0, v18  }
0x88: {  	[tilespmem:v7+s20+$0x0] =	vst.idx.add.s32.msk vm1, v15  }
0x89: {  	[tilespmem:v6+s21+$0x0] =	vst.idx.add.s32.msk vm2, v19  }
0x8a: {  	v8 =	vshll.u32 v8, $0xD;
	[tilespmem:v9+s22+$0x0] =	vst.idx.add.s32.msk vm3, v23  }
0x8b: {  	v17 =	vadd.s32 v17, v19;
	v5 =	vshll.u32 v5, $0xD;
	v8 =	vor.u32 v8, v25;
	[tilespmem:v10+s23+$0x0] =	vst.idx.add.s32.msk vm4, v24  }
0x8c: {  	v14 =	vadd.s32 v14, v24;
	v3 =	vshll.u32 v3, $0xD;
	v5 =	vor.u32 v5, v13;
	[tilespmem:s8+$0x10920] =	vst v8  }
0x8d: {  	v18 =	vshll.u32 v10, $0xD;
	v4 =	vshll.u32 v4, $0xD;
	v3 =	vor.u32 v3, v11;
	[tilespmem:s8+$0x10910] =	vst v5  }
0x8e: {  	v4 =	vor.u32 v4, v12;
	v6 =	vshll.u32 v6, $0xD;
	v10 =	vadd.s32 $0xFFFFFFFF, v14;
	[tilespmem:s8+$0x10900] =	vst v3  }
0x8f: {  	v8 =	vshll.u32 v9, $0xD;
	v9 =	vadd.s32 $0xFFFFFFFF, v20;
	v10 =	vor.u32 v18, v10;
	[tilespmem:s8+$0x10930] =	vst v4  }
0x90: {  	v14 =	vadd.s32 v16, v15;
	v8 =	vor.u32 v8, v9;
	[tilespmem:s8+$0x10970] =	vst v10;
	v9 =	vadd.s32 $0xFFFFFFFF, v17  }
0x91: {  	v7 =	vshll.u32 v7, $0xD;
	[tilespmem:s8+$0x10960] =	vst v8;
	v8 =	vadd.s32 $0xFFFFFFFF, v14;
	v6 =	vor.u32 v6, v9  }
0x92: {  	v5 =	vor.u32 v7, v8;
	[tilespmem:s8+$0x10950] =	vst v6  }
0x93: {  	[tilespmem:s8+$0x10940] =	vst v5;
	s8 =	simm.s32 $0x0  }
0x94: {  	v7 =	vld [tilespmem:s8+$0xD310]  }
0x95: {  	v23 =	vld [tilespmem:s8+$0xD780]  }
0x96: {  	v24 =	vld [tilespmem:s8+$0xE0B0]  }
0x97: {  	v25 =	vld [tilespmem:s8+$0xD300]  }
0x98: {  	v4 =	vld [tilespmem:s8+$0xDC30]  }
0x99: {  	v5 =	vld [tilespmem:s8+$0xD7A0]  }
0x9a: {  	v3 =	vld [tilespmem:s8+$0xD7B0]  }
0x9b: {  	v6 =	vld [tilespmem:s8+$0xD330]  }
0x9c: {  	v8 =	vld [tilespmem:s8+$0xCEB0]  }
0x9d: {  	v9 =	vld [tilespmem:s8+$0xCA30]  }
0x9e: {  	v12 =	vld [tilespmem:s8+$0xCA10]  }
0x9f: {  	v10 =	vld [tilespmem:s8+$0xD320]  }
0xa0: {  	v11 =	vld [tilespmem:s8+$0xC5B0]  }
0xa1: {  	v26 =	vld [tilespmem:s8+$0xCE80]  }
0xa2: {  	v14 =	vld [tilespmem:s8+$0xC130]  }
0xa3: {  	v27 =	vld [tilespmem:s8+$0xCA00]  }
0xa4: {  	v28 =	vld [tilespmem:s8+$0xC580]  }
0xa5: {  	v13 =	vld [tilespmem:s8+$0xCEA0]  }
0xa6: {  	v29 =	vld [tilespmem:s8+$0xC590]  }
0xa7: {  	v16 =	vld [tilespmem:s8+$0xCA20]  }
0xa8: {  	v17 =	vld [tilespmem:s8+$0xC5A0];
	[tilespmem:s8+$0xC580] =	vst v0  }
0xa9: {  	v30 =	vld [tilespmem:s8+$0xC120];
	[tilespmem:s8+$0xD7A0] =	vst v0  }
0xaa: {  	v31 =	vld [tilespmem:s8+$0xC100];
	[tilespmem:s8+$0xD300] =	vst v0  }
0xab: {  	v32 =	vld [tilespmem:s8+$0xC110];
	[tilespmem:s8+$0xD780] =	vst v0  }
0xac: {  	v19 =	vld [tilespmem:s8+$0xCE90];
	[tilespmem:s8+$0xCEA0] =	vst v0;
	v18 =	vadd.s32 v14, v11  }
0xad: {  	v15 =	vld [tilespmem:s8+$0xDC20];
	[tilespmem:s8+$0xD320] =	vst v0;
	v34 =	vadd.s32 v9, v18  }
0xae: {  	v33 =	vld [tilespmem:s8+$0xDC00];
	[tilespmem:s8+$0xCE80] =	vst v0;
	v34 =	vadd.s32 v8, v34  }
0xaf: {  	v20 =	vld [tilespmem:s8+$0xD790];
	[tilespmem:s8+$0xC5B0] =	vst v0;
	v34 =	vadd.s32 v6, v34  }
0xb0: {  	[tilespmem:s8+$0xCE90] =	vst v0;
	v35 =	vld [tilespmem:s8+$0xE0A0];
	v36 =	vadd.s32 v30, v17;
	v58 =	vadd.s32 v31, v28;
	v34 =	vadd.s32 v3, v34  }
0xb1: {  	v37 =	vld [tilespmem:s8+$0xE080];
	[tilespmem:s8+$0xDC00] =	vst v0;
	v38 =	vadd.s32 v32, v29;
	v36 =	vadd.s32 v16, v36;
	v34 =	vadd.s32 v4, v34  }
0xb2: {  	[tilespmem:s8+$0xDC20] =	vst v0;
	v18 =	vld [tilespmem:s8+$0xDC10];
	v36 =	vadd.s32 v13, v36;
	v24 =	vadd.s32 v24, v34;
	v34 =	vadd.s32 v27, v58  }
0xb3: {  	v39 =	vld [tilespmem:s8+$0xE090];
	[tilespmem:s8+$0xCA10] =	vst v0;
	v38 =	vadd.s32 v12, v38;
	v36 =	vadd.s32 v10, v36;
	v34 =	vadd.s32 v26, v34  }
0xb4: {  	[tilespmem:s8+$0xCA30] =	vst v0;
	v38 =	vadd.s32 v19, v38;
	v36 =	vadd.s32 v5, v36;
	v34 =	vadd.s32 v25, v34  }
0xb5: {  	[tilespmem:s8+$0xCEB0] =	vst v0;
	v38 =	vadd.s32 v7, v38;
	v36 =	vadd.s32 v15, v36;
	v34 =	vadd.s32 v23, v34  }
0xb6: {  	v38 =	vadd.s32 v20, v38;
	v35 =	vadd.s32 v35, v36;
	(xrf0) =	vadd.scan.msk.s32 $0xffff, v24;
	v34 =	vadd.s32 v33, v34  }
0xb7: {  	[tilespmem:s8+$0xD330] =	vst v0;
	v59 =	vadd.s32 v18, v38;
	(xrf0) =	vadd.scan.msk.s32 $0xffff, v35;
	v34 =	vadd.s32 v37, v34  }
0xb8: {  	[tilespmem:s8+$0xD7B0] =	vst v0;
	v36 =	vadd.s32 v39, v59;
	(xrf0) =	vadd.scan.msk.s32 $0xffff, v34  }
0xb9: {  	[tilespmem:s8+$0xC100] =	vst v0;
	(xrf0) =	vadd.scan.msk.s32 $0xffff, v36  }
0xba: {  	[tilespmem:s8+$0xD790] =	vst v0  }
0xbb: {  	[tilespmem:s8+$0xDC30] =	vst v0  }
0xbc: {  	[tilespmem:s8+$0xE0A0] =	vst v0;
	v60, _, _ =	vpop (xrf0)  }
0xbd: {  	[tilespmem:s8+$0xC120] =	vst v0;
	v61, _, _ =	vpop (xrf0)  }
0xbe: {  	[tilespmem:s8+$0xC5A0] =	vst v0;
	(v2sf) =	vpush v61, $0xF;
	v62, _, _ =	vpop (xrf0)  }
0xbf: {  	[tilespmem:s8+$0xC110] =	vst v0;
	(v2sf) =	vpush v62, $0xF;
	v63, _, _ =	vpop (xrf0)  }
0xc0: {  	[tilespmem:s8+$0xE080] =	vst v0;
	(v2sf) =	vpush v63, $0xF  }
0xc1: {  	[tilespmem:s8+$0xE0B0] =	vst v0  }
0xc2: {  	[tilespmem:s8+$0xE090] =	vst v0;
	(v2sf) =	vpush v60, $0xF  }
0xc3: {  	[tilespmem:s8+$0xD310] =	vst v0  }
0xc4: {  	[tilespmem:s8+$0xC130] =	vst v0  }
0xc5: {  	[tilespmem:s8+$0xCA00] =	vst v0  }
0xc6: {  	[tilespmem:s8+$0xC590] =	vst v0  }
0xc7: {  	s1 =	simm.s32 $0x0;
	[tilespmem:s8+$0xCA20] =	vst v0;
	v34 =	vsub.s32 v62, v34  }
0xc8: {  	[tilespmem:s8+$0xDC10] =	vst v0;
	v34 =	vadd.s32 s1, v34  }
0xc9: {  	[tilespmem:s8+$0xE500] =	vst v34;
	v31 =	vadd.s32 v31, v34  }
0xca: {  	[tilespmem:s8+$0xE980] =	vst v31;
	v28 =	vadd.s32 v28, v31  }
0xcb: {  	[tilespmem:s8+$0xEE00] =	vst v28;
	v27 =	vadd.s32 v27, v28  }
0xcc: {  	[tilespmem:s8+$0xF280] =	vst v27;
	v26 =	vadd.s32 v26, v27  }
0xcd: {  	[tilespmem:s8+$0xF700] =	vst v26;
	v25 =	vadd.s32 v25, v26;
	s15 =	spop (v2sf)  }
0xce: {  	v21 =	vadd.f32 v21, v22;
	[tilespmem:s8+$0xFB80] =	vst v25;
	v23 =	vadd.s32 v23, v25;
	s2 =	spop (v2sf)  }
0xcf: {  	v22 =	vsub.s32 v63, v36;
	[tilespmem:s8+$0x10000] =	vst v23;
	v23 =	vadd.s32 v33, v23;
	s2 =	sadd.s32 $0x0, s2;
	s12 =	spop (v2sf)  }
0xd0: {  	v2 =	vadd.f32 v21, v2;
	v21 =	vsub.s32 v61, v35;
	[tilespmem:s8+$0x10480] =	vst v23;
	v22 =	vadd.s32 s2, v22;
	s2 =	sadd.s32 s2, s12  }
0xd1: {  	v23 =	vsub.s32 v60, v24;
	s14 =	spop (v2sf);
	[tilespmem:s8+$0xE510] =	vst v22;
	v22 =	vadd.s32 v32, v22;
	v21 =	vadd.s32 s2, v21;
	s1 =	sadd.s32 s2, s15  }
0xd2: {  	s12 =	simm.s32 $0x100;
	s15 =	simm.s32 $0x0;
	[tilespmem:s8+$0xE990] =	vst v22;
	v25 =	vadd.s32 v29, v22;
	v24 =	vadd.s32 v30, v21;
	v28 =	vadd.s32 s1, v23;
	s14 =	sadd.s32 s1, s14  }
.LBB2_9:
0xd3: {  	s1 =	sshra.s32 s12, $0x2;
	s15 =	sadd.s32 $0x4, s15;
	v12 =	vadd.s32 v12, v25;
	[tilespmem:s8+$0xE520] =	vst v21;
	v17 =	vadd.s32 v17, v24;
	v23 =	vadd.s32 v14, v28  }
0xd4: {  	v14 =	vld [tilespmem:s1+$0xD310];
	p0 =	slt.u32 s15, $0x3C;
	[tilespmem:s8+$0xF290] =	vst v12;
	v12 =	vadd.s32 v19, v12;
	v16 =	vadd.s32 v16, v17;
	v19 =	vadd.s32 v11, v23  }
0xd5: {  	v21 =	vld [tilespmem:s1+$0xD780];
	[tilespmem:s8+$0xF710] =	vst v12;
	v7 =	vadd.s32 v7, v12;
	v13 =	vadd.s32 v13, v16;
	v29 =	vadd.s32 v9, v19  }
0xd6: {  	v30 =	vld [tilespmem:s1+$0xE0B0];
	[tilespmem:s8+$0xFB90] =	vst v7;
	v7 =	vadd.s32 v20, v7;
	v9 =	vadd.s32 v10, v13;
	v10 =	vadd.s32 v8, v29  }
0xd7: {  	v22 =	vld [tilespmem:s1+$0xD300];
	[tilespmem:s8+$0x10010] =	vst v7;
	v18 =	vadd.s32 v18, v7;
	v11 =	vadd.s32 v5, v9  }
0xd8: {  	v12 =	vld [tilespmem:s1+$0xDC30];
	[tilespmem:s8+$0x10490] =	vst v18;
	v8 =	vadd.s32 v15, v11;
	v15 =	vadd.s32 v6, v10  }
0xd9: {  	v5 =	vld [tilespmem:s1+$0xD7A0];
	[tilespmem:s8+$0x104A0] =	vst v8;
	v6 =	vadd.s32 v3, v15;
	v7 =	vmov v14  }
0xda: {  	v3 =	vld [tilespmem:s1+$0xD7B0];
	[tilespmem:s8+$0x10030] =	vst v6;
	v4 =	vadd.s32 v4, v6  }
0xdb: {  	v6 =	vld [tilespmem:s1+$0xD330];
	[tilespmem:s8+$0x104B0] =	vst v4  }
0xdc: {  	v8 =	vld [tilespmem:s1+$0xCEB0];
	[tilespmem:s8+$0xFBA0] =	vst v9  }
0xdd: {  	v9 =	vld [tilespmem:s1+$0xCA30];
	[tilespmem:s8+$0x10020] =	vst v11;
	v4 =	vmov v12  }
0xde: {  	v12 =	vld [tilespmem:s1+$0xCA10];
	[tilespmem:s8+$0xF730] =	vst v10  }
0xdf: {  	v10 =	vld [tilespmem:s1+$0xD320];
	[tilespmem:s8+$0xFBB0] =	vst v15  }
0xe0: {  	v11 =	vld [tilespmem:s1+$0xC5B0];
	[tilespmem:s8+$0xF2A0] =	vst v16  }
0xe1: {  	v26 =	vld [tilespmem:s1+$0xCE80];
	[tilespmem:s8+$0xF720] =	vst v13  }
0xe2: {  	v14 =	vld [tilespmem:s1+$0xC130];
	[tilespmem:s8+$0xEE30] =	vst v19  }
0xe3: {  	v27 =	vld [tilespmem:s1+$0xCA00];
	[tilespmem:s8+$0xF2B0] =	vst v29  }
0xe4: {  	v29 =	vld [tilespmem:s1+$0xC580];
	[tilespmem:s8+$0xEE20] =	vst v17  }
0xe5: {  	v13 =	vld [tilespmem:s1+$0xCEA0];
	[tilespmem:s8+$0xE9B0] =	vst v23  }
0xe6: {  	v23 =	vld [tilespmem:s1+$0xC590];
	[tilespmem:s8+$0xE530] =	vst v28  }
0xe7: {  	v16 =	vld [tilespmem:s1+$0xCA20];
	v15 =	vadd.s32 v14, v11;
	[tilespmem:s8+$0xE9A0] =	vst v24  }
0xe8: {  	v17 =	vld [tilespmem:s1+$0xC5A0];
	v15 =	vadd.s32 v9, v15;
	[tilespmem:s8+$0xEE10] =	vst v25;
	s8 =	smov.u32 s1  }
0xe9: {  	[tilespmem:s8+$0xC580] =	vst v0;
	v24 =	vld [tilespmem:s8+$0xC120];
	v15 =	vadd.s32 v8, v15  }
0xea: {  	v28 =	vld [tilespmem:s8+$0xC100];
	[tilespmem:s8+$0xD7A0] =	vst v0;
	v15 =	vadd.s32 v6, v15  }
0xeb: {  	[tilespmem:s8+$0xD300] =	vst v0;
	v25 =	vld [tilespmem:s8+$0xC110];
	v15 =	vadd.s32 v3, v15  }
0xec: {  	[tilespmem:s8+$0xD780] =	vst v0;
	v19 =	vld [tilespmem:s8+$0xCE90];
	v18 =	vadd.s32 v4, v15  }
0xed: {  	v15 =	vld [tilespmem:s8+$0xDC20];
	[tilespmem:s8+$0xCEA0] =	vst v0;
	v30 =	vadd.s32 v30, v18  }
0xee: {  	v31 =	vld [tilespmem:s8+$0xDC00];
	v18 =	vadd.s32 v24, v17;
	[tilespmem:s8+$0xD320] =	vst v0;
	(xrf0) =	vadd.scan.msk.s32 $0xffff, v30  }
0xef: {  	v32 =	vadd.s32 v28, v29;
	[tilespmem:s8+$0xCE80] =	vst v0;
	v20 =	vld [tilespmem:s8+$0xD790];
	v33 =	vadd.s32 v16, v18  }
0xf0: {  	v32 =	vadd.s32 v27, v32;
	v18 =	vld [tilespmem:s8+$0xDC10];
	v34 =	vadd.s32 v25, v23;
	v33 =	vadd.s32 v13, v33;
	[tilespmem:s8+$0xC5B0] =	vst v0  }
0xf1: {  	v32 =	vadd.s32 v26, v32;
	v34 =	vadd.s32 v12, v34;
	[tilespmem:s8+$0xCE90] =	vst v0;
	v35 =	vld [tilespmem:s8+$0xE0A0];
	v33 =	vadd.s32 v10, v33  }
0xf2: {  	v36 =	vld [tilespmem:s8+$0xE080];
	v32 =	vadd.s32 v22, v32;
	[tilespmem:s8+$0xDC00] =	vst v0;
	v34 =	vadd.s32 v19, v34;
	v33 =	vadd.s32 v5, v33  }
0xf3: {  	v32 =	vadd.s32 v21, v32;
	v37 =	vld [tilespmem:s8+$0xE090];
	v34 =	vadd.s32 v7, v34;
	v33 =	vadd.s32 v15, v33;
	[tilespmem:s8+$0xDC20] =	vst v0  }
0xf4: {  	v32 =	vadd.s32 v31, v32;
	v34 =	vadd.s32 v20, v34;
	[tilespmem:s8+$0xCA10] =	vst v0;
	v38, _, _ =	vpop (xrf0)  }
0xf5: {  	v30 =	vsub.s32 v38, v30;
	[tilespmem:s8+$0xCA30] =	vst v0  }
0xf6: {  	v33 =	vadd.s32 v35, v33;
	[tilespmem:s8+$0xCEB0] =	vst v0  }
0xf7: {  	v34 =	vadd.s32 v18, v34;
	v32 =	vadd.s32 v36, v32;
	[tilespmem:s8+$0xD330] =	vst v0;
	(xrf0) =	vadd.scan.msk.s32 $0xffff, v33  }
0xf8: {  	v34 =	vadd.s32 v37, v34;
	[tilespmem:s8+$0xD7B0] =	vst v0;
	(xrf0) =	vadd.scan.msk.s32 $0xffff, v32  }
0xf9: {  	[tilespmem:s8+$0xC100] =	vst v0;
	(xrf0) =	vadd.scan.msk.s32 $0xffff, v34  }
0xfa: {  	[tilespmem:s8+$0xD790] =	vst v0  }
0xfb: {  	[tilespmem:s8+$0xDC30] =	vst v0  }
0xfc: {  	[tilespmem:s8+$0xE0A0] =	vst v0  }
0xfd: {  	[tilespmem:s8+$0xC120] =	vst v0;
	v35, _, _ =	vpop (xrf0)  }
0xfe: {  	v33 =	vsub.s32 v35, v33;
	[tilespmem:s8+$0xC5A0] =	vst v0;
	v36, _, _ =	vpop (xrf0);
	(v2sf) =	vpush v35, $0xF  }
0xff: {  	v32 =	vsub.s32 v36, v32;
	[tilespmem:s8+$0xC110] =	vst v0;
	(v2sf) =	vpush v36, $0xF;
	v35, _, _ =	vpop (xrf0)  }
0x100: {  	v32 =	vadd.s32 s14, v32;
	[tilespmem:s8+$0xE080] =	vst v0;
	v34 =	vsub.s32 v35, v34;
	(v2sf) =	vpush v35, $0xF  }
0x101: {  	[tilespmem:s8+$0xE500] =	vst v32;
	v28 =	vadd.s32 v28, v32  }
0x102: {  	[tilespmem:s8+$0xE980] =	vst v28;
	v28 =	vadd.s32 v29, v28;
	(v2sf) =	vpush v38, $0xF  }
0x103: {  	[tilespmem:s8+$0xEE00] =	vst v28;
	v27 =	vadd.s32 v27, v28  }
0x104: {  	[tilespmem:s8+$0xF280] =	vst v27;
	v26 =	vadd.s32 v26, v27  }
0x105: {  	[tilespmem:s8+$0xF700] =	vst v26;
	v22 =	vadd.s32 v22, v26  }
0x106: {  	[tilespmem:s8+$0xFB80] =	vst v22;
	v21 =	vadd.s32 v21, v22  }
0x107: {  	[tilespmem:s8+$0x10000] =	vst v21;
	v21 =	vadd.s32 v31, v21  }
0x108: {  	[tilespmem:s8+$0x10480] =	vst v21  }
0x109: {  	[tilespmem:s8+$0xE0B0] =	vst v0  }
0x10a: {  	[tilespmem:s8+$0xE090] =	vst v0  }
0x10b: {  	[tilespmem:s8+$0xD310] =	vst v0  }
0x10c: {  	[tilespmem:s8+$0xDC10] =	vst v0  }
0x10d: {  	[tilespmem:s8+$0xC130] =	vst v0;
	s1 =	spop (v2sf)  }
.Ltmp3:
0x10e: {  	[tilespmem:s8+$0xCA00] =	vst v0;
	s2 =	spop (v2sf);
	(pc) =	sbr.rel @p0 .LBB2_9-.Ltmp3, $4  }
0x10f: {  	s2 =	sadd.s32 s14, s2;
	[tilespmem:s8+$0xC590] =	vst v0;
	s14 =	spop (v2sf)  }
0x110: {  	v21 =	vadd.s32 s2, v34;
	s2 =	sadd.s32 s2, s14;
	[tilespmem:s8+$0xCA20] =	vst v0  }
0x111: {  	[tilespmem:s8+$0xE510] =	vst v21;
	v22 =	vadd.s32 v25, v21;
	v21 =	vadd.s32 s2, v33;
	s1 =	sadd.s32 s2, s1;
	s2 =	spop (v2sf)  }
0x112: {  	s12 =	sadd.s32 $0x100, s12;
	[tilespmem:s8+$0xE990] =	vst v22;
	v25 =	vadd.s32 v23, v22;
	v24 =	vadd.s32 v24, v21;
	v28 =	vadd.s32 s1, v30;
	s14 =	sadd.s32 s1, s2  }
0x113: {  	[tilespmem:s8+$0xE520] =	vst v21  }
0x114: {  	[tilespmem:s8+$0xE530] =	vst v28  }
0x115: {  	[tilespmem:s8+$0xE9A0] =	vst v24  }
0x116: {  	v12 =	vadd.s32 v12, v25;
	[tilespmem:s8+$0xEE10] =	vst v25  }
0x117: {  	v17 =	vadd.s32 v17, v24;
	[tilespmem:s8+$0xF290] =	vst v12  }
0x118: {  	v14 =	vadd.s32 v14, v28;
	[tilespmem:s8+$0xEE20] =	vst v17  }
0x119: {  	v12 =	vadd.s32 v19, v12;
	[tilespmem:s8+$0xE9B0] =	vst v14  }
0x11a: {  	v16 =	vadd.s32 v16, v17;
	[tilespmem:s8+$0xF710] =	vst v12  }
0x11b: {  	v11 =	vadd.s32 v11, v14;
	[tilespmem:s8+$0xF2A0] =	vst v16  }
0x11c: {  	v7 =	vadd.s32 v7, v12;
	[tilespmem:s8+$0xEE30] =	vst v11  }
0x11d: {  	v12 =	vadd.s32 v13, v16;
	[tilespmem:s8+$0xFB90] =	vst v7  }
0x11e: {  	v9 =	vadd.s32 v9, v11;
	[tilespmem:s8+$0xF720] =	vst v12  }
0x11f: {  	v7 =	vadd.s32 v20, v7;
	[tilespmem:s8+$0xF2B0] =	vst v9  }
0x120: {  	v10 =	vadd.s32 v10, v12;
	[tilespmem:s8+$0x10010] =	vst v7  }
0x121: {  	v8 =	vadd.s32 v8, v9;
	[tilespmem:s8+$0xFBA0] =	vst v10  }
0x122: {  	v7 =	vadd.s32 v18, v7;
	[tilespmem:s8+$0xF730] =	vst v8  }
0x123: {  	v5 =	vadd.s32 v5, v10;
	[tilespmem:s8+$0x10490] =	vst v7  }
0x124: {  	v6 =	vadd.s32 v6, v8;
	[tilespmem:s8+$0x10020] =	vst v5  }
0x125: {  	v7 =	vadd.s32 v15, v5;
	[tilespmem:s8+$0xFBB0] =	vst v6  }
0x126: {  	v3 =	vadd.s32 v3, v6;
	[tilespmem:s8+$0x104A0] =	vst v7  }
0x127: {  	[tilespmem:s8+$0x10030] =	vst v3;
	v3 =	vadd.s32 v4, v3  }
0x128: {  	[tilespmem:s8+$0x104B0] =	vst v3  }
0x129: {  	v3 =	vld [tilespmem:$0xC500]  }
0x12a: {  	v4 =	vld [tilespmem:$0xC980]  }
0x12b: {  	v5 =	vld [tilespmem:$0xCE00]  }
0x12c: {  	v6 =	vld [tilespmem:$0xD280]  }
0x12d: {  	v7 =	vld [tilespmem:$0xD700]  }
0x12e: {  	v8 =	vld [tilespmem:$0xDB80]  }
0x12f: {  	v9 =	vld [tilespmem:$0xE000];
	v10 =	vadd.s32 v3, v4  }
0x130: {  	v11 =	vld [tilespmem:$0xE480];
	v10 =	vadd.s32 v5, v10  }
0x131: {  	v10 =	vadd.s32 v6, v10  }
0x132: {  	v10 =	vadd.s32 v7, v10  }
0x133: {  	v10 =	vadd.s32 v8, v10  }
0x134: {  	v10 =	vadd.s32 v9, v10  }
0x135: {  	v10 =	vadd.s32 v11, v10  }
0x136: {  	(xrf0) =	vadd.scan.msk.s32 $0xffff, v10  }
0x137: {  	[tilespmem:$0xC500] =	vst v0  }
0x138: {  	[tilespmem:$0xC980] =	vst v0  }
0x139: {  	[tilespmem:$0xCE00] =	vst v0  }
0x13a: {  	[tilespmem:$0xD280] =	vst v0  }
0x13b: {  	[tilespmem:$0xD700] =	vst v0  }
0x13c: {  	[tilespmem:$0xDB80] =	vst v0;
	v11, _, _ =	vpop (xrf0)  }
0x13d: {  	[tilespmem:$0xE000] =	vst v0;
	v10 =	vsub.s32 v11, v10  }
0x13e: {  	[tilespmem:$0xE480] =	vst v0;
	v10 =	vadd.s32 s14, v10  }
0x13f: {  	[tilespmem:$0xE900] =	vst v10;
	v3 =	vadd.s32 v3, v10  }
0x140: {  	[tilespmem:$0xED80] =	vst v3;
	v3 =	vadd.s32 v4, v3  }
0x141: {  	[tilespmem:$0xF200] =	vst v3;
	v3 =	vadd.s32 v5, v3  }
0x142: {  	[tilespmem:$0xF680] =	vst v3;
	v3 =	vadd.s32 v6, v3  }
0x143: {  	[tilespmem:$0xFB00] =	vst v3;
	v3 =	vadd.s32 v7, v3  }
0x144: {  	[tilespmem:$0xFF80] =	vst v3;
	v3 =	vadd.s32 v8, v3  }
0x145: {  	[tilespmem:$0x10400] =	vst v3;
	v3 =	vadd.s32 v9, v3  }
0x146: {  	s1 =	simm.s32 $0x10980;
	[tilespmem:$0x10880] =	vst v3  }
0x147: {  	v3 =	vld [tilespmem:s1+$0xFFFFFFA0]  }
0x148: {  	v4 =	vld [tilespmem:s1+$0xFFFFFF80]  }
0x149: {  	v5 =	vld [tilespmem:s1+$0xFFFFFFF0]  }
0x14a: {  	s15 =	simm.s32 $0x2080;
	v7 =	vld [tilespmem:s1+$0xFFFFFF90]  }
0x14b: {  	v6 =	vld [tilespmem:s15+$0xFFFFFFF0]  }
0x14c: {  	v9 =	vld [tilespmem:s1+$0xFFFFFFB0]  }
0x14d: {  	v10 =	vld [tilespmem:s1+$0xFFFFFFC0]  }
0x14e: {  	v11 =	vld [tilespmem:s1+$0xFFFFFFD0];
	v12 =	vshra.s32 v4, $0xD  }
0x14f: {  	v13 =	vld [tilespmem:s1+$0xFFFFFFE0];
	v14 =	vshra.s32 v7, $0xD  }
0x150: {  	v8 =	vld [tilespmem:s15+$0xFFFFFF80];
	v15 =	vshra.s32 v3, $0xD  }
0x151: {  	v16 =	vld [tilespmem:s15+$0xFFFFFFE0];
	v18 =	vshra.s32 v9, $0xD  }
0x152: {  	v19 =	vld [tilespmem:s15+$0xFFFFFF90];
	v20 =	vshra.s32 v10, $0xD  }
0x153: {  	v21 =	vshra.s32 v11, $0xD;
	v12 =	vld.idx.msk [tilespmem:v12+s24+$0x0], $0xffff  }
0x154: {  	v22 =	vshra.s32 v13, $0xD;
	v14 =	vld.idx.msk [tilespmem:v14+s25+$0x0], $0xffff  }
0x155: {  	v23 =	vshra.s32 v5, $0xD;
	v15 =	vld.idx.msk [tilespmem:v15+s26+$0x0], $0xffff  }
0x156: {  	v18 =	vld.idx.msk [tilespmem:v18+s28+$0x0], $0xffff  }
0x157: {  	v20 =	vld.idx.msk [tilespmem:v20+s29+$0x0], $0xffff  }
0x158: {  	v4 =	vand.u32 $0x1FFF, v4;
	v21 =	vld.idx.msk [tilespmem:v21+s30+$0x0], $0xffff  }
0x159: {  	v7 =	vand.u32 $0x1FFF, v7;
	v22 =	vld.idx.msk [tilespmem:v22+s31+$0x0], $0xffff;
	v4 =	vadd.s32 v4, v12  }
0x15a: {  	v3 =	vand.u32 $0x1FFF, v3;
	v12 =	vld.idx.msk [tilespmem:v23+s0+$0x0], $0xffff;
	v7 =	vadd.s32 v7, v14  }
0x15b: {  	v9 =	vand.u32 $0x1FFF, v9;
	v14 =	vld [tilespmem:s15+$0xFFFFFFA0];
	v3 =	vadd.s32 v3, v15  }
0x15c: {  	v10 =	vand.u32 $0x1FFF, v10;
	v15 =	vld [tilespmem:s15+$0xFFFFFFB0];
	v9 =	vadd.s32 v9, v18  }
0x15d: {  	v11 =	vand.u32 $0x1FFF, v11;
	v18 =	vld [tilespmem:s15+$0xFFFFFFC0];
	v10 =	vadd.s32 v10, v20  }
0x15e: {  	v17 =	vld [tilespmem:s15+$0xFFFFFFD0];
	v13 =	vand.u32 $0x1FFF, v13;
	[tilespmem:v4+s3+$0x0] =	vst.idx.msk $0xffff, v8;
	v4 =	vadd.s32 v11, v21  }
0x15f: {  	v5 =	vand.u32 $0x1FFF, v5;
	[tilespmem:v7+s3+$0x0] =	vst.idx.msk $0xffff, v19;
	v7 =	vadd.s32 v13, v22  }
0x160: {  	[tilespmem:v3+s3+$0x0] =	vst.idx.msk $0xffff, v14;
	v3 =	vadd.s32 v5, v12  }
0x161: {  	[tilespmem:v9+s3+$0x0] =	vst.idx.msk $0xffff, v15  }
0x162: {  	[tilespmem:v10+s3+$0x0] =	vst.idx.msk $0xffff, v18  }
0x163: {  	[tilespmem:v4+s3+$0x0] =	vst.idx.msk $0xffff, v17  }
0x164: {  	[tilespmem:v7+s3+$0x0] =	vst.idx.msk $0xffff, v16  }
0x165: {  	[tilespmem:v3+s3+$0x0] =	vst.idx.msk $0xffff, v6  }
0x166: {  	v7 =	vld [tilespmem:s1+$0x30]  }
0x167: {  	v5 =	vld [tilespmem:s1+$0x70]  }
0x168: {  	v8 =	vld [tilespmem:s1+$0x20]  }
0x169: {  	v13 =	vld [tilespmem:s1+$0x0]  }
0x16a: {  	v12 =	vld [tilespmem:s1+$0x10]  }
0x16b: {  	v3 =	vld [tilespmem:s15+$0x70]  }
0x16c: {  	v4 =	vld [tilespmem:s15+$0x60];
	v14 =	vshra.s32 v7, $0xD  }
0x16d: {  	v11 =	vld [tilespmem:s1+$0x40];
	v15 =	vshra.s32 v8, $0xD  }
0x16e: {  	v10 =	vld [tilespmem:s1+$0x50];
	v17 =	vshra.s32 v13, $0xD  }
0x16f: {  	v9 =	vld [tilespmem:s1+$0x60];
	v18 =	vshra.s32 v12, $0xD  }
0x170: {  	v6 =	vld [tilespmem:s15+$0x50];
	v16 =	vshra.s32 v5, $0xD  }
0x171: {  	v14 =	vld.idx.msk [tilespmem:v14+s28+$0x0], $0xffff  }
0x172: {  	v21 =	vshra.s32 v11, $0xD;
	v15 =	vld.idx.msk [tilespmem:v15+s26+$0x0], $0xffff  }
0x173: {  	s12 =	simm.s32 $0x2;
	s2 =	simm.s32 $0x10A80;
	v20 =	vshra.s32 v10, $0xD;
	v17 =	vld.idx.msk [tilespmem:v17+s24+$0x0], $0xffff  }
0x174: {  	s8 =	simm.s32 $0x2180;
	s14 =	simm.s32 $0x10A80;
	s1 =	simm.s32 $0x2180;
	v19 =	vshra.s32 v9, $0xD;
	v18 =	vld.idx.msk [tilespmem:v18+s25+$0x0], $0xffff  }
.LBB2_11:
0x175: {  	s12 =	sadd.s32 $0x2, s12;
	s1 =	sadd.s32 $0x100, s1;
	s2 =	sadd.s32 $0x100, s2;
	v16 =	vld.idx.msk [tilespmem:v16+s0+$0x0], $0xffff  }
0x176: {  	p0 =	slt.u32 s12, $0x3E;
	v22 =	vld [tilespmem:s15+$0x0]  }
0x177: {  	v21 =	vld.idx.msk [tilespmem:v21+s29+$0x0], $0xffff  }
0x178: {  	v13 =	vand.u32 $0x1FFF, v13;
	v20 =	vld.idx.msk [tilespmem:v20+s30+$0x0], $0xffff  }
0x179: {  	v12 =	vand.u32 $0x1FFF, v12;
	v13 =	vadd.s32 v13, v17;
	v19 =	vld.idx.msk [tilespmem:v19+s31+$0x0], $0xffff  }
0x17a: {  	v8 =	vand.u32 $0x1FFF, v8;
	v12 =	vadd.s32 v12, v18;
	v17 =	vld [tilespmem:s15+$0x10]  }
0x17b: {  	v7 =	vand.u32 $0x1FFF, v7;
	v8 =	vadd.s32 v8, v15;
	v18 =	vld [tilespmem:s15+$0x20]  }
0x17c: {  	v11 =	vand.u32 $0x1FFF, v11;
	v7 =	vadd.s32 v7, v14;
	v15 =	vld [tilespmem:s15+$0x30]  }
0x17d: {  	v10 =	vand.u32 $0x1FFF, v10;
	v11 =	vadd.s32 v11, v21;
	v14 =	vld [tilespmem:s15+$0x40];
	s15 =	smov.u32 s8;
	s8 =	smov.u32 s1  }
0x17e: {  	v9 =	vand.u32 $0x1FFF, v9;
	v10 =	vadd.s32 v10, v20;
	[tilespmem:v13+s3+$0x0] =	vst.idx.msk $0xffff, v22  }
0x17f: {  	v5 =	vand.u32 $0x1FFF, v5;
	v9 =	vadd.s32 v9, v19;
	[tilespmem:v12+s3+$0x0] =	vst.idx.msk $0xffff, v17  }
0x180: {  	v5 =	vadd.s32 v5, v16;
	[tilespmem:v8+s3+$0x0] =	vst.idx.msk $0xffff, v18  }
0x181: {  	[tilespmem:v7+s3+$0x0] =	vst.idx.msk $0xffff, v15  }
0x182: {  	[tilespmem:v11+s3+$0x0] =	vst.idx.msk $0xffff, v14  }
0x183: {  	[tilespmem:v10+s3+$0x0] =	vst.idx.msk $0xffff, v6  }
0x184: {  	[tilespmem:v9+s3+$0x0] =	vst.idx.msk $0xffff, v4  }
0x185: {  	[tilespmem:v5+s3+$0x0] =	vst.idx.msk $0xffff, v3  }
0x186: {  	v3 =	vld [tilespmem:s14+$0xFFFFFFA0]  }
0x187: {  	v4 =	vld [tilespmem:s14+$0xFFFFFF80]  }
0x188: {  	v5 =	vld [tilespmem:s14+$0xFFFFFFF0]  }
0x189: {  	v6 =	vld [tilespmem:s15+$0xFFFFFFF0]  }
0x18a: {  	v7 =	vld [tilespmem:s14+$0xFFFFFF90]  }
0x18b: {  	v8 =	vld [tilespmem:s15+$0xFFFFFF80]  }
0x18c: {  	v9 =	vld [tilespmem:s14+$0xFFFFFFB0]  }
0x18d: {  	v10 =	vld [tilespmem:s14+$0xFFFFFFC0]  }
0x18e: {  	v13 =	vshra.s32 v3, $0xD;
	v12 =	vshra.s32 v4, $0xD;
	v14 =	vshra.s32 v5, $0xD;
	v11 =	vld [tilespmem:s14+$0xFFFFFFD0]  }
0x18f: {  	v15 =	vld [tilespmem:s14+$0xFFFFFFE0];
	v16 =	vshra.s32 v7, $0xD  }
0x190: {  	v17 =	vld [tilespmem:s15+$0xFFFFFFE0]  }
0x191: {  	v18 =	vld [tilespmem:s15+$0xFFFFFFD0];
	v19 =	vshra.s32 v9, $0xD  }
0x192: {  	v20 =	vld [tilespmem:s15+$0xFFFFFF90];
	v21 =	vshra.s32 v10, $0xD  }
0x193: {  	v3 =	vand.u32 $0x1FFF, v3;
	v22 =	vshra.s32 v11, $0xD;
	v12 =	vld.idx.msk [tilespmem:v12+s24+$0x0], $0xffff  }
0x194: {  	v9 =	vand.u32 $0x1FFF, v9;
	v23 =	vshra.s32 v15, $0xD;
	v16 =	vld.idx.msk [tilespmem:v16+s25+$0x0], $0xffff  }
0x195: {  	v10 =	vand.u32 $0x1FFF, v10;
	v13 =	vld.idx.msk [tilespmem:v13+s26+$0x0], $0xffff  }
0x196: {  	v4 =	vand.u32 $0x1FFF, v4;
	v11 =	vand.u32 $0x1FFF, v11;
	v19 =	vld.idx.msk [tilespmem:v19+s28+$0x0], $0xffff  }
0x197: {  	v21 =	vld.idx.msk [tilespmem:v21+s29+$0x0], $0xffff  }
0x198: {  	v5 =	vand.u32 $0x1FFF, v5;
	v22 =	vld.idx.msk [tilespmem:v22+s30+$0x0], $0xffff  }
0x199: {  	v7 =	vand.u32 $0x1FFF, v7;
	v4 =	vadd.s32 v4, v12;
	v23 =	vld.idx.msk [tilespmem:v23+s31+$0x0], $0xffff  }
0x19a: {  	v7 =	vadd.s32 v7, v16;
	v12 =	vld.idx.msk [tilespmem:v14+s0+$0x0], $0xffff  }
0x19b: {  	v3 =	vadd.s32 v3, v13;
	v14 =	vld [tilespmem:s15+$0xFFFFFFA0]  }
0x19c: {  	v9 =	vadd.s32 v9, v19;
	v13 =	vld [tilespmem:s15+$0xFFFFFFB0]  }
0x19d: {  	v10 =	vadd.s32 v10, v21;
	v16 =	vld [tilespmem:s15+$0xFFFFFFC0]  }
0x19e: {  	v15 =	vand.u32 $0x1FFF, v15;
	[tilespmem:v4+s3+$0x0] =	vst.idx.msk $0xffff, v8;
	v4 =	vadd.s32 v11, v22  }
0x19f: {  	[tilespmem:v7+s3+$0x0] =	vst.idx.msk $0xffff, v20;
	v7 =	vadd.s32 v15, v23  }
0x1a0: {  	[tilespmem:v3+s3+$0x0] =	vst.idx.msk $0xffff, v14;
	v3 =	vadd.s32 v5, v12  }
0x1a1: {  	[tilespmem:v9+s3+$0x0] =	vst.idx.msk $0xffff, v13  }
0x1a2: {  	[tilespmem:v10+s3+$0x0] =	vst.idx.msk $0xffff, v16  }
0x1a3: {  	[tilespmem:v4+s3+$0x0] =	vst.idx.msk $0xffff, v18  }
0x1a4: {  	[tilespmem:v7+s3+$0x0] =	vst.idx.msk $0xffff, v17  }
0x1a5: {  	[tilespmem:v3+s3+$0x0] =	vst.idx.msk $0xffff, v6  }
0x1a6: {  	v7 =	vld [tilespmem:s14+$0x30]  }
0x1a7: {  	v5 =	vld [tilespmem:s14+$0x70]  }
0x1a8: {  	v8 =	vld [tilespmem:s14+$0x20]  }
0x1a9: {  	v13 =	vld [tilespmem:s14+$0x0]  }
0x1aa: {  	v12 =	vld [tilespmem:s14+$0x10]  }
0x1ab: {  	v3 =	vld [tilespmem:s15+$0x70]  }
0x1ac: {  	v14 =	vshra.s32 v7, $0xD;
	v4 =	vld [tilespmem:s15+$0x60];
	v16 =	vshra.s32 v5, $0xD  }
0x1ad: {  	v11 =	vld [tilespmem:s14+$0x40];
	v15 =	vshra.s32 v8, $0xD  }
0x1ae: {  	v10 =	vld [tilespmem:s14+$0x50];
	v17 =	vshra.s32 v13, $0xD  }
0x1af: {  	v9 =	vld [tilespmem:s14+$0x60];
	v18 =	vshra.s32 v12, $0xD;
	s14 =	smov.u32 s2  }
.Ltmp4:
0x1b0: {  	v6 =	vld [tilespmem:s15+$0x50];
	(pc) =	sbr.rel @p0 .LBB2_11-.Ltmp4, $4  }
0x1b1: {  	v14 =	vld.idx.msk [tilespmem:v14+s28+$0x0], $0xffff  }
0x1b2: {  	v21 =	vshra.s32 v11, $0xD;
	v15 =	vld.idx.msk [tilespmem:v15+s26+$0x0], $0xffff  }
0x1b3: {  	v20 =	vshra.s32 v10, $0xD;
	v17 =	vld.idx.msk [tilespmem:v17+s24+$0x0], $0xffff  }
0x1b4: {  	v19 =	vshra.s32 v9, $0xD;
	v18 =	vld.idx.msk [tilespmem:v18+s25+$0x0], $0xffff  }
0x1b5: {  	_ =	sdelay $0x3  }
0x1b6: {  	v16 =	vld.idx.msk [tilespmem:v16+s0+$0x0], $0xffff  }
0x1b7: {  	v22 =	vld [tilespmem:s15+$0x0]  }
0x1b8: {  	v21 =	vld.idx.msk [tilespmem:v21+s29+$0x0], $0xffff  }
0x1b9: {  	v13 =	vand.u32 $0x1FFF, v13;
	v20 =	vld.idx.msk [tilespmem:v20+s30+$0x0], $0xffff  }
0x1ba: {  	v12 =	vand.u32 $0x1FFF, v12;
	v19 =	vld.idx.msk [tilespmem:v19+s31+$0x0], $0xffff;
	v13 =	vadd.s32 v13, v17  }
0x1bb: {  	v8 =	vand.u32 $0x1FFF, v8;
	v17 =	vld [tilespmem:s15+$0x10];
	v12 =	vadd.s32 v12, v18  }
0x1bc: {  	v7 =	vand.u32 $0x1FFF, v7;
	v8 =	vadd.s32 v8, v15;
	v18 =	vld [tilespmem:s15+$0x20]  }
0x1bd: {  	v11 =	vand.u32 $0x1FFF, v11;
	v7 =	vadd.s32 v7, v14;
	v15 =	vld [tilespmem:s15+$0x30]  }
0x1be: {  	v10 =	vand.u32 $0x1FFF, v10;
	v14 =	vld [tilespmem:s15+$0x40];
	v11 =	vadd.s32 v11, v21  }
0x1bf: {  	v9 =	vand.u32 $0x1FFF, v9;
	v10 =	vadd.s32 v10, v20;
	[tilespmem:v13+s3+$0x0] =	vst.idx.msk $0xffff, v22  }
0x1c0: {  	v5 =	vand.u32 $0x1FFF, v5;
	v9 =	vadd.s32 v9, v19;
	[tilespmem:v12+s3+$0x0] =	vst.idx.msk $0xffff, v17  }
0x1c1: {  	v5 =	vadd.s32 v5, v16;
	[tilespmem:v8+s3+$0x0] =	vst.idx.msk $0xffff, v18  }
0x1c2: {  	[tilespmem:v7+s3+$0x0] =	vst.idx.msk $0xffff, v15  }
0x1c3: {  	[tilespmem:v11+s3+$0x0] =	vst.idx.msk $0xffff, v14  }
0x1c4: {  	[tilespmem:v10+s3+$0x0] =	vst.idx.msk $0xffff, v6  }
0x1c5: {  	[tilespmem:v9+s3+$0x0] =	vst.idx.msk $0xffff, v4  }
0x1c6: {  	[tilespmem:v5+s3+$0x0] =	vst.idx.msk $0xffff, v3  }
0x1c7: {  	v3 =	vld [tilespmem:s14+$0xFFFFFFA0]  }
0x1c8: {  	v4 =	vld [tilespmem:s14+$0xFFFFFF80]  }
0x1c9: {  	v5 =	vld [tilespmem:s14+$0xFFFFFFF0]  }
0x1ca: {  	v7 =	vld [tilespmem:s14+$0xFFFFFF90]  }
0x1cb: {  	v6 =	vld [tilespmem:s8+$0xFFFFFFF0]  }
0x1cc: {  	v9 =	vld [tilespmem:s14+$0xFFFFFFB0]  }
0x1cd: {  	v10 =	vld [tilespmem:s14+$0xFFFFFFC0]  }
0x1ce: {  	v11 =	vld [tilespmem:s14+$0xFFFFFFD0];
	v12 =	vshra.s32 v4, $0xD  }
0x1cf: {  	v13 =	vld [tilespmem:s14+$0xFFFFFFE0];
	v14 =	vshra.s32 v7, $0xD  }
0x1d0: {  	v8 =	vld [tilespmem:s8+$0xFFFFFF80];
	v15 =	vshra.s32 v3, $0xD  }
0x1d1: {  	v16 =	vld [tilespmem:s8+$0xFFFFFFE0];
	v18 =	vshra.s32 v9, $0xD  }
0x1d2: {  	v19 =	vld [tilespmem:s8+$0xFFFFFF90];
	v20 =	vshra.s32 v10, $0xD  }
0x1d3: {  	v21 =	vshra.s32 v11, $0xD;
	v12 =	vld.idx.msk [tilespmem:v12+s24+$0x0], $0xffff  }
0x1d4: {  	v22 =	vshra.s32 v13, $0xD;
	v14 =	vld.idx.msk [tilespmem:v14+s25+$0x0], $0xffff  }
0x1d5: {  	v23 =	vshra.s32 v5, $0xD;
	v15 =	vld.idx.msk [tilespmem:v15+s26+$0x0], $0xffff  }
0x1d6: {  	v18 =	vld.idx.msk [tilespmem:v18+s28+$0x0], $0xffff  }
0x1d7: {  	v20 =	vld.idx.msk [tilespmem:v20+s29+$0x0], $0xffff  }
0x1d8: {  	v4 =	vand.u32 $0x1FFF, v4;
	v21 =	vld.idx.msk [tilespmem:v21+s30+$0x0], $0xffff  }
0x1d9: {  	v7 =	vand.u32 $0x1FFF, v7;
	v22 =	vld.idx.msk [tilespmem:v22+s31+$0x0], $0xffff;
	v4 =	vadd.s32 v4, v12  }
0x1da: {  	v3 =	vand.u32 $0x1FFF, v3;
	v12 =	vld.idx.msk [tilespmem:v23+s0+$0x0], $0xffff;
	v7 =	vadd.s32 v7, v14  }
0x1db: {  	v9 =	vand.u32 $0x1FFF, v9;
	v14 =	vld [tilespmem:s8+$0xFFFFFFA0];
	v3 =	vadd.s32 v3, v15  }
0x1dc: {  	v10 =	vand.u32 $0x1FFF, v10;
	v15 =	vld [tilespmem:s8+$0xFFFFFFB0];
	v9 =	vadd.s32 v9, v18  }
0x1dd: {  	v11 =	vand.u32 $0x1FFF, v11;
	v18 =	vld [tilespmem:s8+$0xFFFFFFC0];
	v10 =	vadd.s32 v10, v20  }
0x1de: {  	v17 =	vld [tilespmem:s8+$0xFFFFFFD0];
	v13 =	vand.u32 $0x1FFF, v13;
	[tilespmem:v4+s3+$0x0] =	vst.idx.msk $0xffff, v8;
	v4 =	vadd.s32 v11, v21  }
0x1df: {  	v5 =	vand.u32 $0x1FFF, v5;
	[tilespmem:v7+s3+$0x0] =	vst.idx.msk $0xffff, v19;
	v7 =	vadd.s32 v13, v22  }
0x1e0: {  	[tilespmem:v3+s3+$0x0] =	vst.idx.msk $0xffff, v14;
	v3 =	vadd.s32 v5, v12  }
0x1e1: {  	[tilespmem:v9+s3+$0x0] =	vst.idx.msk $0xffff, v15  }
0x1e2: {  	[tilespmem:v10+s3+$0x0] =	vst.idx.msk $0xffff, v18  }
0x1e3: {  	[tilespmem:v4+s3+$0x0] =	vst.idx.msk $0xffff, v17  }
0x1e4: {  	[tilespmem:v7+s3+$0x0] =	vst.idx.msk $0xffff, v16  }
0x1e5: {  	[tilespmem:v3+s3+$0x0] =	vst.idx.msk $0xffff, v6  }
0x1e6: {  	v3 =	vld [tilespmem:s14+$0x30]  }
0x1e7: {  	v4 =	vld [tilespmem:s14+$0x70]  }
0x1e8: {  	v5 =	vld [tilespmem:s14+$0x20]  }
0x1e9: {  	v6 =	vld [tilespmem:s14+$0x0]  }
0x1ea: {  	v7 =	vld [tilespmem:s14+$0x10]  }
0x1eb: {  	v8 =	vld [tilespmem:s8+$0x70]  }
0x1ec: {  	v11 =	vld [tilespmem:s14+$0x40];
	v10 =	vshra.s32 v3, $0xD  }
0x1ed: {  	v13 =	vld [tilespmem:s14+$0x50];
	v12 =	vshra.s32 v5, $0xD  }
0x1ee: {  	v15 =	vld [tilespmem:s14+$0x60];
	v14 =	vshra.s32 v6, $0xD  }
0x1ef: {  	v9 =	vld [tilespmem:s8+$0x60];
	v16 =	vshra.s32 v7, $0xD  }
0x1f0: {  	v22 =	vld [tilespmem:s8+$0x0];
	v17 =	vshra.s32 v4, $0xD  }
0x1f1: {  	v19 =	vshra.s32 v11, $0xD;
	v10 =	vld.idx.msk [tilespmem:v10+s28+$0x0], $0xffff  }
0x1f2: {  	v20 =	vshra.s32 v13, $0xD;
	v12 =	vld.idx.msk [tilespmem:v12+s26+$0x0], $0xffff  }
0x1f3: {  	v21 =	vshra.s32 v15, $0xD;
	v14 =	vld.idx.msk [tilespmem:v14+s24+$0x0], $0xffff  }
0x1f4: {  	v16 =	vld.idx.msk [tilespmem:v16+s25+$0x0], $0xffff  }
0x1f5: {  	v17 =	vld.idx.msk [tilespmem:v17+s0+$0x0], $0xffff  }
0x1f6: {  	v19 =	vld.idx.msk [tilespmem:v19+s29+$0x0], $0xffff  }
0x1f7: {  	v6 =	vand.u32 $0x1FFF, v6;
	v20 =	vld.idx.msk [tilespmem:v20+s30+$0x0], $0xffff  }
0x1f8: {  	v7 =	vand.u32 $0x1FFF, v7;
	v21 =	vld.idx.msk [tilespmem:v21+s31+$0x0], $0xffff;
	v6 =	vadd.s32 v6, v14  }
0x1f9: {  	v5 =	vand.u32 $0x1FFF, v5;
	v14 =	vld [tilespmem:s8+$0x10];
	v7 =	vadd.s32 v7, v16  }
0x1fa: {  	v3 =	vand.u32 $0x1FFF, v3;
	v16 =	vld [tilespmem:s8+$0x20];
	v5 =	vadd.s32 v5, v12  }
0x1fb: {  	v11 =	vand.u32 $0x1FFF, v11;
	v12 =	vld [tilespmem:s8+$0x30];
	v3 =	vadd.s32 v3, v10  }
0x1fc: {  	v13 =	vand.u32 $0x1FFF, v13;
	v10 =	vld [tilespmem:s8+$0x40];
	v11 =	vadd.s32 v11, v19  }
0x1fd: {  	v18 =	vld [tilespmem:s8+$0x50];
	v15 =	vand.u32 $0x1FFF, v15;
	[tilespmem:v6+s3+$0x0] =	vst.idx.msk $0xffff, v22;
	v6 =	vadd.s32 v13, v20  }
0x1fe: {  	v4 =	vand.u32 $0x1FFF, v4;
	[tilespmem:v7+s3+$0x0] =	vst.idx.msk $0xffff, v14;
	v7 =	vadd.s32 v15, v21  }
0x1ff: {  	v4 =	vadd.s32 v4, v17;
	[tilespmem:v5+s3+$0x0] =	vst.idx.msk $0xffff, v16  }
0x200: {  	[tilespmem:v3+s3+$0x0] =	vst.idx.msk $0xffff, v12  }
0x201: {  	[tilespmem:v11+s3+$0x0] =	vst.idx.msk $0xffff, v10  }
0x202: {  	[tilespmem:v6+s3+$0x0] =	vst.idx.msk $0xffff, v18  }
0x203: {  	[tilespmem:v7+s3+$0x0] =	vst.idx.msk $0xffff, v9  }
0x204: {  	[tilespmem:v4+s3+$0x0] =	vst.idx.msk $0xffff, v8  }
0x205: {  	_ =	swait.ge [sflag:s4], $0x2000  }
0x206: {  	[sflag:s4] =	ssyncset.done $0x0  }
0x207: {  	s1 =	smin.u32 s7, $0x7FD;
	[sflag:s4] =	ssyncadd.s32 $0xFFFFE000  }
0x208: {  	s1 =	sadd.s32 $0x2, s1;
	_ =	swait.ge [sflag:s4], $0x2000  }
0x209: {  	s2 =	sshll.u32 s1, $0xA;
	s1 =	sshll.u32 s1, $0x4;
	[sflag:s4] =	ssyncset.done $0x0  }
0x20a: {  	s2 =	sand.u32 $0x3FE000, s2;
	s1 =	sand.u32 $0x70, s1;
	[sflag:s4] =	ssyncadd.s32 $0xFFFFE000  }
0x20b: {  	s1 =	sor.u32 s1, s2;
	s12 =	rddreg [dreg:$0x1]  }
0x20c: {  	s8 =	simm.s32 $0x0;
	s2 =	sadd.s32 s12, s1  }
0x20d: {  	[tilespmem:s8], [sflag:$0x1] =	stream.strided.gather [hbm4b:s2+s10], $0x2000, s11, s10, $0x38;
	[tilespmem:$0x12980] =	vst v63  }
0x20e: {  	s7 =	simm.s32 $0x0;
	s14 =	simm.s32 $0x2000;
	s1 =	sadd.s32 s5, s1  }
0x20f: {  	[tilespmem:s14], [sflag:$0x1] =	stream.strided.gather [hbm4b:s1+s10], $0x2000, s11, s10, $0x38;
	[tilespmem:$0x12980] =	vst v63  }
0x210: {  	v3 =	vld [tilespmem:s7+$0x4010]  }
0x211: {  	v4 =	vld [tilespmem:s7+$0x4030]  }
0x212: {  	v5 =	vld [tilespmem:s7+$0x4000]  }
0x213: {  	v7 =	vld [tilespmem:s7+$0x4060]  }
0x214: {  	v8 =	vld [tilespmem:s7+$0x4040]  }
0x215: {  	v6 =	vld [tilespmem:s7+$0x4020]  }
0x216: {  	v9 =	vld [tilespmem:s7+$0x4070]  }
0x217: {  	v10 =	vld [tilespmem:s7+$0x4050];
	v3 =	vmul.f32 $1.024000000e+03, v3  }
0x218: {  	v12 =	vld [tilespmem:s7+$0x8021];
	v4 =	vmul.f32 $1.024000000e+03, v4;
	v5 =	vmul.f32 $1.024000000e+03, v5  }
0x219: {  	v13 =	vld [tilespmem:s7+$0x8071];
	v15 =	vmul.f32 $1.024000000e+03, v7;
	v7 =	vmul.f32 $1.024000000e+03, v8  }
0x21a: {  	v14 =	vld [tilespmem:s7+$0x8011];
	v11 =	vtrunc.f32 v3;
	v3 =	vmul.f32 $1.024000000e+03, v6  }
0x21b: {  	v16 =	vld [tilespmem:s7+$0x8061];
	v9 =	vmul.f32 $1.024000000e+03, v9;
	v5 =	vtrunc.f32 v5  }
0x21c: {  	v17 =	vld [tilespmem:s7+$0x8051];
	v6 =	vtrunc.f32 v3;
	v3 =	vcvt.f32.s32 v5  }
0x21d: {  	v18 =	vld [tilespmem:s7+$0x8031];
	v4 =	vtrunc.f32 v4;
	v5 =	vcvt.f32.s32 v11  }
0x21e: {  	v19 =	vld [tilespmem:s7+$0x8001];
	v8 =	vcvt.f32.s32 v6;
	v6 =	vmul.f32 $1.024000000e+03, v10;
	(xrf1) =	vunique.msk.u32 $0xffff, v3  }
0x21f: {  	v21 =	vld [tilespmem:s7+$0x8060];
	v7 =	vtrunc.f32 v7;
	v4 =	vcvt.f32.s32 v4;
	(xrf1) =	vunique.msk.u32 $0xffff, v5  }
0x220: {  	v22 =	vld [tilespmem:s7+$0x8040];
	v7 =	vcvt.f32.s32 v7;
	v6 =	vtrunc.f32 v6;
	(xrf1) =	vunique.msk.u32 $0xffff, v8  }
0x221: {  	v10 =	vtrunc.f32 v15;
	v15 =	vld [tilespmem:s7+$0x8070];
	v6 =	vcvt.f32.s32 v6;
	(xrf1) =	vunique.msk.u32 $0xffff, v4  }
0x222: {  	v23 =	vld [tilespmem:s7+$0x8030];
	v20 =	vtrunc.f32 v9;
	v9 =	vcvt.f32.s32 v10;
	(xrf1) =	vunique.msk.u32 $0xffff, v7  }
0x223: {  	v25 =	vld [tilespmem:s7+$0x8010];
	v10 =	vcvt.f32.s32 v20;
	(xrf1) =	vunique.msk.u32 $0xffff, v6  }
0x224: {  	v11 =	vld [tilespmem:s7+$0x8041];
	(xrf1) =	vunique.msk.u32 $0xffff, v9  }
0x225: {  	v20 =	vld [tilespmem:s7+$0x8050];
	(xrf1) =	vunique.msk.u32 $0xffff, v10  }
0x226: {  	v13 =	vsub.f32 v15, v13;
	v15 =	vld [tilespmem:s7+$0x8000]  }
0x227: {  	v24 =	vld [tilespmem:s7+$0x8020];
	v16 =	vsub.f32 v21, v16  }
0x228: {  	v18 =	vsub.f32 v23, v18  }
0x229: {  	v16 =	vmax.f32 v16, $0.0e+00;
	v11 =	vsub.f32 v22, v11;
	v13 =	vmax.f32 v13, $0.0e+00  }
0x22a: {  	v23 =	vld.idx.msk [tilespmem:v4+s19+$0x0], $0xffff;
	v17 =	vsub.f32 v20, v17;
	v13 =	vadd.f32 v13, v16  }
0x22b: {  	v22 =	vld.idx.msk [tilespmem:v3+s16+$0x0], $0xffff;
	v16 =	vsub.f32 v25, v14;
	v15 =	vsub.f32 v15, v19  }
0x22c: {  	v12 =	vsub.f32 v24, v12;
	v20 =	vld.idx.msk [tilespmem:v5+s17+$0x0], $0xffff;
	_, v26, vm3 =	vpop (xrf1)  }
0x22d: {  	v11 =	vmax.f32 v11, $0.0e+00;
	v24 =	vld.idx.msk [tilespmem:v8+s18+$0x0], $0xffff;
	v17 =	vmax.f32 v17, $0.0e+00;
	v19 =	vmax.f32 v16, $0.0e+00;
	_, v27, vm4 =	vpop (xrf1)  }
0x22e: {  	v28 =	vld.idx.msk [tilespmem:v9+s22+$0x0], $0xffff;
	v11 =	vadd.f32 v17, v11;
	_, v25, vm5 =	vpop (xrf1)  }
0x22f: {  	v12 =	vmax.f32 v12, $0.0e+00;
	v14 =	vld.idx.msk [tilespmem:v10+s23+$0x0], $0xffff;
	v17 =	vmax.f32 v18, $0.0e+00;
	_, v18, vm0 =	vpop (xrf1)  }
0x230: {  	v29 =	vadd.f32 v17, v12;
	v17 =	vld.idx.msk [tilespmem:v6+s21+$0x0], $0xffff;
	v21 =	vadd.f32 v13, v11;
	v12 =	vmax.f32 v15, $0.0e+00;
	_, v15, vm1 =	vpop (xrf1)  }
0x231: {  	v16 =	vld.idx.msk [tilespmem:v7+s20+$0x0], $0xffff;
	v11 =	vadd.s32 v20, v27;
	v20 =	vadd.s32 v22, v26;
	v22 =	vadd.f32 v19, v12;
	_, v19, vm2 =	vpop (xrf1)  }
0x232: {  	v13 =	vadd.s32 $0xFFFFFFFF, v11;
	v12 =	vadd.s32 v23, v18;
	[tilespmem:v3+s16+$0x0] =	vst.idx.add.s32.msk vm3, v26;
	_, v23, vm3 =	vpop (xrf1)  }
0x233: {  	v11 =	vadd.s32 $0xFFFFFFFF, v20;
	v20 =	vadd.s32 v24, v25;
	v22 =	vadd.f32 v29, v22;
	[tilespmem:v5+s17+$0x0] =	vst.idx.add.s32.msk vm4, v27;
	_, v24, vm4 =	vpop (xrf1)  }
0x234: {  	s15 =	smov.u32 s5;
	s12 =	simm.s32 $0x0;
	s14 =	simm.s32 $0x200;
	v12 =	vadd.s32 $0xFFFFFFFF, v12;
	[tilespmem:v8+s18+$0x0] =	vst.idx.add.s32.msk vm5, v25;
	v25 =	vadd.s32 $0xFFFFFFFF, v20;
	v20 =	vadd.s32 v28, v23  }
.LBB2_13:
0x235: {  	s1 =	sshra.s32 s14, $0x2;
	p0 =	sne.s32 s14, $0x7E00;
	s14 =	sadd.s32 $0x200, s14;
	[tilespmem:v4+s19+$0x0] =	vst.idx.add.s32.msk vm0, v18;
	v18 =	vadd.f32 v21, v22  }
0x236: {  	v8 =	vshll.u32 v8, $0xD;
	v17 =	vadd.s32 v17, v19;
	[tilespmem:v7+s20+$0x0] =	vst.idx.add.s32.msk vm1, v15;
	v7 =	vshll.u32 v7, $0xD  }
0x237: {  	v15 =	vadd.s32 v16, v15;
	v16 =	vadd.s32 $0xFFFFFFFF, v17;
	[tilespmem:v6+s21+$0x0] =	vst.idx.add.s32.msk vm2, v19;
	v2 =	vadd.f32 v18, v2  }
0x238: {  	v14 =	vadd.s32 v14, v24;
	v17 =	vshll.u32 v10, $0xD;
	v15 =	vadd.s32 $0xFFFFFFFF, v15;
	[tilespmem:v9+s22+$0x0] =	vst.idx.add.s32.msk vm3, v23  }
0x239: {  	v8 =	vor.u32 v8, v25;
	v7 =	vor.u32 v7, v15;
	[tilespmem:v10+s23+$0x0] =	vst.idx.add.s32.msk vm4, v24;
	v10 =	vadd.s32 $0xFFFFFFFF, v14  }
0x23a: {  	v14 =	vld [tilespmem:s1+$0x4010];
	[tilespmem:s12+$0x10920] =	vst v8;
	v8 =	vshll.u32 v9, $0xD;
	v9 =	vadd.s32 $0xFFFFFFFF, v20;
	v10 =	vor.u32 v17, v10  }
0x23b: {  	v5 =	vshll.u32 v5, $0xD;
	v6 =	vshll.u32 v6, $0xD;
	v15 =	vld [tilespmem:s1+$0x4030];
	v8 =	vor.u32 v8, v9;
	[tilespmem:s12+$0x10970] =	vst v10  }
0x23c: {  	v5 =	vor.u32 v5, v13;
	v6 =	vor.u32 v6, v16;
	v9 =	vld [tilespmem:s1+$0x4020];
	[tilespmem:s12+$0x10960] =	vst v8  }
0x23d: {  	v8 =	vld [tilespmem:s1+$0x4000];
	[tilespmem:s12+$0x10910] =	vst v5  }
0x23e: {  	v3 =	vshll.u32 v3, $0xD;
	v4 =	vshll.u32 v4, $0xD;
	v5 =	vld [tilespmem:s1+$0x4060];
	[tilespmem:s12+$0x10950] =	vst v6  }
0x23f: {  	v3 =	vor.u32 v3, v11;
	v4 =	vor.u32 v4, v12;
	v6 =	vld [tilespmem:s1+$0x4070];
	v10 =	vmul.f32 $1.024000000e+03, v14;
	[tilespmem:s12+$0x10940] =	vst v7  }
0x240: {  	v7 =	vmul.f32 $1.024000000e+03, v15;
	[tilespmem:s12+$0x10900] =	vst v3  }
0x241: {  	v11 =	vld [tilespmem:s1+$0x4040];
	v10 =	vtrunc.f32 v10;
	v3 =	vmul.f32 $1.024000000e+03, v9;
	[tilespmem:s12+$0x10930] =	vst v4;
	s12 =	smov.u32 s1  }
0x242: {  	v4 =	vld [tilespmem:s12+$0x4050];
	v8 =	vmul.f32 $1.024000000e+03, v8;
	v7 =	vtrunc.f32 v7  }
0x243: {  	v12 =	vld [tilespmem:s12+$0x8021];
	v9 =	vtrunc.f32 v3;
	v5 =	vmul.f32 $1.024000000e+03, v5  }
0x244: {  	v13 =	vld [tilespmem:s12+$0x8071];
	v3 =	vtrunc.f32 v8;
	v14 =	vmul.f32 $1.024000000e+03, v6  }
0x245: {  	v15 =	vld [tilespmem:s12+$0x8011];
	v3 =	vcvt.f32.s32 v3;
	v16 =	vtrunc.f32 v5  }
0x246: {  	v5 =	vcvt.f32.s32 v10;
	v17 =	vld [tilespmem:s12+$0x8061];
	v6 =	vmul.f32 $1.024000000e+03, v11  }
0x247: {  	v8 =	vcvt.f32.s32 v9;
	v11 =	vld [tilespmem:s12+$0x8041];
	v9 =	vmul.f32 $1.024000000e+03, v4;
	(xrf1) =	vunique.msk.u32 $0xffff, v3  }
0x248: {  	v4 =	vcvt.f32.s32 v7;
	v18 =	vld [tilespmem:s12+$0x8051];
	v6 =	vtrunc.f32 v6;
	(xrf1) =	vunique.msk.u32 $0xffff, v5  }
0x249: {  	v19 =	vld [tilespmem:s12+$0x8031];
	v7 =	vcvt.f32.s32 v6;
	v6 =	vtrunc.f32 v9;
	(xrf1) =	vunique.msk.u32 $0xffff, v8  }
0x24a: {  	v10 =	vtrunc.f32 v14;
	v20 =	vld [tilespmem:s12+$0x8001];
	v6 =	vcvt.f32.s32 v6;
	(xrf1) =	vunique.msk.u32 $0xffff, v4  }
0x24b: {  	v9 =	vcvt.f32.s32 v16;
	v14 =	vld [tilespmem:s12+$0x8070];
	(xrf1) =	vunique.msk.u32 $0xffff, v7  }
0x24c: {  	v10 =	vcvt.f32.s32 v10;
	v16 =	vld [tilespmem:s12+$0x8060];
	(xrf1) =	vunique.msk.u32 $0xffff, v6  }
0x24d: {  	v21 =	vld [tilespmem:s12+$0x8050];
	(xrf1) =	vunique.msk.u32 $0xffff, v9  }
0x24e: {  	v22 =	vld [tilespmem:s12+$0x8040];
	(xrf1) =	vunique.msk.u32 $0xffff, v10  }
0x24f: {  	v23 =	vld [tilespmem:s12+$0x8030]  }
0x250: {  	v24 =	vld [tilespmem:s12+$0x8020];
	v13 =	vsub.f32 v14, v13  }
0x251: {  	v14 =	vld [tilespmem:s12+$0x8010];
	v16 =	vsub.f32 v16, v17  }
0x252: {  	v17 =	vld [tilespmem:s12+$0x8000];
	v18 =	vsub.f32 v21, v18;
	v13 =	vmax.f32 v13, $0.0e+00  }
0x253: {  	v25 =	vld.idx.msk [tilespmem:v5+s17+$0x0], $0xffff;
	v11 =	vsub.f32 v22, v11;
	v16 =	vmax.f32 v16, $0.0e+00  }
0x254: {  	v22 =	vld.idx.msk [tilespmem:v3+s16+$0x0], $0xffff;
	v19 =	vsub.f32 v23, v19;
	v18 =	vmax.f32 v18, $0.0e+00;
	v13 =	vadd.f32 v13, v16  }
0x255: {  	v23 =	vld.idx.msk [tilespmem:v4+s19+$0x0], $0xffff;
	v12 =	vsub.f32 v24, v12;
	v11 =	vmax.f32 v11, $0.0e+00;
	_, v24, vm3 =	vpop (xrf1)  }
0x256: {  	v26 =	vld.idx.msk [tilespmem:v8+s18+$0x0], $0xffff;
	v31 =	vsub.f32 v14, v15;
	v16 =	vmax.f32 v19, $0.0e+00;
	v11 =	vadd.f32 v18, v11;
	_, v27, vm4 =	vpop (xrf1)  }
0x257: {  	v28 =	vld.idx.msk [tilespmem:v9+s22+$0x0], $0xffff;
	v32 =	vsub.f32 v17, v20;
	v12 =	vmax.f32 v12, $0.0e+00;
	_, v20, vm5 =	vpop (xrf1)  }
0x258: {  	v14 =	vld.idx.msk [tilespmem:v10+s23+$0x0], $0xffff;
	v29 =	vmax.f32 v31, $0.0e+00;
	v30 =	vadd.f32 v16, v12;
	v21 =	vadd.f32 v13, v11;
	_, v18, vm0 =	vpop (xrf1)  }
.Ltmp5:
0x259: {  	v11 =	vadd.s32 v25, v27;
	v17 =	vld.idx.msk [tilespmem:v6+s21+$0x0], $0xffff;
	v12 =	vmax.f32 v32, $0.0e+00;
	_, v15, vm1 =	vpop (xrf1);
	(pc) =	sbr.rel @p0 .LBB2_13-.Ltmp5, $4  }
0x25a: {  	v22 =	vadd.s32 v22, v24;
	v13 =	vadd.s32 $0xFFFFFFFF, v11;
	v16 =	vld.idx.msk [tilespmem:v7+s20+$0x0], $0xffff;
	v25 =	vadd.f32 v29, v12;
	_, v19, vm2 =	vpop (xrf1)  }
0x25b: {  	v11 =	vadd.s32 $0xFFFFFFFF, v22;
	v12 =	vadd.s32 v23, v18;
	[tilespmem:v3+s16+$0x0] =	vst.idx.add.s32.msk vm3, v24;
	_, v23, vm3 =	vpop (xrf1)  }
0x25c: {  	v26 =	vadd.s32 v26, v20;
	v12 =	vadd.s32 $0xFFFFFFFF, v12;
	[tilespmem:v5+s17+$0x0] =	vst.idx.add.s32.msk vm4, v27;
	v22 =	vadd.f32 v30, v25;
	_, v24, vm4 =	vpop (xrf1)  }
0x25d: {  	v25 =	vadd.s32 $0xFFFFFFFF, v26;
	[tilespmem:v8+s18+$0x0] =	vst.idx.add.s32.msk vm5, v20;
	v20 =	vadd.s32 v28, v23  }
0x25e: {  	_ =	sdelay $0x4  }
0x25f: {  	[tilespmem:v4+s19+$0x0] =	vst.idx.add.s32.msk vm0, v18  }
0x260: {  	[tilespmem:v7+s20+$0x0] =	vst.idx.add.s32.msk vm1, v15  }
0x261: {  	[tilespmem:v6+s21+$0x0] =	vst.idx.add.s32.msk vm2, v19  }
0x262: {  	v8 =	vshll.u32 v8, $0xD;
	[tilespmem:v9+s22+$0x0] =	vst.idx.add.s32.msk vm3, v23  }
0x263: {  	v17 =	vadd.s32 v17, v19;
	v5 =	vshll.u32 v5, $0xD;
	v8 =	vor.u32 v8, v25;
	[tilespmem:v10+s23+$0x0] =	vst.idx.add.s32.msk vm4, v24  }
0x264: {  	v14 =	vadd.s32 v14, v24;
	v3 =	vshll.u32 v3, $0xD;
	v5 =	vor.u32 v5, v13;
	[tilespmem:s12+$0x10920] =	vst v8  }
0x265: {  	v18 =	vshll.u32 v10, $0xD;
	v4 =	vshll.u32 v4, $0xD;
	v3 =	vor.u32 v3, v11;
	[tilespmem:s12+$0x10910] =	vst v5  }
0x266: {  	v4 =	vor.u32 v4, v12;
	v6 =	vshll.u32 v6, $0xD;
	v10 =	vadd.s32 $0xFFFFFFFF, v14;
	[tilespmem:s12+$0x10900] =	vst v3  }
0x267: {  	v8 =	vshll.u32 v9, $0xD;
	v9 =	vadd.s32 $0xFFFFFFFF, v20;
	v10 =	vor.u32 v18, v10;
	[tilespmem:s12+$0x10930] =	vst v4  }
0x268: {  	v14 =	vadd.s32 v16, v15;
	v8 =	vor.u32 v8, v9;
	[tilespmem:s12+$0x10970] =	vst v10;
	v9 =	vadd.s32 $0xFFFFFFFF, v17  }
0x269: {  	v7 =	vshll.u32 v7, $0xD;
	[tilespmem:s12+$0x10960] =	vst v8;
	v8 =	vadd.s32 $0xFFFFFFFF, v14;
	v6 =	vor.u32 v6, v9  }
0x26a: {  	v5 =	vor.u32 v7, v8;
	[tilespmem:s12+$0x10950] =	vst v6  }
0x26b: {  	[tilespmem:s12+$0x10940] =	vst v5  }
0x26c: {  	v7 =	vld [tilespmem:s7+$0xD310]  }
0x26d: {  	v23 =	vld [tilespmem:s7+$0xD780]  }
0x26e: {  	v24 =	vld [tilespmem:s7+$0xE0B0]  }
0x26f: {  	v25 =	vld [tilespmem:s7+$0xD300]  }
0x270: {  	v4 =	vld [tilespmem:s7+$0xDC30]  }
0x271: {  	v5 =	vld [tilespmem:s7+$0xD7A0]  }
0x272: {  	v3 =	vld [tilespmem:s7+$0xD7B0]  }
0x273: {  	v6 =	vld [tilespmem:s7+$0xD330]  }
0x274: {  	v8 =	vld [tilespmem:s7+$0xCEB0]  }
0x275: {  	v9 =	vld [tilespmem:s7+$0xCA30]  }
0x276: {  	v12 =	vld [tilespmem:s7+$0xCA10]  }
0x277: {  	v10 =	vld [tilespmem:s7+$0xD320]  }
0x278: {  	v11 =	vld [tilespmem:s7+$0xC5B0]  }
0x279: {  	v26 =	vld [tilespmem:s7+$0xCE80]  }
0x27a: {  	v14 =	vld [tilespmem:s7+$0xC130]  }
0x27b: {  	v27 =	vld [tilespmem:s7+$0xCA00]  }
0x27c: {  	v28 =	vld [tilespmem:s7+$0xC580]  }
0x27d: {  	v13 =	vld [tilespmem:s7+$0xCEA0]  }
0x27e: {  	v29 =	vld [tilespmem:s7+$0xC590]  }
0x27f: {  	v16 =	vld [tilespmem:s7+$0xCA20]  }
0x280: {  	v17 =	vld [tilespmem:s7+$0xC5A0];
	[tilespmem:s7+$0xC580] =	vst v0  }
0x281: {  	v30 =	vld [tilespmem:s7+$0xC120];
	[tilespmem:s7+$0xD7A0] =	vst v0  }
0x282: {  	v31 =	vld [tilespmem:s7+$0xC100];
	[tilespmem:s7+$0xD300] =	vst v0  }
0x283: {  	v32 =	vld [tilespmem:s7+$0xC110];
	[tilespmem:s7+$0xD780] =	vst v0  }
0x284: {  	v19 =	vld [tilespmem:s7+$0xCE90];
	[tilespmem:s7+$0xCEA0] =	vst v0;
	v18 =	vadd.s32 v14, v11  }
0x285: {  	v15 =	vld [tilespmem:s7+$0xDC20];
	[tilespmem:s7+$0xD320] =	vst v0;
	v34 =	vadd.s32 v9, v18  }
0x286: {  	v33 =	vld [tilespmem:s7+$0xDC00];
	[tilespmem:s7+$0xCE80] =	vst v0;
	v34 =	vadd.s32 v8, v34  }
0x287: {  	v20 =	vld [tilespmem:s7+$0xD790];
	[tilespmem:s7+$0xC5B0] =	vst v0;
	v34 =	vadd.s32 v6, v34  }
0x288: {  	[tilespmem:s7+$0xCE90] =	vst v0;
	v35 =	vld [tilespmem:s7+$0xE0A0];
	v36 =	vadd.s32 v30, v17;
	v58 =	vadd.s32 v31, v28;
	v34 =	vadd.s32 v3, v34  }
0x289: {  	v37 =	vld [tilespmem:s7+$0xE080];
	[tilespmem:s7+$0xDC00] =	vst v0;
	v38 =	vadd.s32 v32, v29;
	v36 =	vadd.s32 v16, v36;
	v34 =	vadd.s32 v4, v34  }
0x28a: {  	[tilespmem:s7+$0xDC20] =	vst v0;
	v18 =	vld [tilespmem:s7+$0xDC10];
	v36 =	vadd.s32 v13, v36;
	v24 =	vadd.s32 v24, v34;
	v34 =	vadd.s32 v27, v58  }
0x28b: {  	v39 =	vld [tilespmem:s7+$0xE090];
	[tilespmem:s7+$0xCA10] =	vst v0;
	v38 =	vadd.s32 v12, v38;
	v36 =	vadd.s32 v10, v36;
	v34 =	vadd.s32 v26, v34  }
0x28c: {  	[tilespmem:s7+$0xCA30] =	vst v0;
	v38 =	vadd.s32 v19, v38;
	v36 =	vadd.s32 v5, v36;
	v34 =	vadd.s32 v25, v34  }
0x28d: {  	[tilespmem:s7+$0xCEB0] =	vst v0;
	v38 =	vadd.s32 v7, v38;
	v36 =	vadd.s32 v15, v36;
	v34 =	vadd.s32 v23, v34  }
0x28e: {  	v38 =	vadd.s32 v20, v38;
	v35 =	vadd.s32 v35, v36;
	(xrf0) =	vadd.scan.msk.s32 $0xffff, v24;
	v34 =	vadd.s32 v33, v34  }
0x28f: {  	[tilespmem:s7+$0xD330] =	vst v0;
	v59 =	vadd.s32 v18, v38;
	(xrf0) =	vadd.scan.msk.s32 $0xffff, v35;
	v34 =	vadd.s32 v37, v34  }
0x290: {  	[tilespmem:s7+$0xD7B0] =	vst v0;
	v36 =	vadd.s32 v39, v59;
	(xrf0) =	vadd.scan.msk.s32 $0xffff, v34  }
0x291: {  	[tilespmem:s7+$0xC100] =	vst v0;
	(xrf0) =	vadd.scan.msk.s32 $0xffff, v36  }
0x292: {  	[tilespmem:s7+$0xD790] =	vst v0  }
0x293: {  	[tilespmem:s7+$0xDC30] =	vst v0  }
0x294: {  	[tilespmem:s7+$0xE0A0] =	vst v0;
	v60, _, _ =	vpop (xrf0)  }
0x295: {  	[tilespmem:s7+$0xC120] =	vst v0;
	v61, _, _ =	vpop (xrf0)  }
0x296: {  	[tilespmem:s7+$0xC5A0] =	vst v0;
	(v2sf) =	vpush v61, $0xF;
	v62, _, _ =	vpop (xrf0)  }
0x297: {  	[tilespmem:s7+$0xC110] =	vst v0;
	(v2sf) =	vpush v62, $0xF;
	v63, _, _ =	vpop (xrf0)  }
0x298: {  	[tilespmem:s7+$0xE080] =	vst v0;
	(v2sf) =	vpush v63, $0xF  }
0x299: {  	[tilespmem:s7+$0xE0B0] =	vst v0  }
0x29a: {  	[tilespmem:s7+$0xE090] =	vst v0;
	(v2sf) =	vpush v60, $0xF  }
0x29b: {  	[tilespmem:s7+$0xD310] =	vst v0  }
0x29c: {  	[tilespmem:s7+$0xC130] =	vst v0  }
0x29d: {  	[tilespmem:s7+$0xCA00] =	vst v0  }
0x29e: {  	[tilespmem:s7+$0xC590] =	vst v0  }
0x29f: {  	[tilespmem:s7+$0xCA20] =	vst v0;
	v34 =	vsub.s32 v62, v34  }
0x2a0: {  	[tilespmem:s7+$0xDC10] =	vst v0;
	v34 =	vadd.s32 s8, v34  }
0x2a1: {  	[tilespmem:s7+$0xE500] =	vst v34;
	v31 =	vadd.s32 v31, v34  }
0x2a2: {  	[tilespmem:s7+$0xE980] =	vst v31;
	v28 =	vadd.s32 v28, v31  }
0x2a3: {  	[tilespmem:s7+$0xEE00] =	vst v28;
	v27 =	vadd.s32 v27, v28  }
0x2a4: {  	[tilespmem:s7+$0xF280] =	vst v27;
	v26 =	vadd.s32 v26, v27  }
0x2a5: {  	[tilespmem:s7+$0xF700] =	vst v26;
	v25 =	vadd.s32 v25, v26;
	s1 =	spop (v2sf)  }
0x2a6: {  	v21 =	vadd.f32 v21, v22;
	[tilespmem:s7+$0xFB80] =	vst v25;
	v23 =	vadd.s32 v23, v25;
	s2 =	spop (v2sf)  }
0x2a7: {  	v22 =	vsub.s32 v63, v36;
	[tilespmem:s7+$0x10000] =	vst v23;
	v23 =	vadd.s32 v33, v23;
	s2 =	sadd.s32 $0x0, s2;
	s5 =	spop (v2sf)  }
0x2a8: {  	v2 =	vadd.f32 v21, v2;
	v21 =	vsub.s32 v61, v35;
	[tilespmem:s7+$0x10480] =	vst v23;
	v22 =	vadd.s32 s2, v22;
	s2 =	sadd.s32 s2, s5  }
0x2a9: {  	v23 =	vsub.s32 v60, v24;
	s12 =	spop (v2sf);
	[tilespmem:s7+$0xE510] =	vst v22;
	v22 =	vadd.s32 v32, v22;
	v21 =	vadd.s32 s2, v21;
	s1 =	sadd.s32 s2, s1  }
0x2aa: {  	s14 =	simm.s32 $0x0;
	[tilespmem:s7+$0xE990] =	vst v22;
	v25 =	vadd.s32 v29, v22;
	v24 =	vadd.s32 v30, v21;
	v28 =	vadd.s32 s1, v23;
	s8 =	sadd.s32 s1, s12;
	s12 =	simm.s32 $0x100  }
.LBB2_15:
0x2ab: {  	s1 =	sshra.s32 s12, $0x2;
	s14 =	sadd.s32 $0x4, s14;
	v12 =	vadd.s32 v12, v25;
	[tilespmem:s7+$0xE520] =	vst v21;
	v17 =	vadd.s32 v17, v24;
	v23 =	vadd.s32 v14, v28  }
0x2ac: {  	v14 =	vld [tilespmem:s1+$0xD310];
	p0 =	slt.u32 s14, $0x3C;
	[tilespmem:s7+$0xF290] =	vst v12;
	v12 =	vadd.s32 v19, v12;
	v16 =	vadd.s32 v16, v17;
	v19 =	vadd.s32 v11, v23  }
0x2ad: {  	v21 =	vld [tilespmem:s1+$0xD780];
	[tilespmem:s7+$0xF710] =	vst v12;
	v7 =	vadd.s32 v7, v12;
	v13 =	vadd.s32 v13, v16;
	v29 =	vadd.s32 v9, v19  }
0x2ae: {  	v30 =	vld [tilespmem:s1+$0xE0B0];
	[tilespmem:s7+$0xFB90] =	vst v7;
	v7 =	vadd.s32 v20, v7;
	v9 =	vadd.s32 v10, v13;
	v10 =	vadd.s32 v8, v29  }
0x2af: {  	v22 =	vld [tilespmem:s1+$0xD300];
	[tilespmem:s7+$0x10010] =	vst v7;
	v18 =	vadd.s32 v18, v7;
	v11 =	vadd.s32 v5, v9  }
0x2b0: {  	v12 =	vld [tilespmem:s1+$0xDC30];
	[tilespmem:s7+$0x10490] =	vst v18;
	v8 =	vadd.s32 v15, v11;
	v15 =	vadd.s32 v6, v10  }
0x2b1: {  	v5 =	vld [tilespmem:s1+$0xD7A0];
	[tilespmem:s7+$0x104A0] =	vst v8;
	v6 =	vadd.s32 v3, v15;
	v7 =	vmov v14  }
0x2b2: {  	v3 =	vld [tilespmem:s1+$0xD7B0];
	[tilespmem:s7+$0x10030] =	vst v6;
	v4 =	vadd.s32 v4, v6  }
0x2b3: {  	v6 =	vld [tilespmem:s1+$0xD330];
	[tilespmem:s7+$0x104B0] =	vst v4  }
0x2b4: {  	v8 =	vld [tilespmem:s1+$0xCEB0];
	[tilespmem:s7+$0xFBA0] =	vst v9  }
0x2b5: {  	v9 =	vld [tilespmem:s1+$0xCA30];
	[tilespmem:s7+$0x10020] =	vst v11;
	v4 =	vmov v12  }
0x2b6: {  	v12 =	vld [tilespmem:s1+$0xCA10];
	[tilespmem:s7+$0xF730] =	vst v10  }
0x2b7: {  	v10 =	vld [tilespmem:s1+$0xD320];
	[tilespmem:s7+$0xFBB0] =	vst v15  }
0x2b8: {  	v11 =	vld [tilespmem:s1+$0xC5B0];
	[tilespmem:s7+$0xF2A0] =	vst v16  }
0x2b9: {  	v26 =	vld [tilespmem:s1+$0xCE80];
	[tilespmem:s7+$0xF720] =	vst v13  }
0x2ba: {  	v14 =	vld [tilespmem:s1+$0xC130];
	[tilespmem:s7+$0xEE30] =	vst v19  }
0x2bb: {  	v27 =	vld [tilespmem:s1+$0xCA00];
	[tilespmem:s7+$0xF2B0] =	vst v29  }
0x2bc: {  	v29 =	vld [tilespmem:s1+$0xC580];
	[tilespmem:s7+$0xEE20] =	vst v17  }
0x2bd: {  	v13 =	vld [tilespmem:s1+$0xCEA0];
	[tilespmem:s7+$0xE9B0] =	vst v23  }
0x2be: {  	v23 =	vld [tilespmem:s1+$0xC590];
	[tilespmem:s7+$0xE530] =	vst v28  }
0x2bf: {  	v16 =	vld [tilespmem:s1+$0xCA20];
	v15 =	vadd.s32 v14, v11;
	[tilespmem:s7+$0xE9A0] =	vst v24  }
0x2c0: {  	v17 =	vld [tilespmem:s1+$0xC5A0];
	v15 =	vadd.s32 v9, v15;
	[tilespmem:s7+$0xEE10] =	vst v25;
	s7 =	smov.u32 s1  }
0x2c1: {  	[tilespmem:s7+$0xC580] =	vst v0;
	v24 =	vld [tilespmem:s7+$0xC120];
	v15 =	vadd.s32 v8, v15  }
0x2c2: {  	v28 =	vld [tilespmem:s7+$0xC100];
	[tilespmem:s7+$0xD7A0] =	vst v0;
	v15 =	vadd.s32 v6, v15  }
0x2c3: {  	[tilespmem:s7+$0xD300] =	vst v0;
	v25 =	vld [tilespmem:s7+$0xC110];
	v15 =	vadd.s32 v3, v15  }
0x2c4: {  	[tilespmem:s7+$0xD780] =	vst v0;
	v19 =	vld [tilespmem:s7+$0xCE90];
	v18 =	vadd.s32 v4, v15  }
0x2c5: {  	v15 =	vld [tilespmem:s7+$0xDC20];
	[tilespmem:s7+$0xCEA0] =	vst v0;
	v30 =	vadd.s32 v30, v18  }
0x2c6: {  	v31 =	vld [tilespmem:s7+$0xDC00];
	v18 =	vadd.s32 v24, v17;
	[tilespmem:s7+$0xD320] =	vst v0;
	(xrf0) =	vadd.scan.msk.s32 $0xffff, v30  }
0x2c7: {  	v32 =	vadd.s32 v28, v29;
	[tilespmem:s7+$0xCE80] =	vst v0;
	v20 =	vld [tilespmem:s7+$0xD790];
	v33 =	vadd.s32 v16, v18  }
0x2c8: {  	v32 =	vadd.s32 v27, v32;
	v18 =	vld [tilespmem:s7+$0xDC10];
	v34 =	vadd.s32 v25, v23;
	v33 =	vadd.s32 v13, v33;
	[tilespmem:s7+$0xC5B0] =	vst v0  }
0x2c9: {  	v32 =	vadd.s32 v26, v32;
	v34 =	vadd.s32 v12, v34;
	[tilespmem:s7+$0xCE90] =	vst v0;
	v35 =	vld [tilespmem:s7+$0xE0A0];
	v33 =	vadd.s32 v10, v33  }
0x2ca: {  	v36 =	vld [tilespmem:s7+$0xE080];
	v32 =	vadd.s32 v22, v32;
	[tilespmem:s7+$0xDC00] =	vst v0;
	v34 =	vadd.s32 v19, v34;
	v33 =	vadd.s32 v5, v33  }
0x2cb: {  	v32 =	vadd.s32 v21, v32;
	v37 =	vld [tilespmem:s7+$0xE090];
	v34 =	vadd.s32 v7, v34;
	v33 =	vadd.s32 v15, v33;
	[tilespmem:s7+$0xDC20] =	vst v0  }
0x2cc: {  	v32 =	vadd.s32 v31, v32;
	v34 =	vadd.s32 v20, v34;
	[tilespmem:s7+$0xCA10] =	vst v0;
	v38, _, _ =	vpop (xrf0)  }
0x2cd: {  	v30 =	vsub.s32 v38, v30;
	[tilespmem:s7+$0xCA30] =	vst v0  }
0x2ce: {  	v33 =	vadd.s32 v35, v33;
	[tilespmem:s7+$0xCEB0] =	vst v0  }
0x2cf: {  	v34 =	vadd.s32 v18, v34;
	v32 =	vadd.s32 v36, v32;
	[tilespmem:s7+$0xD330] =	vst v0;
	(xrf0) =	vadd.scan.msk.s32 $0xffff, v33  }
0x2d0: {  	v34 =	vadd.s32 v37, v34;
	[tilespmem:s7+$0xD7B0] =	vst v0;
	(xrf0) =	vadd.scan.msk.s32 $0xffff, v32  }
0x2d1: {  	[tilespmem:s7+$0xC100] =	vst v0;
	(xrf0) =	vadd.scan.msk.s32 $0xffff, v34  }
0x2d2: {  	[tilespmem:s7+$0xD790] =	vst v0  }
0x2d3: {  	[tilespmem:s7+$0xDC30] =	vst v0  }
0x2d4: {  	[tilespmem:s7+$0xE0A0] =	vst v0  }
0x2d5: {  	[tilespmem:s7+$0xC120] =	vst v0;
	v35, _, _ =	vpop (xrf0)  }
0x2d6: {  	v33 =	vsub.s32 v35, v33;
	[tilespmem:s7+$0xC5A0] =	vst v0;
	v36, _, _ =	vpop (xrf0);
	(v2sf) =	vpush v35, $0xF  }
0x2d7: {  	v32 =	vsub.s32 v36, v32;
	[tilespmem:s7+$0xC110] =	vst v0;
	(v2sf) =	vpush v36, $0xF;
	v35, _, _ =	vpop (xrf0)  }
0x2d8: {  	v32 =	vadd.s32 s8, v32;
	[tilespmem:s7+$0xE080] =	vst v0;
	v34 =	vsub.s32 v35, v34;
	(v2sf) =	vpush v35, $0xF  }
0x2d9: {  	[tilespmem:s7+$0xE500] =	vst v32;
	v28 =	vadd.s32 v28, v32  }
0x2da: {  	[tilespmem:s7+$0xE980] =	vst v28;
	v28 =	vadd.s32 v29, v28;
	(v2sf) =	vpush v38, $0xF  }
0x2db: {  	[tilespmem:s7+$0xEE00] =	vst v28;
	v27 =	vadd.s32 v27, v28  }
0x2dc: {  	[tilespmem:s7+$0xF280] =	vst v27;
	v26 =	vadd.s32 v26, v27  }
0x2dd: {  	[tilespmem:s7+$0xF700] =	vst v26;
	v22 =	vadd.s32 v22, v26  }
0x2de: {  	[tilespmem:s7+$0xFB80] =	vst v22;
	v21 =	vadd.s32 v21, v22  }
0x2df: {  	[tilespmem:s7+$0x10000] =	vst v21;
	v21 =	vadd.s32 v31, v21  }
0x2e0: {  	[tilespmem:s7+$0x10480] =	vst v21  }
0x2e1: {  	[tilespmem:s7+$0xE0B0] =	vst v0  }
0x2e2: {  	[tilespmem:s7+$0xE090] =	vst v0  }
0x2e3: {  	[tilespmem:s7+$0xD310] =	vst v0  }
0x2e4: {  	[tilespmem:s7+$0xDC10] =	vst v0  }
0x2e5: {  	[tilespmem:s7+$0xC130] =	vst v0;
	s1 =	spop (v2sf)  }
.Ltmp6:
0x2e6: {  	[tilespmem:s7+$0xCA00] =	vst v0;
	s2 =	spop (v2sf);
	(pc) =	sbr.rel @p0 .LBB2_15-.Ltmp6, $4  }
0x2e7: {  	s2 =	sadd.s32 s8, s2;
	[tilespmem:s7+$0xC590] =	vst v0;
	s8 =	spop (v2sf)  }
0x2e8: {  	v21 =	vadd.s32 s2, v34;
	s2 =	sadd.s32 s2, s8;
	[tilespmem:s7+$0xCA20] =	vst v0  }
0x2e9: {  	[tilespmem:s7+$0xE510] =	vst v21;
	v22 =	vadd.s32 v25, v21;
	v21 =	vadd.s32 s2, v33;
	s1 =	sadd.s32 s2, s1;
	s2 =	spop (v2sf)  }
0x2ea: {  	s12 =	sadd.s32 $0x100, s12;
	[tilespmem:s7+$0xE990] =	vst v22;
	v25 =	vadd.s32 v23, v22;
	v24 =	vadd.s32 v24, v21;
	v28 =	vadd.s32 s1, v30;
	s8 =	sadd.s32 s1, s2  }
0x2eb: {  	[tilespmem:s7+$0xE520] =	vst v21  }
0x2ec: {  	[tilespmem:s7+$0xE530] =	vst v28  }
0x2ed: {  	[tilespmem:s7+$0xE9A0] =	vst v24  }
0x2ee: {  	v12 =	vadd.s32 v12, v25;
	[tilespmem:s7+$0xEE10] =	vst v25  }
0x2ef: {  	v17 =	vadd.s32 v17, v24;
	[tilespmem:s7+$0xF290] =	vst v12  }
0x2f0: {  	v14 =	vadd.s32 v14, v28;
	[tilespmem:s7+$0xEE20] =	vst v17  }
0x2f1: {  	v12 =	vadd.s32 v19, v12;
	[tilespmem:s7+$0xE9B0] =	vst v14  }
0x2f2: {  	v16 =	vadd.s32 v16, v17;
	[tilespmem:s7+$0xF710] =	vst v12  }
0x2f3: {  	v11 =	vadd.s32 v11, v14;
	[tilespmem:s7+$0xF2A0] =	vst v16  }
0x2f4: {  	v7 =	vadd.s32 v7, v12;
	[tilespmem:s7+$0xEE30] =	vst v11  }
0x2f5: {  	v12 =	vadd.s32 v13, v16;
	[tilespmem:s7+$0xFB90] =	vst v7  }
0x2f6: {  	v9 =	vadd.s32 v9, v11;
	[tilespmem:s7+$0xF720] =	vst v12  }
0x2f7: {  	v7 =	vadd.s32 v20, v7;
	[tilespmem:s7+$0xF2B0] =	vst v9  }
0x2f8: {  	v10 =	vadd.s32 v10, v12;
	[tilespmem:s7+$0x10010] =	vst v7  }
0x2f9: {  	v8 =	vadd.s32 v8, v9;
	[tilespmem:s7+$0xFBA0] =	vst v10  }
0x2fa: {  	v7 =	vadd.s32 v18, v7;
	[tilespmem:s7+$0xF730] =	vst v8  }
0x2fb: {  	v5 =	vadd.s32 v5, v10;
	[tilespmem:s7+$0x10490] =	vst v7  }
0x2fc: {  	v6 =	vadd.s32 v6, v8;
	[tilespmem:s7+$0x10020] =	vst v5  }
0x2fd: {  	v7 =	vadd.s32 v15, v5;
	[tilespmem:s7+$0xFBB0] =	vst v6  }
0x2fe: {  	v3 =	vadd.s32 v3, v6;
	[tilespmem:s7+$0x104A0] =	vst v7  }
0x2ff: {  	[tilespmem:s7+$0x10030] =	vst v3;
	v3 =	vadd.s32 v4, v3  }
0x300: {  	[tilespmem:s7+$0x104B0] =	vst v3  }
0x301: {  	v3 =	vld [tilespmem:$0xC500]  }
0x302: {  	v4 =	vld [tilespmem:$0xC980]  }
0x303: {  	v5 =	vld [tilespmem:$0xCE00]  }
0x304: {  	v6 =	vld [tilespmem:$0xD280]  }
0x305: {  	v7 =	vld [tilespmem:$0xD700]  }
0x306: {  	v8 =	vld [tilespmem:$0xDB80]  }
0x307: {  	v9 =	vld [tilespmem:$0xE000];
	v10 =	vadd.s32 v3, v4  }
0x308: {  	v11 =	vld [tilespmem:$0xE480];
	v10 =	vadd.s32 v5, v10  }
0x309: {  	v10 =	vadd.s32 v6, v10  }
0x30a: {  	v10 =	vadd.s32 v7, v10  }
0x30b: {  	v10 =	vadd.s32 v8, v10  }
0x30c: {  	v10 =	vadd.s32 v9, v10  }
0x30d: {  	v10 =	vadd.s32 v11, v10  }
0x30e: {  	(xrf0) =	vadd.scan.msk.s32 $0xffff, v10  }
0x30f: {  	[tilespmem:$0xC500] =	vst v0  }
0x310: {  	[tilespmem:$0xC980] =	vst v0  }
0x311: {  	[tilespmem:$0xCE00] =	vst v0  }
0x312: {  	[tilespmem:$0xD280] =	vst v0  }
0x313: {  	[tilespmem:$0xD700] =	vst v0  }
0x314: {  	[tilespmem:$0xDB80] =	vst v0;
	v11, _, _ =	vpop (xrf0)  }
0x315: {  	[tilespmem:$0xE000] =	vst v0;
	v10 =	vsub.s32 v11, v10  }
0x316: {  	[tilespmem:$0xE480] =	vst v0;
	v10 =	vadd.s32 s8, v10  }
0x317: {  	[tilespmem:$0xE900] =	vst v10;
	v3 =	vadd.s32 v3, v10  }
0x318: {  	[tilespmem:$0xED80] =	vst v3;
	v3 =	vadd.s32 v4, v3  }
0x319: {  	[tilespmem:$0xF200] =	vst v3;
	v3 =	vadd.s32 v5, v3  }
0x31a: {  	[tilespmem:$0xF680] =	vst v3;
	v3 =	vadd.s32 v6, v3  }
0x31b: {  	[tilespmem:$0xFB00] =	vst v3;
	v3 =	vadd.s32 v7, v3  }
0x31c: {  	[tilespmem:$0xFF80] =	vst v3;
	v3 =	vadd.s32 v8, v3  }
0x31d: {  	[tilespmem:$0x10400] =	vst v3;
	v3 =	vadd.s32 v9, v3  }
0x31e: {  	s1 =	simm.s32 $0x10980;
	[tilespmem:$0x10880] =	vst v3  }
0x31f: {  	v3 =	vld [tilespmem:s1+$0xFFFFFFA0]  }
0x320: {  	v4 =	vld [tilespmem:s1+$0xFFFFFF80]  }
0x321: {  	v5 =	vld [tilespmem:s1+$0xFFFFFFF0]  }
0x322: {  	s14 =	simm.s32 $0x6080;
	v7 =	vld [tilespmem:s1+$0xFFFFFF90]  }
0x323: {  	v6 =	vld [tilespmem:s14+$0xFFFFFFF0]  }
0x324: {  	v9 =	vld [tilespmem:s1+$0xFFFFFFB0]  }
0x325: {  	v10 =	vld [tilespmem:s1+$0xFFFFFFC0]  }
0x326: {  	v11 =	vld [tilespmem:s1+$0xFFFFFFD0];
	v12 =	vshra.s32 v4, $0xD  }
0x327: {  	v13 =	vld [tilespmem:s1+$0xFFFFFFE0];
	v14 =	vshra.s32 v7, $0xD  }
0x328: {  	v8 =	vld [tilespmem:s14+$0xFFFFFF80];
	v15 =	vshra.s32 v3, $0xD  }
0x329: {  	v16 =	vld [tilespmem:s14+$0xFFFFFFE0];
	v18 =	vshra.s32 v9, $0xD  }
0x32a: {  	v19 =	vld [tilespmem:s14+$0xFFFFFF90];
	v20 =	vshra.s32 v10, $0xD  }
0x32b: {  	v21 =	vshra.s32 v11, $0xD;
	v12 =	vld.idx.msk [tilespmem:v12+s24+$0x0], $0xffff  }
0x32c: {  	v22 =	vshra.s32 v13, $0xD;
	v14 =	vld.idx.msk [tilespmem:v14+s25+$0x0], $0xffff  }
0x32d: {  	v23 =	vshra.s32 v5, $0xD;
	v15 =	vld.idx.msk [tilespmem:v15+s26+$0x0], $0xffff  }
0x32e: {  	v18 =	vld.idx.msk [tilespmem:v18+s28+$0x0], $0xffff  }
0x32f: {  	v20 =	vld.idx.msk [tilespmem:v20+s29+$0x0], $0xffff  }
0x330: {  	v4 =	vand.u32 $0x1FFF, v4;
	v21 =	vld.idx.msk [tilespmem:v21+s30+$0x0], $0xffff  }
0x331: {  	v7 =	vand.u32 $0x1FFF, v7;
	v22 =	vld.idx.msk [tilespmem:v22+s31+$0x0], $0xffff;
	v4 =	vadd.s32 v4, v12  }
0x332: {  	v3 =	vand.u32 $0x1FFF, v3;
	v12 =	vld.idx.msk [tilespmem:v23+s0+$0x0], $0xffff;
	v7 =	vadd.s32 v7, v14  }
0x333: {  	v9 =	vand.u32 $0x1FFF, v9;
	v14 =	vld [tilespmem:s14+$0xFFFFFFA0];
	v3 =	vadd.s32 v3, v15  }
0x334: {  	v10 =	vand.u32 $0x1FFF, v10;
	v15 =	vld [tilespmem:s14+$0xFFFFFFB0];
	v9 =	vadd.s32 v9, v18  }
0x335: {  	v11 =	vand.u32 $0x1FFF, v11;
	v18 =	vld [tilespmem:s14+$0xFFFFFFC0];
	v10 =	vadd.s32 v10, v20  }
0x336: {  	v17 =	vld [tilespmem:s14+$0xFFFFFFD0];
	v13 =	vand.u32 $0x1FFF, v13;
	[tilespmem:v4+s6+$0x0] =	vst.idx.msk $0xffff, v8;
	v4 =	vadd.s32 v11, v21  }
0x337: {  	v5 =	vand.u32 $0x1FFF, v5;
	[tilespmem:v7+s6+$0x0] =	vst.idx.msk $0xffff, v19;
	v7 =	vadd.s32 v13, v22  }
0x338: {  	[tilespmem:v3+s6+$0x0] =	vst.idx.msk $0xffff, v14;
	v3 =	vadd.s32 v5, v12  }
0x339: {  	[tilespmem:v9+s6+$0x0] =	vst.idx.msk $0xffff, v15  }
0x33a: {  	[tilespmem:v10+s6+$0x0] =	vst.idx.msk $0xffff, v18  }
0x33b: {  	[tilespmem:v4+s6+$0x0] =	vst.idx.msk $0xffff, v17  }
0x33c: {  	[tilespmem:v7+s6+$0x0] =	vst.idx.msk $0xffff, v16  }
0x33d: {  	[tilespmem:v3+s6+$0x0] =	vst.idx.msk $0xffff, v6  }
0x33e: {  	v7 =	vld [tilespmem:s1+$0x30]  }
0x33f: {  	v5 =	vld [tilespmem:s1+$0x70]  }
0x340: {  	v8 =	vld [tilespmem:s1+$0x20]  }
0x341: {  	v13 =	vld [tilespmem:s1+$0x0]  }
0x342: {  	v12 =	vld [tilespmem:s1+$0x10]  }
0x343: {  	v3 =	vld [tilespmem:s14+$0x70]  }
0x344: {  	v4 =	vld [tilespmem:s14+$0x60];
	v14 =	vshra.s32 v7, $0xD  }
0x345: {  	v11 =	vld [tilespmem:s1+$0x40];
	v15 =	vshra.s32 v8, $0xD  }
0x346: {  	v10 =	vld [tilespmem:s1+$0x50];
	v17 =	vshra.s32 v13, $0xD  }
0x347: {  	v9 =	vld [tilespmem:s1+$0x60];
	v18 =	vshra.s32 v12, $0xD  }
0x348: {  	v6 =	vld [tilespmem:s14+$0x50];
	v16 =	vshra.s32 v5, $0xD  }
0x349: {  	v14 =	vld.idx.msk [tilespmem:v14+s28+$0x0], $0xffff  }
0x34a: {  	v21 =	vshra.s32 v11, $0xD;
	v15 =	vld.idx.msk [tilespmem:v15+s26+$0x0], $0xffff  }
0x34b: {  	s12 =	simm.s32 $0x2;
	s2 =	simm.s32 $0x10A80;
	v20 =	vshra.s32 v10, $0xD;
	v17 =	vld.idx.msk [tilespmem:v17+s24+$0x0], $0xffff  }
0x34c: {  	s7 =	simm.s32 $0x6180;
	s8 =	simm.s32 $0x10A80;
	s1 =	simm.s32 $0x6180;
	v19 =	vshra.s32 v9, $0xD;
	v18 =	vld.idx.msk [tilespmem:v18+s25+$0x0], $0xffff  }
.LBB2_17:
0x34d: {  	s12 =	sadd.s32 $0x2, s12;
	s1 =	sadd.s32 $0x100, s1;
	s2 =	sadd.s32 $0x100, s2;
	v16 =	vld.idx.msk [tilespmem:v16+s0+$0x0], $0xffff  }
0x34e: {  	p0 =	slt.u32 s12, $0x3E;
	v22 =	vld [tilespmem:s14+$0x0]  }
0x34f: {  	v21 =	vld.idx.msk [tilespmem:v21+s29+$0x0], $0xffff  }
0x350: {  	v13 =	vand.u32 $0x1FFF, v13;
	v20 =	vld.idx.msk [tilespmem:v20+s30+$0x0], $0xffff  }
0x351: {  	v12 =	vand.u32 $0x1FFF, v12;
	v13 =	vadd.s32 v13, v17;
	v19 =	vld.idx.msk [tilespmem:v19+s31+$0x0], $0xffff  }
0x352: {  	v8 =	vand.u32 $0x1FFF, v8;
	v12 =	vadd.s32 v12, v18;
	v17 =	vld [tilespmem:s14+$0x10]  }
0x353: {  	v7 =	vand.u32 $0x1FFF, v7;
	v8 =	vadd.s32 v8, v15;
	v18 =	vld [tilespmem:s14+$0x20]  }
0x354: {  	v11 =	vand.u32 $0x1FFF, v11;
	v7 =	vadd.s32 v7, v14;
	v15 =	vld [tilespmem:s14+$0x30]  }
0x355: {  	v10 =	vand.u32 $0x1FFF, v10;
	v11 =	vadd.s32 v11, v21;
	v14 =	vld [tilespmem:s14+$0x40];
	s14 =	smov.u32 s7;
	s7 =	smov.u32 s1  }
0x356: {  	v9 =	vand.u32 $0x1FFF, v9;
	v10 =	vadd.s32 v10, v20;
	[tilespmem:v13+s6+$0x0] =	vst.idx.msk $0xffff, v22  }
0x357: {  	v5 =	vand.u32 $0x1FFF, v5;
	v9 =	vadd.s32 v9, v19;
	[tilespmem:v12+s6+$0x0] =	vst.idx.msk $0xffff, v17  }
0x358: {  	v5 =	vadd.s32 v5, v16;
	[tilespmem:v8+s6+$0x0] =	vst.idx.msk $0xffff, v18  }
0x359: {  	[tilespmem:v7+s6+$0x0] =	vst.idx.msk $0xffff, v15  }
0x35a: {  	[tilespmem:v11+s6+$0x0] =	vst.idx.msk $0xffff, v14  }
0x35b: {  	[tilespmem:v10+s6+$0x0] =	vst.idx.msk $0xffff, v6  }
0x35c: {  	[tilespmem:v9+s6+$0x0] =	vst.idx.msk $0xffff, v4  }
0x35d: {  	[tilespmem:v5+s6+$0x0] =	vst.idx.msk $0xffff, v3  }
0x35e: {  	v3 =	vld [tilespmem:s8+$0xFFFFFFA0]  }
0x35f: {  	v4 =	vld [tilespmem:s8+$0xFFFFFF80]  }
0x360: {  	v5 =	vld [tilespmem:s8+$0xFFFFFFF0]  }
0x361: {  	v6 =	vld [tilespmem:s14+$0xFFFFFFF0]  }
0x362: {  	v7 =	vld [tilespmem:s8+$0xFFFFFF90]  }
0x363: {  	v8 =	vld [tilespmem:s14+$0xFFFFFF80]  }
0x364: {  	v9 =	vld [tilespmem:s8+$0xFFFFFFB0]  }
0x365: {  	v10 =	vld [tilespmem:s8+$0xFFFFFFC0]  }
0x366: {  	v13 =	vshra.s32 v3, $0xD;
	v12 =	vshra.s32 v4, $0xD;
	v14 =	vshra.s32 v5, $0xD;
	v11 =	vld [tilespmem:s8+$0xFFFFFFD0]  }
0x367: {  	v15 =	vld [tilespmem:s8+$0xFFFFFFE0];
	v16 =	vshra.s32 v7, $0xD  }
0x368: {  	v17 =	vld [tilespmem:s14+$0xFFFFFFE0]  }
0x369: {  	v18 =	vld [tilespmem:s14+$0xFFFFFFD0];
	v19 =	vshra.s32 v9, $0xD  }
0x36a: {  	v20 =	vld [tilespmem:s14+$0xFFFFFF90];
	v21 =	vshra.s32 v10, $0xD  }
0x36b: {  	v3 =	vand.u32 $0x1FFF, v3;
	v22 =	vshra.s32 v11, $0xD;
	v12 =	vld.idx.msk [tilespmem:v12+s24+$0x0], $0xffff  }
0x36c: {  	v9 =	vand.u32 $0x1FFF, v9;
	v23 =	vshra.s32 v15, $0xD;
	v16 =	vld.idx.msk [tilespmem:v16+s25+$0x0], $0xffff  }
0x36d: {  	v10 =	vand.u32 $0x1FFF, v10;
	v13 =	vld.idx.msk [tilespmem:v13+s26+$0x0], $0xffff  }
0x36e: {  	v4 =	vand.u32 $0x1FFF, v4;
	v11 =	vand.u32 $0x1FFF, v11;
	v19 =	vld.idx.msk [tilespmem:v19+s28+$0x0], $0xffff  }
0x36f: {  	v21 =	vld.idx.msk [tilespmem:v21+s29+$0x0], $0xffff  }
0x370: {  	v5 =	vand.u32 $0x1FFF, v5;
	v22 =	vld.idx.msk [tilespmem:v22+s30+$0x0], $0xffff  }
0x371: {  	v7 =	vand.u32 $0x1FFF, v7;
	v4 =	vadd.s32 v4, v12;
	v23 =	vld.idx.msk [tilespmem:v23+s31+$0x0], $0xffff  }
0x372: {  	v7 =	vadd.s32 v7, v16;
	v12 =	vld.idx.msk [tilespmem:v14+s0+$0x0], $0xffff  }
0x373: {  	v3 =	vadd.s32 v3, v13;
	v14 =	vld [tilespmem:s14+$0xFFFFFFA0]  }
0x374: {  	v9 =	vadd.s32 v9, v19;
	v13 =	vld [tilespmem:s14+$0xFFFFFFB0]  }
0x375: {  	v10 =	vadd.s32 v10, v21;
	v16 =	vld [tilespmem:s14+$0xFFFFFFC0]  }
0x376: {  	v15 =	vand.u32 $0x1FFF, v15;
	[tilespmem:v4+s6+$0x0] =	vst.idx.msk $0xffff, v8;
	v4 =	vadd.s32 v11, v22  }
0x377: {  	[tilespmem:v7+s6+$0x0] =	vst.idx.msk $0xffff, v20;
	v7 =	vadd.s32 v15, v23  }
0x378: {  	[tilespmem:v3+s6+$0x0] =	vst.idx.msk $0xffff, v14;
	v3 =	vadd.s32 v5, v12  }
0x379: {  	[tilespmem:v9+s6+$0x0] =	vst.idx.msk $0xffff, v13  }
0x37a: {  	[tilespmem:v10+s6+$0x0] =	vst.idx.msk $0xffff, v16  }
0x37b: {  	[tilespmem:v4+s6+$0x0] =	vst.idx.msk $0xffff, v18  }
0x37c: {  	[tilespmem:v7+s6+$0x0] =	vst.idx.msk $0xffff, v17  }
0x37d: {  	[tilespmem:v3+s6+$0x0] =	vst.idx.msk $0xffff, v6  }
0x37e: {  	v7 =	vld [tilespmem:s8+$0x30]  }
0x37f: {  	v5 =	vld [tilespmem:s8+$0x70]  }
0x380: {  	v8 =	vld [tilespmem:s8+$0x20]  }
0x381: {  	v13 =	vld [tilespmem:s8+$0x0]  }
0x382: {  	v12 =	vld [tilespmem:s8+$0x10]  }
0x383: {  	v3 =	vld [tilespmem:s14+$0x70]  }
0x384: {  	v14 =	vshra.s32 v7, $0xD;
	v4 =	vld [tilespmem:s14+$0x60];
	v16 =	vshra.s32 v5, $0xD  }
0x385: {  	v11 =	vld [tilespmem:s8+$0x40];
	v15 =	vshra.s32 v8, $0xD  }
0x386: {  	v10 =	vld [tilespmem:s8+$0x50];
	v17 =	vshra.s32 v13, $0xD  }
0x387: {  	v9 =	vld [tilespmem:s8+$0x60];
	v18 =	vshra.s32 v12, $0xD;
	s8 =	smov.u32 s2  }
.Ltmp7:
0x388: {  	v6 =	vld [tilespmem:s14+$0x50];
	(pc) =	sbr.rel @p0 .LBB2_17-.Ltmp7, $4  }
0x389: {  	v14 =	vld.idx.msk [tilespmem:v14+s28+$0x0], $0xffff  }
0x38a: {  	v21 =	vshra.s32 v11, $0xD;
	v15 =	vld.idx.msk [tilespmem:v15+s26+$0x0], $0xffff  }
0x38b: {  	v20 =	vshra.s32 v10, $0xD;
	v17 =	vld.idx.msk [tilespmem:v17+s24+$0x0], $0xffff  }
0x38c: {  	v19 =	vshra.s32 v9, $0xD;
	v18 =	vld.idx.msk [tilespmem:v18+s25+$0x0], $0xffff  }
0x38d: {  	_ =	sdelay $0x3  }
0x38e: {  	v16 =	vld.idx.msk [tilespmem:v16+s0+$0x0], $0xffff  }
0x38f: {  	v22 =	vld [tilespmem:s14+$0x0]  }
0x390: {  	v21 =	vld.idx.msk [tilespmem:v21+s29+$0x0], $0xffff  }
0x391: {  	v13 =	vand.u32 $0x1FFF, v13;
	v20 =	vld.idx.msk [tilespmem:v20+s30+$0x0], $0xffff  }
0x392: {  	v12 =	vand.u32 $0x1FFF, v12;
	v19 =	vld.idx.msk [tilespmem:v19+s31+$0x0], $0xffff;
	v13 =	vadd.s32 v13, v17  }
0x393: {  	v27 =	vld [tilespmem:s14+$0x10];
	v8 =	vand.u32 $0x1FFF, v8;
	v12 =	vadd.s32 v12, v18  }
0x394: {  	v28 =	vld [tilespmem:s14+$0x20];
	v7 =	vand.u32 $0x1FFF, v7;
	v8 =	vadd.s32 v8, v15  }
0x395: {  	v29 =	vld [tilespmem:s14+$0x30];
	v11 =	vand.u32 $0x1FFF, v11;
	v7 =	vadd.s32 v7, v14  }
0x396: {  	v30 =	vld [tilespmem:s14+$0x40];
	v10 =	vand.u32 $0x1FFF, v10;
	v11 =	vadd.s32 v11, v21  }
0x397: {  	v9 =	vand.u32 $0x1FFF, v9;
	v10 =	vadd.s32 v10, v20;
	[tilespmem:v13+s6+$0x0] =	vst.idx.msk $0xffff, v22  }
0x398: {  	v5 =	vand.u32 $0x1FFF, v5;
	v9 =	vadd.s32 v9, v19;
	[tilespmem:v12+s6+$0x0] =	vst.idx.msk $0xffff, v27  }
0x399: {  	v5 =	vadd.s32 v5, v16;
	[tilespmem:v8+s6+$0x0] =	vst.idx.msk $0xffff, v28  }
0x39a: {  	[tilespmem:v7+s6+$0x0] =	vst.idx.msk $0xffff, v29  }
0x39b: {  	[tilespmem:v11+s6+$0x0] =	vst.idx.msk $0xffff, v30  }
0x39c: {  	[tilespmem:v10+s6+$0x0] =	vst.idx.msk $0xffff, v6  }
0x39d: {  	[tilespmem:v9+s6+$0x0] =	vst.idx.msk $0xffff, v4  }
0x39e: {  	[tilespmem:v5+s6+$0x0] =	vst.idx.msk $0xffff, v3  }
0x39f: {  	v3 =	vld [tilespmem:s8+$0xFFFFFFA0]  }
0x3a0: {  	v4 =	vld [tilespmem:s8+$0xFFFFFF80]  }
0x3a1: {  	v5 =	vld [tilespmem:s8+$0xFFFFFFF0]  }
0x3a2: {  	v6 =	vld [tilespmem:s7+$0xFFFFFFF0]  }
0x3a3: {  	v7 =	vld [tilespmem:s8+$0xFFFFFF90]  }
0x3a4: {  	v8 =	vld [tilespmem:s7+$0xFFFFFF80]  }
0x3a5: {  	v9 =	vld [tilespmem:s8+$0xFFFFFFB0]  }
0x3a6: {  	v10 =	vld [tilespmem:s8+$0xFFFFFFC0]  }
0x3a7: {  	v11 =	vld [tilespmem:s8+$0xFFFFFFD0];
	v31 =	vshra.s32 v4, $0xD  }
0x3a8: {  	v13 =	vld [tilespmem:s8+$0xFFFFFFE0];
	v32 =	vshra.s32 v7, $0xD  }
0x3a9: {  	v34 =	vld [tilespmem:s7+$0xFFFFFFE0];
	v33 =	vshra.s32 v3, $0xD  }
0x3aa: {  	v36 =	vld [tilespmem:s7+$0xFFFFFF90];
	v35 =	vshra.s32 v9, $0xD  }
0x3ab: {  	v41 =	vld [tilespmem:s7+$0xFFFFFFA0];
	v37 =	vshra.s32 v10, $0xD  }
0x3ac: {  	v38 =	vshra.s32 v11, $0xD;
	v12 =	vld.idx.msk [tilespmem:v31+s24+$0x0], $0xffff  }
0x3ad: {  	v39 =	vshra.s32 v13, $0xD;
	v14 =	vld.idx.msk [tilespmem:v32+s25+$0x0], $0xffff  }
0x3ae: {  	v23 =	vshra.s32 v5, $0xD;
	v15 =	vld.idx.msk [tilespmem:v33+s26+$0x0], $0xffff  }
0x3af: {  	v18 =	vld.idx.msk [tilespmem:v35+s28+$0x0], $0xffff  }
0x3b0: {  	v4 =	vand.u32 $0x1FFF, v4;
	v20 =	vld.idx.msk [tilespmem:v37+s29+$0x0], $0xffff  }
0x3b1: {  	v7 =	vand.u32 $0x1FFF, v7;
	v21 =	vld.idx.msk [tilespmem:v38+s30+$0x0], $0xffff;
	v4 =	vadd.s32 v4, v12  }
0x3b2: {  	v3 =	vand.u32 $0x1FFF, v3;
	v22 =	vld.idx.msk [tilespmem:v39+s31+$0x0], $0xffff;
	v7 =	vadd.s32 v7, v14  }
0x3b3: {  	v9 =	vand.u32 $0x1FFF, v9;
	v40 =	vld.idx.msk [tilespmem:v23+s0+$0x0], $0xffff;
	v3 =	vadd.s32 v3, v15  }
0x3b4: {  	v42 =	vld [tilespmem:s7+$0xFFFFFFB0];
	v10 =	vand.u32 $0x1FFF, v10;
	v9 =	vadd.s32 v9, v18  }
0x3b5: {  	v43 =	vld [tilespmem:s7+$0xFFFFFFC0];
	v11 =	vand.u32 $0x1FFF, v11;
	v10 =	vadd.s32 v10, v20  }
0x3b6: {  	v17 =	vld [tilespmem:s7+$0xFFFFFFD0];
	v13 =	vand.u32 $0x1FFF, v13;
	v44 =	vadd.s32 v11, v21;
	[tilespmem:v4+s6+$0x0] =	vst.idx.msk $0xffff, v8  }
0x3b7: {  	v5 =	vand.u32 $0x1FFF, v5;
	v45 =	vadd.s32 v13, v22;
	[tilespmem:v7+s6+$0x0] =	vst.idx.msk $0xffff, v36  }
0x3b8: {  	[tilespmem:v3+s6+$0x0] =	vst.idx.msk $0xffff, v41;
	v3 =	vadd.s32 v5, v40  }
0x3b9: {  	[tilespmem:v9+s6+$0x0] =	vst.idx.msk $0xffff, v42  }
0x3ba: {  	[tilespmem:v10+s6+$0x0] =	vst.idx.msk $0xffff, v43  }
0x3bb: {  	[tilespmem:v44+s6+$0x0] =	vst.idx.msk $0xffff, v17  }
0x3bc: {  	[tilespmem:v45+s6+$0x0] =	vst.idx.msk $0xffff, v34  }
0x3bd: {  	[tilespmem:v3+s6+$0x0] =	vst.idx.msk $0xffff, v6  }
0x3be: {  	v3 =	vld [tilespmem:s8+$0x30]  }
0x3bf: {  	v4 =	vld [tilespmem:s8+$0x70]  }
0x3c0: {  	v46 =	vld [tilespmem:s8+$0x20]  }
0x3c1: {  	v6 =	vld [tilespmem:s8+$0x0]  }
0x3c2: {  	v7 =	vld [tilespmem:s8+$0x10]  }
0x3c3: {  	v8 =	vld [tilespmem:s7+$0x70]  }
0x3c4: {  	v9 =	vld [tilespmem:s7+$0x60]  }
0x3c5: {  	v48 =	vld [tilespmem:s8+$0x40]  }
0x3c6: {  	v50 =	vld [tilespmem:s8+$0x50];
	v51 =	vshra.s32 v6, $0xD  }
0x3c7: {  	v15 =	vld [tilespmem:s8+$0x60];
	v52 =	vshra.s32 v7, $0xD  }
0x3c8: {  	v57 =	vld [tilespmem:s7+$0x0];
	v49 =	vshra.s32 v46, $0xD  }
0x3c9: {  	v58 =	vld [tilespmem:s7+$0x10];
	v47 =	vshra.s32 v3, $0xD  }
0x3ca: {  	v59 =	vld [tilespmem:s7+$0x20];
	v54 =	vshra.s32 v48, $0xD  }
0x3cb: {  	v55 =	vshra.s32 v50, $0xD;
	v14 =	vld.idx.msk [tilespmem:v51+s24+$0x0], $0xffff  }
0x3cc: {  	v56 =	vshra.s32 v15, $0xD;
	v16 =	vld.idx.msk [tilespmem:v52+s25+$0x0], $0xffff  }
0x3cd: {  	v53 =	vshra.s32 v4, $0xD;
	v12 =	vld.idx.msk [tilespmem:v49+s26+$0x0], $0xffff  }
0x3ce: {  	v10 =	vld.idx.msk [tilespmem:v47+s28+$0x0], $0xffff  }
0x3cf: {  	v6 =	vand.u32 $0x1FFF, v6;
	v19 =	vld.idx.msk [tilespmem:v54+s29+$0x0], $0xffff  }
0x3d0: {  	v7 =	vand.u32 $0x1FFF, v7;
	v20 =	vld.idx.msk [tilespmem:v55+s30+$0x0], $0xffff;
	v6 =	vadd.s32 v6, v14  }
0x3d1: {  	v5 =	vand.u32 $0x1FFF, v46;
	v21 =	vld.idx.msk [tilespmem:v56+s31+$0x0], $0xffff;
	v7 =	vadd.s32 v7, v16  }
0x3d2: {  	v3 =	vand.u32 $0x1FFF, v3;
	v17 =	vld.idx.msk [tilespmem:v53+s0+$0x0], $0xffff;
	v5 =	vadd.s32 v5, v12  }
0x3d3: {  	v60 =	vld [tilespmem:s7+$0x30];
	v11 =	vand.u32 $0x1FFF, v48;
	v3 =	vadd.s32 v3, v10  }
0x3d4: {  	v61 =	vld [tilespmem:s7+$0x40];
	v13 =	vand.u32 $0x1FFF, v50;
	v11 =	vadd.s32 v11, v19  }
0x3d5: {  	v18 =	vld [tilespmem:s7+$0x50];
	v15 =	vand.u32 $0x1FFF, v15;
	v62 =	vadd.s32 v13, v20;
	[tilespmem:v6+s6+$0x0] =	vst.idx.msk $0xffff, v57  }
0x3d6: {  	s9 =	sadd.s32 $0x1, s9;
	v4 =	vand.u32 $0x1FFF, v4;
	v63 =	vadd.s32 v15, v21;
	[tilespmem:v7+s6+$0x0] =	vst.idx.msk $0xffff, v58  }
0x3d7: {  	p0 =	sne.s32 s9, $0x20;
	v4 =	vadd.s32 v4, v17;
	[tilespmem:v5+s6+$0x0] =	vst.idx.msk $0xffff, v59  }
.Ltmp8:
0x3d8: {  	[tilespmem:v3+s6+$0x0] =	vst.idx.msk $0xffff, v60;
	(pc) =	sbr.rel @p0 .LBB2_6-.Ltmp8, $4  }
0x3d9: {  	[tilespmem:v11+s6+$0x0] =	vst.idx.msk $0xffff, v61  }
0x3da: {  	[tilespmem:v62+s6+$0x0] =	vst.idx.msk $0xffff, v18  }
0x3db: {  	[tilespmem:v63+s6+$0x0] =	vst.idx.msk $0xffff, v9  }
0x3dc: {  	[tilespmem:v4+s6+$0x0] =	vst.idx.msk $0xffff, v8  }
0x3dd: {  	_ =	swait.ge [sflag:s13], $0x2000  }
0x3de: {  	[sflag:s13] =	ssyncset.done $0x0  }
0x3df: {  	[sflag:s13] =	ssyncadd.s32 $0xFFFFE000  }
0x3e0: {  	_ =	swait.ge [sflag:s13], $0x2000  }
0x3e1: {  	[sflag:s13] =	ssyncset.done $0x0  }
0x3e2: {  	s2 =	simm.s32 $0xA100;
	[sflag:s13] =	ssyncadd.s32 $0xFFFFE000  }
0x3e3: {  	v7 =	vld [tilespmem:s2+$0x20]  }
0x3e4: {  	v9 =	vld [tilespmem:s2+$0x21]  }
0x3e5: {  	v10 =	vld [tilespmem:s2+$0x71]  }
0x3e6: {  	v11 =	vld [tilespmem:s2+$0x61]  }
0x3e7: {  	v12 =	vld [tilespmem:s2+$0x51]  }
0x3e8: {  	v13 =	vld [tilespmem:s2+$0x70]  }
0x3e9: {  	v14 =	vld [tilespmem:s2+$0x60]  }
0x3ea: {  	v15 =	vld [tilespmem:s2+$0x50]  }
0x3eb: {  	v16 =	vld [tilespmem:s2+$0x31]  }
0x3ec: {  	v17 =	vld [tilespmem:s2+$0x0]  }
0x3ed: {  	v18 =	vld [tilespmem:s2+$0x1]  }
0x3ee: {  	v19 =	vld [tilespmem:s2+$0x30]  }
0x3ef: {  	v20 =	vld [tilespmem:s2+$0x41]  }
0x3f0: {  	v3 =	vld [tilespmem:s2+$0x10]  }
0x3f1: {  	v21 =	vld [tilespmem:s2+$0x40]  }
0x3f2: {  	v22 =	vld [tilespmem:s2+$0xFFFFFF90]  }
0x3f3: {  	v23 =	vld [tilespmem:s2+$0xFFFFFFA0]  }
0x3f4: {  	v6 =	vld [tilespmem:s2+$0xFFFFFFF0]  }
0x3f5: {  	v5 =	vld [tilespmem:s2+$0xFFFFFFD0]  }
0x3f6: {  	v24 =	vld [tilespmem:s2+$0xFFFFFFE0]  }
0x3f7: {  	v8 =	vld [tilespmem:s2+$0xFFFFFF81]  }
0x3f8: {  	v25 =	vld [tilespmem:s2+$0xFFFFFF91]  }
0x3f9: {  	v27 =	vld [tilespmem:s2+$0xFFFFFFE1]  }
0x3fa: {  	v4 =	vld [tilespmem:s2+$0xFFFFFFC1];
	v9 =	vsub.f32 v7, v9  }
0x3fb: {  	v26 =	vld [tilespmem:s2+$0xFFFFFFA1];
	v7 =	vsub.f32 v14, v11;
	v13 =	vsub.f32 v13, v10  }
0x3fc: {  	v14 =	vsub.f32 v21, v20;
	v11 =	vld [tilespmem:s2+$0xFFFFFF80];
	v12 =	vsub.f32 v15, v12  }
0x3fd: {  	v19 =	vsub.f32 v19, v16;
	v10 =	vld [tilespmem:s2+$0xFFFFFFB1];
	v21 =	vsub.f32 v22, v25  }
0x3fe: {  	v15 =	vld [tilespmem:s2+$0xFFFFFFF1];
	v24 =	vsub.f32 v24, v27;
	v20 =	vmax.f32 v7, $0.0e+00;
	v7 =	vsub.f32 v17, v18  }
0x3ff: {  	v16 =	vld [tilespmem:s2+$0xFFFFFFD1];
	v22 =	vmax.f32 v14, $0.0e+00;
	v63 =	vmax.f32 v12, $0.0e+00;
	v13 =	vmax.f32 v13, $0.0e+00  }
0x400: {  	v14 =	vsub.f32 v23, v26;
	v23 =	vmax.f32 v19, $0.0e+00;
	v18 =	vld [tilespmem:s2+$0xFFFFFFB0];
	v12 =	vmax.f32 v21, $0.0e+00  }
0x401: {  	v19 =	vld [tilespmem:s2+$0xFFFFFFC0];
	v9 =	vmax.f32 v9, $0.0e+00;
	v17 =	vadd.f32 v13, v20;
	v21 =	vadd.f32 v63, v22  }
0x402: {  	s1 =	simm.s32 $0x0;
	v13 =	vmax.f32 v24, $0.0e+00;
	v20 =	vld [tilespmem:s2+$0x11];
	v9 =	vadd.f32 v23, v9;
	s2 =	simm.s32 $0xA200;
	v7 =	vmax.f32 v7, $0.0e+00  }
.LBB2_20:
0x403: {  	v22 =	vld [tilespmem:s2+$0x20];
	s1 =	sadd.s32 $0x2, s1;
	v6 =	vsub.f32 v6, v15;
	v15 =	vadd.f32 v17, v21  }
0x404: {  	v8 =	vsub.f32 v11, v8;
	v17 =	vld [tilespmem:s2+$0x21];
	p0 =	slt.u32 s1, $0x3E;
	v5 =	vsub.f32 v5, v16  }
0x405: {  	v14 =	vmax.f32 v14, $0.0e+00;
	v11 =	vld [tilespmem:s2+$0x71];
	v10 =	vsub.f32 v18, v10;
	v6 =	vmax.f32 v6, $0.0e+00  }
0x406: {  	v8 =	vmax.f32 v8, $0.0e+00;
	v16 =	vld [tilespmem:s2+$0x61];
	v4 =	vsub.f32 v19, v4;
	v5 =	vmax.f32 v5, $0.0e+00  }
0x407: {  	v8 =	vadd.f32 v12, v8;
	v18 =	vld [tilespmem:s2+$0x51];
	v10 =	vmax.f32 v10, $0.0e+00;
	v3 =	vsub.f32 v3, v20  }
0x408: {  	v6 =	vadd.f32 v6, v13;
	v12 =	vld [tilespmem:s2+$0x70];
	v4 =	vmax.f32 v4, $0.0e+00;
	v10 =	vadd.f32 v10, v14  }
0x409: {  	v13 =	vld [tilespmem:s2+$0x60];
	v20 =	vsub.f32 v22, v17;
	v4 =	vadd.f32 v5, v4;
	v3 =	vmax.f32 v3, $0.0e+00  }
0x40a: {  	v5 =	vld [tilespmem:s2+$0x50];
	v8 =	vadd.f32 v10, v8;
	v3 =	vadd.f32 v3, v7  }
0x40b: {  	v7 =	vld [tilespmem:s2+$0x31];
	v4 =	vadd.f32 v6, v4  }
0x40c: {  	v14 =	vld [tilespmem:s2+$0x0];
	v3 =	vadd.f32 v9, v3  }
0x40d: {  	v9 =	vld [tilespmem:s2+$0x1];
	v12 =	vsub.f32 v12, v11;
	v4 =	vadd.f32 v4, v8  }
0x40e: {  	v6 =	vld [tilespmem:s2+$0x30];
	v8 =	vsub.f32 v13, v16;
	v10 =	vadd.f32 v15, v3  }
0x40f: {  	v13 =	vld [tilespmem:s2+$0x41];
	v16 =	vsub.f32 v5, v18;
	v2 =	vadd.f32 v4, v2  }
0x410: {  	v3 =	vld [tilespmem:s2+$0x10];
	v17 =	vmax.f32 v8, $0.0e+00  }
0x411: {  	v15 =	vld [tilespmem:s2+$0x40];
	v2 =	vadd.f32 v10, v2  }
0x412: {  	v18 =	vld [tilespmem:s2+$0xFFFFFF90]  }
0x413: {  	v19 =	vld [tilespmem:s2+$0xFFFFFFA0];
	v21 =	vsub.f32 v6, v7  }
0x414: {  	v6 =	vld [tilespmem:s2+$0xFFFFFFF0]  }
0x415: {  	v5 =	vld [tilespmem:s2+$0xFFFFFFD0]  }
0x416: {  	v22 =	vld [tilespmem:s2+$0xFFFFFFE0]  }
0x417: {  	v8 =	vld [tilespmem:s2+$0xFFFFFF81]  }
0x418: {  	v7 =	vld [tilespmem:s2+$0xFFFFFF91]  }
0x419: {  	v4 =	vld [tilespmem:s2+$0xFFFFFFC1]  }
0x41a: {  	v23 =	vld [tilespmem:s2+$0xFFFFFFA1]  }
0x41b: {  	v24 =	vld [tilespmem:s2+$0xFFFFFFE1]  }
0x41c: {  	v13 =	vsub.f32 v15, v13;
	v11 =	vld [tilespmem:s2+$0xFFFFFF80]  }
0x41d: {  	v10 =	vld [tilespmem:s2+$0xFFFFFFB1];
	v25 =	vsub.f32 v18, v7;
	v7 =	vsub.f32 v14, v9  }
.Ltmp9:
0x41e: {  	v26 =	vmax.f32 v12, $0.0e+00;
	v9 =	vmax.f32 v13, $0.0e+00;
	v13 =	vmax.f32 v16, $0.0e+00;
	v15 =	vld [tilespmem:s2+$0xFFFFFFF1];
	(pc) =	sbr.rel @p0 .LBB2_20-.Ltmp9, $4  }
0x41f: {  	v16 =	vld [tilespmem:s2+$0xFFFFFFD1];
	v14 =	vsub.f32 v19, v23;
	v7 =	vmax.f32 v7, $0.0e+00;
	v23 =	vmax.f32 v21, $0.0e+00  }
0x420: {  	v17 =	vadd.f32 v26, v17;
	v12 =	vmax.f32 v25, $0.0e+00;
	v18 =	vld [tilespmem:s2+$0xFFFFFFB0];
	v22 =	vsub.f32 v22, v24  }
0x421: {  	v21 =	vadd.f32 v13, v9;
	v24 =	vmax.f32 v20, $0.0e+00;
	v19 =	vld [tilespmem:s2+$0xFFFFFFC0]  }
0x422: {  	v9 =	vadd.f32 v23, v24;
	v13 =	vmax.f32 v22, $0.0e+00;
	v20 =	vld [tilespmem:s2+$0x11];
	s2 =	sadd.s32 $0x100, s2  }
0x423: {  	_ = 	snop  }
0x424: {  	v6 =	vsub.f32 v6, v15;
	v8 =	vsub.f32 v11, v8  }
0x425: {  	v61 =	vmax.f32 v14, $0.0e+00;
	v5 =	vsub.f32 v5, v16;
	v10 =	vsub.f32 v18, v10  }
0x426: {  	v6 =	vmax.f32 v6, $0.0e+00;
	v8 =	vmax.f32 v8, $0.0e+00;
	v4 =	vsub.f32 v19, v4  }
0x427: {  	v5 =	vmax.f32 v5, $0.0e+00;
	v8 =	vadd.f32 v12, v8;
	v10 =	vmax.f32 v10, $0.0e+00  }
0x428: {  	v3 =	vsub.f32 v3, v20;
	v4 =	vmax.f32 v4, $0.0e+00;
	v10 =	vadd.f32 v10, v61  }
0x429: {  	v6 =	vadd.f32 v6, v13;
	v4 =	vadd.f32 v5, v4  }
0x42a: {  	v3 =	vmax.f32 v3, $0.0e+00;
	v62 =	vadd.f32 v10, v8  }
0x42b: {  	v3 =	vadd.f32 v3, v7;
	v4 =	vadd.f32 v6, v4  }
0x42c: {  	v63 =	vadd.f32 v17, v21  }
0x42d: {  	v3 =	vadd.f32 v9, v3;
	v4 =	vadd.f32 v4, v62;
	_ =	sdelay $0x1  }
0x42e: {  	v3 =	vadd.f32 v63, v3;
	v2 =	vadd.f32 v4, v2;
	_ =	sdelay $0x1  }
0x42f: {  	v2 =	vadd.f32 v3, v2  }
0x430: {  	s1 =	simm.s32 $0x0  }
0x431: {  	s2 =	rddreg [dreg:$0x7];
	s5 =	simm.s32 $0x12900;
	s9 =	simm.s32 $0x3;
	[tilespmem:$0x12900] =	vst v2  }
0x432: {  	[hbm4b:s2+s1] =	stream.linear.scatter [tilespmem:s5], [sflag:$0x3], $0x80, $0x38;
	[tilespmem:$0x12980] =	vst v63  }
0x433: {  	_ =	swait.ge [sflag:s9], $0x80  }
0x434: {  	s12 =	rddreg [dreg:$0x9]  }
0x435: {  	s14 =	rddreg [dreg:$0x8];
	s5 =	sadd.s32 $0x1, s12  }
0x436: {  	p0 =	sne.s32 s5, s14  }
.Ltmp10:
0x437: {  	_ = 	snop;
	(pc) =	sbr.rel @p0 .LBB2_1-.Ltmp10, $3  }
0x438: {  	_ =	sdelay $0x1  }
0x439: {  	[sflag:s9] =	ssyncset.done $0x0  }
0x43a: {  	[sflag:s9] =	ssyncadd.s32 $0xFFFFFF80  }
0x43b: {  	_ =	sfence.sel $0x180000  }
0x43c: {  	[bflag:$0x0] =	sbarrier.arrive $0xFFFF  }
0x43d: {  	_ =	strace $0x90000047  }
0x43e: {  	s0 =	stileid.u32;
	[bflag:$0x2] =	sbarrier.arrive $0xFFFF  }
0x43f: {  	p0 =	sne.s32 s0, $0x0;
	s0 =	rddreg [dreg:$0x3]  }
0x440: {  	s0 =	sadd.s32 @!p0 $0x100000, s0  }
0x441: {  	[sflag:s0] =	ssyncadd.tile.s32 @!p0 $0x1;
	_ =	shalt  }
.Lfunc_end2:
_tile_overlayer_lowered:
.L_overlay_start_2:
0x442: {  	(tag) =	ssettag $0x2  }
0x443: {  	s0 =	rddreg [dreg:$0x0];
	s2 =	stileid.u32  }
0x444: {  	s1 =	rddreg [dreg:$0x1];
	p0 =	sne.s32 s2, $0x0  }
0x445: {  	s3 =	rddreg [dreg:$0x2];
	[bflag:$0x3] =	sbarrier.arrive $0xFFFF;
	s2 =	simm.s32 @!p0 $0x1C03  }
0x446: {  	[timem:s3], [sflag:s2] =	dma.local @!p0 [hbm:s0], s1  }
0x447: {  	s0 =	simm.s32 @!p0 $0x3  }
0x448: {  	_ =	swait.ge @!p0 [sflag:s0], s1  }
0x449: {  	s1 =	ssub.s32 @!p0 $0x0, s1;
	[sflag:s0] =	ssyncset.done @!p0 $0x0  }
0x44a: {  	[sflag:s0] =	ssyncadd.s32 @!p0 s1  }
0x44b: {  	[bflag:$0x3] =	sbarrier.arrive $0xFFFF  }
0x44c: {  	_ =	shalt  }

</sc_bundles>
